<compile_context>
chip_gen: v7x
topology: tpu7x:2x2x1
jax: 0.10.2.dev20260603
libtpu: 0.0.44.dev20260713+nightly
codegen_flags: <defaults>
</compile_context>

<pallas_src>
import dataclasses
import functools

import jax
import jax.numpy as jnp
from jax import lax
from jax.experimental import pallas as pl
from jax.experimental.pallas import tpu as pltpu
from jax.experimental.pallas import tpu_sc as plsc

N = 10000
D = 128
E = 320000
NC = 2
NS = 16
NW = NC * NS
EPW = E // NW
CB = 125
NCHUNK = EPW // CB
NPAD = 10240
RPT = NPAD // NS

_mesh = plsc.VectorSubcoreMesh(core_axis_name="c", subcore_axis_name="s")

_cp_no_layout = pltpu.CompilerParams()
if "needs_layout_passes" in pltpu.CompilerParams.__dataclass_fields__:
    _cp_no_layout = dataclasses.replace(_cp_no_layout, needs_layout_passes=False)


def _sc_scatter(y, srcs, dsts, zeros, H):

    @functools.partial(
        pl.kernel,
        out_type=jax.ShapeDtypeStruct((NC, NPAD, H), jnp.float32),
        mesh=_mesh,
        scratch_types=[
            pltpu.VMEM((NCHUNK // 2, CB), jnp.int32),
            pltpu.VMEM((NCHUNK // 2, CB), jnp.int32),
            pltpu.VMEM((CB, H), jnp.float32),
            pltpu.VMEM((CB, H), jnp.float32),
            pltpu.VMEM_SHARED((NPAD, H), jnp.float32),
            pltpu.SemaphoreType.DMA,
            pltpu.SemaphoreType.DMA,
            pltpu.SemaphoreType.DMA,
        ],
    )
    def k(y_hbm, srcs_hbm, dsts_hbm, zeros_hbm, dummy_hbm, out_hbm, src_v, dst_v,
          rows_a, rows_b, acc, sem_a, sem_b, sem_z):
        cid = lax.axis_index("c")
        sid = lax.axis_index("s")
        r0 = sid * RPT
        @pl.when(cid == 0)
        def _():
            pltpu.async_copy(y_hbm.at[pl.ds(r0, RPT)], acc.at[pl.ds(r0, RPT)], sem_z)

        @pl.when(cid == 1)
        def _():
            pltpu.async_copy(zeros_hbm.at[pl.ds(r0, RPT)], acc.at[pl.ds(r0, RPT)], sem_z)

        HCH = NCHUNK // 2
        for h in range(2):
            pltpu.sync_copy(srcs_hbm.at[cid, sid, pl.ds(h * HCH, HCH)], src_v)
            pltpu.sync_copy(dsts_hbm.at[cid, sid, pl.ds(h * HCH, HCH)], dst_v)
            if h == 0:
                pltpu.make_async_copy(zeros_hbm.at[pl.ds(r0, RPT)],
                                      acc.at[pl.ds(r0, RPT)], sem_z).wait()
                plsc.subcore_barrier()
            pltpu.async_copy(y_hbm.at[src_v.at[0]], rows_a, sem_a)

            @pl.loop(0, HCH, step=2)
            def _(j):
                pltpu.async_copy(y_hbm.at[src_v.at[j + 1]], rows_b, sem_b)
                pltpu.make_async_copy(dummy_hbm, rows_a, sem_a).wait()
                pltpu.sync_copy(rows_a, acc.at[dst_v.at[j]], add=True)

                @pl.when(j + 2 < HCH)
                def _():
                    pltpu.async_copy(y_hbm.at[src_v.at[j + 2]], rows_a, sem_a)

                pltpu.make_async_copy(dummy_hbm, rows_b, sem_b).wait()
                pltpu.sync_copy(rows_b, acc.at[dst_v.at[j + 1]], add=True)

        plsc.subcore_barrier()
        pltpu.sync_copy(acc.at[pl.ds(r0, RPT)], out_hbm.at[cid, pl.ds(r0, RPT)])

    return k(y, srcs, dsts, zeros, jnp.zeros((CB, H), jnp.float32))


def _sc_degree(dsts_flat, zflat):

    @functools.partial(
        pl.kernel,
        out_type=jax.ShapeDtypeStruct((NC, NS, RPT), jnp.float32),
        mesh=_mesh,
        scratch_types=[
            pltpu.VMEM((EPW,), jnp.int32),
            pltpu.VMEM((4 * NPAD,), jnp.float32),
            pltpu.VMEM((NS, RPT), jnp.float32),
            pltpu.VMEM((RPT,), jnp.float32),
            pltpu.VMEM_SHARED((NS, NPAD), jnp.float32),
        ],
        compiler_params=_cp_no_layout,
    )
    def k(dsts_hbm, zflat_hbm, out_hbm, dst_v, hist, red, res, shared):
        cid = lax.axis_index("c")
        sid = lax.axis_index("s")
        pltpu.sync_copy(dsts_hbm.at[cid, sid], dst_v)
        pltpu.sync_copy(zflat_hbm, hist)

        lane = lax.iota(jnp.int32, 16)
        colbase = (lane & 3) * NPAD
        ones16 = jnp.full((16,), 1.0, jnp.float32)
        m0 = lane < 4
        m1 = (lane >= 4) & (lane < 8)
        m2 = (lane >= 8) & (lane < 12)
        m3 = lane >= 12

        @pl.loop(0, EPW // 16)
        def _(i):
            idx = dst_v[pl.ds(i * 16, 16)] + colbase
            plsc.addupdate_scatter(hist, [idx], ones16, mask=m0)
            plsc.addupdate_scatter(hist, [idx], ones16, mask=m1)
            plsc.addupdate_scatter(hist, [idx], ones16, mask=m2)
            plsc.addupdate_scatter(hist, [idx], ones16, mask=m3)

        @pl.loop(0, NPAD // 16)
        def _(kk):
            s = (hist[pl.ds(kk * 16, 16)]
                 + hist[pl.ds(NPAD + kk * 16, 16)]
                 + hist[pl.ds(2 * NPAD + kk * 16, 16)]
                 + hist[pl.ds(3 * NPAD + kk * 16, 16)])
            hist[pl.ds(kk * 16, 16)] = s

        pltpu.sync_copy(hist.at[pl.ds(0, NPAD)], shared.at[sid])
        plsc.subcore_barrier()
        for t in range(NS):
            pltpu.sync_copy(shared.at[t, pl.ds(sid * RPT, RPT)], red.at[t])

        @pl.loop(0, RPT // 16)
        def _(g):
            acc16 = red[0, pl.ds(g * 16, 16)]
            for t in range(1, NS):
                acc16 = acc16 + red[t, pl.ds(g * 16, 16)]
            res[pl.ds(g * 16, 16)] = acc16

        pltpu.sync_copy(res, out_hbm.at[cid, sid])

    return k(dsts_flat, zflat)


def _tc_prescale(x, W, degp):

    def body(x_ref, w_ref, dg_ref, yp_ref, dinv_ref):
        deg = dg_ref[0][:N] + dg_ref[1][:N] + 1.0
        dinv = lax.rsqrt(deg)
        dinv_ref[...] = dinv
        yp = jnp.dot(x_ref[...], w_ref[...],
                     preferred_element_type=jnp.float32) * dinv
        yp_ref[...] = jnp.concatenate(
            [yp, jnp.zeros((NPAD - N, W.shape[1]), jnp.float32)], axis=0)

    return pl.pallas_call(
        body,
        out_shape=(
            jax.ShapeDtypeStruct((NPAD, W.shape[1]), jnp.float32),
            jax.ShapeDtypeStruct((N, 1), jnp.float32),
        ),
    )(x, W, degp)


def _tc_stage(acc, dinv, b, g, be, Wn):
    Hn = Wn.shape[1]

    def body(acc_ref, dinv_ref, b_ref, g_ref, be_ref, w_ref, o_ref):
        dinv = dinv_ref[...]
        pre = (acc_ref[0][:N] + acc_ref[1][:N]) * dinv + b_ref[...]
        m = jnp.mean(pre, axis=0, keepdims=True)
        v = jnp.mean((pre - m) ** 2, axis=0, keepdims=True)
        h = jnp.maximum((pre - m) * lax.rsqrt(v + 1e-5) * g_ref[...] + be_ref[...], 0.0)
        yn = jnp.dot(h, w_ref[...], preferred_element_type=jnp.float32) * dinv
        o_ref[...] = jnp.concatenate(
            [yn, jnp.zeros((NPAD - N, Hn), jnp.float32)], axis=0)

    return pl.pallas_call(
        body,
        out_shape=jax.ShapeDtypeStruct((NPAD, Hn), jnp.float32),
    )(acc, dinv, b.reshape(1, -1), g.reshape(1, -1), be.reshape(1, -1), Wn)


def _tc_final(acc, dinv, b, g, be, Wc1, bc1, Wc2, bc2, Wv1, bv1, Wv2, bv2):
    def body(acc_ref, dinv_ref, b_ref, g_ref, be_ref,
             wc1_ref, bc1_ref, wc2_ref, bc2_ref, wv1_ref, bv1_ref, wv2_ref, bv2_ref,
             det_ref, vt_ref):
        pre = (acc_ref[0][:N, :64] + acc_ref[1][:N, :64]) * dinv_ref[...] + b_ref[...]
        m = jnp.mean(pre, axis=0, keepdims=True)
        v = jnp.mean((pre - m) ** 2, axis=0, keepdims=True)
        h = jnp.maximum((pre - m) * lax.rsqrt(v + 1e-5) * g_ref[...] + be_ref[...], 0.0)
        pooled = jnp.mean(h, axis=0, keepdims=True)
        dh = jnp.maximum(
            jnp.dot(pooled, wc1_ref[...], preferred_element_type=jnp.float32) + bc1_ref[...], 0.0)
        det_ref[...] = jnp.dot(dh, wc2_ref[...], preferred_element_type=jnp.float32) + bc2_ref[...]
        vh = jnp.maximum(
            jnp.dot(pooled, wv1_ref[...], preferred_element_type=jnp.float32) + bv1_ref[...], 0.0)
        vt_ref[...] = jnp.dot(vh, wv2_ref[...], preferred_element_type=jnp.float32) + bv2_ref[...]

    return pl.pallas_call(
        body,
        out_shape=(
            jax.ShapeDtypeStruct((1, Wc2.shape[1]), jnp.float32),
            jax.ShapeDtypeStruct((1, Wv2.shape[1]), jnp.float32),
        ),
    )(acc, dinv, b.reshape(1, -1), g.reshape(1, -1), be.reshape(1, -1),
      Wc1, bc1.reshape(1, -1), Wc2, bc2.reshape(1, -1),
      Wv1, bv1.reshape(1, -1), Wv2, bv2.reshape(1, -1))


def kernel(x, edge_index, W1, b1, W2, b2, W3, b3, g1, be1, g2, be2, g3, be3,
           Wc1, bc1, Wc2, bc2, Wv1, bv1, Wv2, bv2):
    src = edge_index[0].reshape(NC, NS, NCHUNK, CB)
    dst = edge_index[1].reshape(NC, NS, NCHUNK, CB)
    zeros128 = jnp.zeros((NPAD, 128), jnp.float32)
    dst_flat = edge_index[1].reshape(NC, NS, EPW)
    zflat = jnp.zeros((4 * NPAD,), jnp.float32)

    degp = _sc_degree(dst_flat, zflat).reshape(NC, NPAD, 1)
    y1p, dinv = _tc_prescale(x, W1, degp)
    acc1 = _sc_scatter(y1p, src, dst, zeros128, 128)
    y2p = _tc_stage(acc1, dinv, b1, g1, be1, W2)
    acc2 = _sc_scatter(y2p, src, dst, zeros128, 128)
    W3p = jnp.pad(W3, ((0, 0), (0, 128 - W3.shape[1])))
    y3p = _tc_stage(acc2, dinv, b2, g2, be2, W3p)
    acc3 = _sc_scatter(y3p, src, dst, zeros128, 128)
    det, vt = _tc_final(acc3, dinv, b3, g3, be3,
                        Wc1, bc1, Wc2, bc2, Wv1, bv1, Wv2, bv2)
    return (det, vt)

# --- scband reference (transcript-rebuilt; emitter-appended) ---
"""Pipeline reference for scband-vulnerability-gnn-90623809945775 (READ-ONLY COPY).

The authoritative reference and input builder live on the scoring server;
editing this copy changes nothing except your own understanding.
"""

import jax, jax.numpy as jnp
import numpy as np

N = 10000
E = 320000
D = 128
H = 128

def setup_inputs(seed: int = 0) -> dict:
    key = jax.random.key(seed)
    ks = jax.random.split(key, 24)
    inp = {}
    inp["x"] = jax.random.normal(ks[0], (N, D), dtype=jnp.float32)
    inp["edge_index"] = jax.random.randint(ks[1], (2, E), 0, N, dtype=jnp.int32)
    # GCN conv weights
    inp["W1"] = jax.random.normal(ks[2], (D, H), dtype=jnp.float32) * 0.05
    inp["b1"] = jnp.zeros((H,), jnp.float32)
    inp["W2"] = jax.random.normal(ks[3], (H, H), dtype=jnp.float32) * 0.05
    inp["b2"] = jnp.zeros((H,), jnp.float32)
    inp["W3"] = jax.random.normal(ks[4], (H, H // 2), dtype=jnp.float32) * 0.05
    inp["b3"] = jnp.zeros((H // 2,), jnp.float32)
    # BatchNorm params
    inp["g1"] = jnp.ones((H,), jnp.float32)
    inp["be1"] = jnp.zeros((H,), jnp.float32)
    inp["g2"] = jnp.ones((H,), jnp.float32)
    inp["be2"] = jnp.zeros((H,), jnp.float32)
    inp["g3"] = jnp.ones((H // 2,), jnp.float32)
    inp["be3"] = jnp.zeros((H // 2,), jnp.float32)
    # classifier heads
    inp["Wc1"] = jax.random.normal(ks[5], (H // 2, H // 4), dtype=jnp.float32) * 0.05
    inp["bc1"] = jnp.zeros((H // 4,), jnp.float32)
    inp["Wc2"] = jax.random.normal(ks[6], (H // 4, 2), dtype=jnp.float32) * 0.05
    inp["bc2"] = jnp.zeros((2,), jnp.float32)
    inp["Wv1"] = jax.random.normal(ks[7], (H // 2, H // 4), dtype=jnp.float32) * 0.05
    inp["bv1"] = jnp.zeros((H // 4,), jnp.float32)
    inp["Wv2"] = jax.random.normal(ks[8], (H // 4, 5), dtype=jnp.float32) * 0.05
    inp["bv2"] = jnp.zeros((5,), jnp.float32)
    return inp

def _gcn(x, src, dst, W, b):
    n = x.shape[0]
    deg = jnp.zeros((n,), jnp.float32).at[dst].add(1.0)
    dinv = jnp.where(deg > 0, jax.lax.rsqrt(jnp.maximum(deg, 1e-12)), 0.0)
    norm = dinv[src] * dinv[dst]
    xw = x @ W
    out = jnp.zeros((n, W.shape[1]), jnp.float32).at[dst].add(xw[src] * norm[:, None])
    return out + b

def _bn(x, g, b, eps=1e-5):
    m = jnp.mean(x, axis=0)
    v = jnp.var(x, axis=0)
    return (x - m) * jax.lax.rsqrt(v + eps) * g + b

def reference(x, edge_index, W1, b1, W2, b2, W3, b3, g1, be1, g2, be2, g3, be3, Wc1, bc1, Wc2, bc2, Wv1, bv1, Wv2, bv2):
    n = x.shape[0]
    loop = jnp.arange(n, dtype=edge_index.dtype)
    src = jnp.concatenate([edge_index[0], loop])
    dst = jnp.concatenate([edge_index[1], loop])
    h = jax.nn.relu(_bn(_gcn(x, src, dst, W1, b1), g1, be1))
    h = jax.nn.relu(_bn(_gcn(h, src, dst, W2, b2), g2, be2))
    h = jax.nn.relu(_bn(_gcn(h, src, dst, W3, b3), g3, be3))
    pooled = jnp.mean(h, axis=0, keepdims=True)  # global_mean_pool with batch=zeros
    det = jax.nn.relu(pooled @ Wc1 + bc1) @ Wc2 + bc2
    vt = jax.nn.relu(pooled @ Wv1 + bv1) @ Wv2 + bv2
    return (det, vt)

if __name__ == "__main__":
    import jax
    _d = setup_inputs()
    print(jax.jit(kernel)(*tuple(_d.values())))

</pallas_src>

<mosaic_0001>
#map = affine_map<(d0, d1) -> (0, 0, 0)>
#map1 = affine_map<(d0, d1) -> (0)>
module attributes {stable_mosaic.version = 14 : i64} {
  func.func @k(%arg0: i32, %arg1: i32, %arg2: memref<2x16x10000xi32, #tpu.memory_space<hbm>>, %arg3: memref<40960xf32, #tpu.memory_space<hbm>>, %arg4: memref<2x16x640xf32, #tpu.memory_space<hbm>>, %arg5: memref<10000xi32, #tpu.memory_space<vmem>>, %arg6: memref<40960xf32, #tpu.memory_space<vmem>>, %arg7: memref<16x640xf32, #tpu.memory_space<vmem>>, %arg8: memref<640xf32, #tpu.memory_space<vmem>>, %arg9: memref<16x10240xf32, #tpu.memory_space<vmem_shared>>) attributes {dimension_semantics = [#tpu.dimension_semantics<core_parallel>, #tpu.dimension_semantics<subcore_parallel>], iteration_bounds = array<i64: 2, 16>, scalar_prefetch = 0 : i64, scratch_operands = 5 : i64, tpu.core_type = #tpu.core_type<sc_vector_subcore>, window_params = [{transform_indices = #map}, {transform_indices = #map1}, {transform_indices = #map}]} {
    "tpu.region"() ({
      %run_scoped3A_100 = tpu.sem_alloc : memref<!tpu.dma_semaphore, #tpu.memory_space<semaphore_mem>>
      %dma_start3A = arith.constant 0 : i32
      %dma_start3A_101 = tpu.memref_slice %arg2[%arg0, %arg1, %dma_start3A] : memref<2x16x10000xi32, #tpu.memory_space<hbm>> -> memref<1x1x10000xi32, #tpu.memory_space<hbm>>
      %dma_start3A_102 = tpu.memref_squeeze %dma_start3A_101 : memref<1x1x10000xi32, #tpu.memory_space<hbm>> -> memref<10000xi32, #tpu.memory_space<hbm>>
      %dma_start3A_103 = arith.constant 0 : i32
      %dma_start3A_104 = tpu.memref_slice %arg2[%arg0, %arg1, %dma_start3A_103] : memref<2x16x10000xi32, #tpu.memory_space<hbm>> -> memref<1x1x10000xi32, #tpu.memory_space<hbm>>
      %dma_start3A_105 = tpu.memref_squeeze %dma_start3A_104 : memref<1x1x10000xi32, #tpu.memory_space<hbm>> -> memref<10000xi32, #tpu.memory_space<hbm>>
      tpu.enqueue_dma source(%dma_start3A_105 : memref<10000xi32, #tpu.memory_space<hbm>>) target(%arg5 : memref<10000xi32, #tpu.memory_space<vmem>>) target_semaphore(%run_scoped3A_100 : memref<!tpu.dma_semaphore, #tpu.memory_space<semaphore_mem>>)
      %dma_wait3A = arith.constant 0 : i32
      %dma_wait3A_106 = tpu.memref_slice %arg2[%arg0, %arg1, %dma_wait3A] : memref<2x16x10000xi32, #tpu.memory_space<hbm>> -> memref<1x1x10000xi32, #tpu.memory_space<hbm>>
      %dma_wait3A_107 = tpu.memref_squeeze %dma_wait3A_106 : memref<1x1x10000xi32, #tpu.memory_space<hbm>> -> memref<10000xi32, #tpu.memory_space<hbm>>
      %dma_wait3A_108 = arith.constant 0 : i32
      %dma_wait3A_109 = tpu.memref_slice %arg2[%arg0, %arg1, %dma_wait3A_108] : memref<2x16x10000xi32, #tpu.memory_space<hbm>> -> memref<1x1x10000xi32, #tpu.memory_space<hbm>>
      %dma_wait3A_110 = tpu.memref_squeeze %dma_wait3A_109 : memref<1x1x10000xi32, #tpu.memory_space<hbm>> -> memref<10000xi32, #tpu.memory_space<hbm>>
      tpu.wait_dma2 semaphore(%run_scoped3A_100 : memref<!tpu.dma_semaphore, #tpu.memory_space<semaphore_mem>>) src(%dma_wait3A_110 : memref<10000xi32, #tpu.memory_space<hbm>>) dst(%arg5 : memref<10000xi32, #tpu.memory_space<vmem>>)
      tpu.yield
    }) : () -> ()
    "tpu.region"() ({
      %run_scoped3A_100 = tpu.sem_alloc : memref<!tpu.dma_semaphore, #tpu.memory_space<semaphore_mem>>
      tpu.enqueue_dma source(%arg3 : memref<40960xf32, #tpu.memory_space<hbm>>) target(%arg6 : memref<40960xf32, #tpu.memory_space<vmem>>) target_semaphore(%run_scoped3A_100 : memref<!tpu.dma_semaphore, #tpu.memory_space<semaphore_mem>>)
      tpu.wait_dma2 semaphore(%run_scoped3A_100 : memref<!tpu.dma_semaphore, #tpu.memory_space<semaphore_mem>>) src(%arg3 : memref<40960xf32, #tpu.memory_space<hbm>>) dst(%arg6 : memref<40960xf32, #tpu.memory_space<vmem>>)
      tpu.yield
    }) : () -> ()
    %iota3A = tpu.iota {dimensions = array<i32: 0>} : vector<16xi32>
    %and3A = arith.constant 3 : i32
    %and3A_0 = vector.broadcast %and3A : i32 to vector<16xi32>
    %and3A_1 = arith.andi %iota3A, %and3A_0 : vector<16xi32>
    %mul3A = arith.constant 10240 : i32
    %mul3A_2 = vector.broadcast %mul3A : i32 to vector<16xi32>
    %mul3A_3 = arith.muli %and3A_1, %mul3A_2 : vector<16xi32>
    %broadcast_in_dim3A = arith.constant 1.000000e+00 : f32
    %broadcast_in_dim3A_4 = vector.broadcast %broadcast_in_dim3A : f32 to vector<16xf32>
    %lt3A = arith.constant 4 : i32
    %lt3A_5 = vector.broadcast %lt3A : i32 to vector<16xi32>
    %lt3A_6 = arith.cmpi slt, %iota3A, %lt3A_5 : vector<16xi32>
    %ge3A = arith.constant 4 : i32
    %ge3A_7 = vector.broadcast %ge3A : i32 to vector<16xi32>
    %ge3A_8 = arith.cmpi sge, %iota3A, %ge3A_7 : vector<16xi32>
    %lt3A_9 = arith.constant 8 : i32
    %lt3A_10 = vector.broadcast %lt3A_9 : i32 to vector<16xi32>
    %lt3A_11 = arith.cmpi slt, %iota3A, %lt3A_10 : vector<16xi32>
    %and3A_12 = arith.andi %ge3A_8, %lt3A_11 : vector<16xi1>
    %ge3A_13 = arith.constant 8 : i32
    %ge3A_14 = vector.broadcast %ge3A_13 : i32 to vector<16xi32>
    %ge3A_15 = arith.cmpi sge, %iota3A, %ge3A_14 : vector<16xi32>
    %lt3A_16 = arith.constant 12 : i32
    %lt3A_17 = vector.broadcast %lt3A_16 : i32 to vector<16xi32>
    %lt3A_18 = arith.cmpi slt, %iota3A, %lt3A_17 : vector<16xi32>
    %and3A_19 = arith.andi %ge3A_15, %lt3A_18 : vector<16xi1>
    %ge3A_20 = arith.constant 12 : i32
    %ge3A_21 = vector.broadcast %ge3A_20 : i32 to vector<16xi32>
    %ge3A_22 = arith.cmpi sge, %iota3A, %ge3A_21 : vector<16xi32>
    %scan3A = arith.constant 0 : i32
    %scan3A_23 = arith.constant 625 : i32
    %scan3A_24 = arith.addi %scan3A, %scan3A_23 : i32
    %scan3A_25 = arith.constant 1 : i32
    scf.for %scan3A_100 = %scan3A to %scan3A_24 step %scan3A_25  : i32 {
      %mul3A_101 = arith.constant 1 : i32
      %mul3A_102 = arith.muli %scan3A_100, %mul3A_101 : i32
      %add3A = arith.constant 0 : i32
      %add3A_103 = arith.addi %add3A, %mul3A_102 : i32
      %mul3A_104 = arith.constant 16 : i32
      %mul3A_105 = arith.muli %add3A_103, %mul3A_104 : i32
      %get3A = arith.index_cast %mul3A_105 : i32 to index
      %get3A_106 = tpu.vector_load %arg5[%get3A] {strides = array<i32>} : memref<10000xi32, #tpu.memory_space<vmem>>, vector<16xi32>,
      %add3A_107 = arith.addi %get3A_106, %mul3A_3 : vector<16xi32>
      tpu.vector_store_idx %arg6[%add3A_107], %broadcast_in_dim3A_4 masked %lt3A_6 {add = true} : memref<40960xf32, #tpu.memory_space<vmem>>[vector<16xi32>], vector<16xf32>, vector<16xi1>
      tpu.vector_store_idx %arg6[%add3A_107], %broadcast_in_dim3A_4 masked %and3A_12 {add = true} : memref<40960xf32, #tpu.memory_space<vmem>>[vector<16xi32>], vector<16xf32>, vector<16xi1>
      tpu.vector_store_idx %arg6[%add3A_107], %broadcast_in_dim3A_4 masked %and3A_19 {add = true} : memref<40960xf32, #tpu.memory_space<vmem>>[vector<16xi32>], vector<16xf32>, vector<16xi1>
      tpu.vector_store_idx %arg6[%add3A_107], %broadcast_in_dim3A_4 masked %ge3A_22 {add = true} : memref<40960xf32, #tpu.memory_space<vmem>>[vector<16xi32>], vector<16xf32>, vector<16xi1>
    }
    %scan3A_26 = arith.constant 625 : i32
    %scan3A_27 = arith.constant 0 : i32
    %scan3A_28 = arith.constant 640 : i32
    %scan3A_29 = arith.addi %scan3A_27, %scan3A_28 : i32
    %scan3A_30 = arith.constant 1 : i32
    scf.for %scan3A_100 = %scan3A_27 to %scan3A_29 step %scan3A_30  : i32 {
      %mul3A_101 = arith.constant 1 : i32
      %mul3A_102 = arith.muli %scan3A_100, %mul3A_101 : i32
      %add3A = arith.constant 0 : i32
      %add3A_103 = arith.addi %add3A, %mul3A_102 : i32
      %mul3A_104 = arith.constant 16 : i32
      %mul3A_105 = arith.muli %add3A_103, %mul3A_104 : i32
      %get3A = arith.index_cast %mul3A_105 : i32 to index
      %get3A_106 = tpu.vector_load %arg6[%get3A] {strides = array<i32>} : memref<40960xf32, #tpu.memory_space<vmem>>, vector<16xf32>,
      %mul3A_107 = arith.constant 16 : i32
      %mul3A_108 = arith.muli %add3A_103, %mul3A_107 : i32
      %add3A_109 = arith.constant 10240 : i32
      %add3A_110 = arith.addi %add3A_109, %mul3A_108 : i32
      %get3A_111 = arith.index_cast %add3A_110 : i32 to index
      %get3A_112 = tpu.vector_load %arg6[%get3A_111] {strides = array<i32>} : memref<40960xf32, #tpu.memory_space<vmem>>, vector<16xf32>,
      %add3A_113 = arith.addf %get3A_106, %get3A_112 : vector<16xf32>
      %mul3A_114 = arith.constant 16 : i32
      %mul3A_115 = arith.muli %add3A_103, %mul3A_114 : i32
      %add3A_116 = arith.constant 20480 : i32
      %add3A_117 = arith.addi %add3A_116, %mul3A_115 : i32
      %get3A_118 = arith.index_cast %add3A_117 : i32 to index
      %get3A_119 = tpu.vector_load %arg6[%get3A_118] {strides = array<i32>} : memref<40960xf32, #tpu.memory_space<vmem>>, vector<16xf32>,
      %add3A_120 = arith.addf %add3A_113, %get3A_119 : vector<16xf32>
      %mul3A_121 = arith.constant 16 : i32
      %mul3A_122 = arith.muli %add3A_103, %mul3A_121 : i32
      %add3A_123 = arith.constant 30720 : i32
      %add3A_124 = arith.addi %add3A_123, %mul3A_122 : i32
      %get3A_125 = arith.index_cast %add3A_124 : i32 to index
      %get3A_126 = tpu.vector_load %arg6[%get3A_125] {strides = array<i32>} : memref<40960xf32, #tpu.memory_space<vmem>>, vector<16xf32>,
      %add3A_127 = arith.addf %add3A_120, %get3A_126 : vector<16xf32>
      %mul3A_128 = arith.constant 16 : i32
      %mul3A_129 = arith.muli %add3A_103, %mul3A_128 : i32
      %swap3A = arith.index_cast %mul3A_129 : i32 to index
      %swap3A_130 = tpu.vector_load %arg6[%swap3A] {strides = array<i32>} : memref<40960xf32, #tpu.memory_space<vmem>>, vector<16xf32>,
      tpu.vector_store %arg6[%swap3A], %add3A_127 {strides = array<i32>} : memref<40960xf32, #tpu.memory_space<vmem>>, vector<16xf32>,
    }
    %scan3A_31 = arith.constant 640 : i32
    "tpu.region"() ({
      %run_scoped3A_100 = tpu.sem_alloc : memref<!tpu.dma_semaphore, #tpu.memory_space<semaphore_mem>>
      %dma_start3A = arith.constant 0 : i32
      %dma_start3A_101 = tpu.memref_slice %arg6[%dma_start3A] : memref<40960xf32, #tpu.memory_space<vmem>> -> memref<10240xf32, #tpu.memory_space<vmem>>
      %dma_start3A_102 = arith.constant 0 : i32
      %dma_start3A_103 = tpu.memref_slice %arg9[%arg1, %dma_start3A_102] : memref<16x10240xf32, #tpu.memory_space<vmem_shared>> -> memref<1x10240xf32, #tpu.memory_space<vmem_shared>>
      %dma_start3A_104 = tpu.memref_squeeze %dma_start3A_103 : memref<1x10240xf32, #tpu.memory_space<vmem_shared>> -> memref<10240xf32, #tpu.memory_space<vmem_shared>>
      %dma_start3A_105 = arith.constant 0 : i32
      %dma_start3A_106 = tpu.memref_slice %arg9[%arg1, %dma_start3A_105] : memref<16x10240xf32, #tpu.memory_space<vmem_shared>> -> memref<1x10240xf32, #tpu.memory_space<vmem_shared>>
      %dma_start3A_107 = tpu.memref_squeeze %dma_start3A_106 : memref<1x10240xf32, #tpu.memory_space<vmem_shared>> -> memref<10240xf32, #tpu.memory_space<vmem_shared>>
      %dma_start3A_108 = arith.constant 0 : i32
      %dma_start3A_109 = tpu.memref_slice %arg6[%dma_start3A_108] : memref<40960xf32, #tpu.memory_space<vmem>> -> memref<10240xf32, #tpu.memory_space<vmem>>
      tpu.enqueue_dma source(%dma_start3A_109 : memref<10240xf32, #tpu.memory_space<vmem>>) target(%dma_start3A_107 : memref<10240xf32, #tpu.memory_space<vmem_shared>>) target_semaphore(%run_scoped3A_100 : memref<!tpu.dma_semaphore, #tpu.memory_space<semaphore_mem>>)
      %dma_wait3A = arith.constant 0 : i32
      %dma_wait3A_110 = tpu.memref_slice %arg6[%dma_wait3A] : memref<40960xf32, #tpu.memory_space<vmem>> -> memref<10240xf32, #tpu.memory_space<vmem>>
      %dma_wait3A_111 = arith.constant 0 : i32
      %dma_wait3A_112 = tpu.memref_slice %arg9[%arg1, %dma_wait3A_111] : memref<16x10240xf32, #tpu.memory_space<vmem_shared>> -> memref<1x10240xf32, #tpu.memory_space<vmem_shared>>
      %dma_wait3A_113 = tpu.memref_squeeze %dma_wait3A_112 : memref<1x10240xf32, #tpu.memory_space<vmem_shared>> -> memref<10240xf32, #tpu.memory_space<vmem_shared>>
      %dma_wait3A_114 = arith.constant 0 : i32
      %dma_wait3A_115 = tpu.memref_slice %arg9[%arg1, %dma_wait3A_114] : memref<16x10240xf32, #tpu.memory_space<vmem_shared>> -> memref<1x10240xf32, #tpu.memory_space<vmem_shared>>
      %dma_wait3A_116 = tpu.memref_squeeze %dma_wait3A_115 : memref<1x10240xf32, #tpu.memory_space<vmem_shared>> -> memref<10240xf32, #tpu.memory_space<vmem_shared>>
      %dma_wait3A_117 = arith.constant 0 : i32
      %dma_wait3A_118 = tpu.memref_slice %arg6[%dma_wait3A_117] : memref<40960xf32, #tpu.memory_space<vmem>> -> memref<10240xf32, #tpu.memory_space<vmem>>
      tpu.wait_dma2 semaphore(%run_scoped3A_100 : memref<!tpu.dma_semaphore, #tpu.memory_space<semaphore_mem>>) src(%dma_wait3A_118 : memref<10240xf32, #tpu.memory_space<vmem>>) dst(%dma_wait3A_116 : memref<10240xf32, #tpu.memory_space<vmem_shared>>)
      tpu.yield
    }) : () -> ()
    %barrier3A = arith.constant 0 : index
    tpu.barrier barrier_id(%barrier3A)
    %mul3A_32 = arith.constant 640 : i32
    %mul3A_33 = arith.muli %arg1, %mul3A_32 : i32
    %run_scoped3A = arith.constant 0 : i32
    %run_scoped3A_34 = arith.constant 0 : i32
    "tpu.region"() ({
      %run_scoped3A_100 = tpu.sem_alloc : memref<!tpu.dma_semaphore, #tpu.memory_space<semaphore_mem>>
      %dma_start3A = arith.constant 0 : i32
      %dma_start3A_101 = tpu.memref_slice %arg7[%run_scoped3A_34, %dma_start3A] : memref<16x640xf32, #tpu.memory_space<vmem>> -> memref<1x640xf32, #tpu.memory_space<vmem>>
      %dma_start3A_102 = tpu.memref_squeeze %dma_start3A_101 : memref<1x640xf32, #tpu.memory_space<vmem>> -> memref<640xf32, #tpu.memory_space<vmem>>
      %dma_start3A_103 = tpu.memref_slice %arg9[%run_scoped3A, %mul3A_33] : memref<16x10240xf32, #tpu.memory_space<vmem_shared>> -> memref<1x640xf32, #tpu.memory_space<vmem_shared>>
      %dma_start3A_104 = tpu.memref_squeeze %dma_start3A_103 : memref<1x640xf32, #tpu.memory_space<vmem_shared>> -> memref<640xf32, #tpu.memory_space<vmem_shared>>
      %dma_start3A_105 = arith.constant 0 : i32
      %dma_start3A_106 = tpu.memref_slice %arg7[%run_scoped3A_34, %dma_start3A_105] : memref<16x640xf32, #tpu.memory_space<vmem>> -> memref<1x640xf32, #tpu.memory_space<vmem>>
      %dma_start3A_107 = tpu.memref_squeeze %dma_start3A_106 : memref<1x640xf32, #tpu.memory_space<vmem>> -> memref<640xf32, #tpu.memory_space<vmem>>
      %dma_start3A_108 = tpu.memref_slice %arg9[%run_scoped3A, %mul3A_33] : memref<16x10240xf32, #tpu.memory_space<vmem_shared>> -> memref<1x640xf32, #tpu.memory_space<vmem_shared>>
      %dma_start3A_109 = tpu.memref_squeeze %dma_start3A_108 : memref<1x640xf32, #tpu.memory_space<vmem_shared>> -> memref<640xf32, #tpu.memory_space<vmem_shared>>
      tpu.enqueue_dma source(%dma_start3A_109 : memref<640xf32, #tpu.memory_space<vmem_shared>>) target(%dma_start3A_107 : memref<640xf32, #tpu.memory_space<vmem>>) target_semaphore(%run_scoped3A_100 : memref<!tpu.dma_semaphore, #tpu.memory_space<semaphore_mem>>)
      %dma_wait3A = arith.constant 0 : i32
      %dma_wait3A_110 = tpu.memref_slice %arg7[%run_scoped3A_34, %dma_wait3A] : memref<16x640xf32, #tpu.memory_space<vmem>> -> memref<1x640xf32, #tpu.memory_space<vmem>>
      %dma_wait3A_111 = tpu.memref_squeeze %dma_wait3A_110 : memref<1x640xf32, #tpu.memory_space<vmem>> -> memref<640xf32, #tpu.memory_space<vmem>>
      %dma_wait3A_112 = tpu.memref_slice %arg9[%run_scoped3A, %mul3A_33] : memref<16x10240xf32, #tpu.memory_space<vmem_shared>> -> memref<1x640xf32, #tpu.memory_space<vmem_shared>>
      %dma_wait3A_113 = tpu.memref_squeeze %dma_wait3A_112 : memref<1x640xf32, #tpu.memory_space<vmem_shared>> -> memref<640xf32, #tpu.memory_space<vmem_shared>>
      %dma_wait3A_114 = arith.constant 0 : i32
      %dma_wait3A_115 = tpu.memref_slice %arg7[%run_scoped3A_34, %dma_wait3A_114] : memref<16x640xf32, #tpu.memory_space<vmem>> -> memref<1x640xf32, #tpu.memory_space<vmem>>
      %dma_wait3A_116 = tpu.memref_squeeze %dma_wait3A_115 : memref<1x640xf32, #tpu.memory_space<vmem>> -> memref<640xf32, #tpu.memory_space<vmem>>
      %dma_wait3A_117 = tpu.memref_slice %arg9[%run_scoped3A, %mul3A_33] : memref<16x10240xf32, #tpu.memory_space<vmem_shared>> -> memref<1x640xf32, #tpu.memory_space<vmem_shared>>
      %dma_wait3A_118 = tpu.memref_squeeze %dma_wait3A_117 : memref<1x640xf32, #tpu.memory_space<vmem_shared>> -> memref<640xf32, #tpu.memory_space<vmem_shared>>
      tpu.wait_dma2 semaphore(%run_scoped3A_100 : memref<!tpu.dma_semaphore, #tpu.memory_space<semaphore_mem>>) src(%dma_wait3A_118 : memref<640xf32, #tpu.memory_space<vmem_shared>>) dst(%dma_wait3A_116 : memref<640xf32, #tpu.memory_space<vmem>>)
      tpu.yield
    }) : () -> ()
    %mul3A_35 = arith.constant 640 : i32
    %mul3A_36 = arith.muli %arg1, %mul3A_35 : i32
    %run_scoped3A_37 = arith.constant 1 : i32
    %run_scoped3A_38 = arith.constant 1 : i32
    "tpu.region"() ({
      %run_scoped3A_100 = tpu.sem_alloc : memref<!tpu.dma_semaphore, #tpu.memory_space<semaphore_mem>>
      %dma_start3A = arith.constant 0 : i32
      %dma_start3A_101 = tpu.memref_slice %arg7[%run_scoped3A_38, %dma_start3A] : memref<16x640xf32, #tpu.memory_space<vmem>> -> memref<1x640xf32, #tpu.memory_space<vmem>>
      %dma_start3A_102 = tpu.memref_squeeze %dma_start3A_101 : memref<1x640xf32, #tpu.memory_space<vmem>> -> memref<640xf32, #tpu.memory_space<vmem>>
      %dma_start3A_103 = tpu.memref_slice %arg9[%run_scoped3A_37, %mul3A_36] : memref<16x10240xf32, #tpu.memory_space<vmem_shared>> -> memref<1x640xf32, #tpu.memory_space<vmem_shared>>
      %dma_start3A_104 = tpu.memref_squeeze %dma_start3A_103 : memref<1x640xf32, #tpu.memory_space<vmem_shared>> -> memref<640xf32, #tpu.memory_space<vmem_shared>>
      %dma_start3A_105 = arith.constant 0 : i32
      %dma_start3A_106 = tpu.memref_slice %arg7[%run_scoped3A_38, %dma_start3A_105] : memref<16x640xf32, #tpu.memory_space<vmem>> -> memref<1x640xf32, #tpu.memory_space<vmem>>
      %dma_start3A_107 = tpu.memref_squeeze %dma_start3A_106 : memref<1x640xf32, #tpu.memory_space<vmem>> -> memref<640xf32, #tpu.memory_space<vmem>>
      %dma_start3A_108 = tpu.memref_slice %arg9[%run_scoped3A_37, %mul3A_36] : memref<16x10240xf32, #tpu.memory_space<vmem_shared>> -> memref<1x640xf32, #tpu.memory_space<vmem_shared>>
      %dma_start3A_109 = tpu.memref_squeeze %dma_start3A_108 : memref<1x640xf32, #tpu.memory_space<vmem_shared>> -> memref<640xf32, #tpu.memory_space<vmem_shared>>
      tpu.enqueue_dma source(%dma_start3A_109 : memref<640xf32, #tpu.memory_space<vmem_shared>>) target(%dma_start3A_107 : memref<640xf32, #tpu.memory_space<vmem>>) target_semaphore(%run_scoped3A_100 : memref<!tpu.dma_semaphore, #tpu.memory_space<semaphore_mem>>)
      %dma_wait3A = arith.constant 0 : i32
      %dma_wait3A_110 = tpu.memref_slice %arg7[%run_scoped3A_38, %dma_wait3A] : memref<16x640xf32, #tpu.memory_space<vmem>> -> memref<1x640xf32, #tpu.memory_space<vmem>>
      %dma_wait3A_111 = tpu.memref_squeeze %dma_wait3A_110 : memref<1x640xf32, #tpu.memory_space<vmem>> -> memref<640xf32, #tpu.memory_space<vmem>>
      %dma_wait3A_112 = tpu.memref_slice %arg9[%run_scoped3A_37, %mul3A_36] : memref<16x10240xf32, #tpu.memory_space<vmem_shared>> -> memref<1x640xf32, #tpu.memory_space<vmem_shared>>
      %dma_wait3A_113 = tpu.memref_squeeze %dma_wait3A_112 : memref<1x640xf32, #tpu.memory_space<vmem_shared>> -> memref<640xf32, #tpu.memory_space<vmem_shared>>
      %dma_wait3A_114 = arith.constant 0 : i32
      %dma_wait3A_115 = tpu.memref_slice %arg7[%run_scoped3A_38, %dma_wait3A_114] : memref<16x640xf32, #tpu.memory_space<vmem>> -> memref<1x640xf32, #tpu.memory_space<vmem>>
      %dma_wait3A_116 = tpu.memref_squeeze %dma_wait3A_115 : memref<1x640xf32, #tpu.memory_space<vmem>> -> memref<640xf32, #tpu.memory_space<vmem>>
      %dma_wait3A_117 = tpu.memref_slice %arg9[%run_scoped3A_37, %mul3A_36] : memref<16x10240xf32, #tpu.memory_space<vmem_shared>> -> memref<1x640xf32, #tpu.memory_space<vmem_shared>>
      %dma_wait3A_118 = tpu.memref_squeeze %dma_wait3A_117 : memref<1x640xf32, #tpu.memory_space<vmem_shared>> -> memref<640xf32, #tpu.memory_space<vmem_shared>>
      tpu.wait_dma2 semaphore(%run_scoped3A_100 : memref<!tpu.dma_semaphore, #tpu.memory_space<semaphore_mem>>) src(%dma_wait3A_118 : memref<640xf32, #tpu.memory_space<vmem_shared>>) dst(%dma_wait3A_116 : memref<640xf32, #tpu.memory_space<vmem>>)
      tpu.yield
    }) : () -> ()
    %mul3A_39 = arith.constant 640 : i32
    %mul3A_40 = arith.muli %arg1, %mul3A_39 : i32
    %run_scoped3A_41 = arith.constant 2 : i32
    %run_scoped3A_42 = arith.constant 2 : i32
    "tpu.region"() ({
      %run_scoped3A_100 = tpu.sem_alloc : memref<!tpu.dma_semaphore, #tpu.memory_space<semaphore_mem>>
      %dma_start3A = arith.constant 0 : i32
      %dma_start3A_101 = tpu.memref_slice %arg7[%run_scoped3A_42, %dma_start3A] : memref<16x640xf32, #tpu.memory_space<vmem>> -> memref<1x640xf32, #tpu.memory_space<vmem>>
      %dma_start3A_102 = tpu.memref_squeeze %dma_start3A_101 : memref<1x640xf32, #tpu.memory_space<vmem>> -> memref<640xf32, #tpu.memory_space<vmem>>
      %dma_start3A_103 = tpu.memref_slice %arg9[%run_scoped3A_41, %mul3A_40] : memref<16x10240xf32, #tpu.memory_space<vmem_shared>> -> memref<1x640xf32, #tpu.memory_space<vmem_shared>>
      %dma_start3A_104 = tpu.memref_squeeze %dma_start3A_103 : memref<1x640xf32, #tpu.memory_space<vmem_shared>> -> memref<640xf32, #tpu.memory_space<vmem_shared>>
      %dma_start3A_105 = arith.constant 0 : i32
      %dma_start3A_106 = tpu.memref_slice %arg7[%run_scoped3A_42, %dma_start3A_105] : memref<16x640xf32, #tpu.memory_space<vmem>> -> memref<1x640xf32, #tpu.memory_space<vmem>>
      %dma_start3A_107 = tpu.memref_squeeze %dma_start3A_106 : memref<1x640xf32, #tpu.memory_space<vmem>> -> memref<640xf32, #tpu.memory_space<vmem>>
      %dma_start3A_108 = tpu.memref_slice %arg9[%run_scoped3A_41, %mul3A_40] : memref<16x10240xf32, #tpu.memory_space<vmem_shared>> -> memref<1x640xf32, #tpu.memory_space<vmem_shared>>
      %dma_start3A_109 = tpu.memref_squeeze %dma_start3A_108 : memref<1x640xf32, #tpu.memory_space<vmem_shared>> -> memref<640xf32, #tpu.memory_space<vmem_shared>>
      tpu.enqueue_dma source(%dma_start3A_109 : memref<640xf32, #tpu.memory_space<vmem_shared>>) target(%dma_start3A_107 : memref<640xf32, #tpu.memory_space<vmem>>) target_semaphore(%run_scoped3A_100 : memref<!tpu.dma_semaphore, #tpu.memory_space<semaphore_mem>>)
      %dma_wait3A = arith.constant 0 : i32
      %dma_wait3A_110 = tpu.memref_slice %arg7[%run_scoped3A_42, %dma_wait3A] : memref<16x640xf32, #tpu.memory_space<vmem>> -> memref<1x640xf32, #tpu.memory_space<vmem>>
      %dma_wait3A_111 = tpu.memref_squeeze %dma_wait3A_110 : memref<1x640xf32, #tpu.memory_space<vmem>> -> memref<640xf32, #tpu.memory_space<vmem>>
      %dma_wait3A_112 = tpu.memref_slice %arg9[%run_scoped3A_41, %mul3A_40] : memref<16x10240xf32, #tpu.memory_space<vmem_shared>> -> memref<1x640xf32, #tpu.memory_space<vmem_shared>>
      %dma_wait3A_113 = tpu.memref_squeeze %dma_wait3A_112 : memref<1x640xf32, #tpu.memory_space<vmem_shared>> -> memref<640xf32, #tpu.memory_space<vmem_shared>>
      %dma_wait3A_114 = arith.constant 0 : i32
      %dma_wait3A_115 = tpu.memref_slice %arg7[%run_scoped3A_42, %dma_wait3A_114] : memref<16x640xf32, #tpu.memory_space<vmem>> -> memref<1x640xf32, #tpu.memory_space<vmem>>
      %dma_wait3A_116 = tpu.memref_squeeze %dma_wait3A_115 : memref<1x640xf32, #tpu.memory_space<vmem>> -> memref<640xf32, #tpu.memory_space<vmem>>
      %dma_wait3A_117 = tpu.memref_slice %arg9[%run_scoped3A_41, %mul3A_40] : memref<16x10240xf32, #tpu.memory_space<vmem_shared>> -> memref<1x640xf32, #tpu.memory_space<vmem_shared>>
      %dma_wait3A_118 = tpu.memref_squeeze %dma_wait3A_117 : memref<1x640xf32, #tpu.memory_space<vmem_shared>> -> memref<640xf32, #tpu.memory_space<vmem_shared>>
      tpu.wait_dma2 semaphore(%run_scoped3A_100 : memref<!tpu.dma_semaphore, #tpu.memory_space<semaphore_mem>>) src(%dma_wait3A_118 : memref<640xf32, #tpu.memory_space<vmem_shared>>) dst(%dma_wait3A_116 : memref<640xf32, #tpu.memory_space<vmem>>)
      tpu.yield
    }) : () -> ()
    %mul3A_43 = arith.constant 640 : i32
    %mul3A_44 = arith.muli %arg1, %mul3A_43 : i32
    %run_scoped3A_45 = arith.constant 3 : i32
    %run_scoped3A_46 = arith.constant 3 : i32
    "tpu.region"() ({
      %run_scoped3A_100 = tpu.sem_alloc : memref<!tpu.dma_semaphore, #tpu.memory_space<semaphore_mem>>
      %dma_start3A = arith.constant 0 : i32
      %dma_start3A_101 = tpu.memref_slice %arg7[%run_scoped3A_46, %dma_start3A] : memref<16x640xf32, #tpu.memory_space<vmem>> -> memref<1x640xf32, #tpu.memory_space<vmem>>
      %dma_start3A_102 = tpu.memref_squeeze %dma_start3A_101 : memref<1x640xf32, #tpu.memory_space<vmem>> -> memref<640xf32, #tpu.memory_space<vmem>>
      %dma_start3A_103 = tpu.memref_slice %arg9[%run_scoped3A_45, %mul3A_44] : memref<16x10240xf32, #tpu.memory_space<vmem_shared>> -> memref<1x640xf32, #tpu.memory_space<vmem_shared>>
      %dma_start3A_104 = tpu.memref_squeeze %dma_start3A_103 : memref<1x640xf32, #tpu.memory_space<vmem_shared>> -> memref<640xf32, #tpu.memory_space<vmem_shared>>
      %dma_start3A_105 = arith.constant 0 : i32
      %dma_start3A_106 = tpu.memref_slice %arg7[%run_scoped3A_46, %dma_start3A_105] : memref<16x640xf32, #tpu.memory_space<vmem>> -> memref<1x640xf32, #tpu.memory_space<vmem>>
      %dma_start3A_107 = tpu.memref_squeeze %dma_start3A_106 : memref<1x640xf32, #tpu.memory_space<vmem>> -> memref<640xf32, #tpu.memory_space<vmem>>
      %dma_start3A_108 = tpu.memref_slice %arg9[%run_scoped3A_45, %mul3A_44] : memref<16x10240xf32, #tpu.memory_space<vmem_shared>> -> memref<1x640xf32, #tpu.memory_space<vmem_shared>>
      %dma_start3A_109 = tpu.memref_squeeze %dma_start3A_108 : memref<1x640xf32, #tpu.memory_space<vmem_shared>> -> memref<640xf32, #tpu.memory_space<vmem_shared>>
      tpu.enqueue_dma source(%dma_start3A_109 : memref<640xf32, #tpu.memory_space<vmem_shared>>) target(%dma_start3A_107 : memref<640xf32, #tpu.memory_space<vmem>>) target_semaphore(%run_scoped3A_100 : memref<!tpu.dma_semaphore, #tpu.memory_space<semaphore_mem>>)
      %dma_wait3A = arith.constant 0 : i32
      %dma_wait3A_110 = tpu.memref_slice %arg7[%run_scoped3A_46, %dma_wait3A] : memref<16x640xf32, #tpu.memory_space<vmem>> -> memref<1x640xf32, #tpu.memory_space<vmem>>
      %dma_wait3A_111 = tpu.memref_squeeze %dma_wait3A_110 : memref<1x640xf32, #tpu.memory_space<vmem>> -> memref<640xf32, #tpu.memory_space<vmem>>
      %dma_wait3A_112 = tpu.memref_slice %arg9[%run_scoped3A_45, %mul3A_44] : memref<16x10240xf32, #tpu.memory_space<vmem_shared>> -> memref<1x640xf32, #tpu.memory_space<vmem_shared>>
      %dma_wait3A_113 = tpu.memref_squeeze %dma_wait3A_112 : memref<1x640xf32, #tpu.memory_space<vmem_shared>> -> memref<640xf32, #tpu.memory_space<vmem_shared>>
      %dma_wait3A_114 = arith.constant 0 : i32
      %dma_wait3A_115 = tpu.memref_slice %arg7[%run_scoped3A_46, %dma_wait3A_114] : memref<16x640xf32, #tpu.memory_space<vmem>> -> memref<1x640xf32, #tpu.memory_space<vmem>>
      %dma_wait3A_116 = tpu.memref_squeeze %dma_wait3A_115 : memref<1x640xf32, #tpu.memory_space<vmem>> -> memref<640xf32, #tpu.memory_space<vmem>>
      %dma_wait3A_117 = tpu.memref_slice %arg9[%run_scoped3A_45, %mul3A_44] : memref<16x10240xf32, #tpu.memory_space<vmem_shared>> -> memref<1x640xf32, #tpu.memory_space<vmem_shared>>
      %dma_wait3A_118 = tpu.memref_squeeze %dma_wait3A_117 : memref<1x640xf32, #tpu.memory_space<vmem_shared>> -> memref<640xf32, #tpu.memory_space<vmem_shared>>
      tpu.wait_dma2 semaphore(%run_scoped3A_100 : memref<!tpu.dma_semaphore, #tpu.memory_space<semaphore_mem>>) src(%dma_wait3A_118 : memref<640xf32, #tpu.memory_space<vmem_shared>>) dst(%dma_wait3A_116 : memref<640xf32, #tpu.memory_space<vmem>>)
      tpu.yield
    }) : () -> ()
    %mul3A_47 = arith.constant 640 : i32
    %mul3A_48 = arith.muli %arg1, %mul3A_47 : i32
    %run_scoped3A_49 = arith.constant 4 : i32
    %run_scoped3A_50 = arith.constant 4 : i32
    "tpu.region"() ({
      %run_scoped3A_100 = tpu.sem_alloc : memref<!tpu.dma_semaphore, #tpu.memory_space<semaphore_mem>>
      %dma_start3A = arith.constant 0 : i32
      %dma_start3A_101 = tpu.memref_slice %arg7[%run_scoped3A_50, %dma_start3A] : memref<16x640xf32, #tpu.memory_space<vmem>> -> memref<1x640xf32, #tpu.memory_space<vmem>>
      %dma_start3A_102 = tpu.memref_squeeze %dma_start3A_101 : memref<1x640xf32, #tpu.memory_space<vmem>> -> memref<640xf32, #tpu.memory_space<vmem>>
      %dma_start3A_103 = tpu.memref_slice %arg9[%run_scoped3A_49, %mul3A_48] : memref<16x10240xf32, #tpu.memory_space<vmem_shared>> -> memref<1x640xf32, #tpu.memory_space<vmem_shared>>
      %dma_start3A_104 = tpu.memref_squeeze %dma_start3A_103 : memref<1x640xf32, #tpu.memory_space<vmem_shared>> -> memref<640xf32, #tpu.memory_space<vmem_shared>>
      %dma_start3A_105 = arith.constant 0 : i32
      %dma_start3A_106 = tpu.memref_slice %arg7[%run_scoped3A_50, %dma_start3A_105] : memref<16x640xf32, #tpu.memory_space<vmem>> -> memref<1x640xf32, #tpu.memory_space<vmem>>
      %dma_start3A_107 = tpu.memref_squeeze %dma_start3A_106 : memref<1x640xf32, #tpu.memory_space<vmem>> -> memref<640xf32, #tpu.memory_space<vmem>>
      %dma_start3A_108 = tpu.memref_slice %arg9[%run_scoped3A_49, %mul3A_48] : memref<16x10240xf32, #tpu.memory_space<vmem_shared>> -> memref<1x640xf32, #tpu.memory_space<vmem_shared>>
      %dma_start3A_109 = tpu.memref_squeeze %dma_start3A_108 : memref<1x640xf32, #tpu.memory_space<vmem_shared>> -> memref<640xf32, #tpu.memory_space<vmem_shared>>
      tpu.enqueue_dma source(%dma_start3A_109 : memref<640xf32, #tpu.memory_space<vmem_shared>>) target(%dma_start3A_107 : memref<640xf32, #tpu.memory_space<vmem>>) target_semaphore(%run_scoped3A_100 : memref<!tpu.dma_semaphore, #tpu.memory_space<semaphore_mem>>)
      %dma_wait3A = arith.constant 0 : i32
      %dma_wait3A_110 = tpu.memref_slice %arg7[%run_scoped3A_50, %dma_wait3A] : memref<16x640xf32, #tpu.memory_space<vmem>> -> memref<1x640xf32, #tpu.memory_space<vmem>>
      %dma_wait3A_111 = tpu.memref_squeeze %dma_wait3A_110 : memref<1x640xf32, #tpu.memory_space<vmem>> -> memref<640xf32, #tpu.memory_space<vmem>>
      %dma_wait3A_112 = tpu.memref_slice %arg9[%run_scoped3A_49, %mul3A_48] : memref<16x10240xf32, #tpu.memory_space<vmem_shared>> -> memref<1x640xf32, #tpu.memory_space<vmem_shared>>
      %dma_wait3A_113 = tpu.memref_squeeze %dma_wait3A_112 : memref<1x640xf32, #tpu.memory_space<vmem_shared>> -> memref<640xf32, #tpu.memory_space<vmem_shared>>
      %dma_wait3A_114 = arith.constant 0 : i32
      %dma_wait3A_115 = tpu.memref_slice %arg7[%run_scoped3A_50, %dma_wait3A_114] : memref<16x640xf32, #tpu.memory_space<vmem>> -> memref<1x640xf32, #tpu.memory_space<vmem>>
      %dma_wait3A_116 = tpu.memref_squeeze %dma_wait3A_115 : memref<1x640xf32, #tpu.memory_space<vmem>> -> memref<640xf32, #tpu.memory_space<vmem>>
      %dma_wait3A_117 = tpu.memref_slice %arg9[%run_scoped3A_49, %mul3A_48] : memref<16x10240xf32, #tpu.memory_space<vmem_shared>> -> memref<1x640xf32, #tpu.memory_space<vmem_shared>>
      %dma_wait3A_118 = tpu.memref_squeeze %dma_wait3A_117 : memref<1x640xf32, #tpu.memory_space<vmem_shared>> -> memref<640xf32, #tpu.memory_space<vmem_shared>>
      tpu.wait_dma2 semaphore(%run_scoped3A_100 : memref<!tpu.dma_semaphore, #tpu.memory_space<semaphore_mem>>) src(%dma_wait3A_118 : memref<640xf32, #tpu.memory_space<vmem_shared>>) dst(%dma_wait3A_116 : memref<640xf32, #tpu.memory_space<vmem>>)
      tpu.yield
    }) : () -> ()
    %mul3A_51 = arith.constant 640 : i32
    %mul3A_52 = arith.muli %arg1, %mul3A_51 : i32
    %run_scoped3A_53 = arith.constant 5 : i32
    %run_scoped3A_54 = arith.constant 5 : i32
    "tpu.region"() ({
      %run_scoped3A_100 = tpu.sem_alloc : memref<!tpu.dma_semaphore, #tpu.memory_space<semaphore_mem>>
      %dma_start3A = arith.constant 0 : i32
      %dma_start3A_101 = tpu.memref_slice %arg7[%run_scoped3A_54, %dma_start3A] : memref<16x640xf32, #tpu.memory_space<vmem>> -> memref<1x640xf32, #tpu.memory_space<vmem>>
      %dma_start3A_102 = tpu.memref_squeeze %dma_start3A_101 : memref<1x640xf32, #tpu.memory_space<vmem>> -> memref<640xf32, #tpu.memory_space<vmem>>
      %dma_start3A_103 = tpu.memref_slice %arg9[%run_scoped3A_53, %mul3A_52] : memref<16x10240xf32, #tpu.memory_space<vmem_shared>> -> memref<1x640xf32, #tpu.memory_space<vmem_shared>>
      %dma_start3A_104 = tpu.memref_squeeze %dma_start3A_103 : memref<1x640xf32, #tpu.memory_space<vmem_shared>> -> memref<640xf32, #tpu.memory_space<vmem_shared>>
      %dma_start3A_105 = arith.constant 0 : i32
      %dma_start3A_106 = tpu.memref_slice %arg7[%run_scoped3A_54, %dma_start3A_105] : memref<16x640xf32, #tpu.memory_space<vmem>> -> memref<1x640xf32, #tpu.memory_space<vmem>>
      %dma_start3A_107 = tpu.memref_squeeze %dma_start3A_106 : memref<1x640xf32, #tpu.memory_space<vmem>> -> memref<640xf32, #tpu.memory_space<vmem>>
      %dma_start3A_108 = tpu.memref_slice %arg9[%run_scoped3A_53, %mul3A_52] : memref<16x10240xf32, #tpu.memory_space<vmem_shared>> -> memref<1x640xf32, #tpu.memory_space<vmem_shared>>
      %dma_start3A_109 = tpu.memref_squeeze %dma_start3A_108 : memref<1x640xf32, #tpu.memory_space<vmem_shared>> -> memref<640xf32, #tpu.memory_space<vmem_shared>>
      tpu.enqueue_dma source(%dma_start3A_109 : memref<640xf32, #tpu.memory_space<vmem_shared>>) target(%dma_start3A_107 : memref<640xf32, #tpu.memory_space<vmem>>) target_semaphore(%run_scoped3A_100 : memref<!tpu.dma_semaphore, #tpu.memory_space<semaphore_mem>>)
      %dma_wait3A = arith.constant 0 : i32
      %dma_wait3A_110 = tpu.memref_slice %arg7[%run_scoped3A_54, %dma_wait3A] : memref<16x640xf32, #tpu.memory_space<vmem>> -> memref<1x640xf32, #tpu.memory_space<vmem>>
      %dma_wait3A_111 = tpu.memref_squeeze %dma_wait3A_110 : memref<1x640xf32, #tpu.memory_space<vmem>> -> memref<640xf32, #tpu.memory_space<vmem>>
      %dma_wait3A_112 = tpu.memref_slice %arg9[%run_scoped3A_53, %mul3A_52] : memref<16x10240xf32, #tpu.memory_space<vmem_shared>> -> memref<1x640xf32, #tpu.memory_space<vmem_shared>>
      %dma_wait3A_113 = tpu.memref_squeeze %dma_wait3A_112 : memref<1x640xf32, #tpu.memory_space<vmem_shared>> -> memref<640xf32, #tpu.memory_space<vmem_shared>>
      %dma_wait3A_114 = arith.constant 0 : i32
      %dma_wait3A_115 = tpu.memref_slice %arg7[%run_scoped3A_54, %dma_wait3A_114] : memref<16x640xf32, #tpu.memory_space<vmem>> -> memref<1x640xf32, #tpu.memory_space<vmem>>
      %dma_wait3A_116 = tpu.memref_squeeze %dma_wait3A_115 : memref<1x640xf32, #tpu.memory_space<vmem>> -> memref<640xf32, #tpu.memory_space<vmem>>
      %dma_wait3A_117 = tpu.memref_slice %arg9[%run_scoped3A_53, %mul3A_52] : memref<16x10240xf32, #tpu.memory_space<vmem_shared>> -> memref<1x640xf32, #tpu.memory_space<vmem_shared>>
      %dma_wait3A_118 = tpu.memref_squeeze %dma_wait3A_117 : memref<1x640xf32, #tpu.memory_space<vmem_shared>> -> memref<640xf32, #tpu.memory_space<vmem_shared>>
      tpu.wait_dma2 semaphore(%run_scoped3A_100 : memref<!tpu.dma_semaphore, #tpu.memory_space<semaphore_mem>>) src(%dma_wait3A_118 : memref<640xf32, #tpu.memory_space<vmem_shared>>) dst(%dma_wait3A_116 : memref<640xf32, #tpu.memory_space<vmem>>)
      tpu.yield
    }) : () -> ()
    %mul3A_55 = arith.constant 640 : i32
    %mul3A_56 = arith.muli %arg1, %mul3A_55 : i32
    %run_scoped3A_57 = arith.constant 6 : i32
    %run_scoped3A_58 = arith.constant 6 : i32
    "tpu.region"() ({
      %run_scoped3A_100 = tpu.sem_alloc : memref<!tpu.dma_semaphore, #tpu.memory_space<semaphore_mem>>
      %dma_start3A = arith.constant 0 : i32
      %dma_start3A_101 = tpu.memref_slice %arg7[%run_scoped3A_58, %dma_start3A] : memref<16x640xf32, #tpu.memory_space<vmem>> -> memref<1x640xf32, #tpu.memory_space<vmem>>
      %dma_start3A_102 = tpu.memref_squeeze %dma_start3A_101 : memref<1x640xf32, #tpu.memory_space<vmem>> -> memref<640xf32, #tpu.memory_space<vmem>>
      %dma_start3A_103 = tpu.memref_slice %arg9[%run_scoped3A_57, %mul3A_56] : memref<16x10240xf32, #tpu.memory_space<vmem_shared>> -> memref<1x640xf32, #tpu.memory_space<vmem_shared>>
      %dma_start3A_104 = tpu.memref_squeeze %dma_start3A_103 : memref<1x640xf32, #tpu.memory_space<vmem_shared>> -> memref<640xf32, #tpu.memory_space<vmem_shared>>
      %dma_start3A_105 = arith.constant 0 : i32
      %dma_start3A_106 = tpu.memref_slice %arg7[%run_scoped3A_58, %dma_start3A_105] : memref<16x640xf32, #tpu.memory_space<vmem>> -> memref<1x640xf32, #tpu.memory_space<vmem>>
      %dma_start3A_107 = tpu.memref_squeeze %dma_start3A_106 : memref<1x640xf32, #tpu.memory_space<vmem>> -> memref<640xf32, #tpu.memory_space<vmem>>
      %dma_start3A_108 = tpu.memref_slice %arg9[%run_scoped3A_57, %mul3A_56] : memref<16x10240xf32, #tpu.memory_space<vmem_shared>> -> memref<1x640xf32, #tpu.memory_space<vmem_shared>>
      %dma_start3A_109 = tpu.memref_squeeze %dma_start3A_108 : memref<1x640xf32, #tpu.memory_space<vmem_shared>> -> memref<640xf32, #tpu.memory_space<vmem_shared>>
      tpu.enqueue_dma source(%dma_start3A_109 : memref<640xf32, #tpu.memory_space<vmem_shared>>) target(%dma_start3A_107 : memref<640xf32, #tpu.memory_space<vmem>>) target_semaphore(%run_scoped3A_100 : memref<!tpu.dma_semaphore, #tpu.memory_space<semaphore_mem>>)
      %dma_wait3A = arith.constant 0 : i32
      %dma_wait3A_110 = tpu.memref_slice %arg7[%run_scoped3A_58, %dma_wait3A] : memref<16x640xf32, #tpu.memory_space<vmem>> -> memref<1x640xf32, #tpu.memory_space<vmem>>
      %dma_wait3A_111 = tpu.memref_squeeze %dma_wait3A_110 : memref<1x640xf32, #tpu.memory_space<vmem>> -> memref<640xf32, #tpu.memory_space<vmem>>
      %dma_wait3A_112 = tpu.memref_slice %arg9[%run_scoped3A_57, %mul3A_56] : memref<16x10240xf32, #tpu.memory_space<vmem_shared>> -> memref<1x640xf32, #tpu.memory_space<vmem_shared>>
      %dma_wait3A_113 = tpu.memref_squeeze %dma_wait3A_112 : memref<1x640xf32, #tpu.memory_space<vmem_shared>> -> memref<640xf32, #tpu.memory_space<vmem_shared>>
      %dma_wait3A_114 = arith.constant 0 : i32
      %dma_wait3A_115 = tpu.memref_slice %arg7[%run_scoped3A_58, %dma_wait3A_114] : memref<16x640xf32, #tpu.memory_space<vmem>> -> memref<1x640xf32, #tpu.memory_space<vmem>>
      %dma_wait3A_116 = tpu.memref_squeeze %dma_wait3A_115 : memref<1x640xf32, #tpu.memory_space<vmem>> -> memref<640xf32, #tpu.memory_space<vmem>>
      %dma_wait3A_117 = tpu.memref_slice %arg9[%run_scoped3A_57, %mul3A_56] : memref<16x10240xf32, #tpu.memory_space<vmem_shared>> -> memref<1x640xf32, #tpu.memory_space<vmem_shared>>
      %dma_wait3A_118 = tpu.memref_squeeze %dma_wait3A_117 : memref<1x640xf32, #tpu.memory_space<vmem_shared>> -> memref<640xf32, #tpu.memory_space<vmem_shared>>
      tpu.wait_dma2 semaphore(%run_scoped3A_100 : memref<!tpu.dma_semaphore, #tpu.memory_space<semaphore_mem>>) src(%dma_wait3A_118 : memref<640xf32, #tpu.memory_space<vmem_shared>>) dst(%dma_wait3A_116 : memref<640xf32, #tpu.memory_space<vmem>>)
      tpu.yield
    }) : () -> ()
    %mul3A_59 = arith.constant 640 : i32
    %mul3A_60 = arith.muli %arg1, %mul3A_59 : i32
    %run_scoped3A_61 = arith.constant 7 : i32
    %run_scoped3A_62 = arith.constant 7 : i32
    "tpu.region"() ({
      %run_scoped3A_100 = tpu.sem_alloc : memref<!tpu.dma_semaphore, #tpu.memory_space<semaphore_mem>>
      %dma_start3A = arith.constant 0 : i32
      %dma_start3A_101 = tpu.memref_slice %arg7[%run_scoped3A_62, %dma_start3A] : memref<16x640xf32, #tpu.memory_space<vmem>> -> memref<1x640xf32, #tpu.memory_space<vmem>>
      %dma_start3A_102 = tpu.memref_squeeze %dma_start3A_101 : memref<1x640xf32, #tpu.memory_space<vmem>> -> memref<640xf32, #tpu.memory_space<vmem>>
      %dma_start3A_103 = tpu.memref_slice %arg9[%run_scoped3A_61, %mul3A_60] : memref<16x10240xf32, #tpu.memory_space<vmem_shared>> -> memref<1x640xf32, #tpu.memory_space<vmem_shared>>
      %dma_start3A_104 = tpu.memref_squeeze %dma_start3A_103 : memref<1x640xf32, #tpu.memory_space<vmem_shared>> -> memref<640xf32, #tpu.memory_space<vmem_shared>>
      %dma_start3A_105 = arith.constant 0 : i32
      %dma_start3A_106 = tpu.memref_slice %arg7[%run_scoped3A_62, %dma_start3A_105] : memref<16x640xf32, #tpu.memory_space<vmem>> -> memref<1x640xf32, #tpu.memory_space<vmem>>
      %dma_start3A_107 = tpu.memref_squeeze %dma_start3A_106 : memref<1x640xf32, #tpu.memory_space<vmem>> -> memref<640xf32, #tpu.memory_space<vmem>>
      %dma_start3A_108 = tpu.memref_slice %arg9[%run_scoped3A_61, %mul3A_60] : memref<16x10240xf32, #tpu.memory_space<vmem_shared>> -> memref<1x640xf32, #tpu.memory_space<vmem_shared>>
      %dma_start3A_109 = tpu.memref_squeeze %dma_start3A_108 : memref<1x640xf32, #tpu.memory_space<vmem_shared>> -> memref<640xf32, #tpu.memory_space<vmem_shared>>
      tpu.enqueue_dma source(%dma_start3A_109 : memref<640xf32, #tpu.memory_space<vmem_shared>>) target(%dma_start3A_107 : memref<640xf32, #tpu.memory_space<vmem>>) target_semaphore(%run_scoped3A_100 : memref<!tpu.dma_semaphore, #tpu.memory_space<semaphore_mem>>)
      %dma_wait3A = arith.constant 0 : i32
      %dma_wait3A_110 = tpu.memref_slice %arg7[%run_scoped3A_62, %dma_wait3A] : memref<16x640xf32, #tpu.memory_space<vmem>> -> memref<1x640xf32, #tpu.memory_space<vmem>>
      %dma_wait3A_111 = tpu.memref_squeeze %dma_wait3A_110 : memref<1x640xf32, #tpu.memory_space<vmem>> -> memref<640xf32, #tpu.memory_space<vmem>>
      %dma_wait3A_112 = tpu.memref_slice %arg9[%run_scoped3A_61, %mul3A_60] : memref<16x10240xf32, #tpu.memory_space<vmem_shared>> -> memref<1x640xf32, #tpu.memory_space<vmem_shared>>
      %dma_wait3A_113 = tpu.memref_squeeze %dma_wait3A_112 : memref<1x640xf32, #tpu.memory_space<vmem_shared>> -> memref<640xf32, #tpu.memory_space<vmem_shared>>
      %dma_wait3A_114 = arith.constant 0 : i32
      %dma_wait3A_115 = tpu.memref_slice %arg7[%run_scoped3A_62, %dma_wait3A_114] : memref<16x640xf32, #tpu.memory_space<vmem>> -> memref<1x640xf32, #tpu.memory_space<vmem>>
      %dma_wait3A_116 = tpu.memref_squeeze %dma_wait3A_115 : memref<1x640xf32, #tpu.memory_space<vmem>> -> memref<640xf32, #tpu.memory_space<vmem>>
      %dma_wait3A_117 = tpu.memref_slice %arg9[%run_scoped3A_61, %mul3A_60] : memref<16x10240xf32, #tpu.memory_space<vmem_shared>> -> memref<1x640xf32, #tpu.memory_space<vmem_shared>>
      %dma_wait3A_118 = tpu.memref_squeeze %dma_wait3A_117 : memref<1x640xf32, #tpu.memory_space<vmem_shared>> -> memref<640xf32, #tpu.memory_space<vmem_shared>>
      tpu.wait_dma2 semaphore(%run_scoped3A_100 : memref<!tpu.dma_semaphore, #tpu.memory_space<semaphore_mem>>) src(%dma_wait3A_118 : memref<640xf32, #tpu.memory_space<vmem_shared>>) dst(%dma_wait3A_116 : memref<640xf32, #tpu.memory_space<vmem>>)
      tpu.yield
    }) : () -> ()
    %mul3A_63 = arith.constant 640 : i32
    %mul3A_64 = arith.muli %arg1, %mul3A_63 : i32
    %run_scoped3A_65 = arith.constant 8 : i32
    %run_scoped3A_66 = arith.constant 8 : i32
    "tpu.region"() ({
      %run_scoped3A_100 = tpu.sem_alloc : memref<!tpu.dma_semaphore, #tpu.memory_space<semaphore_mem>>
      %dma_start3A = arith.constant 0 : i32
      %dma_start3A_101 = tpu.memref_slice %arg7[%run_scoped3A_66, %dma_start3A] : memref<16x640xf32, #tpu.memory_space<vmem>> -> memref<1x640xf32, #tpu.memory_space<vmem>>
      %dma_start3A_102 = tpu.memref_squeeze %dma_start3A_101 : memref<1x640xf32, #tpu.memory_space<vmem>> -> memref<640xf32, #tpu.memory_space<vmem>>
      %dma_start3A_103 = tpu.memref_slice %arg9[%run_scoped3A_65, %mul3A_64] : memref<16x10240xf32, #tpu.memory_space<vmem_shared>> -> memref<1x640xf32, #tpu.memory_space<vmem_shared>>
      %dma_start3A_104 = tpu.memref_squeeze %dma_start3A_103 : memref<1x640xf32, #tpu.memory_space<vmem_shared>> -> memref<640xf32, #tpu.memory_space<vmem_shared>>
      %dma_start3A_105 = arith.constant 0 : i32
      %dma_start3A_106 = tpu.memref_slice %arg7[%run_scoped3A_66, %dma_start3A_105] : memref<16x640xf32, #tpu.memory_space<vmem>> -> memref<1x640xf32, #tpu.memory_space<vmem>>
      %dma_start3A_107 = tpu.memref_squeeze %dma_start3A_106 : memref<1x640xf32, #tpu.memory_space<vmem>> -> memref<640xf32, #tpu.memory_space<vmem>>
      %dma_start3A_108 = tpu.memref_slice %arg9[%run_scoped3A_65, %mul3A_64] : memref<16x10240xf32, #tpu.memory_space<vmem_shared>> -> memref<1x640xf32, #tpu.memory_space<vmem_shared>>
      %dma_start3A_109 = tpu.memref_squeeze %dma_start3A_108 : memref<1x640xf32, #tpu.memory_space<vmem_shared>> -> memref<640xf32, #tpu.memory_space<vmem_shared>>
      tpu.enqueue_dma source(%dma_start3A_109 : memref<640xf32, #tpu.memory_space<vmem_shared>>) target(%dma_start3A_107 : memref<640xf32, #tpu.memory_space<vmem>>) target_semaphore(%run_scoped3A_100 : memref<!tpu.dma_semaphore, #tpu.memory_space<semaphore_mem>>)
      %dma_wait3A = arith.constant 0 : i32
      %dma_wait3A_110 = tpu.memref_slice %arg7[%run_scoped3A_66, %dma_wait3A] : memref<16x640xf32, #tpu.memory_space<vmem>> -> memref<1x640xf32, #tpu.memory_space<vmem>>
      %dma_wait3A_111 = tpu.memref_squeeze %dma_wait3A_110 : memref<1x640xf32, #tpu.memory_space<vmem>> -> memref<640xf32, #tpu.memory_space<vmem>>
      %dma_wait3A_112 = tpu.memref_slice %arg9[%run_scoped3A_65, %mul3A_64] : memref<16x10240xf32, #tpu.memory_space<vmem_shared>> -> memref<1x640xf32, #tpu.memory_space<vmem_shared>>
      %dma_wait3A_113 = tpu.memref_squeeze %dma_wait3A_112 : memref<1x640xf32, #tpu.memory_space<vmem_shared>> -> memref<640xf32, #tpu.memory_space<vmem_shared>>
      %dma_wait3A_114 = arith.constant 0 : i32
      %dma_wait3A_115 = tpu.memref_slice %arg7[%run_scoped3A_66, %dma_wait3A_114] : memref<16x640xf32, #tpu.memory_space<vmem>> -> memref<1x640xf32, #tpu.memory_space<vmem>>
      %dma_wait3A_116 = tpu.memref_squeeze %dma_wait3A_115 : memref<1x640xf32, #tpu.memory_space<vmem>> -> memref<640xf32, #tpu.memory_space<vmem>>
      %dma_wait3A_117 = tpu.memref_slice %arg9[%run_scoped3A_65, %mul3A_64] : memref<16x10240xf32, #tpu.memory_space<vmem_shared>> -> memref<1x640xf32, #tpu.memory_space<vmem_shared>>
      %dma_wait3A_118 = tpu.memref_squeeze %dma_wait3A_117 : memref<1x640xf32, #tpu.memory_space<vmem_shared>> -> memref<640xf32, #tpu.memory_space<vmem_shared>>
      tpu.wait_dma2 semaphore(%run_scoped3A_100 : memref<!tpu.dma_semaphore, #tpu.memory_space<semaphore_mem>>) src(%dma_wait3A_118 : memref<640xf32, #tpu.memory_space<vmem_shared>>) dst(%dma_wait3A_116 : memref<640xf32, #tpu.memory_space<vmem>>)
      tpu.yield
    }) : () -> ()
    %mul3A_67 = arith.constant 640 : i32
    %mul3A_68 = arith.muli %arg1, %mul3A_67 : i32
    %run_scoped3A_69 = arith.constant 9 : i32
    %run_scoped3A_70 = arith.constant 9 : i32
    "tpu.region"() ({
      %run_scoped3A_100 = tpu.sem_alloc : memref<!tpu.dma_semaphore, #tpu.memory_space<semaphore_mem>>
      %dma_start3A = arith.constant 0 : i32
      %dma_start3A_101 = tpu.memref_slice %arg7[%run_scoped3A_70, %dma_start3A] : memref<16x640xf32, #tpu.memory_space<vmem>> -> memref<1x640xf32, #tpu.memory_space<vmem>>
      %dma_start3A_102 = tpu.memref_squeeze %dma_start3A_101 : memref<1x640xf32, #tpu.memory_space<vmem>> -> memref<640xf32, #tpu.memory_space<vmem>>
      %dma_start3A_103 = tpu.memref_slice %arg9[%run_scoped3A_69, %mul3A_68] : memref<16x10240xf32, #tpu.memory_space<vmem_shared>> -> memref<1x640xf32, #tpu.memory_space<vmem_shared>>
      %dma_start3A_104 = tpu.memref_squeeze %dma_start3A_103 : memref<1x640xf32, #tpu.memory_space<vmem_shared>> -> memref<640xf32, #tpu.memory_space<vmem_shared>>
      %dma_start3A_105 = arith.constant 0 : i32
      %dma_start3A_106 = tpu.memref_slice %arg7[%run_scoped3A_70, %dma_start3A_105] : memref<16x640xf32, #tpu.memory_space<vmem>> -> memref<1x640xf32, #tpu.memory_space<vmem>>
      %dma_start3A_107 = tpu.memref_squeeze %dma_start3A_106 : memref<1x640xf32, #tpu.memory_space<vmem>> -> memref<640xf32, #tpu.memory_space<vmem>>
      %dma_start3A_108 = tpu.memref_slice %arg9[%run_scoped3A_69, %mul3A_68] : memref<16x10240xf32, #tpu.memory_space<vmem_shared>> -> memref<1x640xf32, #tpu.memory_space<vmem_shared>>
      %dma_start3A_109 = tpu.memref_squeeze %dma_start3A_108 : memref<1x640xf32, #tpu.memory_space<vmem_shared>> -> memref<640xf32, #tpu.memory_space<vmem_shared>>
      tpu.enqueue_dma source(%dma_start3A_109 : memref<640xf32, #tpu.memory_space<vmem_shared>>) target(%dma_start3A_107 : memref<640xf32, #tpu.memory_space<vmem>>) target_semaphore(%run_scoped3A_100 : memref<!tpu.dma_semaphore, #tpu.memory_space<semaphore_mem>>)
      %dma_wait3A = arith.constant 0 : i32
      %dma_wait3A_110 = tpu.memref_slice %arg7[%run_scoped3A_70, %dma_wait3A] : memref<16x640xf32, #tpu.memory_space<vmem>> -> memref<1x640xf32, #tpu.memory_space<vmem>>
      %dma_wait3A_111 = tpu.memref_squeeze %dma_wait3A_110 : memref<1x640xf32, #tpu.memory_space<vmem>> -> memref<640xf32, #tpu.memory_space<vmem>>
      %dma_wait3A_112 = tpu.memref_slice %arg9[%run_scoped3A_69, %mul3A_68] : memref<16x10240xf32, #tpu.memory_space<vmem_shared>> -> memref<1x640xf32, #tpu.memory_space<vmem_shared>>
      %dma_wait3A_113 = tpu.memref_squeeze %dma_wait3A_112 : memref<1x640xf32, #tpu.memory_space<vmem_shared>> -> memref<640xf32, #tpu.memory_space<vmem_shared>>
      %dma_wait3A_114 = arith.constant 0 : i32
      %dma_wait3A_115 = tpu.memref_slice %arg7[%run_scoped3A_70, %dma_wait3A_114] : memref<16x640xf32, #tpu.memory_space<vmem>> -> memref<1x640xf32, #tpu.memory_space<vmem>>
      %dma_wait3A_116 = tpu.memref_squeeze %dma_wait3A_115 : memref<1x640xf32, #tpu.memory_space<vmem>> -> memref<640xf32, #tpu.memory_space<vmem>>
      %dma_wait3A_117 = tpu.memref_slice %arg9[%run_scoped3A_69, %mul3A_68] : memref<16x10240xf32, #tpu.memory_space<vmem_shared>> -> memref<1x640xf32, #tpu.memory_space<vmem_shared>>
      %dma_wait3A_118 = tpu.memref_squeeze %dma_wait3A_117 : memref<1x640xf32, #tpu.memory_space<vmem_shared>> -> memref<640xf32, #tpu.memory_space<vmem_shared>>
      tpu.wait_dma2 semaphore(%run_scoped3A_100 : memref<!tpu.dma_semaphore, #tpu.memory_space<semaphore_mem>>) src(%dma_wait3A_118 : memref<640xf32, #tpu.memory_space<vmem_shared>>) dst(%dma_wait3A_116 : memref<640xf32, #tpu.memory_space<vmem>>)
      tpu.yield
    }) : () -> ()
    %mul3A_71 = arith.constant 640 : i32
    %mul3A_72 = arith.muli %arg1, %mul3A_71 : i32
    %run_scoped3A_73 = arith.constant 10 : i32
    %run_scoped3A_74 = arith.constant 10 : i32
    "tpu.region"() ({
      %run_scoped3A_100 = tpu.sem_alloc : memref<!tpu.dma_semaphore, #tpu.memory_space<semaphore_mem>>
      %dma_start3A = arith.constant 0 : i32
      %dma_start3A_101 = tpu.memref_slice %arg7[%run_scoped3A_74, %dma_start3A] : memref<16x640xf32, #tpu.memory_space<vmem>> -> memref<1x640xf32, #tpu.memory_space<vmem>>
      %dma_start3A_102 = tpu.memref_squeeze %dma_start3A_101 : memref<1x640xf32, #tpu.memory_space<vmem>> -> memref<640xf32, #tpu.memory_space<vmem>>
      %dma_start3A_103 = tpu.memref_slice %arg9[%run_scoped3A_73, %mul3A_72] : memref<16x10240xf32, #tpu.memory_space<vmem_shared>> -> memref<1x640xf32, #tpu.memory_space<vmem_shared>>
      %dma_start3A_104 = tpu.memref_squeeze %dma_start3A_103 : memref<1x640xf32, #tpu.memory_space<vmem_shared>> -> memref<640xf32, #tpu.memory_space<vmem_shared>>
      %dma_start3A_105 = arith.constant 0 : i32
      %dma_start3A_106 = tpu.memref_slice %arg7[%run_scoped3A_74, %dma_start3A_105] : memref<16x640xf32, #tpu.memory_space<vmem>> -> memref<1x640xf32, #tpu.memory_space<vmem>>
      %dma_start3A_107 = tpu.memref_squeeze %dma_start3A_106 : memref<1x640xf32, #tpu.memory_space<vmem>> -> memref<640xf32, #tpu.memory_space<vmem>>
      %dma_start3A_108 = tpu.memref_slice %arg9[%run_scoped3A_73, %mul3A_72] : memref<16x10240xf32, #tpu.memory_space<vmem_shared>> -> memref<1x640xf32, #tpu.memory_space<vmem_shared>>
      %dma_start3A_109 = tpu.memref_squeeze %dma_start3A_108 : memref<1x640xf32, #tpu.memory_space<vmem_shared>> -> memref<640xf32, #tpu.memory_space<vmem_shared>>
      tpu.enqueue_dma source(%dma_start3A_109 : memref<640xf32, #tpu.memory_space<vmem_shared>>) target(%dma_start3A_107 : memref<640xf32, #tpu.memory_space<vmem>>) target_semaphore(%run_scoped3A_100 : memref<!tpu.dma_semaphore, #tpu.memory_space<semaphore_mem>>)
      %dma_wait3A = arith.constant 0 : i32
      %dma_wait3A_110 = tpu.memref_slice %arg7[%run_scoped3A_74, %dma_wait3A] : memref<16x640xf32, #tpu.memory_space<vmem>> -> memref<1x640xf32, #tpu.memory_space<vmem>>
      %dma_wait3A_111 = tpu.memref_squeeze %dma_wait3A_110 : memref<1x640xf32, #tpu.memory_space<vmem>> -> memref<640xf32, #tpu.memory_space<vmem>>
      %dma_wait3A_112 = tpu.memref_slice %arg9[%run_scoped3A_73, %mul3A_72] : memref<16x10240xf32, #tpu.memory_space<vmem_shared>> -> memref<1x640xf32, #tpu.memory_space<vmem_shared>>
      %dma_wait3A_113 = tpu.memref_squeeze %dma_wait3A_112 : memref<1x640xf32, #tpu.memory_space<vmem_shared>> -> memref<640xf32, #tpu.memory_space<vmem_shared>>
      %dma_wait3A_114 = arith.constant 0 : i32
      %dma_wait3A_115 = tpu.memref_slice %arg7[%run_scoped3A_74, %dma_wait3A_114] : memref<16x640xf32, #tpu.memory_space<vmem>> -> memref<1x640xf32, #tpu.memory_space<vmem>>
      %dma_wait3A_116 = tpu.memref_squeeze %dma_wait3A_115 : memref<1x640xf32, #tpu.memory_space<vmem>> -> memref<640xf32, #tpu.memory_space<vmem>>
      %dma_wait3A_117 = tpu.memref_slice %arg9[%run_scoped3A_73, %mul3A_72] : memref<16x10240xf32, #tpu.memory_space<vmem_shared>> -> memref<1x640xf32, #tpu.memory_space<vmem_shared>>
      %dma_wait3A_118 = tpu.memref_squeeze %dma_wait3A_117 : memref<1x640xf32, #tpu.memory_space<vmem_shared>> -> memref<640xf32, #tpu.memory_space<vmem_shared>>
      tpu.wait_dma2 semaphore(%run_scoped3A_100 : memref<!tpu.dma_semaphore, #tpu.memory_space<semaphore_mem>>) src(%dma_wait3A_118 : memref<640xf32, #tpu.memory_space<vmem_shared>>) dst(%dma_wait3A_116 : memref<640xf32, #tpu.memory_space<vmem>>)
      tpu.yield
    }) : () -> ()
    %mul3A_75 = arith.constant 640 : i32
    %mul3A_76 = arith.muli %arg1, %mul3A_75 : i32
    %run_scoped3A_77 = arith.constant 11 : i32
    %run_scoped3A_78 = arith.constant 11 : i32
    "tpu.region"() ({
      %run_scoped3A_100 = tpu.sem_alloc : memref<!tpu.dma_semaphore, #tpu.memory_space<semaphore_mem>>
      %dma_start3A = arith.constant 0 : i32
      %dma_start3A_101 = tpu.memref_slice %arg7[%run_scoped3A_78, %dma_start3A] : memref<16x640xf32, #tpu.memory_space<vmem>> -> memref<1x640xf32, #tpu.memory_space<vmem>>
      %dma_start3A_102 = tpu.memref_squeeze %dma_start3A_101 : memref<1x640xf32, #tpu.memory_space<vmem>> -> memref<640xf32, #tpu.memory_space<vmem>>
      %dma_start3A_103 = tpu.memref_slice %arg9[%run_scoped3A_77, %mul3A_76] : memref<16x10240xf32, #tpu.memory_space<vmem_shared>> -> memref<1x640xf32, #tpu.memory_space<vmem_shared>>
      %dma_start3A_104 = tpu.memref_squeeze %dma_start3A_103 : memref<1x640xf32, #tpu.memory_space<vmem_shared>> -> memref<640xf32, #tpu.memory_space<vmem_shared>>
      %dma_start3A_105 = arith.constant 0 : i32
      %dma_start3A_106 = tpu.memref_slice %arg7[%run_scoped3A_78, %dma_start3A_105] : memref<16x640xf32, #tpu.memory_space<vmem>> -> memref<1x640xf32, #tpu.memory_space<vmem>>
      %dma_start3A_107 = tpu.memref_squeeze %dma_start3A_106 : memref<1x640xf32, #tpu.memory_space<vmem>> -> memref<640xf32, #tpu.memory_space<vmem>>
      %dma_start3A_108 = tpu.memref_slice %arg9[%run_scoped3A_77, %mul3A_76] : memref<16x10240xf32, #tpu.memory_space<vmem_shared>> -> memref<1x640xf32, #tpu.memory_space<vmem_shared>>
      %dma_start3A_109 = tpu.memref_squeeze %dma_start3A_108 : memref<1x640xf32, #tpu.memory_space<vmem_shared>> -> memref<640xf32, #tpu.memory_space<vmem_shared>>
      tpu.enqueue_dma source(%dma_start3A_109 : memref<640xf32, #tpu.memory_space<vmem_shared>>) target(%dma_start3A_107 : memref<640xf32, #tpu.memory_space<vmem>>) target_semaphore(%run_scoped3A_100 : memref<!tpu.dma_semaphore, #tpu.memory_space<semaphore_mem>>)
      %dma_wait3A = arith.constant 0 : i32
      %dma_wait3A_110 = tpu.memref_slice %arg7[%run_scoped3A_78, %dma_wait3A] : memref<16x640xf32, #tpu.memory_space<vmem>> -> memref<1x640xf32, #tpu.memory_space<vmem>>
      %dma_wait3A_111 = tpu.memref_squeeze %dma_wait3A_110 : memref<1x640xf32, #tpu.memory_space<vmem>> -> memref<640xf32, #tpu.memory_space<vmem>>
      %dma_wait3A_112 = tpu.memref_slice %arg9[%run_scoped3A_77, %mul3A_76] : memref<16x10240xf32, #tpu.memory_space<vmem_shared>> -> memref<1x640xf32, #tpu.memory_space<vmem_shared>>
      %dma_wait3A_113 = tpu.memref_squeeze %dma_wait3A_112 : memref<1x640xf32, #tpu.memory_space<vmem_shared>> -> memref<640xf32, #tpu.memory_space<vmem_shared>>
      %dma_wait3A_114 = arith.constant 0 : i32
      %dma_wait3A_115 = tpu.memref_slice %arg7[%run_scoped3A_78, %dma_wait3A_114] : memref<16x640xf32, #tpu.memory_space<vmem>> -> memref<1x640xf32, #tpu.memory_space<vmem>>
      %dma_wait3A_116 = tpu.memref_squeeze %dma_wait3A_115 : memref<1x640xf32, #tpu.memory_space<vmem>> -> memref<640xf32, #tpu.memory_space<vmem>>
      %dma_wait3A_117 = tpu.memref_slice %arg9[%run_scoped3A_77, %mul3A_76] : memref<16x10240xf32, #tpu.memory_space<vmem_shared>> -> memref<1x640xf32, #tpu.memory_space<vmem_shared>>
      %dma_wait3A_118 = tpu.memref_squeeze %dma_wait3A_117 : memref<1x640xf32, #tpu.memory_space<vmem_shared>> -> memref<640xf32, #tpu.memory_space<vmem_shared>>
      tpu.wait_dma2 semaphore(%run_scoped3A_100 : memref<!tpu.dma_semaphore, #tpu.memory_space<semaphore_mem>>) src(%dma_wait3A_118 : memref<640xf32, #tpu.memory_space<vmem_shared>>) dst(%dma_wait3A_116 : memref<640xf32, #tpu.memory_space<vmem>>)
      tpu.yield
    }) : () -> ()
    %mul3A_79 = arith.constant 640 : i32
    %mul3A_80 = arith.muli %arg1, %mul3A_79 : i32
    %run_scoped3A_81 = arith.constant 12 : i32
    %run_scoped3A_82 = arith.constant 12 : i32
    "tpu.region"() ({
      %run_scoped3A_100 = tpu.sem_alloc : memref<!tpu.dma_semaphore, #tpu.memory_space<semaphore_mem>>
      %dma_start3A = arith.constant 0 : i32
      %dma_start3A_101 = tpu.memref_slice %arg7[%run_scoped3A_82, %dma_start3A] : memref<16x640xf32, #tpu.memory_space<vmem>> -> memref<1x640xf32, #tpu.memory_space<vmem>>
      %dma_start3A_102 = tpu.memref_squeeze %dma_start3A_101 : memref<1x640xf32, #tpu.memory_space<vmem>> -> memref<640xf32, #tpu.memory_space<vmem>>
      %dma_start3A_103 = tpu.memref_slice %arg9[%run_scoped3A_81, %mul3A_80] : memref<16x10240xf32, #tpu.memory_space<vmem_shared>> -> memref<1x640xf32, #tpu.memory_space<vmem_shared>>
      %dma_start3A_104 = tpu.memref_squeeze %dma_start3A_103 : memref<1x640xf32, #tpu.memory_space<vmem_shared>> -> memref<640xf32, #tpu.memory_space<vmem_shared>>
      %dma_start3A_105 = arith.constant 0 : i32
      %dma_start3A_106 = tpu.memref_slice %arg7[%run_scoped3A_82, %dma_start3A_105] : memref<16x640xf32, #tpu.memory_space<vmem>> -> memref<1x640xf32, #tpu.memory_space<vmem>>
      %dma_start3A_107 = tpu.memref_squeeze %dma_start3A_106 : memref<1x640xf32, #tpu.memory_space<vmem>> -> memref<640xf32, #tpu.memory_space<vmem>>
      %dma_start3A_108 = tpu.memref_slice %arg9[%run_scoped3A_81, %mul3A_80] : memref<16x10240xf32, #tpu.memory_space<vmem_shared>> -> memref<1x640xf32, #tpu.memory_space<vmem_shared>>
      %dma_start3A_109 = tpu.memref_squeeze %dma_start3A_108 : memref<1x640xf32, #tpu.memory_space<vmem_shared>> -> memref<640xf32, #tpu.memory_space<vmem_shared>>
      tpu.enqueue_dma source(%dma_start3A_109 : memref<640xf32, #tpu.memory_space<vmem_shared>>) target(%dma_start3A_107 : memref<640xf32, #tpu.memory_space<vmem>>) target_semaphore(%run_scoped3A_100 : memref<!tpu.dma_semaphore, #tpu.memory_space<semaphore_mem>>)
      %dma_wait3A = arith.constant 0 : i32
      %dma_wait3A_110 = tpu.memref_slice %arg7[%run_scoped3A_82, %dma_wait3A] : memref<16x640xf32, #tpu.memory_space<vmem>> -> memref<1x640xf32, #tpu.memory_space<vmem>>
      %dma_wait3A_111 = tpu.memref_squeeze %dma_wait3A_110 : memref<1x640xf32, #tpu.memory_space<vmem>> -> memref<640xf32, #tpu.memory_space<vmem>>
      %dma_wait3A_112 = tpu.memref_slice %arg9[%run_scoped3A_81, %mul3A_80] : memref<16x10240xf32, #tpu.memory_space<vmem_shared>> -> memref<1x640xf32, #tpu.memory_space<vmem_shared>>
      %dma_wait3A_113 = tpu.memref_squeeze %dma_wait3A_112 : memref<1x640xf32, #tpu.memory_space<vmem_shared>> -> memref<640xf32, #tpu.memory_space<vmem_shared>>
      %dma_wait3A_114 = arith.constant 0 : i32
      %dma_wait3A_115 = tpu.memref_slice %arg7[%run_scoped3A_82, %dma_wait3A_114] : memref<16x640xf32, #tpu.memory_space<vmem>> -> memref<1x640xf32, #tpu.memory_space<vmem>>
      %dma_wait3A_116 = tpu.memref_squeeze %dma_wait3A_115 : memref<1x640xf32, #tpu.memory_space<vmem>> -> memref<640xf32, #tpu.memory_space<vmem>>
      %dma_wait3A_117 = tpu.memref_slice %arg9[%run_scoped3A_81, %mul3A_80] : memref<16x10240xf32, #tpu.memory_space<vmem_shared>> -> memref<1x640xf32, #tpu.memory_space<vmem_shared>>
      %dma_wait3A_118 = tpu.memref_squeeze %dma_wait3A_117 : memref<1x640xf32, #tpu.memory_space<vmem_shared>> -> memref<640xf32, #tpu.memory_space<vmem_shared>>
      tpu.wait_dma2 semaphore(%run_scoped3A_100 : memref<!tpu.dma_semaphore, #tpu.memory_space<semaphore_mem>>) src(%dma_wait3A_118 : memref<640xf32, #tpu.memory_space<vmem_shared>>) dst(%dma_wait3A_116 : memref<640xf32, #tpu.memory_space<vmem>>)
      tpu.yield
    }) : () -> ()
    %mul3A_83 = arith.constant 640 : i32
    %mul3A_84 = arith.muli %arg1, %mul3A_83 : i32
    %run_scoped3A_85 = arith.constant 13 : i32
    %run_scoped3A_86 = arith.constant 13 : i32
    "tpu.region"() ({
      %run_scoped3A_100 = tpu.sem_alloc : memref<!tpu.dma_semaphore, #tpu.memory_space<semaphore_mem>>
      %dma_start3A = arith.constant 0 : i32
      %dma_start3A_101 = tpu.memref_slice %arg7[%run_scoped3A_86, %dma_start3A] : memref<16x640xf32, #tpu.memory_space<vmem>> -> memref<1x640xf32, #tpu.memory_space<vmem>>
      %dma_start3A_102 = tpu.memref_squeeze %dma_start3A_101 : memref<1x640xf32, #tpu.memory_space<vmem>> -> memref<640xf32, #tpu.memory_space<vmem>>
      %dma_start3A_103 = tpu.memref_slice %arg9[%run_scoped3A_85, %mul3A_84] : memref<16x10240xf32, #tpu.memory_space<vmem_shared>> -> memref<1x640xf32, #tpu.memory_space<vmem_shared>>
      %dma_start3A_104 = tpu.memref_squeeze %dma_start3A_103 : memref<1x640xf32, #tpu.memory_space<vmem_shared>> -> memref<640xf32, #tpu.memory_space<vmem_shared>>
      %dma_start3A_105 = arith.constant 0 : i32
      %dma_start3A_106 = tpu.memref_slice %arg7[%run_scoped3A_86, %dma_start3A_105] : memref<16x640xf32, #tpu.memory_space<vmem>> -> memref<1x640xf32, #tpu.memory_space<vmem>>
      %dma_start3A_107 = tpu.memref_squeeze %dma_start3A_106 : memref<1x640xf32, #tpu.memory_space<vmem>> -> memref<640xf32, #tpu.memory_space<vmem>>
      %dma_start3A_108 = tpu.memref_slice %arg9[%run_scoped3A_85, %mul3A_84] : memref<16x10240xf32, #tpu.memory_space<vmem_shared>> -> memref<1x640xf32, #tpu.memory_space<vmem_shared>>
      %dma_start3A_109 = tpu.memref_squeeze %dma_start3A_108 : memref<1x640xf32, #tpu.memory_space<vmem_shared>> -> memref<640xf32, #tpu.memory_space<vmem_shared>>
      tpu.enqueue_dma source(%dma_start3A_109 : memref<640xf32, #tpu.memory_space<vmem_shared>>) target(%dma_start3A_107 : memref<640xf32, #tpu.memory_space<vmem>>) target_semaphore(%run_scoped3A_100 : memref<!tpu.dma_semaphore, #tpu.memory_space<semaphore_mem>>)
      %dma_wait3A = arith.constant 0 : i32
      %dma_wait3A_110 = tpu.memref_slice %arg7[%run_scoped3A_86, %dma_wait3A] : memref<16x640xf32, #tpu.memory_space<vmem>> -> memref<1x640xf32, #tpu.memory_space<vmem>>
      %dma_wait3A_111 = tpu.memref_squeeze %dma_wait3A_110 : memref<1x640xf32, #tpu.memory_space<vmem>> -> memref<640xf32, #tpu.memory_space<vmem>>
      %dma_wait3A_112 = tpu.memref_slice %arg9[%run_scoped3A_85, %mul3A_84] : memref<16x10240xf32, #tpu.memory_space<vmem_shared>> -> memref<1x640xf32, #tpu.memory_space<vmem_shared>>
      %dma_wait3A_113 = tpu.memref_squeeze %dma_wait3A_112 : memref<1x640xf32, #tpu.memory_space<vmem_shared>> -> memref<640xf32, #tpu.memory_space<vmem_shared>>
      %dma_wait3A_114 = arith.constant 0 : i32
      %dma_wait3A_115 = tpu.memref_slice %arg7[%run_scoped3A_86, %dma_wait3A_114] : memref<16x640xf32, #tpu.memory_space<vmem>> -> memref<1x640xf32, #tpu.memory_space<vmem>>
      %dma_wait3A_116 = tpu.memref_squeeze %dma_wait3A_115 : memref<1x640xf32, #tpu.memory_space<vmem>> -> memref<640xf32, #tpu.memory_space<vmem>>
      %dma_wait3A_117 = tpu.memref_slice %arg9[%run_scoped3A_85, %mul3A_84] : memref<16x10240xf32, #tpu.memory_space<vmem_shared>> -> memref<1x640xf32, #tpu.memory_space<vmem_shared>>
      %dma_wait3A_118 = tpu.memref_squeeze %dma_wait3A_117 : memref<1x640xf32, #tpu.memory_space<vmem_shared>> -> memref<640xf32, #tpu.memory_space<vmem_shared>>
      tpu.wait_dma2 semaphore(%run_scoped3A_100 : memref<!tpu.dma_semaphore, #tpu.memory_space<semaphore_mem>>) src(%dma_wait3A_118 : memref<640xf32, #tpu.memory_space<vmem_shared>>) dst(%dma_wait3A_116 : memref<640xf32, #tpu.memory_space<vmem>>)
      tpu.yield
    }) : () -> ()
    %mul3A_87 = arith.constant 640 : i32
    %mul3A_88 = arith.muli %arg1, %mul3A_87 : i32
    %run_scoped3A_89 = arith.constant 14 : i32
    %run_scoped3A_90 = arith.constant 14 : i32
    "tpu.region"() ({
      %run_scoped3A_100 = tpu.sem_alloc : memref<!tpu.dma_semaphore, #tpu.memory_space<semaphore_mem>>
      %dma_start3A = arith.constant 0 : i32
      %dma_start3A_101 = tpu.memref_slice %arg7[%run_scoped3A_90, %dma_start3A] : memref<16x640xf32, #tpu.memory_space<vmem>> -> memref<1x640xf32, #tpu.memory_space<vmem>>
      %dma_start3A_102 = tpu.memref_squeeze %dma_start3A_101 : memref<1x640xf32, #tpu.memory_space<vmem>> -> memref<640xf32, #tpu.memory_space<vmem>>
      %dma_start3A_103 = tpu.memref_slice %arg9[%run_scoped3A_89, %mul3A_88] : memref<16x10240xf32, #tpu.memory_space<vmem_shared>> -> memref<1x640xf32, #tpu.memory_space<vmem_shared>>
      %dma_start3A_104 = tpu.memref_squeeze %dma_start3A_103 : memref<1x640xf32, #tpu.memory_space<vmem_shared>> -> memref<640xf32, #tpu.memory_space<vmem_shared>>
      %dma_start3A_105 = arith.constant 0 : i32
      %dma_start3A_106 = tpu.memref_slice %arg7[%run_scoped3A_90, %dma_start3A_105] : memref<16x640xf32, #tpu.memory_space<vmem>> -> memref<1x640xf32, #tpu.memory_space<vmem>>
      %dma_start3A_107 = tpu.memref_squeeze %dma_start3A_106 : memref<1x640xf32, #tpu.memory_space<vmem>> -> memref<640xf32, #tpu.memory_space<vmem>>
      %dma_start3A_108 = tpu.memref_slice %arg9[%run_scoped3A_89, %mul3A_88] : memref<16x10240xf32, #tpu.memory_space<vmem_shared>> -> memref<1x640xf32, #tpu.memory_space<vmem_shared>>
      %dma_start3A_109 = tpu.memref_squeeze %dma_start3A_108 : memref<1x640xf32, #tpu.memory_space<vmem_shared>> -> memref<640xf32, #tpu.memory_space<vmem_shared>>
      tpu.enqueue_dma source(%dma_start3A_109 : memref<640xf32, #tpu.memory_space<vmem_shared>>) target(%dma_start3A_107 : memref<640xf32, #tpu.memory_space<vmem>>) target_semaphore(%run_scoped3A_100 : memref<!tpu.dma_semaphore, #tpu.memory_space<semaphore_mem>>)
      %dma_wait3A = arith.constant 0 : i32
      %dma_wait3A_110 = tpu.memref_slice %arg7[%run_scoped3A_90, %dma_wait3A] : memref<16x640xf32, #tpu.memory_space<vmem>> -> memref<1x640xf32, #tpu.memory_space<vmem>>
      %dma_wait3A_111 = tpu.memref_squeeze %dma_wait3A_110 : memref<1x640xf32, #tpu.memory_space<vmem>> -> memref<640xf32, #tpu.memory_space<vmem>>
      %dma_wait3A_112 = tpu.memref_slice %arg9[%run_scoped3A_89, %mul3A_88] : memref<16x10240xf32, #tpu.memory_space<vmem_shared>> -> memref<1x640xf32, #tpu.memory_space<vmem_shared>>
      %dma_wait3A_113 = tpu.memref_squeeze %dma_wait3A_112 : memref<1x640xf32, #tpu.memory_space<vmem_shared>> -> memref<640xf32, #tpu.memory_space<vmem_shared>>
      %dma_wait3A_114 = arith.constant 0 : i32
      %dma_wait3A_115 = tpu.memref_slice %arg7[%run_scoped3A_90, %dma_wait3A_114] : memref<16x640xf32, #tpu.memory_space<vmem>> -> memref<1x640xf32, #tpu.memory_space<vmem>>
      %dma_wait3A_116 = tpu.memref_squeeze %dma_wait3A_115 : memref<1x640xf32, #tpu.memory_space<vmem>> -> memref<640xf32, #tpu.memory_space<vmem>>
      %dma_wait3A_117 = tpu.memref_slice %arg9[%run_scoped3A_89, %mul3A_88] : memref<16x10240xf32, #tpu.memory_space<vmem_shared>> -> memref<1x640xf32, #tpu.memory_space<vmem_shared>>
      %dma_wait3A_118 = tpu.memref_squeeze %dma_wait3A_117 : memref<1x640xf32, #tpu.memory_space<vmem_shared>> -> memref<640xf32, #tpu.memory_space<vmem_shared>>
      tpu.wait_dma2 semaphore(%run_scoped3A_100 : memref<!tpu.dma_semaphore, #tpu.memory_space<semaphore_mem>>) src(%dma_wait3A_118 : memref<640xf32, #tpu.memory_space<vmem_shared>>) dst(%dma_wait3A_116 : memref<640xf32, #tpu.memory_space<vmem>>)
      tpu.yield
    }) : () -> ()
    %mul3A_91 = arith.constant 640 : i32
    %mul3A_92 = arith.muli %arg1, %mul3A_91 : i32
    %run_scoped3A_93 = arith.constant 15 : i32
    %run_scoped3A_94 = arith.constant 15 : i32
    "tpu.region"() ({
      %run_scoped3A_100 = tpu.sem_alloc : memref<!tpu.dma_semaphore, #tpu.memory_space<semaphore_mem>>
      %dma_start3A = arith.constant 0 : i32
      %dma_start3A_101 = tpu.memref_slice %arg7[%run_scoped3A_94, %dma_start3A] : memref<16x640xf32, #tpu.memory_space<vmem>> -> memref<1x640xf32, #tpu.memory_space<vmem>>
      %dma_start3A_102 = tpu.memref_squeeze %dma_start3A_101 : memref<1x640xf32, #tpu.memory_space<vmem>> -> memref<640xf32, #tpu.memory_space<vmem>>
      %dma_start3A_103 = tpu.memref_slice %arg9[%run_scoped3A_93, %mul3A_92] : memref<16x10240xf32, #tpu.memory_space<vmem_shared>> -> memref<1x640xf32, #tpu.memory_space<vmem_shared>>
      %dma_start3A_104 = tpu.memref_squeeze %dma_start3A_103 : memref<1x640xf32, #tpu.memory_space<vmem_shared>> -> memref<640xf32, #tpu.memory_space<vmem_shared>>
      %dma_start3A_105 = arith.constant 0 : i32
      %dma_start3A_106 = tpu.memref_slice %arg7[%run_scoped3A_94, %dma_start3A_105] : memref<16x640xf32, #tpu.memory_space<vmem>> -> memref<1x640xf32, #tpu.memory_space<vmem>>
      %dma_start3A_107 = tpu.memref_squeeze %dma_start3A_106 : memref<1x640xf32, #tpu.memory_space<vmem>> -> memref<640xf32, #tpu.memory_space<vmem>>
      %dma_start3A_108 = tpu.memref_slice %arg9[%run_scoped3A_93, %mul3A_92] : memref<16x10240xf32, #tpu.memory_space<vmem_shared>> -> memref<1x640xf32, #tpu.memory_space<vmem_shared>>
      %dma_start3A_109 = tpu.memref_squeeze %dma_start3A_108 : memref<1x640xf32, #tpu.memory_space<vmem_shared>> -> memref<640xf32, #tpu.memory_space<vmem_shared>>
      tpu.enqueue_dma source(%dma_start3A_109 : memref<640xf32, #tpu.memory_space<vmem_shared>>) target(%dma_start3A_107 : memref<640xf32, #tpu.memory_space<vmem>>) target_semaphore(%run_scoped3A_100 : memref<!tpu.dma_semaphore, #tpu.memory_space<semaphore_mem>>)
      %dma_wait3A = arith.constant 0 : i32
      %dma_wait3A_110 = tpu.memref_slice %arg7[%run_scoped3A_94, %dma_wait3A] : memref<16x640xf32, #tpu.memory_space<vmem>> -> memref<1x640xf32, #tpu.memory_space<vmem>>
      %dma_wait3A_111 = tpu.memref_squeeze %dma_wait3A_110 : memref<1x640xf32, #tpu.memory_space<vmem>> -> memref<640xf32, #tpu.memory_space<vmem>>
      %dma_wait3A_112 = tpu.memref_slice %arg9[%run_scoped3A_93, %mul3A_92] : memref<16x10240xf32, #tpu.memory_space<vmem_shared>> -> memref<1x640xf32, #tpu.memory_space<vmem_shared>>
      %dma_wait3A_113 = tpu.memref_squeeze %dma_wait3A_112 : memref<1x640xf32, #tpu.memory_space<vmem_shared>> -> memref<640xf32, #tpu.memory_space<vmem_shared>>
      %dma_wait3A_114 = arith.constant 0 : i32
      %dma_wait3A_115 = tpu.memref_slice %arg7[%run_scoped3A_94, %dma_wait3A_114] : memref<16x640xf32, #tpu.memory_space<vmem>> -> memref<1x640xf32, #tpu.memory_space<vmem>>
      %dma_wait3A_116 = tpu.memref_squeeze %dma_wait3A_115 : memref<1x640xf32, #tpu.memory_space<vmem>> -> memref<640xf32, #tpu.memory_space<vmem>>
      %dma_wait3A_117 = tpu.memref_slice %arg9[%run_scoped3A_93, %mul3A_92] : memref<16x10240xf32, #tpu.memory_space<vmem_shared>> -> memref<1x640xf32, #tpu.memory_space<vmem_shared>>
      %dma_wait3A_118 = tpu.memref_squeeze %dma_wait3A_117 : memref<1x640xf32, #tpu.memory_space<vmem_shared>> -> memref<640xf32, #tpu.memory_space<vmem_shared>>
      tpu.wait_dma2 semaphore(%run_scoped3A_100 : memref<!tpu.dma_semaphore, #tpu.memory_space<semaphore_mem>>) src(%dma_wait3A_118 : memref<640xf32, #tpu.memory_space<vmem_shared>>) dst(%dma_wait3A_116 : memref<640xf32, #tpu.memory_space<vmem>>)
      tpu.yield
    }) : () -> ()
    %scan3A_95 = arith.constant 0 : i32
    %scan3A_96 = arith.constant 40 : i32
    %scan3A_97 = arith.addi %scan3A_95, %scan3A_96 : i32
    %scan3A_98 = arith.constant 1 : i32
    scf.for %scan3A_100 = %scan3A_95 to %scan3A_97 step %scan3A_98  : i32 {
      %mul3A_101 = arith.constant 1 : i32
      %mul3A_102 = arith.muli %scan3A_100, %mul3A_101 : i32
      %add3A = arith.constant 0 : i32
      %add3A_103 = arith.addi %add3A, %mul3A_102 : i32
      %mul3A_104 = arith.constant 16 : i32
      %mul3A_105 = arith.muli %add3A_103, %mul3A_104 : i32
      %get3A = arith.constant 0 : i32
      %get3A_106 = arith.index_cast %get3A : i32 to index
      %get3A_107 = arith.index_cast %mul3A_105 : i32 to index
      %get3A_108 = tpu.vector_load %arg7[%get3A_106, %get3A_107] {strides = array<i32>} : memref<16x640xf32, #tpu.memory_space<vmem>>, vector<16xf32>,
      %mul3A_109 = arith.constant 16 : i32
      %mul3A_110 = arith.muli %add3A_103, %mul3A_109 : i32
      %get3A_111 = arith.constant 1 : i32
      %get3A_112 = arith.index_cast %get3A_111 : i32 to index
      %get3A_113 = arith.index_cast %mul3A_110 : i32 to index
      %get3A_114 = tpu.vector_load %arg7[%get3A_112, %get3A_113] {strides = array<i32>} : memref<16x640xf32, #tpu.memory_space<vmem>>, vector<16xf32>,
      %add3A_115 = arith.addf %get3A_108, %get3A_114 : vector<16xf32>
      %mul3A_116 = arith.constant 16 : i32
      %mul3A_117 = arith.muli %add3A_103, %mul3A_116 : i32
      %get3A_118 = arith.constant 2 : i32
      %get3A_119 = arith.index_cast %get3A_118 : i32 to index
      %get3A_120 = arith.index_cast %mul3A_117 : i32 to index
      %get3A_121 = tpu.vector_load %arg7[%get3A_119, %get3A_120] {strides = array<i32>} : memref<16x640xf32, #tpu.memory_space<vmem>>, vector<16xf32>,
      %add3A_122 = arith.addf %add3A_115, %get3A_121 : vector<16xf32>
      %mul3A_123 = arith.constant 16 : i32
      %mul3A_124 = arith.muli %add3A_103, %mul3A_123 : i32
      %get3A_125 = arith.constant 3 : i32
      %get3A_126 = arith.index_cast %get3A_125 : i32 to index
      %get3A_127 = arith.index_cast %mul3A_124 : i32 to index
      %get3A_128 = tpu.vector_load %arg7[%get3A_126, %get3A_127] {strides = array<i32>} : memref<16x640xf32, #tpu.memory_space<vmem>>, vector<16xf32>,
      %add3A_129 = arith.addf %add3A_122, %get3A_128 : vector<16xf32>
      %mul3A_130 = arith.constant 16 : i32
      %mul3A_131 = arith.muli %add3A_103, %mul3A_130 : i32
      %get3A_132 = arith.constant 4 : i32
      %get3A_133 = arith.index_cast %get3A_132 : i32 to index
      %get3A_134 = arith.index_cast %mul3A_131 : i32 to index
      %get3A_135 = tpu.vector_load %arg7[%get3A_133, %get3A_134] {strides = array<i32>} : memref<16x640xf32, #tpu.memory_space<vmem>>, vector<16xf32>,
      %add3A_136 = arith.addf %add3A_129, %get3A_135 : vector<16xf32>
      %mul3A_137 = arith.constant 16 : i32
      %mul3A_138 = arith.muli %add3A_103, %mul3A_137 : i32
      %get3A_139 = arith.constant 5 : i32
      %get3A_140 = arith.index_cast %get3A_139 : i32 to index
      %get3A_141 = arith.index_cast %mul3A_138 : i32 to index
      %get3A_142 = tpu.vector_load %arg7[%get3A_140, %get3A_141] {strides = array<i32>} : memref<16x640xf32, #tpu.memory_space<vmem>>, vector<16xf32>,
      %add3A_143 = arith.addf %add3A_136, %get3A_142 : vector<16xf32>
      %mul3A_144 = arith.constant 16 : i32
      %mul3A_145 = arith.muli %add3A_103, %mul3A_144 : i32
      %get3A_146 = arith.constant 6 : i32
      %get3A_147 = arith.index_cast %get3A_146 : i32 to index
      %get3A_148 = arith.index_cast %mul3A_145 : i32 to index
      %get3A_149 = tpu.vector_load %arg7[%get3A_147, %get3A_148] {strides = array<i32>} : memref<16x640xf32, #tpu.memory_space<vmem>>, vector<16xf32>,
      %add3A_150 = arith.addf %add3A_143, %get3A_149 : vector<16xf32>
      %mul3A_151 = arith.constant 16 : i32
      %mul3A_152 = arith.muli %add3A_103, %mul3A_151 : i32
      %get3A_153 = arith.constant 7 : i32
      %get3A_154 = arith.index_cast %get3A_153 : i32 to index
      %get3A_155 = arith.index_cast %mul3A_152 : i32 to index
      %get3A_156 = tpu.vector_load %arg7[%get3A_154, %get3A_155] {strides = array<i32>} : memref<16x640xf32, #tpu.memory_space<vmem>>, vector<16xf32>,
      %add3A_157 = arith.addf %add3A_150, %get3A_156 : vector<16xf32>
      %mul3A_158 = arith.constant 16 : i32
      %mul3A_159 = arith.muli %add3A_103, %mul3A_158 : i32
      %get3A_160 = arith.constant 8 : i32
      %get3A_161 = arith.index_cast %get3A_160 : i32 to index
      %get3A_162 = arith.index_cast %mul3A_159 : i32 to index
      %get3A_163 = tpu.vector_load %arg7[%get3A_161, %get3A_162] {strides = array<i32>} : memref<16x640xf32, #tpu.memory_space<vmem>>, vector<16xf32>,
      %add3A_164 = arith.addf %add3A_157, %get3A_163 : vector<16xf32>
      %mul3A_165 = arith.constant 16 : i32
      %mul3A_166 = arith.muli %add3A_103, %mul3A_165 : i32
      %get3A_167 = arith.constant 9 : i32
      %get3A_168 = arith.index_cast %get3A_167 : i32 to index
      %get3A_169 = arith.index_cast %mul3A_166 : i32 to index
      %get3A_170 = tpu.vector_load %arg7[%get3A_168, %get3A_169] {strides = array<i32>} : memref<16x640xf32, #tpu.memory_space<vmem>>, vector<16xf32>,
      %add3A_171 = arith.addf %add3A_164, %get3A_170 : vector<16xf32>
      %mul3A_172 = arith.constant 16 : i32
      %mul3A_173 = arith.muli %add3A_103, %mul3A_172 : i32
      %get3A_174 = arith.constant 10 : i32
      %get3A_175 = arith.index_cast %get3A_174 : i32 to index
      %get3A_176 = arith.index_cast %mul3A_173 : i32 to index
      %get3A_177 = tpu.vector_load %arg7[%get3A_175, %get3A_176] {strides = array<i32>} : memref<16x640xf32, #tpu.memory_space<vmem>>, vector<16xf32>,
      %add3A_178 = arith.addf %add3A_171, %get3A_177 : vector<16xf32>
      %mul3A_179 = arith.constant 16 : i32
      %mul3A_180 = arith.muli %add3A_103, %mul3A_179 : i32
      %get3A_181 = arith.constant 11 : i32
      %get3A_182 = arith.index_cast %get3A_181 : i32 to index
      %get3A_183 = arith.index_cast %mul3A_180 : i32 to index
      %get3A_184 = tpu.vector_load %arg7[%get3A_182, %get3A_183] {strides = array<i32>} : memref<16x640xf32, #tpu.memory_space<vmem>>, vector<16xf32>,
      %add3A_185 = arith.addf %add3A_178, %get3A_184 : vector<16xf32>
      %mul3A_186 = arith.constant 16 : i32
      %mul3A_187 = arith.muli %add3A_103, %mul3A_186 : i32
      %get3A_188 = arith.constant 12 : i32
      %get3A_189 = arith.index_cast %get3A_188 : i32 to index
      %get3A_190 = arith.index_cast %mul3A_187 : i32 to index
      %get3A_191 = tpu.vector_load %arg7[%get3A_189, %get3A_190] {strides = array<i32>} : memref<16x640xf32, #tpu.memory_space<vmem>>, vector<16xf32>,
      %add3A_192 = arith.addf %add3A_185, %get3A_191 : vector<16xf32>
      %mul3A_193 = arith.constant 16 : i32
      %mul3A_194 = arith.muli %add3A_103, %mul3A_193 : i32
      %get3A_195 = arith.constant 13 : i32
      %get3A_196 = arith.index_cast %get3A_195 : i32 to index
      %get3A_197 = arith.index_cast %mul3A_194 : i32 to index
      %get3A_198 = tpu.vector_load %arg7[%get3A_196, %get3A_197] {strides = array<i32>} : memref<16x640xf32, #tpu.memory_space<vmem>>, vector<16xf32>,
      %add3A_199 = arith.addf %add3A_192, %get3A_198 : vector<16xf32>
      %mul3A_200 = arith.constant 16 : i32
      %mul3A_201 = arith.muli %add3A_103, %mul3A_200 : i32
      %get3A_202 = arith.constant 14 : i32
      %get3A_203 = arith.index_cast %get3A_202 : i32 to index
      %get3A_204 = arith.index_cast %mul3A_201 : i32 to index
      %get3A_205 = tpu.vector_load %arg7[%get3A_203, %get3A_204] {strides = array<i32>} : memref<16x640xf32, #tpu.memory_space<vmem>>, vector<16xf32>,
      %add3A_206 = arith.addf %add3A_199, %get3A_205 : vector<16xf32>
      %mul3A_207 = arith.constant 16 : i32
      %mul3A_208 = arith.muli %add3A_103, %mul3A_207 : i32
      %get3A_209 = arith.constant 15 : i32
      %get3A_210 = arith.index_cast %get3A_209 : i32 to index
      %get3A_211 = arith.index_cast %mul3A_208 : i32 to index
      %get3A_212 = tpu.vector_load %arg7[%get3A_210, %get3A_211] {strides = array<i32>} : memref<16x640xf32, #tpu.memory_space<vmem>>, vector<16xf32>,
      %add3A_213 = arith.addf %add3A_206, %get3A_212 : vector<16xf32>
      %mul3A_214 = arith.constant 16 : i32
      %mul3A_215 = arith.muli %add3A_103, %mul3A_214 : i32
      %swap3A = arith.index_cast %mul3A_215 : i32 to index
      %swap3A_216 = tpu.vector_load %arg8[%swap3A] {strides = array<i32>} : memref<640xf32, #tpu.memory_space<vmem>>, vector<16xf32>,
      tpu.vector_store %arg8[%swap3A], %add3A_213 {strides = array<i32>} : memref<640xf32, #tpu.memory_space<vmem>>, vector<16xf32>,
    }
    %scan3A_99 = arith.constant 40 : i32
    "tpu.region"() ({
      %run_scoped3A_100 = tpu.sem_alloc : memref<!tpu.dma_semaphore, #tpu.memory_space<semaphore_mem>>
      %dma_start3A = arith.constant 0 : i32
      %dma_start3A_101 = tpu.memref_slice %arg4[%arg0, %arg1, %dma_start3A] : memref<2x16x640xf32, #tpu.memory_space<hbm>> -> memref<1x1x640xf32, #tpu.memory_space<hbm>>
      %dma_start3A_102 = tpu.memref_squeeze %dma_start3A_101 : memref<1x1x640xf32, #tpu.memory_space<hbm>> -> memref<640xf32, #tpu.memory_space<hbm>>
      %dma_start3A_103 = arith.constant 0 : i32
      %dma_start3A_104 = tpu.memref_slice %arg4[%arg0, %arg1, %dma_start3A_103] : memref<2x16x640xf32, #tpu.memory_space<hbm>> -> memref<1x1x640xf32, #tpu.memory_space<hbm>>
      %dma_start3A_105 = tpu.memref_squeeze %dma_start3A_104 : memref<1x1x640xf32, #tpu.memory_space<hbm>> -> memref<640xf32, #tpu.memory_space<hbm>>
      tpu.enqueue_dma source(%arg8 : memref<640xf32, #tpu.memory_space<vmem>>) target(%dma_start3A_105 : memref<640xf32, #tpu.memory_space<hbm>>) target_semaphore(%run_scoped3A_100 : memref<!tpu.dma_semaphore, #tpu.memory_space<semaphore_mem>>)
      %dma_wait3A = arith.constant 0 : i32
      %dma_wait3A_106 = tpu.memref_slice %arg4[%arg0, %arg1, %dma_wait3A] : memref<2x16x640xf32, #tpu.memory_space<hbm>> -> memref<1x1x640xf32, #tpu.memory_space<hbm>>
      %dma_wait3A_107 = tpu.memref_squeeze %dma_wait3A_106 : memref<1x1x640xf32, #tpu.memory_space<hbm>> -> memref<640xf32, #tpu.memory_space<hbm>>
      %dma_wait3A_108 = arith.constant 0 : i32
      %dma_wait3A_109 = tpu.memref_slice %arg4[%arg0, %arg1, %dma_wait3A_108] : memref<2x16x640xf32, #tpu.memory_space<hbm>> -> memref<1x1x640xf32, #tpu.memory_space<hbm>>
      %dma_wait3A_110 = tpu.memref_squeeze %dma_wait3A_109 : memref<1x1x640xf32, #tpu.memory_space<hbm>> -> memref<640xf32, #tpu.memory_space<hbm>>
      tpu.wait_dma2 semaphore(%run_scoped3A_100 : memref<!tpu.dma_semaphore, #tpu.memory_space<semaphore_mem>>) src(%arg8 : memref<640xf32, #tpu.memory_space<vmem>>) dst(%dma_wait3A_110 : memref<640xf32, #tpu.memory_space<hbm>>)
      tpu.yield
    }) : () -> ()
    return
  }
}

#map = affine_map<(d0, d1) -> (0, 0)>
#map1 = affine_map<(d0, d1) -> (0, 0, 0, 0)>
#map2 = affine_map<(d0, d1) -> (0, 0, 0)>
module attributes {stable_mosaic.version = 14 : i64} {
  func.func @k(%arg0: i32, %arg1: i32, %arg2: memref<10240x128xf32, #tpu.memory_space<hbm>>, %arg3: memref<2x16x80x125xi32, #tpu.memory_space<hbm>>, %arg4: memref<2x16x80x125xi32, #tpu.memory_space<hbm>>, %arg5: memref<10240x128xf32, #tpu.memory_space<hbm>>, %arg6: memref<125x128xf32, #tpu.memory_space<hbm>>, %arg7: memref<2x10240x128xf32, #tpu.memory_space<hbm>>, %arg8: memref<40x125xi32, #tpu.memory_space<vmem>>, %arg9: memref<40x125xi32, #tpu.memory_space<vmem>>, %arg10: memref<125x128xf32, #tpu.memory_space<vmem>>, %arg11: memref<125x128xf32, #tpu.memory_space<vmem>>, %arg12: memref<10240x128xf32, #tpu.memory_space<vmem_shared>>, %arg13: memref<!tpu.dma_semaphore, #tpu.memory_space<semaphore_mem>>, %arg14: memref<!tpu.dma_semaphore, #tpu.memory_space<semaphore_mem>>, %arg15: memref<!tpu.dma_semaphore, #tpu.memory_space<semaphore_mem>>) attributes {dimension_semantics = [#tpu.dimension_semantics<core_parallel>, #tpu.dimension_semantics<subcore_parallel>], iteration_bounds = array<i64: 2, 16>, scalar_prefetch = 0 : i64, scratch_operands = 8 : i64, tpu.core_type = #tpu.core_type<sc_vector_subcore>, window_params = [{transform_indices = #map}, {transform_indices = #map1}, {transform_indices = #map1}, {transform_indices = #map}, {transform_indices = #map}, {transform_indices = #map2}]} {
    %mul3A = arith.constant 640 : i32
    %mul3A_0 = arith.muli %arg1, %mul3A : i32
    %eq3A = arith.constant 0 : i32
    %eq3A_1 = arith.cmpi eq, %arg0, %eq3A : i32
    %convert_element_type3A = arith.extui %eq3A_1 : i1 to i32
    %cond3A = arith.constant 0 : i32
    %cond3A_2 = arith.cmpi ne, %convert_element_type3A, %cond3A : i32
    scf.if %cond3A_2 {
      %dma_start3A_34 = arith.constant 0 : i32
      %dma_start3A_35 = tpu.memref_slice %arg12[%mul3A_0, %dma_start3A_34] : memref<10240x128xf32, #tpu.memory_space<vmem_shared>> -> memref<640x128xf32, #tpu.memory_space<vmem_shared>>
      %dma_start3A_36 = arith.constant 0 : i32
      %dma_start3A_37 = tpu.memref_slice %arg2[%mul3A_0, %dma_start3A_36] : memref<10240x128xf32, #tpu.memory_space<hbm>> -> memref<640x128xf32, #tpu.memory_space<hbm>>
      tpu.enqueue_dma source(%dma_start3A_37 : memref<640x128xf32, #tpu.memory_space<hbm>>) target(%dma_start3A_35 : memref<640x128xf32, #tpu.memory_space<vmem_shared>>) target_semaphore(%arg15 : memref<!tpu.dma_semaphore, #tpu.memory_space<semaphore_mem>>)
    } else {
    }
    %eq3A_3 = arith.constant 1 : i32
    %eq3A_4 = arith.cmpi eq, %arg0, %eq3A_3 : i32
    %convert_element_type3A_5 = arith.extui %eq3A_4 : i1 to i32
    %cond3A_6 = arith.constant 0 : i32
    %cond3A_7 = arith.cmpi ne, %convert_element_type3A_5, %cond3A_6 : i32
    scf.if %cond3A_7 {
      %dma_start3A_34 = arith.constant 0 : i32
      %dma_start3A_35 = tpu.memref_slice %arg12[%mul3A_0, %dma_start3A_34] : memref<10240x128xf32, #tpu.memory_space<vmem_shared>> -> memref<640x128xf32, #tpu.memory_space<vmem_shared>>
      %dma_start3A_36 = arith.constant 0 : i32
      %dma_start3A_37 = tpu.memref_slice %arg5[%mul3A_0, %dma_start3A_36] : memref<10240x128xf32, #tpu.memory_space<hbm>> -> memref<640x128xf32, #tpu.memory_space<hbm>>
      tpu.enqueue_dma source(%dma_start3A_37 : memref<640x128xf32, #tpu.memory_space<hbm>>) target(%dma_start3A_35 : memref<640x128xf32, #tpu.memory_space<vmem_shared>>) target_semaphore(%arg15 : memref<!tpu.dma_semaphore, #tpu.memory_space<semaphore_mem>>)
    } else {
    }
    "tpu.region"() ({
      %run_scoped3A = tpu.sem_alloc : memref<!tpu.dma_semaphore, #tpu.memory_space<semaphore_mem>>
      %dma_start3A_34 = arith.constant 0 : i32
      %dma_start3A_35 = arith.constant 0 : i32
      %dma_start3A_36 = tpu.memref_slice %arg3[%arg0, %arg1, %dma_start3A_34, %dma_start3A_35] : memref<2x16x80x125xi32, #tpu.memory_space<hbm>> -> memref<1x1x40x125xi32, #tpu.memory_space<hbm>>
      %dma_start3A_37 = tpu.memref_squeeze %dma_start3A_36 : memref<1x1x40x125xi32, #tpu.memory_space<hbm>> -> memref<40x125xi32, #tpu.memory_space<hbm>>
      %dma_start3A_38 = arith.constant 0 : i32
      %dma_start3A_39 = arith.constant 0 : i32
      %dma_start3A_40 = tpu.memref_slice %arg3[%arg0, %arg1, %dma_start3A_38, %dma_start3A_39] : memref<2x16x80x125xi32, #tpu.memory_space<hbm>> -> memref<1x1x40x125xi32, #tpu.memory_space<hbm>>
      %dma_start3A_41 = tpu.memref_squeeze %dma_start3A_40 : memref<1x1x40x125xi32, #tpu.memory_space<hbm>> -> memref<40x125xi32, #tpu.memory_space<hbm>>
      tpu.enqueue_dma source(%dma_start3A_41 : memref<40x125xi32, #tpu.memory_space<hbm>>) target(%arg8 : memref<40x125xi32, #tpu.memory_space<vmem>>) target_semaphore(%run_scoped3A : memref<!tpu.dma_semaphore, #tpu.memory_space<semaphore_mem>>)
      %dma_wait3A_42 = arith.constant 0 : i32
      %dma_wait3A_43 = arith.constant 0 : i32
      %dma_wait3A_44 = tpu.memref_slice %arg3[%arg0, %arg1, %dma_wait3A_42, %dma_wait3A_43] : memref<2x16x80x125xi32, #tpu.memory_space<hbm>> -> memref<1x1x40x125xi32, #tpu.memory_space<hbm>>
      %dma_wait3A_45 = tpu.memref_squeeze %dma_wait3A_44 : memref<1x1x40x125xi32, #tpu.memory_space<hbm>> -> memref<40x125xi32, #tpu.memory_space<hbm>>
      %dma_wait3A_46 = arith.constant 0 : i32
      %dma_wait3A_47 = arith.constant 0 : i32
      %dma_wait3A_48 = tpu.memref_slice %arg3[%arg0, %arg1, %dma_wait3A_46, %dma_wait3A_47] : memref<2x16x80x125xi32, #tpu.memory_space<hbm>> -> memref<1x1x40x125xi32, #tpu.memory_space<hbm>>
      %dma_wait3A_49 = tpu.memref_squeeze %dma_wait3A_48 : memref<1x1x40x125xi32, #tpu.memory_space<hbm>> -> memref<40x125xi32, #tpu.memory_space<hbm>>
      tpu.wait_dma2 semaphore(%run_scoped3A : memref<!tpu.dma_semaphore, #tpu.memory_space<semaphore_mem>>) src(%dma_wait3A_49 : memref<40x125xi32, #tpu.memory_space<hbm>>) dst(%arg8 : memref<40x125xi32, #tpu.memory_space<vmem>>)
      tpu.yield
    }) : () -> ()
    "tpu.region"() ({
      %run_scoped3A = tpu.sem_alloc : memref<!tpu.dma_semaphore, #tpu.memory_space<semaphore_mem>>
      %dma_start3A_34 = arith.constant 0 : i32
      %dma_start3A_35 = arith.constant 0 : i32
      %dma_start3A_36 = tpu.memref_slice %arg4[%arg0, %arg1, %dma_start3A_34, %dma_start3A_35] : memref<2x16x80x125xi32, #tpu.memory_space<hbm>> -> memref<1x1x40x125xi32, #tpu.memory_space<hbm>>
      %dma_start3A_37 = tpu.memref_squeeze %dma_start3A_36 : memref<1x1x40x125xi32, #tpu.memory_space<hbm>> -> memref<40x125xi32, #tpu.memory_space<hbm>>
      %dma_start3A_38 = arith.constant 0 : i32
      %dma_start3A_39 = arith.constant 0 : i32
      %dma_start3A_40 = tpu.memref_slice %arg4[%arg0, %arg1, %dma_start3A_38, %dma_start3A_39] : memref<2x16x80x125xi32, #tpu.memory_space<hbm>> -> memref<1x1x40x125xi32, #tpu.memory_space<hbm>>
      %dma_start3A_41 = tpu.memref_squeeze %dma_start3A_40 : memref<1x1x40x125xi32, #tpu.memory_space<hbm>> -> memref<40x125xi32, #tpu.memory_space<hbm>>
      tpu.enqueue_dma source(%dma_start3A_41 : memref<40x125xi32, #tpu.memory_space<hbm>>) target(%arg9 : memref<40x125xi32, #tpu.memory_space<vmem>>) target_semaphore(%run_scoped3A : memref<!tpu.dma_semaphore, #tpu.memory_space<semaphore_mem>>)
      %dma_wait3A_42 = arith.constant 0 : i32
      %dma_wait3A_43 = arith.constant 0 : i32
      %dma_wait3A_44 = tpu.memref_slice %arg4[%arg0, %arg1, %dma_wait3A_42, %dma_wait3A_43] : memref<2x16x80x125xi32, #tpu.memory_space<hbm>> -> memref<1x1x40x125xi32, #tpu.memory_space<hbm>>
      %dma_wait3A_45 = tpu.memref_squeeze %dma_wait3A_44 : memref<1x1x40x125xi32, #tpu.memory_space<hbm>> -> memref<40x125xi32, #tpu.memory_space<hbm>>
      %dma_wait3A_46 = arith.constant 0 : i32
      %dma_wait3A_47 = arith.constant 0 : i32
      %dma_wait3A_48 = tpu.memref_slice %arg4[%arg0, %arg1, %dma_wait3A_46, %dma_wait3A_47] : memref<2x16x80x125xi32, #tpu.memory_space<hbm>> -> memref<1x1x40x125xi32, #tpu.memory_space<hbm>>
      %dma_wait3A_49 = tpu.memref_squeeze %dma_wait3A_48 : memref<1x1x40x125xi32, #tpu.memory_space<hbm>> -> memref<40x125xi32, #tpu.memory_space<hbm>>
      tpu.wait_dma2 semaphore(%run_scoped3A : memref<!tpu.dma_semaphore, #tpu.memory_space<semaphore_mem>>) src(%dma_wait3A_49 : memref<40x125xi32, #tpu.memory_space<hbm>>) dst(%arg9 : memref<40x125xi32, #tpu.memory_space<vmem>>)
      tpu.yield
    }) : () -> ()
    %dma_wait3A = arith.constant 0 : i32
    %dma_wait3A_8 = tpu.memref_slice %arg12[%mul3A_0, %dma_wait3A] : memref<10240x128xf32, #tpu.memory_space<vmem_shared>> -> memref<640x128xf32, #tpu.memory_space<vmem_shared>>
    %dma_wait3A_9 = arith.constant 0 : i32
    %dma_wait3A_10 = tpu.memref_slice %arg5[%mul3A_0, %dma_wait3A_9] : memref<10240x128xf32, #tpu.memory_space<hbm>> -> memref<640x128xf32, #tpu.memory_space<hbm>>
    tpu.wait_dma2 semaphore(%arg15 : memref<!tpu.dma_semaphore, #tpu.memory_space<semaphore_mem>>) src(%dma_wait3A_10 : memref<640x128xf32, #tpu.memory_space<hbm>>) dst(%dma_wait3A_8 : memref<640x128xf32, #tpu.memory_space<vmem_shared>>)
    %barrier3A = arith.constant 0 : index
    tpu.barrier barrier_id(%barrier3A)
    %dma_start3A = arith.constant 0 : i32
    %dma_start3A_11 = arith.constant 0 : i32
    %dma_start3A_12 = tpu.memref_slice %arg8[%dma_start3A, %dma_start3A_11] : memref<40x125xi32, #tpu.memory_space<vmem>> -> memref<1x125xi32, #tpu.memory_space<vmem>>
    %dma_start3A_13 = tpu.memref_squeeze %dma_start3A_12 : memref<1x125xi32, #tpu.memory_space<vmem>> -> memref<125xi32, #tpu.memory_space<vmem>>
    %dma_start3A_14 = arith.constant 0 : i32
    %dma_start3A_15 = arith.constant 0 : i32
    %dma_start3A_16 = tpu.memref_slice %arg2[%dma_start3A_14, %dma_start3A_15] : memref<10240x128xf32, #tpu.memory_space<hbm>> -> memref<10240x128xf32, #tpu.memory_space<hbm>>
    tpu.enqueue_indirect_dma source(%dma_start3A_16 : memref<10240x128xf32, #tpu.memory_space<hbm>>) target(%arg10 : memref<125x128xf32, #tpu.memory_space<vmem>>) offsets(%dma_start3A_13 : memref<125xi32, #tpu.memory_space<vmem>>) semaphore(%arg13 : memref<!tpu.dma_semaphore, #tpu.memory_space<semaphore_mem>>)
    %scan3A = arith.constant 0 : i32
    %scan3A_17 = arith.constant 20 : i32
    %scan3A_18 = arith.addi %scan3A, %scan3A_17 : i32
    %scan3A_19 = arith.constant 1 : i32
    scf.for %scan3A_34 = %scan3A to %scan3A_18 step %scan3A_19  : i32 {
      %mul3A_35 = arith.constant 2 : i32
      %mul3A_36 = arith.muli %scan3A_34, %mul3A_35 : i32
      %add3A = arith.constant 0 : i32
      %add3A_37 = arith.addi %add3A, %mul3A_36 : i32
      %add3A_38 = arith.constant 1 : i32
      %add3A_39 = arith.addi %add3A_37, %add3A_38 : i32
      %dma_start3A_40 = arith.constant 0 : i32
      %dma_start3A_41 = tpu.memref_slice %arg8[%add3A_39, %dma_start3A_40] : memref<40x125xi32, #tpu.memory_space<vmem>> -> memref<1x125xi32, #tpu.memory_space<vmem>>
      %dma_start3A_42 = tpu.memref_squeeze %dma_start3A_41 : memref<1x125xi32, #tpu.memory_space<vmem>> -> memref<125xi32, #tpu.memory_space<vmem>>
      %dma_start3A_43 = arith.constant 0 : i32
      %dma_start3A_44 = arith.constant 0 : i32
      %dma_start3A_45 = tpu.memref_slice %arg2[%dma_start3A_43, %dma_start3A_44] : memref<10240x128xf32, #tpu.memory_space<hbm>> -> memref<10240x128xf32, #tpu.memory_space<hbm>>
      tpu.enqueue_indirect_dma source(%dma_start3A_45 : memref<10240x128xf32, #tpu.memory_space<hbm>>) target(%arg11 : memref<125x128xf32, #tpu.memory_space<vmem>>) offsets(%dma_start3A_42 : memref<125xi32, #tpu.memory_space<vmem>>) semaphore(%arg14 : memref<!tpu.dma_semaphore, #tpu.memory_space<semaphore_mem>>)
      tpu.wait_dma2 semaphore(%arg13 : memref<!tpu.dma_semaphore, #tpu.memory_space<semaphore_mem>>) src(%arg6 : memref<125x128xf32, #tpu.memory_space<hbm>>) dst(%arg10 : memref<125x128xf32, #tpu.memory_space<vmem>>)
      "tpu.region"() ({
        %run_scoped3A = tpu.sem_alloc : memref<!tpu.dma_semaphore, #tpu.memory_space<semaphore_mem>>
        %dma_start3A_54 = arith.constant 0 : i32
        %dma_start3A_55 = tpu.memref_slice %arg9[%add3A_37, %dma_start3A_54] : memref<40x125xi32, #tpu.memory_space<vmem>> -> memref<1x125xi32, #tpu.memory_space<vmem>>
        %dma_start3A_56 = tpu.memref_squeeze %dma_start3A_55 : memref<1x125xi32, #tpu.memory_space<vmem>> -> memref<125xi32, #tpu.memory_space<vmem>>
        %dma_start3A_57 = arith.constant 0 : i32
        %dma_start3A_58 = arith.constant 0 : i32
        %dma_start3A_59 = tpu.memref_slice %arg12[%dma_start3A_57, %dma_start3A_58] : memref<10240x128xf32, #tpu.memory_space<vmem_shared>> -> memref<10240x128xf32, #tpu.memory_space<vmem_shared>>
        tpu.enqueue_indirect_dma source(%arg10 : memref<125x128xf32, #tpu.memory_space<vmem>>) target(%dma_start3A_59 : memref<10240x128xf32, #tpu.memory_space<vmem_shared>>) offsets(%dma_start3A_56 : memref<125xi32, #tpu.memory_space<vmem>>) semaphore(%run_scoped3A : memref<!tpu.dma_semaphore, #tpu.memory_space<semaphore_mem>>) {add = true}
        %dma_wait3A_60 = arith.constant 0 : i32
        %dma_wait3A_61 = tpu.memref_slice %arg9[%add3A_37, %dma_wait3A_60] : memref<40x125xi32, #tpu.memory_space<vmem>> -> memref<1x125xi32, #tpu.memory_space<vmem>>
        %dma_wait3A_62 = tpu.memref_squeeze %dma_wait3A_61 : memref<1x125xi32, #tpu.memory_space<vmem>> -> memref<125xi32, #tpu.memory_space<vmem>>
        %dma_wait3A_63 = arith.constant 0 : i32
        %dma_wait3A_64 = arith.constant 0 : i32
        %dma_wait3A_65 = tpu.memref_slice %arg12[%dma_wait3A_63, %dma_wait3A_64] : memref<10240x128xf32, #tpu.memory_space<vmem_shared>> -> memref<10240x128xf32, #tpu.memory_space<vmem_shared>>
        tpu.wait_indirect_dma semaphore(%run_scoped3A : memref<!tpu.dma_semaphore, #tpu.memory_space<semaphore_mem>>) src(%arg10 : memref<125x128xf32, #tpu.memory_space<vmem>>) dst(%dma_wait3A_65 : memref<10240x128xf32, #tpu.memory_space<vmem_shared>>)
        tpu.yield
      }) : () -> ()
      %add3A_46 = arith.constant 2 : i32
      %add3A_47 = arith.addi %add3A_37, %add3A_46 : i32
      %lt3A = arith.constant 40 : i32
      %lt3A_48 = arith.cmpi slt, %add3A_47, %lt3A : i32
      %convert_element_type3A_49 = arith.extui %lt3A_48 : i1 to i32
      %cond3A_50 = arith.constant 0 : i32
      %cond3A_51 = arith.cmpi ne, %convert_element_type3A_49, %cond3A_50 : i32
      scf.if %cond3A_51 {
        %add3A_54 = arith.constant 2 : i32
        %add3A_55 = arith.addi %add3A_37, %add3A_54 : i32
        %dma_start3A_56 = arith.constant 0 : i32
        %dma_start3A_57 = tpu.memref_slice %arg8[%add3A_55, %dma_start3A_56] : memref<40x125xi32, #tpu.memory_space<vmem>> -> memref<1x125xi32, #tpu.memory_space<vmem>>
        %dma_start3A_58 = tpu.memref_squeeze %dma_start3A_57 : memref<1x125xi32, #tpu.memory_space<vmem>> -> memref<125xi32, #tpu.memory_space<vmem>>
        %dma_start3A_59 = arith.constant 0 : i32
        %dma_start3A_60 = arith.constant 0 : i32
        %dma_start3A_61 = tpu.memref_slice %arg2[%dma_start3A_59, %dma_start3A_60] : memref<10240x128xf32, #tpu.memory_space<hbm>> -> memref<10240x128xf32, #tpu.memory_space<hbm>>
        tpu.enqueue_indirect_dma source(%dma_start3A_61 : memref<10240x128xf32, #tpu.memory_space<hbm>>) target(%arg10 : memref<125x128xf32, #tpu.memory_space<vmem>>) offsets(%dma_start3A_58 : memref<125xi32, #tpu.memory_space<vmem>>) semaphore(%arg13 : memref<!tpu.dma_semaphore, #tpu.memory_space<semaphore_mem>>)
      } else {
      }
      tpu.wait_dma2 semaphore(%arg14 : memref<!tpu.dma_semaphore, #tpu.memory_space<semaphore_mem>>) src(%arg6 : memref<125x128xf32, #tpu.memory_space<hbm>>) dst(%arg11 : memref<125x128xf32, #tpu.memory_space<vmem>>)
      %add3A_52 = arith.constant 1 : i32
      %add3A_53 = arith.addi %add3A_37, %add3A_52 : i32
      "tpu.region"() ({
        %run_scoped3A = tpu.sem_alloc : memref<!tpu.dma_semaphore, #tpu.memory_space<semaphore_mem>>
        %dma_start3A_54 = arith.constant 0 : i32
        %dma_start3A_55 = tpu.memref_slice %arg9[%add3A_53, %dma_start3A_54] : memref<40x125xi32, #tpu.memory_space<vmem>> -> memref<1x125xi32, #tpu.memory_space<vmem>>
        %dma_start3A_56 = tpu.memref_squeeze %dma_start3A_55 : memref<1x125xi32, #tpu.memory_space<vmem>> -> memref<125xi32, #tpu.memory_space<vmem>>
        %dma_start3A_57 = arith.constant 0 : i32
        %dma_start3A_58 = arith.constant 0 : i32
        %dma_start3A_59 = tpu.memref_slice %arg12[%dma_start3A_57, %dma_start3A_58] : memref<10240x128xf32, #tpu.memory_space<vmem_shared>> -> memref<10240x128xf32, #tpu.memory_space<vmem_shared>>
        tpu.enqueue_indirect_dma source(%arg11 : memref<125x128xf32, #tpu.memory_space<vmem>>) target(%dma_start3A_59 : memref<10240x128xf32, #tpu.memory_space<vmem_shared>>) offsets(%dma_start3A_56 : memref<125xi32, #tpu.memory_space<vmem>>) semaphore(%run_scoped3A : memref<!tpu.dma_semaphore, #tpu.memory_space<semaphore_mem>>) {add = true}
        %dma_wait3A_60 = arith.constant 0 : i32
        %dma_wait3A_61 = tpu.memref_slice %arg9[%add3A_53, %dma_wait3A_60] : memref<40x125xi32, #tpu.memory_space<vmem>> -> memref<1x125xi32, #tpu.memory_space<vmem>>
        %dma_wait3A_62 = tpu.memref_squeeze %dma_wait3A_61 : memref<1x125xi32, #tpu.memory_space<vmem>> -> memref<125xi32, #tpu.memory_space<vmem>>
        %dma_wait3A_63 = arith.constant 0 : i32
        %dma_wait3A_64 = arith.constant 0 : i32
        %dma_wait3A_65 = tpu.memref_slice %arg12[%dma_wait3A_63, %dma_wait3A_64] : memref<10240x128xf32, #tpu.memory_space<vmem_shared>> -> memref<10240x128xf32, #tpu.memory_space<vmem_shared>>
        tpu.wait_indirect_dma semaphore(%run_scoped3A : memref<!tpu.dma_semaphore, #tpu.memory_space<semaphore_mem>>) src(%arg11 : memref<125x128xf32, #tpu.memory_space<vmem>>) dst(%dma_wait3A_65 : memref<10240x128xf32, #tpu.memory_space<vmem_shared>>)
        tpu.yield
      }) : () -> ()
    }
    %scan3A_20 = arith.constant 20 : i32
    "tpu.region"() ({
      %run_scoped3A = tpu.sem_alloc : memref<!tpu.dma_semaphore, #tpu.memory_space<semaphore_mem>>
      %dma_start3A_34 = arith.constant 40 : i32
      %dma_start3A_35 = arith.constant 0 : i32
      %dma_start3A_36 = tpu.memref_slice %arg3[%arg0, %arg1, %dma_start3A_34, %dma_start3A_35] : memref<2x16x80x125xi32, #tpu.memory_space<hbm>> -> memref<1x1x40x125xi32, #tpu.memory_space<hbm>>
      %dma_start3A_37 = tpu.memref_squeeze %dma_start3A_36 : memref<1x1x40x125xi32, #tpu.memory_space<hbm>> -> memref<40x125xi32, #tpu.memory_space<hbm>>
      %dma_start3A_38 = arith.constant 40 : i32
      %dma_start3A_39 = arith.constant 0 : i32
      %dma_start3A_40 = tpu.memref_slice %arg3[%arg0, %arg1, %dma_start3A_38, %dma_start3A_39] : memref<2x16x80x125xi32, #tpu.memory_space<hbm>> -> memref<1x1x40x125xi32, #tpu.memory_space<hbm>>
      %dma_start3A_41 = tpu.memref_squeeze %dma_start3A_40 : memref<1x1x40x125xi32, #tpu.memory_space<hbm>> -> memref<40x125xi32, #tpu.memory_space<hbm>>
      tpu.enqueue_dma source(%dma_start3A_41 : memref<40x125xi32, #tpu.memory_space<hbm>>) target(%arg8 : memref<40x125xi32, #tpu.memory_space<vmem>>) target_semaphore(%run_scoped3A : memref<!tpu.dma_semaphore, #tpu.memory_space<semaphore_mem>>)
      %dma_wait3A_42 = arith.constant 40 : i32
      %dma_wait3A_43 = arith.constant 0 : i32
      %dma_wait3A_44 = tpu.memref_slice %arg3[%arg0, %arg1, %dma_wait3A_42, %dma_wait3A_43] : memref<2x16x80x125xi32, #tpu.memory_space<hbm>> -> memref<1x1x40x125xi32, #tpu.memory_space<hbm>>
      %dma_wait3A_45 = tpu.memref_squeeze %dma_wait3A_44 : memref<1x1x40x125xi32, #tpu.memory_space<hbm>> -> memref<40x125xi32, #tpu.memory_space<hbm>>
      %dma_wait3A_46 = arith.constant 40 : i32
      %dma_wait3A_47 = arith.constant 0 : i32
      %dma_wait3A_48 = tpu.memref_slice %arg3[%arg0, %arg1, %dma_wait3A_46, %dma_wait3A_47] : memref<2x16x80x125xi32, #tpu.memory_space<hbm>> -> memref<1x1x40x125xi32, #tpu.memory_space<hbm>>
      %dma_wait3A_49 = tpu.memref_squeeze %dma_wait3A_48 : memref<1x1x40x125xi32, #tpu.memory_space<hbm>> -> memref<40x125xi32, #tpu.memory_space<hbm>>
      tpu.wait_dma2 semaphore(%run_scoped3A : memref<!tpu.dma_semaphore, #tpu.memory_space<semaphore_mem>>) src(%dma_wait3A_49 : memref<40x125xi32, #tpu.memory_space<hbm>>) dst(%arg8 : memref<40x125xi32, #tpu.memory_space<vmem>>)
      tpu.yield
    }) : () -> ()
    "tpu.region"() ({
      %run_scoped3A = tpu.sem_alloc : memref<!tpu.dma_semaphore, #tpu.memory_space<semaphore_mem>>
      %dma_start3A_34 = arith.constant 40 : i32
      %dma_start3A_35 = arith.constant 0 : i32
      %dma_start3A_36 = tpu.memref_slice %arg4[%arg0, %arg1, %dma_start3A_34, %dma_start3A_35] : memref<2x16x80x125xi32, #tpu.memory_space<hbm>> -> memref<1x1x40x125xi32, #tpu.memory_space<hbm>>
      %dma_start3A_37 = tpu.memref_squeeze %dma_start3A_36 : memref<1x1x40x125xi32, #tpu.memory_space<hbm>> -> memref<40x125xi32, #tpu.memory_space<hbm>>
      %dma_start3A_38 = arith.constant 40 : i32
      %dma_start3A_39 = arith.constant 0 : i32
      %dma_start3A_40 = tpu.memref_slice %arg4[%arg0, %arg1, %dma_start3A_38, %dma_start3A_39] : memref<2x16x80x125xi32, #tpu.memory_space<hbm>> -> memref<1x1x40x125xi32, #tpu.memory_space<hbm>>
      %dma_start3A_41 = tpu.memref_squeeze %dma_start3A_40 : memref<1x1x40x125xi32, #tpu.memory_space<hbm>> -> memref<40x125xi32, #tpu.memory_space<hbm>>
      tpu.enqueue_dma source(%dma_start3A_41 : memref<40x125xi32, #tpu.memory_space<hbm>>) target(%arg9 : memref<40x125xi32, #tpu.memory_space<vmem>>) target_semaphore(%run_scoped3A : memref<!tpu.dma_semaphore, #tpu.memory_space<semaphore_mem>>)
      %dma_wait3A_42 = arith.constant 40 : i32
      %dma_wait3A_43 = arith.constant 0 : i32
      %dma_wait3A_44 = tpu.memref_slice %arg4[%arg0, %arg1, %dma_wait3A_42, %dma_wait3A_43] : memref<2x16x80x125xi32, #tpu.memory_space<hbm>> -> memref<1x1x40x125xi32, #tpu.memory_space<hbm>>
      %dma_wait3A_45 = tpu.memref_squeeze %dma_wait3A_44 : memref<1x1x40x125xi32, #tpu.memory_space<hbm>> -> memref<40x125xi32, #tpu.memory_space<hbm>>
      %dma_wait3A_46 = arith.constant 40 : i32
      %dma_wait3A_47 = arith.constant 0 : i32
      %dma_wait3A_48 = tpu.memref_slice %arg4[%arg0, %arg1, %dma_wait3A_46, %dma_wait3A_47] : memref<2x16x80x125xi32, #tpu.memory_space<hbm>> -> memref<1x1x40x125xi32, #tpu.memory_space<hbm>>
      %dma_wait3A_49 = tpu.memref_squeeze %dma_wait3A_48 : memref<1x1x40x125xi32, #tpu.memory_space<hbm>> -> memref<40x125xi32, #tpu.memory_space<hbm>>
      tpu.wait_dma2 semaphore(%run_scoped3A : memref<!tpu.dma_semaphore, #tpu.memory_space<semaphore_mem>>) src(%dma_wait3A_49 : memref<40x125xi32, #tpu.memory_space<hbm>>) dst(%arg9 : memref<40x125xi32, #tpu.memory_space<vmem>>)
      tpu.yield
    }) : () -> ()
    %dma_start3A_21 = arith.constant 0 : i32
    %dma_start3A_22 = arith.constant 0 : i32
    %dma_start3A_23 = tpu.memref_slice %arg8[%dma_start3A_21, %dma_start3A_22] : memref<40x125xi32, #tpu.memory_space<vmem>> -> memref<1x125xi32, #tpu.memory_space<vmem>>
    %dma_start3A_24 = tpu.memref_squeeze %dma_start3A_23 : memref<1x125xi32, #tpu.memory_space<vmem>> -> memref<125xi32, #tpu.memory_space<vmem>>
    %dma_start3A_25 = arith.constant 0 : i32
    %dma_start3A_26 = arith.constant 0 : i32
    %dma_start3A_27 = tpu.memref_slice %arg2[%dma_start3A_25, %dma_start3A_26] : memref<10240x128xf32, #tpu.memory_space<hbm>> -> memref<10240x128xf32, #tpu.memory_space<hbm>>
    tpu.enqueue_indirect_dma source(%dma_start3A_27 : memref<10240x128xf32, #tpu.memory_space<hbm>>) target(%arg10 : memref<125x128xf32, #tpu.memory_space<vmem>>) offsets(%dma_start3A_24 : memref<125xi32, #tpu.memory_space<vmem>>) semaphore(%arg13 : memref<!tpu.dma_semaphore, #tpu.memory_space<semaphore_mem>>)
    %scan3A_28 = arith.constant 0 : i32
    %scan3A_29 = arith.constant 20 : i32
    %scan3A_30 = arith.addi %scan3A_28, %scan3A_29 : i32
    %scan3A_31 = arith.constant 1 : i32
    scf.for %scan3A_34 = %scan3A_28 to %scan3A_30 step %scan3A_31  : i32 {
      %mul3A_35 = arith.constant 2 : i32
      %mul3A_36 = arith.muli %scan3A_34, %mul3A_35 : i32
      %add3A = arith.constant 0 : i32
      %add3A_37 = arith.addi %add3A, %mul3A_36 : i32
      %add3A_38 = arith.constant 1 : i32
      %add3A_39 = arith.addi %add3A_37, %add3A_38 : i32
      %dma_start3A_40 = arith.constant 0 : i32
      %dma_start3A_41 = tpu.memref_slice %arg8[%add3A_39, %dma_start3A_40] : memref<40x125xi32, #tpu.memory_space<vmem>> -> memref<1x125xi32, #tpu.memory_space<vmem>>
      %dma_start3A_42 = tpu.memref_squeeze %dma_start3A_41 : memref<1x125xi32, #tpu.memory_space<vmem>> -> memref<125xi32, #tpu.memory_space<vmem>>
      %dma_start3A_43 = arith.constant 0 : i32
      %dma_start3A_44 = arith.constant 0 : i32
      %dma_start3A_45 = tpu.memref_slice %arg2[%dma_start3A_43, %dma_start3A_44] : memref<10240x128xf32, #tpu.memory_space<hbm>> -> memref<10240x128xf32, #tpu.memory_space<hbm>>
      tpu.enqueue_indirect_dma source(%dma_start3A_45 : memref<10240x128xf32, #tpu.memory_space<hbm>>) target(%arg11 : memref<125x128xf32, #tpu.memory_space<vmem>>) offsets(%dma_start3A_42 : memref<125xi32, #tpu.memory_space<vmem>>) semaphore(%arg14 : memref<!tpu.dma_semaphore, #tpu.memory_space<semaphore_mem>>)
      tpu.wait_dma2 semaphore(%arg13 : memref<!tpu.dma_semaphore, #tpu.memory_space<semaphore_mem>>) src(%arg6 : memref<125x128xf32, #tpu.memory_space<hbm>>) dst(%arg10 : memref<125x128xf32, #tpu.memory_space<vmem>>)
      "tpu.region"() ({
        %run_scoped3A = tpu.sem_alloc : memref<!tpu.dma_semaphore, #tpu.memory_space<semaphore_mem>>
        %dma_start3A_54 = arith.constant 0 : i32
        %dma_start3A_55 = tpu.memref_slice %arg9[%add3A_37, %dma_start3A_54] : memref<40x125xi32, #tpu.memory_space<vmem>> -> memref<1x125xi32, #tpu.memory_space<vmem>>
        %dma_start3A_56 = tpu.memref_squeeze %dma_start3A_55 : memref<1x125xi32, #tpu.memory_space<vmem>> -> memref<125xi32, #tpu.memory_space<vmem>>
        %dma_start3A_57 = arith.constant 0 : i32
        %dma_start3A_58 = arith.constant 0 : i32
        %dma_start3A_59 = tpu.memref_slice %arg12[%dma_start3A_57, %dma_start3A_58] : memref<10240x128xf32, #tpu.memory_space<vmem_shared>> -> memref<10240x128xf32, #tpu.memory_space<vmem_shared>>
        tpu.enqueue_indirect_dma source(%arg10 : memref<125x128xf32, #tpu.memory_space<vmem>>) target(%dma_start3A_59 : memref<10240x128xf32, #tpu.memory_space<vmem_shared>>) offsets(%dma_start3A_56 : memref<125xi32, #tpu.memory_space<vmem>>) semaphore(%run_scoped3A : memref<!tpu.dma_semaphore, #tpu.memory_space<semaphore_mem>>) {add = true}
        %dma_wait3A_60 = arith.constant 0 : i32
        %dma_wait3A_61 = tpu.memref_slice %arg9[%add3A_37, %dma_wait3A_60] : memref<40x125xi32, #tpu.memory_space<vmem>> -> memref<1x125xi32, #tpu.memory_space<vmem>>
        %dma_wait3A_62 = tpu.memref_squeeze %dma_wait3A_61 : memref<1x125xi32, #tpu.memory_space<vmem>> -> memref<125xi32, #tpu.memory_space<vmem>>
        %dma_wait3A_63 = arith.constant 0 : i32
        %dma_wait3A_64 = arith.constant 0 : i32
        %dma_wait3A_65 = tpu.memref_slice %arg12[%dma_wait3A_63, %dma_wait3A_64] : memref<10240x128xf32, #tpu.memory_space<vmem_shared>> -> memref<10240x128xf32, #tpu.memory_space<vmem_shared>>
        tpu.wait_indirect_dma semaphore(%run_scoped3A : memref<!tpu.dma_semaphore, #tpu.memory_space<semaphore_mem>>) src(%arg10 : memref<125x128xf32, #tpu.memory_space<vmem>>) dst(%dma_wait3A_65 : memref<10240x128xf32, #tpu.memory_space<vmem_shared>>)
        tpu.yield
      }) : () -> ()
      %add3A_46 = arith.constant 2 : i32
      %add3A_47 = arith.addi %add3A_37, %add3A_46 : i32
      %lt3A = arith.constant 40 : i32
      %lt3A_48 = arith.cmpi slt, %add3A_47, %lt3A : i32
      %convert_element_type3A_49 = arith.extui %lt3A_48 : i1 to i32
      %cond3A_50 = arith.constant 0 : i32
      %cond3A_51 = arith.cmpi ne, %convert_element_type3A_49, %cond3A_50 : i32
      scf.if %cond3A_51 {
        %add3A_54 = arith.constant 2 : i32
        %add3A_55 = arith.addi %add3A_37, %add3A_54 : i32
        %dma_start3A_56 = arith.constant 0 : i32
        %dma_start3A_57 = tpu.memref_slice %arg8[%add3A_55, %dma_start3A_56] : memref<40x125xi32, #tpu.memory_space<vmem>> -> memref<1x125xi32, #tpu.memory_space<vmem>>
        %dma_start3A_58 = tpu.memref_squeeze %dma_start3A_57 : memref<1x125xi32, #tpu.memory_space<vmem>> -> memref<125xi32, #tpu.memory_space<vmem>>
        %dma_start3A_59 = arith.constant 0 : i32
        %dma_start3A_60 = arith.constant 0 : i32
        %dma_start3A_61 = tpu.memref_slice %arg2[%dma_start3A_59, %dma_start3A_60] : memref<10240x128xf32, #tpu.memory_space<hbm>> -> memref<10240x128xf32, #tpu.memory_space<hbm>>
        tpu.enqueue_indirect_dma source(%dma_start3A_61 : memref<10240x128xf32, #tpu.memory_space<hbm>>) target(%arg10 : memref<125x128xf32, #tpu.memory_space<vmem>>) offsets(%dma_start3A_58 : memref<125xi32, #tpu.memory_space<vmem>>) semaphore(%arg13 : memref<!tpu.dma_semaphore, #tpu.memory_space<semaphore_mem>>)
      } else {
      }
      tpu.wait_dma2 semaphore(%arg14 : memref<!tpu.dma_semaphore, #tpu.memory_space<semaphore_mem>>) src(%arg6 : memref<125x128xf32, #tpu.memory_space<hbm>>) dst(%arg11 : memref<125x128xf32, #tpu.memory_space<vmem>>)
      %add3A_52 = arith.constant 1 : i32
      %add3A_53 = arith.addi %add3A_37, %add3A_52 : i32
      "tpu.region"() ({
        %run_scoped3A = tpu.sem_alloc : memref<!tpu.dma_semaphore, #tpu.memory_space<semaphore_mem>>
        %dma_start3A_54 = arith.constant 0 : i32
        %dma_start3A_55 = tpu.memref_slice %arg9[%add3A_53, %dma_start3A_54] : memref<40x125xi32, #tpu.memory_space<vmem>> -> memref<1x125xi32, #tpu.memory_space<vmem>>
        %dma_start3A_56 = tpu.memref_squeeze %dma_start3A_55 : memref<1x125xi32, #tpu.memory_space<vmem>> -> memref<125xi32, #tpu.memory_space<vmem>>
        %dma_start3A_57 = arith.constant 0 : i32
        %dma_start3A_58 = arith.constant 0 : i32
        %dma_start3A_59 = tpu.memref_slice %arg12[%dma_start3A_57, %dma_start3A_58] : memref<10240x128xf32, #tpu.memory_space<vmem_shared>> -> memref<10240x128xf32, #tpu.memory_space<vmem_shared>>
        tpu.enqueue_indirect_dma source(%arg11 : memref<125x128xf32, #tpu.memory_space<vmem>>) target(%dma_start3A_59 : memref<10240x128xf32, #tpu.memory_space<vmem_shared>>) offsets(%dma_start3A_56 : memref<125xi32, #tpu.memory_space<vmem>>) semaphore(%run_scoped3A : memref<!tpu.dma_semaphore, #tpu.memory_space<semaphore_mem>>) {add = true}
        %dma_wait3A_60 = arith.constant 0 : i32
        %dma_wait3A_61 = tpu.memref_slice %arg9[%add3A_53, %dma_wait3A_60] : memref<40x125xi32, #tpu.memory_space<vmem>> -> memref<1x125xi32, #tpu.memory_space<vmem>>
        %dma_wait3A_62 = tpu.memref_squeeze %dma_wait3A_61 : memref<1x125xi32, #tpu.memory_space<vmem>> -> memref<125xi32, #tpu.memory_space<vmem>>
        %dma_wait3A_63 = arith.constant 0 : i32
        %dma_wait3A_64 = arith.constant 0 : i32
        %dma_wait3A_65 = tpu.memref_slice %arg12[%dma_wait3A_63, %dma_wait3A_64] : memref<10240x128xf32, #tpu.memory_space<vmem_shared>> -> memref<10240x128xf32, #tpu.memory_space<vmem_shared>>
        tpu.wait_indirect_dma semaphore(%run_scoped3A : memref<!tpu.dma_semaphore, #tpu.memory_space<semaphore_mem>>) src(%arg11 : memref<125x128xf32, #tpu.memory_space<vmem>>) dst(%dma_wait3A_65 : memref<10240x128xf32, #tpu.memory_space<vmem_shared>>)
        tpu.yield
      }) : () -> ()
    }
    %scan3A_32 = arith.constant 20 : i32
    %barrier3A_33 = arith.constant 0 : index
    tpu.barrier barrier_id(%barrier3A_33)
    "tpu.region"() ({
      %run_scoped3A = tpu.sem_alloc : memref<!tpu.dma_semaphore, #tpu.memory_space<semaphore_mem>>
      %dma_start3A_34 = arith.constant 0 : i32
      %dma_start3A_35 = tpu.memref_slice %arg7[%arg0, %mul3A_0, %dma_start3A_34] : memref<2x10240x128xf32, #tpu.memory_space<hbm>> -> memref<1x640x128xf32, #tpu.memory_space<hbm>>
      %dma_start3A_36 = tpu.memref_squeeze %dma_start3A_35 : memref<1x640x128xf32, #tpu.memory_space<hbm>> -> memref<640x128xf32, #tpu.memory_space<hbm>>
      %dma_start3A_37 = arith.constant 0 : i32
      %dma_start3A_38 = tpu.memref_slice %arg12[%mul3A_0, %dma_start3A_37] : memref<10240x128xf32, #tpu.memory_space<vmem_shared>> -> memref<640x128xf32, #tpu.memory_space<vmem_shared>>
      tpu.enqueue_dma source(%dma_start3A_38 : memref<640x128xf32, #tpu.memory_space<vmem_shared>>) target(%dma_start3A_36 : memref<640x128xf32, #tpu.memory_space<hbm>>) target_semaphore(%run_scoped3A : memref<!tpu.dma_semaphore, #tpu.memory_space<semaphore_mem>>)
      %dma_wait3A_39 = arith.constant 0 : i32
      %dma_wait3A_40 = tpu.memref_slice %arg7[%arg0, %mul3A_0, %dma_wait3A_39] : memref<2x10240x128xf32, #tpu.memory_space<hbm>> -> memref<1x640x128xf32, #tpu.memory_space<hbm>>
      %dma_wait3A_41 = tpu.memref_squeeze %dma_wait3A_40 : memref<1x640x128xf32, #tpu.memory_space<hbm>> -> memref<640x128xf32, #tpu.memory_space<hbm>>
      %dma_wait3A_42 = arith.constant 0 : i32
      %dma_wait3A_43 = tpu.memref_slice %arg12[%mul3A_0, %dma_wait3A_42] : memref<10240x128xf32, #tpu.memory_space<vmem_shared>> -> memref<640x128xf32, #tpu.memory_space<vmem_shared>>
      tpu.wait_dma2 semaphore(%run_scoped3A : memref<!tpu.dma_semaphore, #tpu.memory_space<semaphore_mem>>) src(%dma_wait3A_43 : memref<640x128xf32, #tpu.memory_space<vmem_shared>>) dst(%dma_wait3A_41 : memref<640x128xf32, #tpu.memory_space<hbm>>)
      tpu.yield
    }) : () -> ()
    return
  }
}

#map = affine_map<(d0, d1) -> (0, 0)>
#map1 = affine_map<(d0, d1) -> (0, 0, 0, 0)>
#map2 = affine_map<(d0, d1) -> (0, 0, 0)>
module attributes {stable_mosaic.version = 14 : i64} {
  func.func @k(%arg0: i32, %arg1: i32, %arg2: memref<10240x128xf32, #tpu.memory_space<hbm>>, %arg3: memref<2x16x80x125xi32, #tpu.memory_space<hbm>>, %arg4: memref<2x16x80x125xi32, #tpu.memory_space<hbm>>, %arg5: memref<10240x128xf32, #tpu.memory_space<hbm>>, %arg6: memref<125x128xf32, #tpu.memory_space<hbm>>, %arg7: memref<2x10240x128xf32, #tpu.memory_space<hbm>>, %arg8: memref<40x125xi32, #tpu.memory_space<vmem>>, %arg9: memref<40x125xi32, #tpu.memory_space<vmem>>, %arg10: memref<125x128xf32, #tpu.memory_space<vmem>>, %arg11: memref<125x128xf32, #tpu.memory_space<vmem>>, %arg12: memref<10240x128xf32, #tpu.memory_space<vmem_shared>>, %arg13: memref<!tpu.dma_semaphore, #tpu.memory_space<semaphore_mem>>, %arg14: memref<!tpu.dma_semaphore, #tpu.memory_space<semaphore_mem>>, %arg15: memref<!tpu.dma_semaphore, #tpu.memory_space<semaphore_mem>>) attributes {dimension_semantics = [#tpu.dimension_semantics<core_parallel>, #tpu.dimension_semantics<subcore_parallel>], iteration_bounds = array<i64: 2, 16>, scalar_prefetch = 0 : i64, scratch_operands = 8 : i64, tpu.core_type = #tpu.core_type<sc_vector_subcore>, window_params = [{transform_indices = #map}, {transform_indices = #map1}, {transform_indices = #map1}, {transform_indices = #map}, {transform_indices = #map}, {transform_indices = #map2}]} {
    %mul3A = arith.constant 640 : i32
    %mul3A_0 = arith.muli %arg1, %mul3A : i32
    %eq3A = arith.constant 0 : i32
    %eq3A_1 = arith.cmpi eq, %arg0, %eq3A : i32
    %convert_element_type3A = arith.extui %eq3A_1 : i1 to i32
    %cond3A = arith.constant 0 : i32
    %cond3A_2 = arith.cmpi ne, %convert_element_type3A, %cond3A : i32
    scf.if %cond3A_2 {
      %dma_start3A_34 = arith.constant 0 : i32
      %dma_start3A_35 = tpu.memref_slice %arg12[%mul3A_0, %dma_start3A_34] : memref<10240x128xf32, #tpu.memory_space<vmem_shared>> -> memref<640x128xf32, #tpu.memory_space<vmem_shared>>
      %dma_start3A_36 = arith.constant 0 : i32
      %dma_start3A_37 = tpu.memref_slice %arg2[%mul3A_0, %dma_start3A_36] : memref<10240x128xf32, #tpu.memory_space<hbm>> -> memref<640x128xf32, #tpu.memory_space<hbm>>
      tpu.enqueue_dma source(%dma_start3A_37 : memref<640x128xf32, #tpu.memory_space<hbm>>) target(%dma_start3A_35 : memref<640x128xf32, #tpu.memory_space<vmem_shared>>) target_semaphore(%arg15 : memref<!tpu.dma_semaphore, #tpu.memory_space<semaphore_mem>>)
    } else {
    }
    %eq3A_3 = arith.constant 1 : i32
    %eq3A_4 = arith.cmpi eq, %arg0, %eq3A_3 : i32
    %convert_element_type3A_5 = arith.extui %eq3A_4 : i1 to i32
    %cond3A_6 = arith.constant 0 : i32
    %cond3A_7 = arith.cmpi ne, %convert_element_type3A_5, %cond3A_6 : i32
    scf.if %cond3A_7 {
      %dma_start3A_34 = arith.constant 0 : i32
      %dma_start3A_35 = tpu.memref_slice %arg12[%mul3A_0, %dma_start3A_34] : memref<10240x128xf32, #tpu.memory_space<vmem_shared>> -> memref<640x128xf32, #tpu.memory_space<vmem_shared>>
      %dma_start3A_36 = arith.constant 0 : i32
      %dma_start3A_37 = tpu.memref_slice %arg5[%mul3A_0, %dma_start3A_36] : memref<10240x128xf32, #tpu.memory_space<hbm>> -> memref<640x128xf32, #tpu.memory_space<hbm>>
      tpu.enqueue_dma source(%dma_start3A_37 : memref<640x128xf32, #tpu.memory_space<hbm>>) target(%dma_start3A_35 : memref<640x128xf32, #tpu.memory_space<vmem_shared>>) target_semaphore(%arg15 : memref<!tpu.dma_semaphore, #tpu.memory_space<semaphore_mem>>)
    } else {
    }
    "tpu.region"() ({
      %run_scoped3A = tpu.sem_alloc : memref<!tpu.dma_semaphore, #tpu.memory_space<semaphore_mem>>
      %dma_start3A_34 = arith.constant 0 : i32
      %dma_start3A_35 = arith.constant 0 : i32
      %dma_start3A_36 = tpu.memref_slice %arg3[%arg0, %arg1, %dma_start3A_34, %dma_start3A_35] : memref<2x16x80x125xi32, #tpu.memory_space<hbm>> -> memref<1x1x40x125xi32, #tpu.memory_space<hbm>>
      %dma_start3A_37 = tpu.memref_squeeze %dma_start3A_36 : memref<1x1x40x125xi32, #tpu.memory_space<hbm>> -> memref<40x125xi32, #tpu.memory_space<hbm>>
      %dma_start3A_38 = arith.constant 0 : i32
      %dma_start3A_39 = arith.constant 0 : i32
      %dma_start3A_40 = tpu.memref_slice %arg3[%arg0, %arg1, %dma_start3A_38, %dma_start3A_39] : memref<2x16x80x125xi32, #tpu.memory_space<hbm>> -> memref<1x1x40x125xi32, #tpu.memory_space<hbm>>
      %dma_start3A_41 = tpu.memref_squeeze %dma_start3A_40 : memref<1x1x40x125xi32, #tpu.memory_space<hbm>> -> memref<40x125xi32, #tpu.memory_space<hbm>>
      tpu.enqueue_dma source(%dma_start3A_41 : memref<40x125xi32, #tpu.memory_space<hbm>>) target(%arg8 : memref<40x125xi32, #tpu.memory_space<vmem>>) target_semaphore(%run_scoped3A : memref<!tpu.dma_semaphore, #tpu.memory_space<semaphore_mem>>)
      %dma_wait3A_42 = arith.constant 0 : i32
      %dma_wait3A_43 = arith.constant 0 : i32
      %dma_wait3A_44 = tpu.memref_slice %arg3[%arg0, %arg1, %dma_wait3A_42, %dma_wait3A_43] : memref<2x16x80x125xi32, #tpu.memory_space<hbm>> -> memref<1x1x40x125xi32, #tpu.memory_space<hbm>>
      %dma_wait3A_45 = tpu.memref_squeeze %dma_wait3A_44 : memref<1x1x40x125xi32, #tpu.memory_space<hbm>> -> memref<40x125xi32, #tpu.memory_space<hbm>>
      %dma_wait3A_46 = arith.constant 0 : i32
      %dma_wait3A_47 = arith.constant 0 : i32
      %dma_wait3A_48 = tpu.memref_slice %arg3[%arg0, %arg1, %dma_wait3A_46, %dma_wait3A_47] : memref<2x16x80x125xi32, #tpu.memory_space<hbm>> -> memref<1x1x40x125xi32, #tpu.memory_space<hbm>>
      %dma_wait3A_49 = tpu.memref_squeeze %dma_wait3A_48 : memref<1x1x40x125xi32, #tpu.memory_space<hbm>> -> memref<40x125xi32, #tpu.memory_space<hbm>>
      tpu.wait_dma2 semaphore(%run_scoped3A : memref<!tpu.dma_semaphore, #tpu.memory_space<semaphore_mem>>) src(%dma_wait3A_49 : memref<40x125xi32, #tpu.memory_space<hbm>>) dst(%arg8 : memref<40x125xi32, #tpu.memory_space<vmem>>)
      tpu.yield
    }) : () -> ()
    "tpu.region"() ({
      %run_scoped3A = tpu.sem_alloc : memref<!tpu.dma_semaphore, #tpu.memory_space<semaphore_mem>>
      %dma_start3A_34 = arith.constant 0 : i32
      %dma_start3A_35 = arith.constant 0 : i32
      %dma_start3A_36 = tpu.memref_slice %arg4[%arg0, %arg1, %dma_start3A_34, %dma_start3A_35] : memref<2x16x80x125xi32, #tpu.memory_space<hbm>> -> memref<1x1x40x125xi32, #tpu.memory_space<hbm>>
      %dma_start3A_37 = tpu.memref_squeeze %dma_start3A_36 : memref<1x1x40x125xi32, #tpu.memory_space<hbm>> -> memref<40x125xi32, #tpu.memory_space<hbm>>
      %dma_start3A_38 = arith.constant 0 : i32
      %dma_start3A_39 = arith.constant 0 : i32
      %dma_start3A_40 = tpu.memref_slice %arg4[%arg0, %arg1, %dma_start3A_38, %dma_start3A_39] : memref<2x16x80x125xi32, #tpu.memory_space<hbm>> -> memref<1x1x40x125xi32, #tpu.memory_space<hbm>>
      %dma_start3A_41 = tpu.memref_squeeze %dma_start3A_40 : memref<1x1x40x125xi32, #tpu.memory_space<hbm>> -> memref<40x125xi32, #tpu.memory_space<hbm>>
      tpu.enqueue_dma source(%dma_start3A_41 : memref<40x125xi32, #tpu.memory_space<hbm>>) target(%arg9 : memref<40x125xi32, #tpu.memory_space<vmem>>) target_semaphore(%run_scoped3A : memref<!tpu.dma_semaphore, #tpu.memory_space<semaphore_mem>>)
      %dma_wait3A_42 = arith.constant 0 : i32
      %dma_wait3A_43 = arith.constant 0 : i32
      %dma_wait3A_44 = tpu.memref_slice %arg4[%arg0, %arg1, %dma_wait3A_42, %dma_wait3A_43] : memref<2x16x80x125xi32, #tpu.memory_space<hbm>> -> memref<1x1x40x125xi32, #tpu.memory_space<hbm>>
      %dma_wait3A_45 = tpu.memref_squeeze %dma_wait3A_44 : memref<1x1x40x125xi32, #tpu.memory_space<hbm>> -> memref<40x125xi32, #tpu.memory_space<hbm>>
      %dma_wait3A_46 = arith.constant 0 : i32
      %dma_wait3A_47 = arith.constant 0 : i32
      %dma_wait3A_48 = tpu.memref_slice %arg4[%arg0, %arg1, %dma_wait3A_46, %dma_wait3A_47] : memref<2x16x80x125xi32, #tpu.memory_space<hbm>> -> memref<1x1x40x125xi32, #tpu.memory_space<hbm>>
      %dma_wait3A_49 = tpu.memref_squeeze %dma_wait3A_48 : memref<1x1x40x125xi32, #tpu.memory_space<hbm>> -> memref<40x125xi32, #tpu.memory_space<hbm>>
      tpu.wait_dma2 semaphore(%run_scoped3A : memref<!tpu.dma_semaphore, #tpu.memory_space<semaphore_mem>>) src(%dma_wait3A_49 : memref<40x125xi32, #tpu.memory_space<hbm>>) dst(%arg9 : memref<40x125xi32, #tpu.memory_space<vmem>>)
      tpu.yield
    }) : () -> ()
    %dma_wait3A = arith.constant 0 : i32
    %dma_wait3A_8 = tpu.memref_slice %arg12[%mul3A_0, %dma_wait3A] : memref<10240x128xf32, #tpu.memory_space<vmem_shared>> -> memref<640x128xf32, #tpu.memory_space<vmem_shared>>
    %dma_wait3A_9 = arith.constant 0 : i32
    %dma_wait3A_10 = tpu.memref_slice %arg5[%mul3A_0, %dma_wait3A_9] : memref<10240x128xf32, #tpu.memory_space<hbm>> -> memref<640x128xf32, #tpu.memory_space<hbm>>
    tpu.wait_dma2 semaphore(%arg15 : memref<!tpu.dma_semaphore, #tpu.memory_space<semaphore_mem>>) src(%dma_wait3A_10 : memref<640x128xf32, #tpu.memory_space<hbm>>) dst(%dma_wait3A_8 : memref<640x128xf32, #tpu.memory_space<vmem_shared>>)
    %barrier3A = arith.constant 0 : index
    tpu.barrier barrier_id(%barrier3A)
    %dma_start3A = arith.constant 0 : i32
    %dma_start3A_11 = arith.constant 0 : i32
    %dma_start3A_12 = tpu.memref_slice %arg8[%dma_start3A, %dma_start3A_11] : memref<40x125xi32, #tpu.memory_space<vmem>> -> memref<1x125xi32, #tpu.memory_space<vmem>>
    %dma_start3A_13 = tpu.memref_squeeze %dma_start3A_12 : memref<1x125xi32, #tpu.memory_space<vmem>> -> memref<125xi32, #tpu.memory_space<vmem>>
    %dma_start3A_14 = arith.constant 0 : i32
    %dma_start3A_15 = arith.constant 0 : i32
    %dma_start3A_16 = tpu.memref_slice %arg2[%dma_start3A_14, %dma_start3A_15] : memref<10240x128xf32, #tpu.memory_space<hbm>> -> memref<10240x128xf32, #tpu.memory_space<hbm>>
    tpu.enqueue_indirect_dma source(%dma_start3A_16 : memref<10240x128xf32, #tpu.memory_space<hbm>>) target(%arg10 : memref<125x128xf32, #tpu.memory_space<vmem>>) offsets(%dma_start3A_13 : memref<125xi32, #tpu.memory_space<vmem>>) semaphore(%arg13 : memref<!tpu.dma_semaphore, #tpu.memory_space<semaphore_mem>>)
    %scan3A = arith.constant 0 : i32
    %scan3A_17 = arith.constant 20 : i32
    %scan3A_18 = arith.addi %scan3A, %scan3A_17 : i32
    %scan3A_19 = arith.constant 1 : i32
    scf.for %scan3A_34 = %scan3A to %scan3A_18 step %scan3A_19  : i32 {
      %mul3A_35 = arith.constant 2 : i32
      %mul3A_36 = arith.muli %scan3A_34, %mul3A_35 : i32
      %add3A = arith.constant 0 : i32
      %add3A_37 = arith.addi %add3A, %mul3A_36 : i32
      %add3A_38 = arith.constant 1 : i32
      %add3A_39 = arith.addi %add3A_37, %add3A_38 : i32
      %dma_start3A_40 = arith.constant 0 : i32
      %dma_start3A_41 = tpu.memref_slice %arg8[%add3A_39, %dma_start3A_40] : memref<40x125xi32, #tpu.memory_space<vmem>> -> memref<1x125xi32, #tpu.memory_space<vmem>>
      %dma_start3A_42 = tpu.memref_squeeze %dma_start3A_41 : memref<1x125xi32, #tpu.memory_space<vmem>> -> memref<125xi32, #tpu.memory_space<vmem>>
      %dma_start3A_43 = arith.constant 0 : i32
      %dma_start3A_44 = arith.constant 0 : i32
      %dma_start3A_45 = tpu.memref_slice %arg2[%dma_start3A_43, %dma_start3A_44] : memref<10240x128xf32, #tpu.memory_space<hbm>> -> memref<10240x128xf32, #tpu.memory_space<hbm>>
      tpu.enqueue_indirect_dma source(%dma_start3A_45 : memref<10240x128xf32, #tpu.memory_space<hbm>>) target(%arg11 : memref<125x128xf32, #tpu.memory_space<vmem>>) offsets(%dma_start3A_42 : memref<125xi32, #tpu.memory_space<vmem>>) semaphore(%arg14 : memref<!tpu.dma_semaphore, #tpu.memory_space<semaphore_mem>>)
      tpu.wait_dma2 semaphore(%arg13 : memref<!tpu.dma_semaphore, #tpu.memory_space<semaphore_mem>>) src(%arg6 : memref<125x128xf32, #tpu.memory_space<hbm>>) dst(%arg10 : memref<125x128xf32, #tpu.memory_space<vmem>>)
      "tpu.region"() ({
        %run_scoped3A = tpu.sem_alloc : memref<!tpu.dma_semaphore, #tpu.memory_space<semaphore_mem>>
        %dma_start3A_54 = arith.constant 0 : i32
        %dma_start3A_55 = tpu.memref_slice %arg9[%add3A_37, %dma_start3A_54] : memref<40x125xi32, #tpu.memory_space<vmem>> -> memref<1x125xi32, #tpu.memory_space<vmem>>
        %dma_start3A_56 = tpu.memref_squeeze %dma_start3A_55 : memref<1x125xi32, #tpu.memory_space<vmem>> -> memref<125xi32, #tpu.memory_space<vmem>>
        %dma_start3A_57 = arith.constant 0 : i32
        %dma_start3A_58 = arith.constant 0 : i32
        %dma_start3A_59 = tpu.memref_slice %arg12[%dma_start3A_57, %dma_start3A_58] : memref<10240x128xf32, #tpu.memory_space<vmem_shared>> -> memref<10240x128xf32, #tpu.memory_space<vmem_shared>>
        tpu.enqueue_indirect_dma source(%arg10 : memref<125x128xf32, #tpu.memory_space<vmem>>) target(%dma_start3A_59 : memref<10240x128xf32, #tpu.memory_space<vmem_shared>>) offsets(%dma_start3A_56 : memref<125xi32, #tpu.memory_space<vmem>>) semaphore(%run_scoped3A : memref<!tpu.dma_semaphore, #tpu.memory_space<semaphore_mem>>) {add = true}
        %dma_wait3A_60 = arith.constant 0 : i32
        %dma_wait3A_61 = tpu.memref_slice %arg9[%add3A_37, %dma_wait3A_60] : memref<40x125xi32, #tpu.memory_space<vmem>> -> memref<1x125xi32, #tpu.memory_space<vmem>>
        %dma_wait3A_62 = tpu.memref_squeeze %dma_wait3A_61 : memref<1x125xi32, #tpu.memory_space<vmem>> -> memref<125xi32, #tpu.memory_space<vmem>>
        %dma_wait3A_63 = arith.constant 0 : i32
        %dma_wait3A_64 = arith.constant 0 : i32
        %dma_wait3A_65 = tpu.memref_slice %arg12[%dma_wait3A_63, %dma_wait3A_64] : memref<10240x128xf32, #tpu.memory_space<vmem_shared>> -> memref<10240x128xf32, #tpu.memory_space<vmem_shared>>
        tpu.wait_indirect_dma semaphore(%run_scoped3A : memref<!tpu.dma_semaphore, #tpu.memory_space<semaphore_mem>>) src(%arg10 : memref<125x128xf32, #tpu.memory_space<vmem>>) dst(%dma_wait3A_65 : memref<10240x128xf32, #tpu.memory_space<vmem_shared>>)
        tpu.yield
      }) : () -> ()
      %add3A_46 = arith.constant 2 : i32
      %add3A_47 = arith.addi %add3A_37, %add3A_46 : i32
      %lt3A = arith.constant 40 : i32
      %lt3A_48 = arith.cmpi slt, %add3A_47, %lt3A : i32
      %convert_element_type3A_49 = arith.extui %lt3A_48 : i1 to i32
      %cond3A_50 = arith.constant 0 : i32
      %cond3A_51 = arith.cmpi ne, %convert_element_type3A_49, %cond3A_50 : i32
      scf.if %cond3A_51 {
        %add3A_54 = arith.constant 2 : i32
        %add3A_55 = arith.addi %add3A_37, %add3A_54 : i32
        %dma_start3A_56 = arith.constant 0 : i32
        %dma_start3A_57 = tpu.memref_slice %arg8[%add3A_55, %dma_start3A_56] : memref<40x125xi32, #tpu.memory_space<vmem>> -> memref<1x125xi32, #tpu.memory_space<vmem>>
        %dma_start3A_58 = tpu.memref_squeeze %dma_start3A_57 : memref<1x125xi32, #tpu.memory_space<vmem>> -> memref<125xi32, #tpu.memory_space<vmem>>
        %dma_start3A_59 = arith.constant 0 : i32
        %dma_start3A_60 = arith.constant 0 : i32
        %dma_start3A_61 = tpu.memref_slice %arg2[%dma_start3A_59, %dma_start3A_60] : memref<10240x128xf32, #tpu.memory_space<hbm>> -> memref<10240x128xf32, #tpu.memory_space<hbm>>
        tpu.enqueue_indirect_dma source(%dma_start3A_61 : memref<10240x128xf32, #tpu.memory_space<hbm>>) target(%arg10 : memref<125x128xf32, #tpu.memory_space<vmem>>) offsets(%dma_start3A_58 : memref<125xi32, #tpu.memory_space<vmem>>) semaphore(%arg13 : memref<!tpu.dma_semaphore, #tpu.memory_space<semaphore_mem>>)
      } else {
      }
      tpu.wait_dma2 semaphore(%arg14 : memref<!tpu.dma_semaphore, #tpu.memory_space<semaphore_mem>>) src(%arg6 : memref<125x128xf32, #tpu.memory_space<hbm>>) dst(%arg11 : memref<125x128xf32, #tpu.memory_space<vmem>>)
      %add3A_52 = arith.constant 1 : i32
      %add3A_53 = arith.addi %add3A_37, %add3A_52 : i32
      "tpu.region"() ({
        %run_scoped3A = tpu.sem_alloc : memref<!tpu.dma_semaphore, #tpu.memory_space<semaphore_mem>>
        %dma_start3A_54 = arith.constant 0 : i32
        %dma_start3A_55 = tpu.memref_slice %arg9[%add3A_53, %dma_start3A_54] : memref<40x125xi32, #tpu.memory_space<vmem>> -> memref<1x125xi32, #tpu.memory_space<vmem>>
        %dma_start3A_56 = tpu.memref_squeeze %dma_start3A_55 : memref<1x125xi32, #tpu.memory_space<vmem>> -> memref<125xi32, #tpu.memory_space<vmem>>
        %dma_start3A_57 = arith.constant 0 : i32
        %dma_start3A_58 = arith.constant 0 : i32
        %dma_start3A_59 = tpu.memref_slice %arg12[%dma_start3A_57, %dma_start3A_58] : memref<10240x128xf32, #tpu.memory_space<vmem_shared>> -> memref<10240x128xf32, #tpu.memory_space<vmem_shared>>
        tpu.enqueue_indirect_dma source(%arg11 : memref<125x128xf32, #tpu.memory_space<vmem>>) target(%dma_start3A_59 : memref<10240x128xf32, #tpu.memory_space<vmem_shared>>) offsets(%dma_start3A_56 : memref<125xi32, #tpu.memory_space<vmem>>) semaphore(%run_scoped3A : memref<!tpu.dma_semaphore, #tpu.memory_space<semaphore_mem>>) {add = true}
        %dma_wait3A_60 = arith.constant 0 : i32
        %dma_wait3A_61 = tpu.memref_slice %arg9[%add3A_53, %dma_wait3A_60] : memref<40x125xi32, #tpu.memory_space<vmem>> -> memref<1x125xi32, #tpu.memory_space<vmem>>
        %dma_wait3A_62 = tpu.memref_squeeze %dma_wait3A_61 : memref<1x125xi32, #tpu.memory_space<vmem>> -> memref<125xi32, #tpu.memory_space<vmem>>
        %dma_wait3A_63 = arith.constant 0 : i32
        %dma_wait3A_64 = arith.constant 0 : i32
        %dma_wait3A_65 = tpu.memref_slice %arg12[%dma_wait3A_63, %dma_wait3A_64] : memref<10240x128xf32, #tpu.memory_space<vmem_shared>> -> memref<10240x128xf32, #tpu.memory_space<vmem_shared>>
        tpu.wait_indirect_dma semaphore(%run_scoped3A : memref<!tpu.dma_semaphore, #tpu.memory_space<semaphore_mem>>) src(%arg11 : memref<125x128xf32, #tpu.memory_space<vmem>>) dst(%dma_wait3A_65 : memref<10240x128xf32, #tpu.memory_space<vmem_shared>>)
        tpu.yield
      }) : () -> ()
    }
    %scan3A_20 = arith.constant 20 : i32
    "tpu.region"() ({
      %run_scoped3A = tpu.sem_alloc : memref<!tpu.dma_semaphore, #tpu.memory_space<semaphore_mem>>
      %dma_start3A_34 = arith.constant 40 : i32
      %dma_start3A_35 = arith.constant 0 : i32
      %dma_start3A_36 = tpu.memref_slice %arg3[%arg0, %arg1, %dma_start3A_34, %dma_start3A_35] : memref<2x16x80x125xi32, #tpu.memory_space<hbm>> -> memref<1x1x40x125xi32, #tpu.memory_space<hbm>>
      %dma_start3A_37 = tpu.memref_squeeze %dma_start3A_36 : memref<1x1x40x125xi32, #tpu.memory_space<hbm>> -> memref<40x125xi32, #tpu.memory_space<hbm>>
      %dma_start3A_38 = arith.constant 40 : i32
      %dma_start3A_39 = arith.constant 0 : i32
      %dma_start3A_40 = tpu.memref_slice %arg3[%arg0, %arg1, %dma_start3A_38, %dma_start3A_39] : memref<2x16x80x125xi32, #tpu.memory_space<hbm>> -> memref<1x1x40x125xi32, #tpu.memory_space<hbm>>
      %dma_start3A_41 = tpu.memref_squeeze %dma_start3A_40 : memref<1x1x40x125xi32, #tpu.memory_space<hbm>> -> memref<40x125xi32, #tpu.memory_space<hbm>>
      tpu.enqueue_dma source(%dma_start3A_41 : memref<40x125xi32, #tpu.memory_space<hbm>>) target(%arg8 : memref<40x125xi32, #tpu.memory_space<vmem>>) target_semaphore(%run_scoped3A : memref<!tpu.dma_semaphore, #tpu.memory_space<semaphore_mem>>)
      %dma_wait3A_42 = arith.constant 40 : i32
      %dma_wait3A_43 = arith.constant 0 : i32
      %dma_wait3A_44 = tpu.memref_slice %arg3[%arg0, %arg1, %dma_wait3A_42, %dma_wait3A_43] : memref<2x16x80x125xi32, #tpu.memory_space<hbm>> -> memref<1x1x40x125xi32, #tpu.memory_space<hbm>>
      %dma_wait3A_45 = tpu.memref_squeeze %dma_wait3A_44 : memref<1x1x40x125xi32, #tpu.memory_space<hbm>> -> memref<40x125xi32, #tpu.memory_space<hbm>>
      %dma_wait3A_46 = arith.constant 40 : i32
      %dma_wait3A_47 = arith.constant 0 : i32
      %dma_wait3A_48 = tpu.memref_slice %arg3[%arg0, %arg1, %dma_wait3A_46, %dma_wait3A_47] : memref<2x16x80x125xi32, #tpu.memory_space<hbm>> -> memref<1x1x40x125xi32, #tpu.memory_space<hbm>>
      %dma_wait3A_49 = tpu.memref_squeeze %dma_wait3A_48 : memref<1x1x40x125xi32, #tpu.memory_space<hbm>> -> memref<40x125xi32, #tpu.memory_space<hbm>>
      tpu.wait_dma2 semaphore(%run_scoped3A : memref<!tpu.dma_semaphore, #tpu.memory_space<semaphore_mem>>) src(%dma_wait3A_49 : memref<40x125xi32, #tpu.memory_space<hbm>>) dst(%arg8 : memref<40x125xi32, #tpu.memory_space<vmem>>)
      tpu.yield
    }) : () -> ()
    "tpu.region"() ({
      %run_scoped3A = tpu.sem_alloc : memref<!tpu.dma_semaphore, #tpu.memory_space<semaphore_mem>>
      %dma_start3A_34 = arith.constant 40 : i32
      %dma_start3A_35 = arith.constant 0 : i32
      %dma_start3A_36 = tpu.memref_slice %arg4[%arg0, %arg1, %dma_start3A_34, %dma_start3A_35] : memref<2x16x80x125xi32, #tpu.memory_space<hbm>> -> memref<1x1x40x125xi32, #tpu.memory_space<hbm>>
      %dma_start3A_37 = tpu.memref_squeeze %dma_start3A_36 : memref<1x1x40x125xi32, #tpu.memory_space<hbm>> -> memref<40x125xi32, #tpu.memory_space<hbm>>
      %dma_start3A_38 = arith.constant 40 : i32
      %dma_start3A_39 = arith.constant 0 : i32
      %dma_start3A_40 = tpu.memref_slice %arg4[%arg0, %arg1, %dma_start3A_38, %dma_start3A_39] : memref<2x16x80x125xi32, #tpu.memory_space<hbm>> -> memref<1x1x40x125xi32, #tpu.memory_space<hbm>>
      %dma_start3A_41 = tpu.memref_squeeze %dma_start3A_40 : memref<1x1x40x125xi32, #tpu.memory_space<hbm>> -> memref<40x125xi32, #tpu.memory_space<hbm>>
      tpu.enqueue_dma source(%dma_start3A_41 : memref<40x125xi32, #tpu.memory_space<hbm>>) target(%arg9 : memref<40x125xi32, #tpu.memory_space<vmem>>) target_semaphore(%run_scoped3A : memref<!tpu.dma_semaphore, #tpu.memory_space<semaphore_mem>>)
      %dma_wait3A_42 = arith.constant 40 : i32
      %dma_wait3A_43 = arith.constant 0 : i32
      %dma_wait3A_44 = tpu.memref_slice %arg4[%arg0, %arg1, %dma_wait3A_42, %dma_wait3A_43] : memref<2x16x80x125xi32, #tpu.memory_space<hbm>> -> memref<1x1x40x125xi32, #tpu.memory_space<hbm>>
      %dma_wait3A_45 = tpu.memref_squeeze %dma_wait3A_44 : memref<1x1x40x125xi32, #tpu.memory_space<hbm>> -> memref<40x125xi32, #tpu.memory_space<hbm>>
      %dma_wait3A_46 = arith.constant 40 : i32
      %dma_wait3A_47 = arith.constant 0 : i32
      %dma_wait3A_48 = tpu.memref_slice %arg4[%arg0, %arg1, %dma_wait3A_46, %dma_wait3A_47] : memref<2x16x80x125xi32, #tpu.memory_space<hbm>> -> memref<1x1x40x125xi32, #tpu.memory_space<hbm>>
      %dma_wait3A_49 = tpu.memref_squeeze %dma_wait3A_48 : memref<1x1x40x125xi32, #tpu.memory_space<hbm>> -> memref<40x125xi32, #tpu.memory_space<hbm>>
      tpu.wait_dma2 semaphore(%run_scoped3A : memref<!tpu.dma_semaphore, #tpu.memory_space<semaphore_mem>>) src(%dma_wait3A_49 : memref<40x125xi32, #tpu.memory_space<hbm>>) dst(%arg9 : memref<40x125xi32, #tpu.memory_space<vmem>>)
      tpu.yield
    }) : () -> ()
    %dma_start3A_21 = arith.constant 0 : i32
    %dma_start3A_22 = arith.constant 0 : i32
    %dma_start3A_23 = tpu.memref_slice %arg8[%dma_start3A_21, %dma_start3A_22] : memref<40x125xi32, #tpu.memory_space<vmem>> -> memref<1x125xi32, #tpu.memory_space<vmem>>
    %dma_start3A_24 = tpu.memref_squeeze %dma_start3A_23 : memref<1x125xi32, #tpu.memory_space<vmem>> -> memref<125xi32, #tpu.memory_space<vmem>>
    %dma_start3A_25 = arith.constant 0 : i32
    %dma_start3A_26 = arith.constant 0 : i32
    %dma_start3A_27 = tpu.memref_slice %arg2[%dma_start3A_25, %dma_start3A_26] : memref<10240x128xf32, #tpu.memory_space<hbm>> -> memref<10240x128xf32, #tpu.memory_space<hbm>>
    tpu.enqueue_indirect_dma source(%dma_start3A_27 : memref<10240x128xf32, #tpu.memory_space<hbm>>) target(%arg10 : memref<125x128xf32, #tpu.memory_space<vmem>>) offsets(%dma_start3A_24 : memref<125xi32, #tpu.memory_space<vmem>>) semaphore(%arg13 : memref<!tpu.dma_semaphore, #tpu.memory_space<semaphore_mem>>)
    %scan3A_28 = arith.constant 0 : i32
    %scan3A_29 = arith.constant 20 : i32
    %scan3A_30 = arith.addi %scan3A_28, %scan3A_29 : i32
    %scan3A_31 = arith.constant 1 : i32
    scf.for %scan3A_34 = %scan3A_28 to %scan3A_30 step %scan3A_31  : i32 {
      %mul3A_35 = arith.constant 2 : i32
      %mul3A_36 = arith.muli %scan3A_34, %mul3A_35 : i32
      %add3A = arith.constant 0 : i32
      %add3A_37 = arith.addi %add3A, %mul3A_36 : i32
      %add3A_38 = arith.constant 1 : i32
      %add3A_39 = arith.addi %add3A_37, %add3A_38 : i32
      %dma_start3A_40 = arith.constant 0 : i32
      %dma_start3A_41 = tpu.memref_slice %arg8[%add3A_39, %dma_start3A_40] : memref<40x125xi32, #tpu.memory_space<vmem>> -> memref<1x125xi32, #tpu.memory_space<vmem>>
      %dma_start3A_42 = tpu.memref_squeeze %dma_start3A_41 : memref<1x125xi32, #tpu.memory_space<vmem>> -> memref<125xi32, #tpu.memory_space<vmem>>
      %dma_start3A_43 = arith.constant 0 : i32
      %dma_start3A_44 = arith.constant 0 : i32
      %dma_start3A_45 = tpu.memref_slice %arg2[%dma_start3A_43, %dma_start3A_44] : memref<10240x128xf32, #tpu.memory_space<hbm>> -> memref<10240x128xf32, #tpu.memory_space<hbm>>
      tpu.enqueue_indirect_dma source(%dma_start3A_45 : memref<10240x128xf32, #tpu.memory_space<hbm>>) target(%arg11 : memref<125x128xf32, #tpu.memory_space<vmem>>) offsets(%dma_start3A_42 : memref<125xi32, #tpu.memory_space<vmem>>) semaphore(%arg14 : memref<!tpu.dma_semaphore, #tpu.memory_space<semaphore_mem>>)
      tpu.wait_dma2 semaphore(%arg13 : memref<!tpu.dma_semaphore, #tpu.memory_space<semaphore_mem>>) src(%arg6 : memref<125x128xf32, #tpu.memory_space<hbm>>) dst(%arg10 : memref<125x128xf32, #tpu.memory_space<vmem>>)
      "tpu.region"() ({
        %run_scoped3A = tpu.sem_alloc : memref<!tpu.dma_semaphore, #tpu.memory_space<semaphore_mem>>
        %dma_start3A_54 = arith.constant 0 : i32
        %dma_start3A_55 = tpu.memref_slice %arg9[%add3A_37, %dma_start3A_54] : memref<40x125xi32, #tpu.memory_space<vmem>> -> memref<1x125xi32, #tpu.memory_space<vmem>>
        %dma_start3A_56 = tpu.memref_squeeze %dma_start3A_55 : memref<1x125xi32, #tpu.memory_space<vmem>> -> memref<125xi32, #tpu.memory_space<vmem>>
        %dma_start3A_57 = arith.constant 0 : i32
        %dma_start3A_58 = arith.constant 0 : i32
        %dma_start3A_59 = tpu.memref_slice %arg12[%dma_start3A_57, %dma_start3A_58] : memref<10240x128xf32, #tpu.memory_space<vmem_shared>> -> memref<10240x128xf32, #tpu.memory_space<vmem_shared>>
        tpu.enqueue_indirect_dma source(%arg10 : memref<125x128xf32, #tpu.memory_space<vmem>>) target(%dma_start3A_59 : memref<10240x128xf32, #tpu.memory_space<vmem_shared>>) offsets(%dma_start3A_56 : memref<125xi32, #tpu.memory_space<vmem>>) semaphore(%run_scoped3A : memref<!tpu.dma_semaphore, #tpu.memory_space<semaphore_mem>>) {add = true}
        %dma_wait3A_60 = arith.constant 0 : i32
        %dma_wait3A_61 = tpu.memref_slice %arg9[%add3A_37, %dma_wait3A_60] : memref<40x125xi32, #tpu.memory_space<vmem>> -> memref<1x125xi32, #tpu.memory_space<vmem>>
        %dma_wait3A_62 = tpu.memref_squeeze %dma_wait3A_61 : memref<1x125xi32, #tpu.memory_space<vmem>> -> memref<125xi32, #tpu.memory_space<vmem>>
        %dma_wait3A_63 = arith.constant 0 : i32
        %dma_wait3A_64 = arith.constant 0 : i32
        %dma_wait3A_65 = tpu.memref_slice %arg12[%dma_wait3A_63, %dma_wait3A_64] : memref<10240x128xf32, #tpu.memory_space<vmem_shared>> -> memref<10240x128xf32, #tpu.memory_space<vmem_shared>>
        tpu.wait_indirect_dma semaphore(%run_scoped3A : memref<!tpu.dma_semaphore, #tpu.memory_space<semaphore_mem>>) src(%arg10 : memref<125x128xf32, #tpu.memory_space<vmem>>) dst(%dma_wait3A_65 : memref<10240x128xf32, #tpu.memory_space<vmem_shared>>)
        tpu.yield
      }) : () -> ()
      %add3A_46 = arith.constant 2 : i32
      %add3A_47 = arith.addi %add3A_37, %add3A_46 : i32
      %lt3A = arith.constant 40 : i32
      %lt3A_48 = arith.cmpi slt, %add3A_47, %lt3A : i32
      %convert_element_type3A_49 = arith.extui %lt3A_48 : i1 to i32
      %cond3A_50 = arith.constant 0 : i32
      %cond3A_51 = arith.cmpi ne, %convert_element_type3A_49, %cond3A_50 : i32
      scf.if %cond3A_51 {
        %add3A_54 = arith.constant 2 : i32
        %add3A_55 = arith.addi %add3A_37, %add3A_54 : i32
        %dma_start3A_56 = arith.constant 0 : i32
        %dma_start3A_57 = tpu.memref_slice %arg8[%add3A_55, %dma_start3A_56] : memref<40x125xi32, #tpu.memory_space<vmem>> -> memref<1x125xi32, #tpu.memory_space<vmem>>
        %dma_start3A_58 = tpu.memref_squeeze %dma_start3A_57 : memref<1x125xi32, #tpu.memory_space<vmem>> -> memref<125xi32, #tpu.memory_space<vmem>>
        %dma_start3A_59 = arith.constant 0 : i32
        %dma_start3A_60 = arith.constant 0 : i32
        %dma_start3A_61 = tpu.memref_slice %arg2[%dma_start3A_59, %dma_start3A_60] : memref<10240x128xf32, #tpu.memory_space<hbm>> -> memref<10240x128xf32, #tpu.memory_space<hbm>>
        tpu.enqueue_indirect_dma source(%dma_start3A_61 : memref<10240x128xf32, #tpu.memory_space<hbm>>) target(%arg10 : memref<125x128xf32, #tpu.memory_space<vmem>>) offsets(%dma_start3A_58 : memref<125xi32, #tpu.memory_space<vmem>>) semaphore(%arg13 : memref<!tpu.dma_semaphore, #tpu.memory_space<semaphore_mem>>)
      } else {
      }
      tpu.wait_dma2 semaphore(%arg14 : memref<!tpu.dma_semaphore, #tpu.memory_space<semaphore_mem>>) src(%arg6 : memref<125x128xf32, #tpu.memory_space<hbm>>) dst(%arg11 : memref<125x128xf32, #tpu.memory_space<vmem>>)
      %add3A_52 = arith.constant 1 : i32
      %add3A_53 = arith.addi %add3A_37, %add3A_52 : i32
      "tpu.region"() ({
        %run_scoped3A = tpu.sem_alloc : memref<!tpu.dma_semaphore, #tpu.memory_space<semaphore_mem>>
        %dma_start3A_54 = arith.constant 0 : i32
        %dma_start3A_55 = tpu.memref_slice %arg9[%add3A_53, %dma_start3A_54] : memref<40x125xi32, #tpu.memory_space<vmem>> -> memref<1x125xi32, #tpu.memory_space<vmem>>
        %dma_start3A_56 = tpu.memref_squeeze %dma_start3A_55 : memref<1x125xi32, #tpu.memory_space<vmem>> -> memref<125xi32, #tpu.memory_space<vmem>>
        %dma_start3A_57 = arith.constant 0 : i32
        %dma_start3A_58 = arith.constant 0 : i32
        %dma_start3A_59 = tpu.memref_slice %arg12[%dma_start3A_57, %dma_start3A_58] : memref<10240x128xf32, #tpu.memory_space<vmem_shared>> -> memref<10240x128xf32, #tpu.memory_space<vmem_shared>>
        tpu.enqueue_indirect_dma source(%arg11 : memref<125x128xf32, #tpu.memory_space<vmem>>) target(%dma_start3A_59 : memref<10240x128xf32, #tpu.memory_space<vmem_shared>>) offsets(%dma_start3A_56 : memref<125xi32, #tpu.memory_space<vmem>>) semaphore(%run_scoped3A : memref<!tpu.dma_semaphore, #tpu.memory_space<semaphore_mem>>) {add = true}
        %dma_wait3A_60 = arith.constant 0 : i32
        %dma_wait3A_61 = tpu.memref_slice %arg9[%add3A_53, %dma_wait3A_60] : memref<40x125xi32, #tpu.memory_space<vmem>> -> memref<1x125xi32, #tpu.memory_space<vmem>>
        %dma_wait3A_62 = tpu.memref_squeeze %dma_wait3A_61 : memref<1x125xi32, #tpu.memory_space<vmem>> -> memref<125xi32, #tpu.memory_space<vmem>>
        %dma_wait3A_63 = arith.constant 0 : i32
        %dma_wait3A_64 = arith.constant 0 : i32
        %dma_wait3A_65 = tpu.memref_slice %arg12[%dma_wait3A_63, %dma_wait3A_64] : memref<10240x128xf32, #tpu.memory_space<vmem_shared>> -> memref<10240x128xf32, #tpu.memory_space<vmem_shared>>
        tpu.wait_indirect_dma semaphore(%run_scoped3A : memref<!tpu.dma_semaphore, #tpu.memory_space<semaphore_mem>>) src(%arg11 : memref<125x128xf32, #tpu.memory_space<vmem>>) dst(%dma_wait3A_65 : memref<10240x128xf32, #tpu.memory_space<vmem_shared>>)
        tpu.yield
      }) : () -> ()
    }
    %scan3A_32 = arith.constant 20 : i32
    %barrier3A_33 = arith.constant 0 : index
    tpu.barrier barrier_id(%barrier3A_33)
    "tpu.region"() ({
      %run_scoped3A = tpu.sem_alloc : memref<!tpu.dma_semaphore, #tpu.memory_space<semaphore_mem>>
      %dma_start3A_34 = arith.constant 0 : i32
      %dma_start3A_35 = tpu.memref_slice %arg7[%arg0, %mul3A_0, %dma_start3A_34] : memref<2x10240x128xf32, #tpu.memory_space<hbm>> -> memref<1x640x128xf32, #tpu.memory_space<hbm>>
      %dma_start3A_36 = tpu.memref_squeeze %dma_start3A_35 : memref<1x640x128xf32, #tpu.memory_space<hbm>> -> memref<640x128xf32, #tpu.memory_space<hbm>>
      %dma_start3A_37 = arith.constant 0 : i32
      %dma_start3A_38 = tpu.memref_slice %arg12[%mul3A_0, %dma_start3A_37] : memref<10240x128xf32, #tpu.memory_space<vmem_shared>> -> memref<640x128xf32, #tpu.memory_space<vmem_shared>>
      tpu.enqueue_dma source(%dma_start3A_38 : memref<640x128xf32, #tpu.memory_space<vmem_shared>>) target(%dma_start3A_36 : memref<640x128xf32, #tpu.memory_space<hbm>>) target_semaphore(%run_scoped3A : memref<!tpu.dma_semaphore, #tpu.memory_space<semaphore_mem>>)
      %dma_wait3A_39 = arith.constant 0 : i32
      %dma_wait3A_40 = tpu.memref_slice %arg7[%arg0, %mul3A_0, %dma_wait3A_39] : memref<2x10240x128xf32, #tpu.memory_space<hbm>> -> memref<1x640x128xf32, #tpu.memory_space<hbm>>
      %dma_wait3A_41 = tpu.memref_squeeze %dma_wait3A_40 : memref<1x640x128xf32, #tpu.memory_space<hbm>> -> memref<640x128xf32, #tpu.memory_space<hbm>>
      %dma_wait3A_42 = arith.constant 0 : i32
      %dma_wait3A_43 = tpu.memref_slice %arg12[%mul3A_0, %dma_wait3A_42] : memref<10240x128xf32, #tpu.memory_space<vmem_shared>> -> memref<640x128xf32, #tpu.memory_space<vmem_shared>>
      tpu.wait_dma2 semaphore(%run_scoped3A : memref<!tpu.dma_semaphore, #tpu.memory_space<semaphore_mem>>) src(%dma_wait3A_43 : memref<640x128xf32, #tpu.memory_space<vmem_shared>>) dst(%dma_wait3A_41 : memref<640x128xf32, #tpu.memory_space<hbm>>)
      tpu.yield
    }) : () -> ()
    return
  }
}

#map = affine_map<(d0, d1) -> (0, 0)>
#map1 = affine_map<(d0, d1) -> (0, 0, 0, 0)>
#map2 = affine_map<(d0, d1) -> (0, 0, 0)>
module attributes {stable_mosaic.version = 14 : i64} {
  func.func @k(%arg0: i32, %arg1: i32, %arg2: memref<10240x128xf32, #tpu.memory_space<hbm>>, %arg3: memref<2x16x80x125xi32, #tpu.memory_space<hbm>>, %arg4: memref<2x16x80x125xi32, #tpu.memory_space<hbm>>, %arg5: memref<10240x128xf32, #tpu.memory_space<hbm>>, %arg6: memref<125x128xf32, #tpu.memory_space<hbm>>, %arg7: memref<2x10240x128xf32, #tpu.memory_space<hbm>>, %arg8: memref<40x125xi32, #tpu.memory_space<vmem>>, %arg9: memref<40x125xi32, #tpu.memory_space<vmem>>, %arg10: memref<125x128xf32, #tpu.memory_space<vmem>>, %arg11: memref<125x128xf32, #tpu.memory_space<vmem>>, %arg12: memref<10240x128xf32, #tpu.memory_space<vmem_shared>>, %arg13: memref<!tpu.dma_semaphore, #tpu.memory_space<semaphore_mem>>, %arg14: memref<!tpu.dma_semaphore, #tpu.memory_space<semaphore_mem>>, %arg15: memref<!tpu.dma_semaphore, #tpu.memory_space<semaphore_mem>>) attributes {dimension_semantics = [#tpu.dimension_semantics<core_parallel>, #tpu.dimension_semantics<subcore_parallel>], iteration_bounds = array<i64: 2, 16>, scalar_prefetch = 0 : i64, scratch_operands = 8 : i64, tpu.core_type = #tpu.core_type<sc_vector_subcore>, window_params = [{transform_indices = #map}, {transform_indices = #map1}, {transform_indices = #map1}, {transform_indices = #map}, {transform_indices = #map}, {transform_indices = #map2}]} {
    %mul3A = arith.constant 640 : i32
    %mul3A_0 = arith.muli %arg1, %mul3A : i32
    %eq3A = arith.constant 0 : i32
    %eq3A_1 = arith.cmpi eq, %arg0, %eq3A : i32
    %convert_element_type3A = arith.extui %eq3A_1 : i1 to i32
    %cond3A = arith.constant 0 : i32
    %cond3A_2 = arith.cmpi ne, %convert_element_type3A, %cond3A : i32
    scf.if %cond3A_2 {
      %dma_start3A_34 = arith.constant 0 : i32
      %dma_start3A_35 = tpu.memref_slice %arg12[%mul3A_0, %dma_start3A_34] : memref<10240x128xf32, #tpu.memory_space<vmem_shared>> -> memref<640x128xf32, #tpu.memory_space<vmem_shared>>
      %dma_start3A_36 = arith.constant 0 : i32
      %dma_start3A_37 = tpu.memref_slice %arg2[%mul3A_0, %dma_start3A_36] : memref<10240x128xf32, #tpu.memory_space<hbm>> -> memref<640x128xf32, #tpu.memory_space<hbm>>
      tpu.enqueue_dma source(%dma_start3A_37 : memref<640x128xf32, #tpu.memory_space<hbm>>) target(%dma_start3A_35 : memref<640x128xf32, #tpu.memory_space<vmem_shared>>) target_semaphore(%arg15 : memref<!tpu.dma_semaphore, #tpu.memory_space<semaphore_mem>>)
    } else {
    }
    %eq3A_3 = arith.constant 1 : i32
    %eq3A_4 = arith.cmpi eq, %arg0, %eq3A_3 : i32
    %convert_element_type3A_5 = arith.extui %eq3A_4 : i1 to i32
    %cond3A_6 = arith.constant 0 : i32
    %cond3A_7 = arith.cmpi ne, %convert_element_type3A_5, %cond3A_6 : i32
    scf.if %cond3A_7 {
      %dma_start3A_34 = arith.constant 0 : i32
      %dma_start3A_35 = tpu.memref_slice %arg12[%mul3A_0, %dma_start3A_34] : memref<10240x128xf32, #tpu.memory_space<vmem_shared>> -> memref<640x128xf32, #tpu.memory_space<vmem_shared>>
      %dma_start3A_36 = arith.constant 0 : i32
      %dma_start3A_37 = tpu.memref_slice %arg5[%mul3A_0, %dma_start3A_36] : memref<10240x128xf32, #tpu.memory_space<hbm>> -> memref<640x128xf32, #tpu.memory_space<hbm>>
      tpu.enqueue_dma source(%dma_start3A_37 : memref<640x128xf32, #tpu.memory_space<hbm>>) target(%dma_start3A_35 : memref<640x128xf32, #tpu.memory_space<vmem_shared>>) target_semaphore(%arg15 : memref<!tpu.dma_semaphore, #tpu.memory_space<semaphore_mem>>)
    } else {
    }
    "tpu.region"() ({
      %run_scoped3A = tpu.sem_alloc : memref<!tpu.dma_semaphore, #tpu.memory_space<semaphore_mem>>
      %dma_start3A_34 = arith.constant 0 : i32
      %dma_start3A_35 = arith.constant 0 : i32
      %dma_start3A_36 = tpu.memref_slice %arg3[%arg0, %arg1, %dma_start3A_34, %dma_start3A_35] : memref<2x16x80x125xi32, #tpu.memory_space<hbm>> -> memref<1x1x40x125xi32, #tpu.memory_space<hbm>>
      %dma_start3A_37 = tpu.memref_squeeze %dma_start3A_36 : memref<1x1x40x125xi32, #tpu.memory_space<hbm>> -> memref<40x125xi32, #tpu.memory_space<hbm>>
      %dma_start3A_38 = arith.constant 0 : i32
      %dma_start3A_39 = arith.constant 0 : i32
      %dma_start3A_40 = tpu.memref_slice %arg3[%arg0, %arg1, %dma_start3A_38, %dma_start3A_39] : memref<2x16x80x125xi32, #tpu.memory_space<hbm>> -> memref<1x1x40x125xi32, #tpu.memory_space<hbm>>
      %dma_start3A_41 = tpu.memref_squeeze %dma_start3A_40 : memref<1x1x40x125xi32, #tpu.memory_space<hbm>> -> memref<40x125xi32, #tpu.memory_space<hbm>>
      tpu.enqueue_dma source(%dma_start3A_41 : memref<40x125xi32, #tpu.memory_space<hbm>>) target(%arg8 : memref<40x125xi32, #tpu.memory_space<vmem>>) target_semaphore(%run_scoped3A : memref<!tpu.dma_semaphore, #tpu.memory_space<semaphore_mem>>)
      %dma_wait3A_42 = arith.constant 0 : i32
      %dma_wait3A_43 = arith.constant 0 : i32
      %dma_wait3A_44 = tpu.memref_slice %arg3[%arg0, %arg1, %dma_wait3A_42, %dma_wait3A_43] : memref<2x16x80x125xi32, #tpu.memory_space<hbm>> -> memref<1x1x40x125xi32, #tpu.memory_space<hbm>>
      %dma_wait3A_45 = tpu.memref_squeeze %dma_wait3A_44 : memref<1x1x40x125xi32, #tpu.memory_space<hbm>> -> memref<40x125xi32, #tpu.memory_space<hbm>>
      %dma_wait3A_46 = arith.constant 0 : i32
      %dma_wait3A_47 = arith.constant 0 : i32
      %dma_wait3A_48 = tpu.memref_slice %arg3[%arg0, %arg1, %dma_wait3A_46, %dma_wait3A_47] : memref<2x16x80x125xi32, #tpu.memory_space<hbm>> -> memref<1x1x40x125xi32, #tpu.memory_space<hbm>>
      %dma_wait3A_49 = tpu.memref_squeeze %dma_wait3A_48 : memref<1x1x40x125xi32, #tpu.memory_space<hbm>> -> memref<40x125xi32, #tpu.memory_space<hbm>>
      tpu.wait_dma2 semaphore(%run_scoped3A : memref<!tpu.dma_semaphore, #tpu.memory_space<semaphore_mem>>) src(%dma_wait3A_49 : memref<40x125xi32, #tpu.memory_space<hbm>>) dst(%arg8 : memref<40x125xi32, #tpu.memory_space<vmem>>)
      tpu.yield
    }) : () -> ()
    "tpu.region"() ({
      %run_scoped3A = tpu.sem_alloc : memref<!tpu.dma_semaphore, #tpu.memory_space<semaphore_mem>>
      %dma_start3A_34 = arith.constant 0 : i32
      %dma_start3A_35 = arith.constant 0 : i32
      %dma_start3A_36 = tpu.memref_slice %arg4[%arg0, %arg1, %dma_start3A_34, %dma_start3A_35] : memref<2x16x80x125xi32, #tpu.memory_space<hbm>> -> memref<1x1x40x125xi32, #tpu.memory_space<hbm>>
      %dma_start3A_37 = tpu.memref_squeeze %dma_start3A_36 : memref<1x1x40x125xi32, #tpu.memory_space<hbm>> -> memref<40x125xi32, #tpu.memory_space<hbm>>
      %dma_start3A_38 = arith.constant 0 : i32
      %dma_start3A_39 = arith.constant 0 : i32
      %dma_start3A_40 = tpu.memref_slice %arg4[%arg0, %arg1, %dma_start3A_38, %dma_start3A_39] : memref<2x16x80x125xi32, #tpu.memory_space<hbm>> -> memref<1x1x40x125xi32, #tpu.memory_space<hbm>>
      %dma_start3A_41 = tpu.memref_squeeze %dma_start3A_40 : memref<1x1x40x125xi32, #tpu.memory_space<hbm>> -> memref<40x125xi32, #tpu.memory_space<hbm>>
      tpu.enqueue_dma source(%dma_start3A_41 : memref<40x125xi32, #tpu.memory_space<hbm>>) target(%arg9 : memref<40x125xi32, #tpu.memory_space<vmem>>) target_semaphore(%run_scoped3A : memref<!tpu.dma_semaphore, #tpu.memory_space<semaphore_mem>>)
      %dma_wait3A_42 = arith.constant 0 : i32
      %dma_wait3A_43 = arith.constant 0 : i32
      %dma_wait3A_44 = tpu.memref_slice %arg4[%arg0, %arg1, %dma_wait3A_42, %dma_wait3A_43] : memref<2x16x80x125xi32, #tpu.memory_space<hbm>> -> memref<1x1x40x125xi32, #tpu.memory_space<hbm>>
      %dma_wait3A_45 = tpu.memref_squeeze %dma_wait3A_44 : memref<1x1x40x125xi32, #tpu.memory_space<hbm>> -> memref<40x125xi32, #tpu.memory_space<hbm>>
      %dma_wait3A_46 = arith.constant 0 : i32
      %dma_wait3A_47 = arith.constant 0 : i32
      %dma_wait3A_48 = tpu.memref_slice %arg4[%arg0, %arg1, %dma_wait3A_46, %dma_wait3A_47] : memref<2x16x80x125xi32, #tpu.memory_space<hbm>> -> memref<1x1x40x125xi32, #tpu.memory_space<hbm>>
      %dma_wait3A_49 = tpu.memref_squeeze %dma_wait3A_48 : memref<1x1x40x125xi32, #tpu.memory_space<hbm>> -> memref<40x125xi32, #tpu.memory_space<hbm>>
      tpu.wait_dma2 semaphore(%run_scoped3A : memref<!tpu.dma_semaphore, #tpu.memory_space<semaphore_mem>>) src(%dma_wait3A_49 : memref<40x125xi32, #tpu.memory_space<hbm>>) dst(%arg9 : memref<40x125xi32, #tpu.memory_space<vmem>>)
      tpu.yield
    }) : () -> ()
    %dma_wait3A = arith.constant 0 : i32
    %dma_wait3A_8 = tpu.memref_slice %arg12[%mul3A_0, %dma_wait3A] : memref<10240x128xf32, #tpu.memory_space<vmem_shared>> -> memref<640x128xf32, #tpu.memory_space<vmem_shared>>
    %dma_wait3A_9 = arith.constant 0 : i32
    %dma_wait3A_10 = tpu.memref_slice %arg5[%mul3A_0, %dma_wait3A_9] : memref<10240x128xf32, #tpu.memory_space<hbm>> -> memref<640x128xf32, #tpu.memory_space<hbm>>
    tpu.wait_dma2 semaphore(%arg15 : memref<!tpu.dma_semaphore, #tpu.memory_space<semaphore_mem>>) src(%dma_wait3A_10 : memref<640x128xf32, #tpu.memory_space<hbm>>) dst(%dma_wait3A_8 : memref<640x128xf32, #tpu.memory_space<vmem_shared>>)
    %barrier3A = arith.constant 0 : index
    tpu.barrier barrier_id(%barrier3A)
    %dma_start3A = arith.constant 0 : i32
    %dma_start3A_11 = arith.constant 0 : i32
    %dma_start3A_12 = tpu.memref_slice %arg8[%dma_start3A, %dma_start3A_11] : memref<40x125xi32, #tpu.memory_space<vmem>> -> memref<1x125xi32, #tpu.memory_space<vmem>>
    %dma_start3A_13 = tpu.memref_squeeze %dma_start3A_12 : memref<1x125xi32, #tpu.memory_space<vmem>> -> memref<125xi32, #tpu.memory_space<vmem>>
    %dma_start3A_14 = arith.constant 0 : i32
    %dma_start3A_15 = arith.constant 0 : i32
    %dma_start3A_16 = tpu.memref_slice %arg2[%dma_start3A_14, %dma_start3A_15] : memref<10240x128xf32, #tpu.memory_space<hbm>> -> memref<10240x128xf32, #tpu.memory_space<hbm>>
    tpu.enqueue_indirect_dma source(%dma_start3A_16 : memref<10240x128xf32, #tpu.memory_space<hbm>>) target(%arg10 : memref<125x128xf32, #tpu.memory_space<vmem>>) offsets(%dma_start3A_13 : memref<125xi32, #tpu.memory_space<vmem>>) semaphore(%arg13 : memref<!tpu.dma_semaphore, #tpu.memory_space<semaphore_mem>>)
    %scan3A = arith.constant 0 : i32
    %scan3A_17 = arith.constant 20 : i32
    %scan3A_18 = arith.addi %scan3A, %scan3A_17 : i32
    %scan3A_19 = arith.constant 1 : i32
    scf.for %scan3A_34 = %scan3A to %scan3A_18 step %scan3A_19  : i32 {
      %mul3A_35 = arith.constant 2 : i32
      %mul3A_36 = arith.muli %scan3A_34, %mul3A_35 : i32
      %add3A = arith.constant 0 : i32
      %add3A_37 = arith.addi %add3A, %mul3A_36 : i32
      %add3A_38 = arith.constant 1 : i32
      %add3A_39 = arith.addi %add3A_37, %add3A_38 : i32
      %dma_start3A_40 = arith.constant 0 : i32
      %dma_start3A_41 = tpu.memref_slice %arg8[%add3A_39, %dma_start3A_40] : memref<40x125xi32, #tpu.memory_space<vmem>> -> memref<1x125xi32, #tpu.memory_space<vmem>>
      %dma_start3A_42 = tpu.memref_squeeze %dma_start3A_41 : memref<1x125xi32, #tpu.memory_space<vmem>> -> memref<125xi32, #tpu.memory_space<vmem>>
      %dma_start3A_43 = arith.constant 0 : i32
      %dma_start3A_44 = arith.constant 0 : i32
      %dma_start3A_45 = tpu.memref_slice %arg2[%dma_start3A_43, %dma_start3A_44] : memref<10240x128xf32, #tpu.memory_space<hbm>> -> memref<10240x128xf32, #tpu.memory_space<hbm>>
      tpu.enqueue_indirect_dma source(%dma_start3A_45 : memref<10240x128xf32, #tpu.memory_space<hbm>>) target(%arg11 : memref<125x128xf32, #tpu.memory_space<vmem>>) offsets(%dma_start3A_42 : memref<125xi32, #tpu.memory_space<vmem>>) semaphore(%arg14 : memref<!tpu.dma_semaphore, #tpu.memory_space<semaphore_mem>>)
      tpu.wait_dma2 semaphore(%arg13 : memref<!tpu.dma_semaphore, #tpu.memory_space<semaphore_mem>>) src(%arg6 : memref<125x128xf32, #tpu.memory_space<hbm>>) dst(%arg10 : memref<125x128xf32, #tpu.memory_space<vmem>>)
      "tpu.region"() ({
        %run_scoped3A = tpu.sem_alloc : memref<!tpu.dma_semaphore, #tpu.memory_space<semaphore_mem>>
        %dma_start3A_54 = arith.constant 0 : i32
        %dma_start3A_55 = tpu.memref_slice %arg9[%add3A_37, %dma_start3A_54] : memref<40x125xi32, #tpu.memory_space<vmem>> -> memref<1x125xi32, #tpu.memory_space<vmem>>
        %dma_start3A_56 = tpu.memref_squeeze %dma_start3A_55 : memref<1x125xi32, #tpu.memory_space<vmem>> -> memref<125xi32, #tpu.memory_space<vmem>>
        %dma_start3A_57 = arith.constant 0 : i32
        %dma_start3A_58 = arith.constant 0 : i32
        %dma_start3A_59 = tpu.memref_slice %arg12[%dma_start3A_57, %dma_start3A_58] : memref<10240x128xf32, #tpu.memory_space<vmem_shared>> -> memref<10240x128xf32, #tpu.memory_space<vmem_shared>>
        tpu.enqueue_indirect_dma source(%arg10 : memref<125x128xf32, #tpu.memory_space<vmem>>) target(%dma_start3A_59 : memref<10240x128xf32, #tpu.memory_space<vmem_shared>>) offsets(%dma_start3A_56 : memref<125xi32, #tpu.memory_space<vmem>>) semaphore(%run_scoped3A : memref<!tpu.dma_semaphore, #tpu.memory_space<semaphore_mem>>) {add = true}
        %dma_wait3A_60 = arith.constant 0 : i32
        %dma_wait3A_61 = tpu.memref_slice %arg9[%add3A_37, %dma_wait3A_60] : memref<40x125xi32, #tpu.memory_space<vmem>> -> memref<1x125xi32, #tpu.memory_space<vmem>>
        %dma_wait3A_62 = tpu.memref_squeeze %dma_wait3A_61 : memref<1x125xi32, #tpu.memory_space<vmem>> -> memref<125xi32, #tpu.memory_space<vmem>>
        %dma_wait3A_63 = arith.constant 0 : i32
        %dma_wait3A_64 = arith.constant 0 : i32
        %dma_wait3A_65 = tpu.memref_slice %arg12[%dma_wait3A_63, %dma_wait3A_64] : memref<10240x128xf32, #tpu.memory_space<vmem_shared>> -> memref<10240x128xf32, #tpu.memory_space<vmem_shared>>
        tpu.wait_indirect_dma semaphore(%run_scoped3A : memref<!tpu.dma_semaphore, #tpu.memory_space<semaphore_mem>>) src(%arg10 : memref<125x128xf32, #tpu.memory_space<vmem>>) dst(%dma_wait3A_65 : memref<10240x128xf32, #tpu.memory_space<vmem_shared>>)
        tpu.yield
      }) : () -> ()
      %add3A_46 = arith.constant 2 : i32
      %add3A_47 = arith.addi %add3A_37, %add3A_46 : i32
      %lt3A = arith.constant 40 : i32
      %lt3A_48 = arith.cmpi slt, %add3A_47, %lt3A : i32
      %convert_element_type3A_49 = arith.extui %lt3A_48 : i1 to i32
      %cond3A_50 = arith.constant 0 : i32
      %cond3A_51 = arith.cmpi ne, %convert_element_type3A_49, %cond3A_50 : i32
      scf.if %cond3A_51 {
        %add3A_54 = arith.constant 2 : i32
        %add3A_55 = arith.addi %add3A_37, %add3A_54 : i32
        %dma_start3A_56 = arith.constant 0 : i32
        %dma_start3A_57 = tpu.memref_slice %arg8[%add3A_55, %dma_start3A_56] : memref<40x125xi32, #tpu.memory_space<vmem>> -> memref<1x125xi32, #tpu.memory_space<vmem>>
        %dma_start3A_58 = tpu.memref_squeeze %dma_start3A_57 : memref<1x125xi32, #tpu.memory_space<vmem>> -> memref<125xi32, #tpu.memory_space<vmem>>
        %dma_start3A_59 = arith.constant 0 : i32
        %dma_start3A_60 = arith.constant 0 : i32
        %dma_start3A_61 = tpu.memref_slice %arg2[%dma_start3A_59, %dma_start3A_60] : memref<10240x128xf32, #tpu.memory_space<hbm>> -> memref<10240x128xf32, #tpu.memory_space<hbm>>
        tpu.enqueue_indirect_dma source(%dma_start3A_61 : memref<10240x128xf32, #tpu.memory_space<hbm>>) target(%arg10 : memref<125x128xf32, #tpu.memory_space<vmem>>) offsets(%dma_start3A_58 : memref<125xi32, #tpu.memory_space<vmem>>) semaphore(%arg13 : memref<!tpu.dma_semaphore, #tpu.memory_space<semaphore_mem>>)
      } else {
      }
      tpu.wait_dma2 semaphore(%arg14 : memref<!tpu.dma_semaphore, #tpu.memory_space<semaphore_mem>>) src(%arg6 : memref<125x128xf32, #tpu.memory_space<hbm>>) dst(%arg11 : memref<125x128xf32, #tpu.memory_space<vmem>>)
      %add3A_52 = arith.constant 1 : i32
      %add3A_53 = arith.addi %add3A_37, %add3A_52 : i32
      "tpu.region"() ({
        %run_scoped3A = tpu.sem_alloc : memref<!tpu.dma_semaphore, #tpu.memory_space<semaphore_mem>>
        %dma_start3A_54 = arith.constant 0 : i32
        %dma_start3A_55 = tpu.memref_slice %arg9[%add3A_53, %dma_start3A_54] : memref<40x125xi32, #tpu.memory_space<vmem>> -> memref<1x125xi32, #tpu.memory_space<vmem>>
        %dma_start3A_56 = tpu.memref_squeeze %dma_start3A_55 : memref<1x125xi32, #tpu.memory_space<vmem>> -> memref<125xi32, #tpu.memory_space<vmem>>
        %dma_start3A_57 = arith.constant 0 : i32
        %dma_start3A_58 = arith.constant 0 : i32
        %dma_start3A_59 = tpu.memref_slice %arg12[%dma_start3A_57, %dma_start3A_58] : memref<10240x128xf32, #tpu.memory_space<vmem_shared>> -> memref<10240x128xf32, #tpu.memory_space<vmem_shared>>
        tpu.enqueue_indirect_dma source(%arg11 : memref<125x128xf32, #tpu.memory_space<vmem>>) target(%dma_start3A_59 : memref<10240x128xf32, #tpu.memory_space<vmem_shared>>) offsets(%dma_start3A_56 : memref<125xi32, #tpu.memory_space<vmem>>) semaphore(%run_scoped3A : memref<!tpu.dma_semaphore, #tpu.memory_space<semaphore_mem>>) {add = true}
        %dma_wait3A_60 = arith.constant 0 : i32
        %dma_wait3A_61 = tpu.memref_slice %arg9[%add3A_53, %dma_wait3A_60] : memref<40x125xi32, #tpu.memory_space<vmem>> -> memref<1x125xi32, #tpu.memory_space<vmem>>
        %dma_wait3A_62 = tpu.memref_squeeze %dma_wait3A_61 : memref<1x125xi32, #tpu.memory_space<vmem>> -> memref<125xi32, #tpu.memory_space<vmem>>
        %dma_wait3A_63 = arith.constant 0 : i32
        %dma_wait3A_64 = arith.constant 0 : i32
        %dma_wait3A_65 = tpu.memref_slice %arg12[%dma_wait3A_63, %dma_wait3A_64] : memref<10240x128xf32, #tpu.memory_space<vmem_shared>> -> memref<10240x128xf32, #tpu.memory_space<vmem_shared>>
        tpu.wait_indirect_dma semaphore(%run_scoped3A : memref<!tpu.dma_semaphore, #tpu.memory_space<semaphore_mem>>) src(%arg11 : memref<125x128xf32, #tpu.memory_space<vmem>>) dst(%dma_wait3A_65 : memref<10240x128xf32, #tpu.memory_space<vmem_shared>>)
        tpu.yield
      }) : () -> ()
    }
    %scan3A_20 = arith.constant 20 : i32
    "tpu.region"() ({
      %run_scoped3A = tpu.sem_alloc : memref<!tpu.dma_semaphore, #tpu.memory_space<semaphore_mem>>
      %dma_start3A_34 = arith.constant 40 : i32
      %dma_start3A_35 = arith.constant 0 : i32
      %dma_start3A_36 = tpu.memref_slice %arg3[%arg0, %arg1, %dma_start3A_34, %dma_start3A_35] : memref<2x16x80x125xi32, #tpu.memory_space<hbm>> -> memref<1x1x40x125xi32, #tpu.memory_space<hbm>>
      %dma_start3A_37 = tpu.memref_squeeze %dma_start3A_36 : memref<1x1x40x125xi32, #tpu.memory_space<hbm>> -> memref<40x125xi32, #tpu.memory_space<hbm>>
      %dma_start3A_38 = arith.constant 40 : i32
      %dma_start3A_39 = arith.constant 0 : i32
      %dma_start3A_40 = tpu.memref_slice %arg3[%arg0, %arg1, %dma_start3A_38, %dma_start3A_39] : memref<2x16x80x125xi32, #tpu.memory_space<hbm>> -> memref<1x1x40x125xi32, #tpu.memory_space<hbm>>
      %dma_start3A_41 = tpu.memref_squeeze %dma_start3A_40 : memref<1x1x40x125xi32, #tpu.memory_space<hbm>> -> memref<40x125xi32, #tpu.memory_space<hbm>>
      tpu.enqueue_dma source(%dma_start3A_41 : memref<40x125xi32, #tpu.memory_space<hbm>>) target(%arg8 : memref<40x125xi32, #tpu.memory_space<vmem>>) target_semaphore(%run_scoped3A : memref<!tpu.dma_semaphore, #tpu.memory_space<semaphore_mem>>)
      %dma_wait3A_42 = arith.constant 40 : i32
      %dma_wait3A_43 = arith.constant 0 : i32
      %dma_wait3A_44 = tpu.memref_slice %arg3[%arg0, %arg1, %dma_wait3A_42, %dma_wait3A_43] : memref<2x16x80x125xi32, #tpu.memory_space<hbm>> -> memref<1x1x40x125xi32, #tpu.memory_space<hbm>>
      %dma_wait3A_45 = tpu.memref_squeeze %dma_wait3A_44 : memref<1x1x40x125xi32, #tpu.memory_space<hbm>> -> memref<40x125xi32, #tpu.memory_space<hbm>>
      %dma_wait3A_46 = arith.constant 40 : i32
      %dma_wait3A_47 = arith.constant 0 : i32
      %dma_wait3A_48 = tpu.memref_slice %arg3[%arg0, %arg1, %dma_wait3A_46, %dma_wait3A_47] : memref<2x16x80x125xi32, #tpu.memory_space<hbm>> -> memref<1x1x40x125xi32, #tpu.memory_space<hbm>>
      %dma_wait3A_49 = tpu.memref_squeeze %dma_wait3A_48 : memref<1x1x40x125xi32, #tpu.memory_space<hbm>> -> memref<40x125xi32, #tpu.memory_space<hbm>>
      tpu.wait_dma2 semaphore(%run_scoped3A : memref<!tpu.dma_semaphore, #tpu.memory_space<semaphore_mem>>) src(%dma_wait3A_49 : memref<40x125xi32, #tpu.memory_space<hbm>>) dst(%arg8 : memref<40x125xi32, #tpu.memory_space<vmem>>)
      tpu.yield
    }) : () -> ()
    "tpu.region"() ({
      %run_scoped3A = tpu.sem_alloc : memref<!tpu.dma_semaphore, #tpu.memory_space<semaphore_mem>>
      %dma_start3A_34 = arith.constant 40 : i32
      %dma_start3A_35 = arith.constant 0 : i32
      %dma_start3A_36 = tpu.memref_slice %arg4[%arg0, %arg1, %dma_start3A_34, %dma_start3A_35] : memref<2x16x80x125xi32, #tpu.memory_space<hbm>> -> memref<1x1x40x125xi32, #tpu.memory_space<hbm>>
      %dma_start3A_37 = tpu.memref_squeeze %dma_start3A_36 : memref<1x1x40x125xi32, #tpu.memory_space<hbm>> -> memref<40x125xi32, #tpu.memory_space<hbm>>
      %dma_start3A_38 = arith.constant 40 : i32
      %dma_start3A_39 = arith.constant 0 : i32
      %dma_start3A_40 = tpu.memref_slice %arg4[%arg0, %arg1, %dma_start3A_38, %dma_start3A_39] : memref<2x16x80x125xi32, #tpu.memory_space<hbm>> -> memref<1x1x40x125xi32, #tpu.memory_space<hbm>>
      %dma_start3A_41 = tpu.memref_squeeze %dma_start3A_40 : memref<1x1x40x125xi32, #tpu.memory_space<hbm>> -> memref<40x125xi32, #tpu.memory_space<hbm>>
      tpu.enqueue_dma source(%dma_start3A_41 : memref<40x125xi32, #tpu.memory_space<hbm>>) target(%arg9 : memref<40x125xi32, #tpu.memory_space<vmem>>) target_semaphore(%run_scoped3A : memref<!tpu.dma_semaphore, #tpu.memory_space<semaphore_mem>>)
      %dma_wait3A_42 = arith.constant 40 : i32
      %dma_wait3A_43 = arith.constant 0 : i32
      %dma_wait3A_44 = tpu.memref_slice %arg4[%arg0, %arg1, %dma_wait3A_42, %dma_wait3A_43] : memref<2x16x80x125xi32, #tpu.memory_space<hbm>> -> memref<1x1x40x125xi32, #tpu.memory_space<hbm>>
      %dma_wait3A_45 = tpu.memref_squeeze %dma_wait3A_44 : memref<1x1x40x125xi32, #tpu.memory_space<hbm>> -> memref<40x125xi32, #tpu.memory_space<hbm>>
      %dma_wait3A_46 = arith.constant 40 : i32
      %dma_wait3A_47 = arith.constant 0 : i32
      %dma_wait3A_48 = tpu.memref_slice %arg4[%arg0, %arg1, %dma_wait3A_46, %dma_wait3A_47] : memref<2x16x80x125xi32, #tpu.memory_space<hbm>> -> memref<1x1x40x125xi32, #tpu.memory_space<hbm>>
      %dma_wait3A_49 = tpu.memref_squeeze %dma_wait3A_48 : memref<1x1x40x125xi32, #tpu.memory_space<hbm>> -> memref<40x125xi32, #tpu.memory_space<hbm>>
      tpu.wait_dma2 semaphore(%run_scoped3A : memref<!tpu.dma_semaphore, #tpu.memory_space<semaphore_mem>>) src(%dma_wait3A_49 : memref<40x125xi32, #tpu.memory_space<hbm>>) dst(%arg9 : memref<40x125xi32, #tpu.memory_space<vmem>>)
      tpu.yield
    }) : () -> ()
    %dma_start3A_21 = arith.constant 0 : i32
    %dma_start3A_22 = arith.constant 0 : i32
    %dma_start3A_23 = tpu.memref_slice %arg8[%dma_start3A_21, %dma_start3A_22] : memref<40x125xi32, #tpu.memory_space<vmem>> -> memref<1x125xi32, #tpu.memory_space<vmem>>
    %dma_start3A_24 = tpu.memref_squeeze %dma_start3A_23 : memref<1x125xi32, #tpu.memory_space<vmem>> -> memref<125xi32, #tpu.memory_space<vmem>>
    %dma_start3A_25 = arith.constant 0 : i32
    %dma_start3A_26 = arith.constant 0 : i32
    %dma_start3A_27 = tpu.memref_slice %arg2[%dma_start3A_25, %dma_start3A_26] : memref<10240x128xf32, #tpu.memory_space<hbm>> -> memref<10240x128xf32, #tpu.memory_space<hbm>>
    tpu.enqueue_indirect_dma source(%dma_start3A_27 : memref<10240x128xf32, #tpu.memory_space<hbm>>) target(%arg10 : memref<125x128xf32, #tpu.memory_space<vmem>>) offsets(%dma_start3A_24 : memref<125xi32, #tpu.memory_space<vmem>>) semaphore(%arg13 : memref<!tpu.dma_semaphore, #tpu.memory_space<semaphore_mem>>)
    %scan3A_28 = arith.constant 0 : i32
    %scan3A_29 = arith.constant 20 : i32
    %scan3A_30 = arith.addi %scan3A_28, %scan3A_29 : i32
    %scan3A_31 = arith.constant 1 : i32
    scf.for %scan3A_34 = %scan3A_28 to %scan3A_30 step %scan3A_31  : i32 {
      %mul3A_35 = arith.constant 2 : i32
      %mul3A_36 = arith.muli %scan3A_34, %mul3A_35 : i32
      %add3A = arith.constant 0 : i32
      %add3A_37 = arith.addi %add3A, %mul3A_36 : i32
      %add3A_38 = arith.constant 1 : i32
      %add3A_39 = arith.addi %add3A_37, %add3A_38 : i32
      %dma_start3A_40 = arith.constant 0 : i32
      %dma_start3A_41 = tpu.memref_slice %arg8[%add3A_39, %dma_start3A_40] : memref<40x125xi32, #tpu.memory_space<vmem>> -> memref<1x125xi32, #tpu.memory_space<vmem>>
      %dma_start3A_42 = tpu.memref_squeeze %dma_start3A_41 : memref<1x125xi32, #tpu.memory_space<vmem>> -> memref<125xi32, #tpu.memory_space<vmem>>
      %dma_start3A_43 = arith.constant 0 : i32
      %dma_start3A_44 = arith.constant 0 : i32
      %dma_start3A_45 = tpu.memref_slice %arg2[%dma_start3A_43, %dma_start3A_44] : memref<10240x128xf32, #tpu.memory_space<hbm>> -> memref<10240x128xf32, #tpu.memory_space<hbm>>
      tpu.enqueue_indirect_dma source(%dma_start3A_45 : memref<10240x128xf32, #tpu.memory_space<hbm>>) target(%arg11 : memref<125x128xf32, #tpu.memory_space<vmem>>) offsets(%dma_start3A_42 : memref<125xi32, #tpu.memory_space<vmem>>) semaphore(%arg14 : memref<!tpu.dma_semaphore, #tpu.memory_space<semaphore_mem>>)
      tpu.wait_dma2 semaphore(%arg13 : memref<!tpu.dma_semaphore, #tpu.memory_space<semaphore_mem>>) src(%arg6 : memref<125x128xf32, #tpu.memory_space<hbm>>) dst(%arg10 : memref<125x128xf32, #tpu.memory_space<vmem>>)
      "tpu.region"() ({
        %run_scoped3A = tpu.sem_alloc : memref<!tpu.dma_semaphore, #tpu.memory_space<semaphore_mem>>
        %dma_start3A_54 = arith.constant 0 : i32
        %dma_start3A_55 = tpu.memref_slice %arg9[%add3A_37, %dma_start3A_54] : memref<40x125xi32, #tpu.memory_space<vmem>> -> memref<1x125xi32, #tpu.memory_space<vmem>>
        %dma_start3A_56 = tpu.memref_squeeze %dma_start3A_55 : memref<1x125xi32, #tpu.memory_space<vmem>> -> memref<125xi32, #tpu.memory_space<vmem>>
        %dma_start3A_57 = arith.constant 0 : i32
        %dma_start3A_58 = arith.constant 0 : i32
        %dma_start3A_59 = tpu.memref_slice %arg12[%dma_start3A_57, %dma_start3A_58] : memref<10240x128xf32, #tpu.memory_space<vmem_shared>> -> memref<10240x128xf32, #tpu.memory_space<vmem_shared>>
        tpu.enqueue_indirect_dma source(%arg10 : memref<125x128xf32, #tpu.memory_space<vmem>>) target(%dma_start3A_59 : memref<10240x128xf32, #tpu.memory_space<vmem_shared>>) offsets(%dma_start3A_56 : memref<125xi32, #tpu.memory_space<vmem>>) semaphore(%run_scoped3A : memref<!tpu.dma_semaphore, #tpu.memory_space<semaphore_mem>>) {add = true}
        %dma_wait3A_60 = arith.constant 0 : i32
        %dma_wait3A_61 = tpu.memref_slice %arg9[%add3A_37, %dma_wait3A_60] : memref<40x125xi32, #tpu.memory_space<vmem>> -> memref<1x125xi32, #tpu.memory_space<vmem>>
        %dma_wait3A_62 = tpu.memref_squeeze %dma_wait3A_61 : memref<1x125xi32, #tpu.memory_space<vmem>> -> memref<125xi32, #tpu.memory_space<vmem>>
        %dma_wait3A_63 = arith.constant 0 : i32
        %dma_wait3A_64 = arith.constant 0 : i32
        %dma_wait3A_65 = tpu.memref_slice %arg12[%dma_wait3A_63, %dma_wait3A_64] : memref<10240x128xf32, #tpu.memory_space<vmem_shared>> -> memref<10240x128xf32, #tpu.memory_space<vmem_shared>>
        tpu.wait_indirect_dma semaphore(%run_scoped3A : memref<!tpu.dma_semaphore, #tpu.memory_space<semaphore_mem>>) src(%arg10 : memref<125x128xf32, #tpu.memory_space<vmem>>) dst(%dma_wait3A_65 : memref<10240x128xf32, #tpu.memory_space<vmem_shared>>)
        tpu.yield
      }) : () -> ()
      %add3A_46 = arith.constant 2 : i32
      %add3A_47 = arith.addi %add3A_37, %add3A_46 : i32
      %lt3A = arith.constant 40 : i32
      %lt3A_48 = arith.cmpi slt, %add3A_47, %lt3A : i32
      %convert_element_type3A_49 = arith.extui %lt3A_48 : i1 to i32
      %cond3A_50 = arith.constant 0 : i32
      %cond3A_51 = arith.cmpi ne, %convert_element_type3A_49, %cond3A_50 : i32
      scf.if %cond3A_51 {
        %add3A_54 = arith.constant 2 : i32
        %add3A_55 = arith.addi %add3A_37, %add3A_54 : i32
        %dma_start3A_56 = arith.constant 0 : i32
        %dma_start3A_57 = tpu.memref_slice %arg8[%add3A_55, %dma_start3A_56] : memref<40x125xi32, #tpu.memory_space<vmem>> -> memref<1x125xi32, #tpu.memory_space<vmem>>
        %dma_start3A_58 = tpu.memref_squeeze %dma_start3A_57 : memref<1x125xi32, #tpu.memory_space<vmem>> -> memref<125xi32, #tpu.memory_space<vmem>>
        %dma_start3A_59 = arith.constant 0 : i32
        %dma_start3A_60 = arith.constant 0 : i32
        %dma_start3A_61 = tpu.memref_slice %arg2[%dma_start3A_59, %dma_start3A_60] : memref<10240x128xf32, #tpu.memory_space<hbm>> -> memref<10240x128xf32, #tpu.memory_space<hbm>>
        tpu.enqueue_indirect_dma source(%dma_start3A_61 : memref<10240x128xf32, #tpu.memory_space<hbm>>) target(%arg10 : memref<125x128xf32, #tpu.memory_space<vmem>>) offsets(%dma_start3A_58 : memref<125xi32, #tpu.memory_space<vmem>>) semaphore(%arg13 : memref<!tpu.dma_semaphore, #tpu.memory_space<semaphore_mem>>)
      } else {
      }
      tpu.wait_dma2 semaphore(%arg14 : memref<!tpu.dma_semaphore, #tpu.memory_space<semaphore_mem>>) src(%arg6 : memref<125x128xf32, #tpu.memory_space<hbm>>) dst(%arg11 : memref<125x128xf32, #tpu.memory_space<vmem>>)
      %add3A_52 = arith.constant 1 : i32
      %add3A_53 = arith.addi %add3A_37, %add3A_52 : i32
      "tpu.region"() ({
        %run_scoped3A = tpu.sem_alloc : memref<!tpu.dma_semaphore, #tpu.memory_space<semaphore_mem>>
        %dma_start3A_54 = arith.constant 0 : i32
        %dma_start3A_55 = tpu.memref_slice %arg9[%add3A_53, %dma_start3A_54] : memref<40x125xi32, #tpu.memory_space<vmem>> -> memref<1x125xi32, #tpu.memory_space<vmem>>
        %dma_start3A_56 = tpu.memref_squeeze %dma_start3A_55 : memref<1x125xi32, #tpu.memory_space<vmem>> -> memref<125xi32, #tpu.memory_space<vmem>>
        %dma_start3A_57 = arith.constant 0 : i32
        %dma_start3A_58 = arith.constant 0 : i32
        %dma_start3A_59 = tpu.memref_slice %arg12[%dma_start3A_57, %dma_start3A_58] : memref<10240x128xf32, #tpu.memory_space<vmem_shared>> -> memref<10240x128xf32, #tpu.memory_space<vmem_shared>>
        tpu.enqueue_indirect_dma source(%arg11 : memref<125x128xf32, #tpu.memory_space<vmem>>) target(%dma_start3A_59 : memref<10240x128xf32, #tpu.memory_space<vmem_shared>>) offsets(%dma_start3A_56 : memref<125xi32, #tpu.memory_space<vmem>>) semaphore(%run_scoped3A : memref<!tpu.dma_semaphore, #tpu.memory_space<semaphore_mem>>) {add = true}
        %dma_wait3A_60 = arith.constant 0 : i32
        %dma_wait3A_61 = tpu.memref_slice %arg9[%add3A_53, %dma_wait3A_60] : memref<40x125xi32, #tpu.memory_space<vmem>> -> memref<1x125xi32, #tpu.memory_space<vmem>>
        %dma_wait3A_62 = tpu.memref_squeeze %dma_wait3A_61 : memref<1x125xi32, #tpu.memory_space<vmem>> -> memref<125xi32, #tpu.memory_space<vmem>>
        %dma_wait3A_63 = arith.constant 0 : i32
        %dma_wait3A_64 = arith.constant 0 : i32
        %dma_wait3A_65 = tpu.memref_slice %arg12[%dma_wait3A_63, %dma_wait3A_64] : memref<10240x128xf32, #tpu.memory_space<vmem_shared>> -> memref<10240x128xf32, #tpu.memory_space<vmem_shared>>
        tpu.wait_indirect_dma semaphore(%run_scoped3A : memref<!tpu.dma_semaphore, #tpu.memory_space<semaphore_mem>>) src(%arg11 : memref<125x128xf32, #tpu.memory_space<vmem>>) dst(%dma_wait3A_65 : memref<10240x128xf32, #tpu.memory_space<vmem_shared>>)
        tpu.yield
      }) : () -> ()
    }
    %scan3A_32 = arith.constant 20 : i32
    %barrier3A_33 = arith.constant 0 : index
    tpu.barrier barrier_id(%barrier3A_33)
    "tpu.region"() ({
      %run_scoped3A = tpu.sem_alloc : memref<!tpu.dma_semaphore, #tpu.memory_space<semaphore_mem>>
      %dma_start3A_34 = arith.constant 0 : i32
      %dma_start3A_35 = tpu.memref_slice %arg7[%arg0, %mul3A_0, %dma_start3A_34] : memref<2x10240x128xf32, #tpu.memory_space<hbm>> -> memref<1x640x128xf32, #tpu.memory_space<hbm>>
      %dma_start3A_36 = tpu.memref_squeeze %dma_start3A_35 : memref<1x640x128xf32, #tpu.memory_space<hbm>> -> memref<640x128xf32, #tpu.memory_space<hbm>>
      %dma_start3A_37 = arith.constant 0 : i32
      %dma_start3A_38 = tpu.memref_slice %arg12[%mul3A_0, %dma_start3A_37] : memref<10240x128xf32, #tpu.memory_space<vmem_shared>> -> memref<640x128xf32, #tpu.memory_space<vmem_shared>>
      tpu.enqueue_dma source(%dma_start3A_38 : memref<640x128xf32, #tpu.memory_space<vmem_shared>>) target(%dma_start3A_36 : memref<640x128xf32, #tpu.memory_space<hbm>>) target_semaphore(%run_scoped3A : memref<!tpu.dma_semaphore, #tpu.memory_space<semaphore_mem>>)
      %dma_wait3A_39 = arith.constant 0 : i32
      %dma_wait3A_40 = tpu.memref_slice %arg7[%arg0, %mul3A_0, %dma_wait3A_39] : memref<2x10240x128xf32, #tpu.memory_space<hbm>> -> memref<1x640x128xf32, #tpu.memory_space<hbm>>
      %dma_wait3A_41 = tpu.memref_squeeze %dma_wait3A_40 : memref<1x640x128xf32, #tpu.memory_space<hbm>> -> memref<640x128xf32, #tpu.memory_space<hbm>>
      %dma_wait3A_42 = arith.constant 0 : i32
      %dma_wait3A_43 = tpu.memref_slice %arg12[%mul3A_0, %dma_wait3A_42] : memref<10240x128xf32, #tpu.memory_space<vmem_shared>> -> memref<640x128xf32, #tpu.memory_space<vmem_shared>>
      tpu.wait_dma2 semaphore(%run_scoped3A : memref<!tpu.dma_semaphore, #tpu.memory_space<semaphore_mem>>) src(%dma_wait3A_43 : memref<640x128xf32, #tpu.memory_space<vmem_shared>>) dst(%dma_wait3A_41 : memref<640x128xf32, #tpu.memory_space<hbm>>)
      tpu.yield
    }) : () -> ()
    return
  }
}

module attributes {stable_mosaic.version = 14 : i64} {
  func.func @body(%arg0: memref<10000x128xf32, #tpu.memory_space<vmem>>, %arg1: memref<128x128xf32, #tpu.memory_space<vmem>>, %arg2: memref<2x10240x1xf32, #tpu.memory_space<vmem>>, %arg3: memref<10240x128xf32, #tpu.memory_space<vmem>>, %arg4: memref<10000x1xf32, #tpu.memory_space<vmem>>) attributes {dimension_semantics = [], scalar_prefetch = 0 : i64, scratch_operands = 0 : i64, tpu.core_type = #tpu.core_type<tc>} {
    %get3A = arith.constant 0 : index
    %get3A_0 = arith.constant 0 : index
    %get3A_1 = arith.constant 0 : index
    %get3A_2 = vector.load %arg2[%get3A, %get3A_0, %get3A_1] : memref<2x10240x1xf32, #tpu.memory_space<vmem>>, vector<1x10240x1xf32>
    %get3A_3 = vector.shape_cast %get3A_2 : vector<1x10240x1xf32> to vector<10240x1xf32>
    %slice3A = vector.extract_strided_slice %get3A_3 {offsets = [0, 0], sizes = [10000, 1], strides = [1, 1]} : vector<10240x1xf32> to vector<10000x1xf32>
    %get3A_4 = arith.constant 1 : index
    %get3A_5 = arith.constant 0 : index
    %get3A_6 = arith.constant 0 : index
    %get3A_7 = vector.load %arg2[%get3A_4, %get3A_5, %get3A_6] : memref<2x10240x1xf32, #tpu.memory_space<vmem>>, vector<1x10240x1xf32>
    %get3A_8 = vector.shape_cast %get3A_7 : vector<1x10240x1xf32> to vector<10240x1xf32>
    %slice3A_9 = vector.extract_strided_slice %get3A_8 {offsets = [0, 0], sizes = [10000, 1], strides = [1, 1]} : vector<10240x1xf32> to vector<10000x1xf32>
    %add3A = arith.addf %slice3A, %slice3A_9 : vector<10000x1xf32>
    %add3A_10 = arith.constant 1.000000e+00 : f32
    %add3A_11 = vector.broadcast %add3A_10 : f32 to vector<10000x1xf32>
    %add3A_12 = arith.addf %add3A, %add3A_11 : vector<10000x1xf32>
    %rsqrt3A = math.rsqrt %add3A_12 : vector<10000x1xf32>
    %swap3A = arith.constant 0 : index
    %swap3A_13 = arith.constant 0 : index
    %swap3A_14 = vector.load %arg4[%swap3A, %swap3A_13] : memref<10000x1xf32, #tpu.memory_space<vmem>>, vector<10000x1xf32>
    tpu.vector_store %arg4[%swap3A, %swap3A_13], %rsqrt3A {strides = array<i32>} : memref<10000x1xf32, #tpu.memory_space<vmem>>, vector<10000x1xf32>,
    %get3A_15 = arith.constant 0 : index
    %get3A_16 = arith.constant 0 : index
    %get3A_17 = vector.load %arg0[%get3A_15, %get3A_16] : memref<10000x128xf32, #tpu.memory_space<vmem>>, vector<10000x128xf32>
    %get3A_18 = arith.constant 0 : index
    %get3A_19 = arith.constant 0 : index
    %get3A_20 = vector.load %arg1[%get3A_18, %get3A_19] : memref<128x128xf32, #tpu.memory_space<vmem>>, vector<128x128xf32>
    %dot_general3A = arith.constant dense<0.000000e+00> : vector<10000x128xf32>
    %dot_general3A_21 = tpu.matmul %get3A_17, %get3A_20, %dot_general3A {dimension_numbers = #tpu.dot_dimension_numbers<[1], [0], [0], [1], [0, 0, 1, 1], [], []>, transpose_lhs_hint = false} : vector<10000x128xf32>, vector<128x128xf32>, vector<10000x128xf32> -> vector<10000x128xf32>
    %mul3A = vector.broadcast %rsqrt3A : vector<10000x1xf32> to vector<10000x128xf32>
    %mul3A_22 = arith.mulf %dot_general3A_21, %mul3A : vector<10000x128xf32>
    %broadcast_in_dim3A = arith.constant 0.000000e+00 : f32
    %broadcast_in_dim3A_23 = vector.broadcast %broadcast_in_dim3A : f32 to vector<240x128xf32>
    %concatenate3A = tpu.concatenate %mul3A_22, %broadcast_in_dim3A_23 in 0 : vector<10000x128xf32>, vector<240x128xf32> -> vector<10240x128xf32>
    %swap3A_24 = arith.constant 0 : index
    %swap3A_25 = arith.constant 0 : index
    %swap3A_26 = vector.load %arg3[%swap3A_24, %swap3A_25] : memref<10240x128xf32, #tpu.memory_space<vmem>>, vector<10240x128xf32>
    tpu.vector_store %arg3[%swap3A_24, %swap3A_25], %concatenate3A {strides = array<i32>} : memref<10240x128xf32, #tpu.memory_space<vmem>>, vector<10240x128xf32>,
    return
  }
}

module attributes {stable_mosaic.version = 14 : i64} {
  func.func @body(%arg0: memref<2x10240x128xf32, #tpu.memory_space<vmem>>, %arg1: memref<10000x1xf32, #tpu.memory_space<vmem>>, %arg2: memref<1x128xf32, #tpu.memory_space<vmem>>, %arg3: memref<1x128xf32, #tpu.memory_space<vmem>>, %arg4: memref<1x128xf32, #tpu.memory_space<vmem>>, %arg5: memref<128x128xf32, #tpu.memory_space<vmem>>, %arg6: memref<10240x128xf32, #tpu.memory_space<vmem>>) attributes {dimension_semantics = [], scalar_prefetch = 0 : i64, scratch_operands = 0 : i64, tpu.core_type = #tpu.core_type<tc>} {
    %get3A = arith.constant 0 : index
    %get3A_0 = arith.constant 0 : index
    %get3A_1 = vector.load %arg1[%get3A, %get3A_0] : memref<10000x1xf32, #tpu.memory_space<vmem>>, vector<10000x1xf32>
    %get3A_2 = arith.constant 0 : index
    %get3A_3 = arith.constant 0 : index
    %get3A_4 = arith.constant 0 : index
    %get3A_5 = vector.load %arg0[%get3A_2, %get3A_3, %get3A_4] : memref<2x10240x128xf32, #tpu.memory_space<vmem>>, vector<1x10240x128xf32>
    %get3A_6 = vector.shape_cast %get3A_5 : vector<1x10240x128xf32> to vector<10240x128xf32>
    %slice3A = vector.extract_strided_slice %get3A_6 {offsets = [0, 0], sizes = [10000, 128], strides = [1, 1]} : vector<10240x128xf32> to vector<10000x128xf32>
    %get3A_7 = arith.constant 1 : index
    %get3A_8 = arith.constant 0 : index
    %get3A_9 = arith.constant 0 : index
    %get3A_10 = vector.load %arg0[%get3A_7, %get3A_8, %get3A_9] : memref<2x10240x128xf32, #tpu.memory_space<vmem>>, vector<1x10240x128xf32>
    %get3A_11 = vector.shape_cast %get3A_10 : vector<1x10240x128xf32> to vector<10240x128xf32>
    %slice3A_12 = vector.extract_strided_slice %get3A_11 {offsets = [0, 0], sizes = [10000, 128], strides = [1, 1]} : vector<10240x128xf32> to vector<10000x128xf32>
    %add3A = arith.addf %slice3A, %slice3A_12 : vector<10000x128xf32>
    %mul3A = vector.broadcast %get3A_1 : vector<10000x1xf32> to vector<10000x128xf32>
    %mul3A_13 = arith.mulf %add3A, %mul3A : vector<10000x128xf32>
    %get3A_14 = arith.constant 0 : index
    %get3A_15 = arith.constant 0 : index
    %get3A_16 = vector.load %arg2[%get3A_14, %get3A_15] : memref<1x128xf32, #tpu.memory_space<vmem>>, vector<1x128xf32>
    %add3A_17 = vector.broadcast %get3A_16 : vector<1x128xf32> to vector<10000x128xf32>
    %add3A_18 = arith.addf %mul3A_13, %add3A_17 : vector<10000x128xf32>
    %reduce_sum3A = arith.constant dense<0.000000e+00> : vector<128xf32>
    %reduce_sum3A_19 = vector.multi_reduction <add>, %add3A_18, %reduce_sum3A [0] : vector<10000x128xf32> to vector<128xf32>
    %broadcast_in_dim3A = vector.shape_cast %reduce_sum3A_19 : vector<128xf32> to vector<1x128xf32>
    %div3A = arith.constant 1.000000e+04 : f32
    %div3A_20 = vector.broadcast %div3A : f32 to vector<1x128xf32>
    %div3A_21 = arith.divf %broadcast_in_dim3A, %div3A_20 : vector<1x128xf32>
    %sub3A = vector.broadcast %div3A_21 : vector<1x128xf32> to vector<10000x128xf32>
    %sub3A_22 = arith.subf %add3A_18, %sub3A : vector<10000x128xf32>
    %integer_pow3A = arith.mulf %sub3A_22, %sub3A_22 : vector<10000x128xf32>
    %reduce_sum3A_23 = arith.constant dense<0.000000e+00> : vector<128xf32>
    %reduce_sum3A_24 = vector.multi_reduction <add>, %integer_pow3A, %reduce_sum3A_23 [0] : vector<10000x128xf32> to vector<128xf32>
    %broadcast_in_dim3A_25 = vector.shape_cast %reduce_sum3A_24 : vector<128xf32> to vector<1x128xf32>
    %div3A_26 = arith.constant 1.000000e+04 : f32
    %div3A_27 = vector.broadcast %div3A_26 : f32 to vector<1x128xf32>
    %div3A_28 = arith.divf %broadcast_in_dim3A_25, %div3A_27 : vector<1x128xf32>
    %sub3A_29 = vector.broadcast %div3A_21 : vector<1x128xf32> to vector<10000x128xf32>
    %sub3A_30 = arith.subf %add3A_18, %sub3A_29 : vector<10000x128xf32>
    %add3A_31 = arith.constant 9.99999974E-6 : f32
    %add3A_32 = vector.broadcast %add3A_31 : f32 to vector<1x128xf32>
    %add3A_33 = arith.addf %div3A_28, %add3A_32 : vector<1x128xf32>
    %rsqrt3A = math.rsqrt %add3A_33 : vector<1x128xf32>
    %mul3A_34 = vector.broadcast %rsqrt3A : vector<1x128xf32> to vector<10000x128xf32>
    %mul3A_35 = arith.mulf %sub3A_30, %mul3A_34 : vector<10000x128xf32>
    %get3A_36 = arith.constant 0 : index
    %get3A_37 = arith.constant 0 : index
    %get3A_38 = vector.load %arg3[%get3A_36, %get3A_37] : memref<1x128xf32, #tpu.memory_space<vmem>>, vector<1x128xf32>
    %mul3A_39 = vector.broadcast %get3A_38 : vector<1x128xf32> to vector<10000x128xf32>
    %mul3A_40 = arith.mulf %mul3A_35, %mul3A_39 : vector<10000x128xf32>
    %get3A_41 = arith.constant 0 : index
    %get3A_42 = arith.constant 0 : index
    %get3A_43 = vector.load %arg4[%get3A_41, %get3A_42] : memref<1x128xf32, #tpu.memory_space<vmem>>, vector<1x128xf32>
    %add3A_44 = vector.broadcast %get3A_43 : vector<1x128xf32> to vector<10000x128xf32>
    %add3A_45 = arith.addf %mul3A_40, %add3A_44 : vector<10000x128xf32>
    %max3A = arith.constant 0.000000e+00 : f32
    %max3A_46 = vector.broadcast %max3A : f32 to vector<10000x128xf32>
    %max3A_47 = arith.maximumf %add3A_45, %max3A_46 : vector<10000x128xf32>
    %get3A_48 = arith.constant 0 : index
    %get3A_49 = arith.constant 0 : index
    %get3A_50 = vector.load %arg5[%get3A_48, %get3A_49] : memref<128x128xf32, #tpu.memory_space<vmem>>, vector<128x128xf32>
    %dot_general3A = arith.constant dense<0.000000e+00> : vector<10000x128xf32>
    %dot_general3A_51 = tpu.matmul %max3A_47, %get3A_50, %dot_general3A {dimension_numbers = #tpu.dot_dimension_numbers<[1], [0], [0], [1], [0, 0, 1, 1], [], []>, transpose_lhs_hint = false} : vector<10000x128xf32>, vector<128x128xf32>, vector<10000x128xf32> -> vector<10000x128xf32>
    %mul3A_52 = vector.broadcast %get3A_1 : vector<10000x1xf32> to vector<10000x128xf32>
    %mul3A_53 = arith.mulf %dot_general3A_51, %mul3A_52 : vector<10000x128xf32>
    %broadcast_in_dim3A_54 = arith.constant 0.000000e+00 : f32
    %broadcast_in_dim3A_55 = vector.broadcast %broadcast_in_dim3A_54 : f32 to vector<240x128xf32>
    %concatenate3A = tpu.concatenate %mul3A_53, %broadcast_in_dim3A_55 in 0 : vector<10000x128xf32>, vector<240x128xf32> -> vector<10240x128xf32>
    %swap3A = arith.constant 0 : index
    %swap3A_56 = arith.constant 0 : index
    %swap3A_57 = vector.load %arg6[%swap3A, %swap3A_56] : memref<10240x128xf32, #tpu.memory_space<vmem>>, vector<10240x128xf32>
    tpu.vector_store %arg6[%swap3A, %swap3A_56], %concatenate3A {strides = array<i32>} : memref<10240x128xf32, #tpu.memory_space<vmem>>, vector<10240x128xf32>,
    return
  }
}

module attributes {stable_mosaic.version = 14 : i64} {
  func.func @body(%arg0: memref<2x10240x128xf32, #tpu.memory_space<vmem>>, %arg1: memref<10000x1xf32, #tpu.memory_space<vmem>>, %arg2: memref<1x64xf32, #tpu.memory_space<vmem>>, %arg3: memref<1x64xf32, #tpu.memory_space<vmem>>, %arg4: memref<1x64xf32, #tpu.memory_space<vmem>>, %arg5: memref<64x32xf32, #tpu.memory_space<vmem>>, %arg6: memref<1x32xf32, #tpu.memory_space<vmem>>, %arg7: memref<32x2xf32, #tpu.memory_space<vmem>>, %arg8: memref<1x2xf32, #tpu.memory_space<vmem>>, %arg9: memref<64x32xf32, #tpu.memory_space<vmem>>, %arg10: memref<1x32xf32, #tpu.memory_space<vmem>>, %arg11: memref<32x5xf32, #tpu.memory_space<vmem>>, %arg12: memref<1x5xf32, #tpu.memory_space<vmem>>, %arg13: memref<1x2xf32, #tpu.memory_space<vmem>>, %arg14: memref<1x5xf32, #tpu.memory_space<vmem>>) attributes {dimension_semantics = [], scalar_prefetch = 0 : i64, scratch_operands = 0 : i64, tpu.core_type = #tpu.core_type<tc>} {
    %get3A = arith.constant 0 : index
    %get3A_0 = arith.constant 0 : index
    %get3A_1 = arith.constant 0 : index
    %get3A_2 = vector.load %arg0[%get3A, %get3A_0, %get3A_1] : memref<2x10240x128xf32, #tpu.memory_space<vmem>>, vector<1x10240x128xf32>
    %get3A_3 = vector.shape_cast %get3A_2 : vector<1x10240x128xf32> to vector<10240x128xf32>
    %slice3A = vector.extract_strided_slice %get3A_3 {offsets = [0, 0], sizes = [10000, 64], strides = [1, 1]} : vector<10240x128xf32> to vector<10000x64xf32>
    %get3A_4 = arith.constant 1 : index
    %get3A_5 = arith.constant 0 : index
    %get3A_6 = arith.constant 0 : index
    %get3A_7 = vector.load %arg0[%get3A_4, %get3A_5, %get3A_6] : memref<2x10240x128xf32, #tpu.memory_space<vmem>>, vector<1x10240x128xf32>
    %get3A_8 = vector.shape_cast %get3A_7 : vector<1x10240x128xf32> to vector<10240x128xf32>
    %slice3A_9 = vector.extract_strided_slice %get3A_8 {offsets = [0, 0], sizes = [10000, 64], strides = [1, 1]} : vector<10240x128xf32> to vector<10000x64xf32>
    %add3A = arith.addf %slice3A, %slice3A_9 : vector<10000x64xf32>
    %get3A_10 = arith.constant 0 : index
    %get3A_11 = arith.constant 0 : index
    %get3A_12 = vector.load %arg1[%get3A_10, %get3A_11] : memref<10000x1xf32, #tpu.memory_space<vmem>>, vector<10000x1xf32>
    %mul3A = vector.broadcast %get3A_12 : vector<10000x1xf32> to vector<10000x64xf32>
    %mul3A_13 = arith.mulf %add3A, %mul3A : vector<10000x64xf32>
    %get3A_14 = arith.constant 0 : index
    %get3A_15 = arith.constant 0 : index
    %get3A_16 = vector.load %arg2[%get3A_14, %get3A_15] : memref<1x64xf32, #tpu.memory_space<vmem>>, vector<1x64xf32>
    %add3A_17 = vector.broadcast %get3A_16 : vector<1x64xf32> to vector<10000x64xf32>
    %add3A_18 = arith.addf %mul3A_13, %add3A_17 : vector<10000x64xf32>
    %reduce_sum3A = arith.constant dense<0.000000e+00> : vector<64xf32>
    %reduce_sum3A_19 = vector.multi_reduction <add>, %add3A_18, %reduce_sum3A [0] : vector<10000x64xf32> to vector<64xf32>
    %broadcast_in_dim3A = vector.shape_cast %reduce_sum3A_19 : vector<64xf32> to vector<1x64xf32>
    %div3A = arith.constant 1.000000e+04 : f32
    %div3A_20 = vector.broadcast %div3A : f32 to vector<1x64xf32>
    %div3A_21 = arith.divf %broadcast_in_dim3A, %div3A_20 : vector<1x64xf32>
    %sub3A = vector.broadcast %div3A_21 : vector<1x64xf32> to vector<10000x64xf32>
    %sub3A_22 = arith.subf %add3A_18, %sub3A : vector<10000x64xf32>
    %integer_pow3A = arith.mulf %sub3A_22, %sub3A_22 : vector<10000x64xf32>
    %reduce_sum3A_23 = arith.constant dense<0.000000e+00> : vector<64xf32>
    %reduce_sum3A_24 = vector.multi_reduction <add>, %integer_pow3A, %reduce_sum3A_23 [0] : vector<10000x64xf32> to vector<64xf32>
    %broadcast_in_dim3A_25 = vector.shape_cast %reduce_sum3A_24 : vector<64xf32> to vector<1x64xf32>
    %div3A_26 = arith.constant 1.000000e+04 : f32
    %div3A_27 = vector.broadcast %div3A_26 : f32 to vector<1x64xf32>
    %div3A_28 = arith.divf %broadcast_in_dim3A_25, %div3A_27 : vector<1x64xf32>
    %sub3A_29 = vector.broadcast %div3A_21 : vector<1x64xf32> to vector<10000x64xf32>
    %sub3A_30 = arith.subf %add3A_18, %sub3A_29 : vector<10000x64xf32>
    %add3A_31 = arith.constant 9.99999974E-6 : f32
    %add3A_32 = vector.broadcast %add3A_31 : f32 to vector<1x64xf32>
    %add3A_33 = arith.addf %div3A_28, %add3A_32 : vector<1x64xf32>
    %rsqrt3A = math.rsqrt %add3A_33 : vector<1x64xf32>
    %mul3A_34 = vector.broadcast %rsqrt3A : vector<1x64xf32> to vector<10000x64xf32>
    %mul3A_35 = arith.mulf %sub3A_30, %mul3A_34 : vector<10000x64xf32>
    %get3A_36 = arith.constant 0 : index
    %get3A_37 = arith.constant 0 : index
    %get3A_38 = vector.load %arg3[%get3A_36, %get3A_37] : memref<1x64xf32, #tpu.memory_space<vmem>>, vector<1x64xf32>
    %mul3A_39 = vector.broadcast %get3A_38 : vector<1x64xf32> to vector<10000x64xf32>
    %mul3A_40 = arith.mulf %mul3A_35, %mul3A_39 : vector<10000x64xf32>
    %get3A_41 = arith.constant 0 : index
    %get3A_42 = arith.constant 0 : index
    %get3A_43 = vector.load %arg4[%get3A_41, %get3A_42] : memref<1x64xf32, #tpu.memory_space<vmem>>, vector<1x64xf32>
    %add3A_44 = vector.broadcast %get3A_43 : vector<1x64xf32> to vector<10000x64xf32>
    %add3A_45 = arith.addf %mul3A_40, %add3A_44 : vector<10000x64xf32>
    %max3A = arith.constant 0.000000e+00 : f32
    %max3A_46 = vector.broadcast %max3A : f32 to vector<10000x64xf32>
    %max3A_47 = arith.maximumf %add3A_45, %max3A_46 : vector<10000x64xf32>
    %reduce_sum3A_48 = arith.constant dense<0.000000e+00> : vector<64xf32>
    %reduce_sum3A_49 = vector.multi_reduction <add>, %max3A_47, %reduce_sum3A_48 [0] : vector<10000x64xf32> to vector<64xf32>
    %broadcast_in_dim3A_50 = vector.shape_cast %reduce_sum3A_49 : vector<64xf32> to vector<1x64xf32>
    %div3A_51 = arith.constant 1.000000e+04 : f32
    %div3A_52 = vector.broadcast %div3A_51 : f32 to vector<1x64xf32>
    %div3A_53 = arith.divf %broadcast_in_dim3A_50, %div3A_52 : vector<1x64xf32>
    %get3A_54 = arith.constant 0 : index
    %get3A_55 = arith.constant 0 : index
    %get3A_56 = vector.load %arg5[%get3A_54, %get3A_55] : memref<64x32xf32, #tpu.memory_space<vmem>>, vector<64x32xf32>
    %dot_general3A = arith.constant dense<0.000000e+00> : vector<1x32xf32>
    %dot_general3A_57 = tpu.matmul %div3A_53, %get3A_56, %dot_general3A {dimension_numbers = #tpu.dot_dimension_numbers<[1], [0], [0], [1], [0, 0, 1, 1], [], []>, transpose_lhs_hint = false} : vector<1x64xf32>, vector<64x32xf32>, vector<1x32xf32> -> vector<1x32xf32>
    %get3A_58 = arith.constant 0 : index
    %get3A_59 = arith.constant 0 : index
    %get3A_60 = vector.load %arg6[%get3A_58, %get3A_59] : memref<1x32xf32, #tpu.memory_space<vmem>>, vector<1x32xf32>
    %add3A_61 = arith.addf %dot_general3A_57, %get3A_60 : vector<1x32xf32>
    %max3A_62 = arith.constant 0.000000e+00 : f32
    %max3A_63 = vector.broadcast %max3A_62 : f32 to vector<1x32xf32>
    %max3A_64 = arith.maximumf %add3A_61, %max3A_63 : vector<1x32xf32>
    %get3A_65 = arith.constant 0 : index
    %get3A_66 = arith.constant 0 : index
    %get3A_67 = vector.load %arg7[%get3A_65, %get3A_66] : memref<32x2xf32, #tpu.memory_space<vmem>>, vector<32x2xf32>
    %dot_general3A_68 = arith.constant dense<0.000000e+00> : vector<1x2xf32>
    %dot_general3A_69 = tpu.matmul %max3A_64, %get3A_67, %dot_general3A_68 {dimension_numbers = #tpu.dot_dimension_numbers<[1], [0], [0], [1], [0, 0, 1, 1], [], []>, transpose_lhs_hint = false} : vector<1x32xf32>, vector<32x2xf32>, vector<1x2xf32> -> vector<1x2xf32>
    %get3A_70 = arith.constant 0 : index
    %get3A_71 = arith.constant 0 : index
    %get3A_72 = vector.load %arg8[%get3A_70, %get3A_71] : memref<1x2xf32, #tpu.memory_space<vmem>>, vector<1x2xf32>
    %add3A_73 = arith.addf %dot_general3A_69, %get3A_72 : vector<1x2xf32>
    %swap3A = arith.constant 0 : index
    %swap3A_74 = arith.constant 0 : index
    %swap3A_75 = vector.load %arg13[%swap3A, %swap3A_74] : memref<1x2xf32, #tpu.memory_space<vmem>>, vector<1x2xf32>
    tpu.vector_store %arg13[%swap3A, %swap3A_74], %add3A_73 {strides = array<i32>} : memref<1x2xf32, #tpu.memory_space<vmem>>, vector<1x2xf32>,
    %get3A_76 = arith.constant 0 : index
    %get3A_77 = arith.constant 0 : index
    %get3A_78 = vector.load %arg9[%get3A_76, %get3A_77] : memref<64x32xf32, #tpu.memory_space<vmem>>, vector<64x32xf32>
    %dot_general3A_79 = arith.constant dense<0.000000e+00> : vector<1x32xf32>
    %dot_general3A_80 = tpu.matmul %div3A_53, %get3A_78, %dot_general3A_79 {dimension_numbers = #tpu.dot_dimension_numbers<[1], [0], [0], [1], [0, 0, 1, 1], [], []>, transpose_lhs_hint = false} : vector<1x64xf32>, vector<64x32xf32>, vector<1x32xf32> -> vector<1x32xf32>
    %get3A_81 = arith.constant 0 : index
    %get3A_82 = arith.constant 0 : index
    %get3A_83 = vector.load %arg10[%get3A_81, %get3A_82] : memref<1x32xf32, #tpu.memory_space<vmem>>, vector<1x32xf32>
    %add3A_84 = arith.addf %dot_general3A_80, %get3A_83 : vector<1x32xf32>
    %max3A_85 = arith.constant 0.000000e+00 : f32
    %max3A_86 = vector.broadcast %max3A_85 : f32 to vector<1x32xf32>
    %max3A_87 = arith.maximumf %add3A_84, %max3A_86 : vector<1x32xf32>
    %get3A_88 = arith.constant 0 : index
    %get3A_89 = arith.constant 0 : index
    %get3A_90 = vector.load %arg11[%get3A_88, %get3A_89] : memref<32x5xf32, #tpu.memory_space<vmem>>, vector<32x5xf32>
    %dot_general3A_91 = arith.constant dense<0.000000e+00> : vector<1x5xf32>
    %dot_general3A_92 = tpu.matmul %max3A_87, %get3A_90, %dot_general3A_91 {dimension_numbers = #tpu.dot_dimension_numbers<[1], [0], [0], [1], [0, 0, 1, 1], [], []>, transpose_lhs_hint = false} : vector<1x32xf32>, vector<32x5xf32>, vector<1x5xf32> -> vector<1x5xf32>
    %get3A_93 = arith.constant 0 : index
    %get3A_94 = arith.constant 0 : index
    %get3A_95 = vector.load %arg12[%get3A_93, %get3A_94] : memref<1x5xf32, #tpu.memory_space<vmem>>, vector<1x5xf32>
    %add3A_96 = arith.addf %dot_general3A_92, %get3A_95 : vector<1x5xf32>
    %swap3A_97 = arith.constant 0 : index
    %swap3A_98 = arith.constant 0 : index
    %swap3A_99 = vector.load %arg14[%swap3A_97, %swap3A_98] : memref<1x5xf32, #tpu.memory_space<vmem>>, vector<1x5xf32>
    tpu.vector_store %arg14[%swap3A_97, %swap3A_98], %add3A_96 {strides = array<i32>} : memref<1x5xf32, #tpu.memory_space<vmem>>, vector<1x5xf32>,
    return
  }
}

</mosaic_0001>

<sc_bundles>
// kernel: kernel.10.cloned.1.call-start
scs
__scs_entry_jumppad:
0x0: {  	(pc) =	sbr.rel $0x88, $3  }
0x1: {  	(tag) =	ssettag $0x0;
	lr =	simm.s32 $0x1  }
0x2: {  	[smem:$0x3F8B] =	sst lr;
	_ =	strace $0xD0000000  }
0x3: {  	_ = 	snop  }
0x4: {  	_ = 	snop  }
0x5: {  	_ = 	snop  }
0x6: {  	_ = 	snop  }
0x7: {  	_ = 	snop  }
__scs_overlays_trampoline_lowered:
0x8: {  	[smem:$0x3F9A] =	sst s0  }
0x9: {  	[smem:$0x3F9B] =	sst s1  }
0xa: {  	[smem:$0x3F9C] =	sst s2  }
0xb: {  	[smem:$0x3F9D] =	sst s3  }
0xc: {  	[smem:$0x3F9E] =	sst s4  }
0xd: {  	[smem:$0x3F9F] =	sst s5  }
0xe: {  	[smem:$0x3FA0] =	sst s6  }
0xf: {  	[smem:$0x3FA1] =	sst s7  }
0x10: {  	[smem:$0x3FA2] =	sst s8  }
0x11: {  	[smem:$0x3FA3] =	sst s9;
	s0 =	simm.s32 @!p0 $0x0  }
0x12: {  	s1 =	sld [smem:$0x3F89];
	s0 =	simm.s32 @p0 $0x1  }
0x13: {  	[smem:$0x3FA4] =	sst s0;
	s0 =	simm.s32 @!p1 $0x0  }
0x14: {  	s2 =	sld [smem:$0x3F88];
	s0 =	simm.s32 @p1 $0x1  }
0x15: {  	[smem:$0x3FA5] =	sst s0;
	s0 =	simm.s32 @!p2 $0x0  }
0x16: {  	s3 =	sld [smem:$0x3FDB];
	s0 =	simm.s32 @p2 $0x1  }
0x17: {  	s4 =	simm.s32 $0x1BF5;
	[smem:$0x3FA7] =	sst s0  }
0x18: {  	s0 =	sld [smem:$0x3F8A];
	_ =	swait.ge [sflag:s4], $0x0  }
0x19: {  	s7 =	sld [smem:$0x3F8B]  }
0x1a: {  	s8 =	sadd.s32 $0xFFFFE003, lr  }
0x1b: {  	s9 =	sadd.s32 $0xFFFFFEF7, lr;
	s5 =	simm.s32 $0xFFFFFFFF;
	p2 =	slt.u32 s8, $0xFFFFF086  }
0x1c: {  	p1 =	slt.u32 s9, $0xF7A;
	s5 =	simm.s32 @!p2 $0x0  }
0x1d: {  	s5 =	simm.s32 @p1 $0x1;
	p0 =	seq.s32 s7, s2  }
0x1e: {  	s7 =	smul.u32 @!p0 $0xF7A, s2;
	p2 =	seq.s32 @!p0 s5, $0x0  }
0x1f: {  	s9 =	smul.u32 $0xF7A, s1;
	s8 =	simm.s32 @!p0 $0x1BF5;
	p2 =	por !p2, p0  }
0x20: {  	[sflag:s8] =	ssyncset.s32 @!p0 $0xFFFFF086;
	s6 =	sadd.s32 @!p0 s3, s7;
	s7 =	simm.s32 @!p0 $0x108  }
0x21: {  	s3 =	sadd.s32 s3, s9;
	s6 =	sadd.s32 @!p0 $0x88, s6;
	s7 =	simm.s32 @p2 $0x1082  }
0x22: {  	[simem:s7], [sflag:s8] =	dma.local @!p0 [hbm:s6], $0xF7A  }
0x23: {  	s9 =	sor.u32 $0xD0000000, s2;
	s6 =	simm.s32 $0x108;
	_ =	swait.ge @!p0 [sflag:s8], $0x0  }
0x24: {  	s3 =	sadd.s32 $0x88, s3;
	s6 =	simm.s32 @!p1 $0x1082;
	[sflag:s4] =	ssyncset.s32 $0xFFFFF086  }
0x25: {  	[simem:s6], [sflag:s4] =	dma.local [hbm:s3], $0xF7A  }
0x26: {  	[smem:$0x3F8B] =	sst s1;
	(tag) =	ssettag s2;
	_ =	strace s9  }
0x27: {  	s1 =	sld [smem:$0x3F9B]  }
0x28: {  	s2 =	sld [smem:$0x3F9C]  }
0x29: {  	s4 =	sld [smem:$0x3F9E]  }
0x2a: {  	p0 =	seq.s32 s5, $0x0;
	s5 =	sld [smem:$0x3F9F]  }
0x2b: {  	s6 =	sld [smem:$0x3FA0]  }
0x2c: {  	s7 =	sld [smem:$0x3FA1]  }
0x2d: {  	s3 =	simm.s32 $0x108;
	s8 =	sld [smem:$0x3FA2]  }
0x2e: {  	s3 =	simm.s32 @!p0 $0x1082;
	s9 =	sld [smem:$0x3FA3]  }
0x2f: {  	lr =	sadd.s32 s0, s3;
	s0 =	sld [smem:$0x3F9A]  }
0x30: {  	s3 =	sld [smem:$0x3F9D]  }
0x31: {  	[smem:$0x3FA6] =	sst s10  }
0x32: {  	s10 =	sld [smem:$0x3FA4];
	_ =	sdelay $0x3  }
0x33: {  	p0 =	seq.s32 s10, $0x1;
	s10 =	sld [smem:$0x3FA6];
	_ =	sdelay $0x3  }
0x34: {  	[smem:$0x3FA6] =	sst s10  }
0x35: {  	s10 =	sld [smem:$0x3FA5];
	_ =	sdelay $0x3  }
0x36: {  	p1 =	seq.s32 s10, $0x1;
	s10 =	sld [smem:$0x3FA6];
	_ =	sdelay $0x3  }
0x37: {  	[smem:$0x3FA6] =	sst s10  }
0x38: {  	s10 =	sld [smem:$0x3FA7]  }
0x39: {  	_ = 	snop;
	(pc) =	sbr.ind lr, $3  }
0x3a: {  	_ = 	snop  }
0x3b: {  	_ = 	snop  }
0x3c: {  	p2 =	seq.s32 s10, $0x1;
	s10 =	sld [smem:$0x3FA6]  }
0x3d: {  	_ =	shalt  }
0x3e: {  	_ =	shalt  }
0x3f: {  	_ =	shalt  }
0x40: {  	_ =	shalt  }
0x41: {  	_ =	shalt  }
0x42: {  	_ =	shalt  }
0x43: {  	_ =	shalt  }
0x44: {  	_ =	shalt  }
0x45: {  	_ =	shalt  }
0x46: {  	_ =	shalt  }
0x47: {  	_ =	shalt  }
0x48: {  	_ =	shalt  }
0x49: {  	_ =	shalt  }
0x4a: {  	_ =	shalt  }
0x4b: {  	_ =	shalt  }
0x4c: {  	_ =	shalt  }
0x4d: {  	_ =	shalt  }
0x4e: {  	_ =	shalt  }
0x4f: {  	_ =	shalt  }
0x50: {  	_ =	shalt  }
0x51: {  	_ =	shalt  }
0x52: {  	_ =	shalt  }
0x53: {  	_ =	shalt  }
0x54: {  	_ =	shalt  }
0x55: {  	_ =	shalt  }
0x56: {  	_ =	shalt  }
0x57: {  	_ =	shalt  }
0x58: {  	_ =	shalt  }
0x59: {  	_ =	shalt  }
0x5a: {  	_ =	shalt  }
0x5b: {  	_ =	shalt  }
0x5c: {  	_ =	shalt  }
0x5d: {  	_ =	shalt  }
0x5e: {  	_ =	shalt  }
0x5f: {  	_ =	shalt  }
0x60: {  	_ =	shalt  }
0x61: {  	_ =	shalt  }
0x62: {  	_ =	shalt  }
0x63: {  	_ =	shalt  }
0x64: {  	_ =	shalt  }
0x65: {  	_ =	shalt  }
0x66: {  	_ =	shalt  }
0x67: {  	_ =	shalt  }
0x68: {  	_ =	shalt  }
0x69: {  	_ =	shalt  }
0x6a: {  	_ =	shalt  }
0x6b: {  	_ =	shalt  }
0x6c: {  	_ =	shalt  }
0x6d: {  	_ =	shalt  }
0x6e: {  	_ =	shalt  }
0x6f: {  	_ =	shalt  }
0x70: {  	_ =	shalt  }
0x71: {  	_ =	shalt  }
0x72: {  	_ =	shalt  }
0x73: {  	_ =	shalt  }
0x74: {  	_ =	shalt  }
0x75: {  	_ =	shalt  }
0x76: {  	_ =	shalt  }
0x77: {  	_ =	shalt  }
0x78: {  	_ =	shalt  }
0x79: {  	_ =	shalt  }
0x7a: {  	_ =	shalt  }
0x7b: {  	_ =	shalt  }
0x7c: {  	_ =	shalt  }
0x7d: {  	_ =	shalt  }
0x7e: {  	_ =	shalt  }
0x7f: {  	_ =	shalt  }
0x80: {  	_ =	shalt  }
0x81: {  	_ =	shalt  }
0x82: {  	_ =	shalt  }
0x83: {  	_ =	shalt  }
0x84: {  	_ =	shalt  }
0x85: {  	_ =	shalt  }
0x86: {  	_ =	shalt  }
0x87: {  	_ =	shalt  }
.Lfunc_end0:
.L_simem_size_0:
called_computation_lowered:
.L_overlay_start_0:
0x88: {  	s2 =	sld [smem:$0x3FD9]  }
0x89: {  	s3 =	sld [smem:$0x3FFE];
	_ =	sdelay $0x1  }
0x8a: {  	s1 =	srdreg.scid  }
0x8b: {  	s0 =	sand.u32 $0x1, s1  }
0x8c: {  	s16 =	sshll.u32 s0, $0xA;
	s2 =	sadd.s32 s3, s2  }
0x8d: {  	s2 =	sadd.s32 s2, s16  }
0x8e: {  	[smem:$0x3FB2] =	sst s2  }
0x8f: {  	_ = 	snop  }
0x90: {  	(tm) =	ssettm $0x1  }
0x91: {  	s17 =	sld [smem:$0x3FFB];
	_ =	sdelay $0x3  }
0x92: {  	_ =	strace s17  }
0x93: {  	s2 =	sld [smem:$0x3FFC];
	_ =	sdelay $0x3  }
0x94: {  	_ =	strace s2  }
0x95: {  	s2 =	sld [smem:$0x3FFD];
	_ =	sdelay $0x3  }
0x96: {  	_ =	strace s2  }
0x97: {  	_ =	strace $0x8FFFFFFF  }
0x98: {  	s18 =	sld [smem:$0x3FDB];
	_ =	sdelay $0x1  }
0x99: {  	s19 =	simm.s32 $_scs_section_size  }
0x9a: {  	s4 =	simm.s32 $_size__tile_overlayer_lowered;
	s5 =	simm.s32 $_tile_overlayer_lowered  }
0x9b: {  	s22 =	simm.s32 $0x1BFF;
	s21 =	sshll.u32 s5, $0x1;
	s2 =	sadd.s32 s19, s18  }
0x9c: {  	s6 =	simm.s32 $0x0;
	s20 =	sshll.u32 s4, $0x1;
	s4 =	sadd.s32 s21, s2  }
0x9d: {  	[timem:s6], [sflag:s22] =	dma.local [hbm:s4], s20  }
0x9e: {  	_ =	swait.ge [sflag:s22], s20  }
0x9f: {  	s3 =	ssub.s32 $0x0, s20;
	[sflag:s22] =	ssyncset.done $0x0  }
0xa0: {  	[sflag:s22] =	ssyncadd.s32 s3;
	_ =	sdelay $0x1  }
0xa1: {  	s23 =	simm.s32 $0x1B8B  }
0xa2: {  	_ =	swait.ge [sflag:s23], $0x1  }
0xa3: {  	[sflag:s23] =	ssyncset.done $0x0  }
0xa4: {  	s25 =	simm.s32 $0x1B8E;
	s24 =	sld [smem:$0x3FFE];
	[sflag:s23] =	ssyncadd.s32 $0xFFFFFFFF  }
0xa5: {  	s26 =	simm.s32 $execute0_lowered;
	[smem:$0x3FD2] =	sst s25  }
0xa6: {  	s4 =	sshll.u32 s26, $0x1;
	_ =	strace $0x80000046;
	[dreg:$0x1] =	wrdreg $0xFFFFFFFF  }
0xa7: {  	s28 =	simm.s32 $_size_execute0_lowered;
	s2 =	sadd.s32 s2, s4;
	[dreg:$0x0] =	wrdreg $0x0  }
0xa8: {  	s4 =	sshll.u32 s28, $0x1;
	[dreg:$0x2] =	wrdreg s2  }
0xa9: {  	[dreg:$0x3] =	wrdreg s4  }
0xaa: {  	[dreg:$0x4] =	wrdreg $0xC0  }
0xab: {  	_ =	task [dreg:s6], $0x5FFFF  }
0xac: {  	[dreg:$0x1] =	wrdreg $0xFFFFFFFF  }
0xad: {  	[dreg:$0x0] =	wrdreg $0x60  }
0xae: {  	[dreg:$0x2] =	wrdreg s24  }
0xaf: {  	[dreg:$0x3] =	wrdreg $0xF2000  }
0xb0: {  	[dreg:$0x4] =	wrdreg $0x9  }
0xb1: {  	_ =	task.clear_ibuf [dreg:s6], $0x5FFFF;
	_ =	strace $0x90000046  }
0xb2: {  	s29 =	simm.s32 $0x9;
	_ =	strace $0x80000048  }
0xb3: {  	_ =	swait.ge [sflag:s29], $0x1  }
0xb4: {  	[sflag:s29] =	ssyncadd.s32 $0xFFFFFFFF  }
0xb5: {  	_ =	strace $0x90000048  }
0xb6: {  	_ =	sfence  }
0xb7: {  	s30 =	sld [smem:$0x0];
	_ =	sdelay $0x2  }
0xb8: {  	s31 =	sshll.u32 s1, $0xD;
	s1 =	sshrl.u32 s1, $0x2  }
0xb9: {  	s3 =	sand.u32 $0x4000, s31;
	s1 =	sadd.s32 s1, s30  }
0xba: {  	s0 =	sor.u32 s3, s0;
	s1 =	sshll.u32 s1, $0x11  }
0xbb: {  	s0 =	sor.u32 s1, s0  }
0xbc: {  	s0 =	sadd.s32 $0x8F2B, s0  }
0xbd: {  	[sflag:s0] =	ssyncadd.remote.s32 $0x1  }
0xbe: {  	_ =	sfence.sel $0xFFFF  }
0xbf: {  	[dreg:$0x0] =	wrdreg $0xFFFFFFFF;
	(pc) =	sbr.abs _section_cstart, $3  }
0xc0: {  	[dreg:$0x1] =	wrdreg $0xFFFFFFFF  }
0xc1: {  	_ =	task.clear_ibuf [dreg:s6], $0x2FFFF;
	_ =	strace $0x9FFFFFFF  }
0xc2: {  	(tm) =	ssettm $0x7FFFFFFF  }
0xc3: {  	_ =	shalt  }
tec
execute0_lowered:
.L_overlay_start_1:
0x0: {  	(tag) =	ssettag $0x1  }
0x1: {  	s0 =	srdreg.scid  }
0x2: {  	s1 =	rddreg [dreg:$0x0];
	s8 =	stileid.u32  }
0x3: {  	s2 =	rddreg [dreg:$0x1];
	s0 =	sand.u32 $0x1, s0;
	s11 =	smul.u32 $0x5000, s8  }
0x4: {  	s9 =	simm.s32 $0x0;
	s3 =	sshrl.u32 s8, $0x3;
	s4 =	smul.u32 $0x27800, s0  }
0x5: {  	s6 =	sshll.u32 s8, $0x7;
	[smem:$0x7FF] =	sst s9;
	s5 =	smul.u32 $0x13C00, s3  }
0x6: {  	s12 =	sadd.s32 $0xE400, s1;
	s7 =	smul.u32 $0x2800, s0;
	s6 =	sand.u32 $0x380, s6  }
0x7: {  	s10 =	smul.u32 $0x1400, s3;
	_ =	strace $0x80000047;
	s0 =	ssub.s32 $0x2, s0  }
0x8: {  	s3 =	smul.u32 $0x50000, s3;
	[dreg:$0x3] =	wrdreg s12;
	s13 =	sshrl.u32 s0, $0x1  }
0x9: {  	s14 =	sshrl.u32 s11, $0x2;
	s4 =	sadd.s32 s4, s5;
	s5 =	sadd.s32 s7, s10  }
0xa: {  	s0 =	ssub.s32 s0, s13;
	s3 =	sshrl.u32 s3, $0x2;
	s4 =	sor.u32 s6, s4  }
0xb: {  	s5 =	sor.u32 s6, s5;
	s3 =	sadd.s32 s3, s2;
	s0 =	smax.u32 s0, $0x1  }
0xc: {  	s4 =	sshrl.u32 s4, $0x3;
	s5 =	sshrl.u32 s5, $0x3;
	s15 =	sadd.s32 s6, s3  }
0xd: {  	[dreg:$0x16] =	wrdreg s0;
	s4 =	sadd.s32 s4, s1;
	s1 =	sadd.s32 s5, s1  }
0xe: {  	s5 =	sadd.s32 s14, s2;
	[dreg:$0x5] =	wrdreg s15;
	s4 =	sadd.s32 $0x4600, s4  }
0xf: {  	s16 =	sadd.s32 $0x80, s5;
	[dreg:$0x4] =	wrdreg s4  }
0x10: {  	s17 =	sadd.s32 $0x100, s5;
	[dreg:$0x6] =	wrdreg s16  }
0x11: {  	s18 =	sadd.s32 $0x180, s5;
	[dreg:$0x7] =	wrdreg s17  }
0x12: {  	s19 =	sadd.s32 $0x200, s5;
	[dreg:$0x8] =	wrdreg s18  }
0x13: {  	s20 =	sadd.s32 $0x280, s5;
	[dreg:$0x9] =	wrdreg s19  }
0x14: {  	s21 =	sadd.s32 $0x300, s5;
	[dreg:$0xa] =	wrdreg s20  }
0x15: {  	s22 =	sadd.s32 $0x380, s5;
	[dreg:$0xb] =	wrdreg s21  }
0x16: {  	s23 =	sadd.s32 $0x14000, s5;
	[dreg:$0xc] =	wrdreg s22  }
0x17: {  	s24 =	sadd.s32 $0x14080, s5;
	[dreg:$0xd] =	wrdreg s23  }
0x18: {  	s25 =	sadd.s32 $0x14100, s5;
	[dreg:$0xe] =	wrdreg s24  }
0x19: {  	s26 =	sadd.s32 $0x14180, s5;
	[dreg:$0xf] =	wrdreg s25  }
0x1a: {  	s3 =	sadd.s32 $0x14200, s5;
	[dreg:$0x10] =	wrdreg s26  }
0x1b: {  	s6 =	sadd.s32 $0x14300, s5;
	[dreg:$0x11] =	wrdreg s3  }
0x1c: {  	s7 =	sadd.s32 $0x14380, s5;
	[dreg:$0x13] =	wrdreg s6  }
0x1d: {  	s1 =	sadd.s32 $0xF800, s1;
	[dreg:$0x14] =	wrdreg s7  }
0x1e: {  	s8 =	sadd.s32 $0x400, s5;
	[dreg:$0x15] =	wrdreg s1  }
0x1f: {  	s9 =	sadd.s32 $0x800, s5;
	[dreg:$0x17] =	wrdreg s8  }
0x20: {  	s10 =	sadd.s32 $0xC00, s5;
	[dreg:$0x18] =	wrdreg s9  }
0x21: {  	s11 =	sadd.s32 $0x1000, s5;
	[dreg:$0x19] =	wrdreg s10  }
0x22: {  	s12 =	sadd.s32 $0x480, s5;
	[dreg:$0x1a] =	wrdreg s11  }
0x23: {  	s13 =	sadd.s32 $0x880, s5;
	[dreg:$0x1b] =	wrdreg s12  }
0x24: {  	s14 =	sadd.s32 $0xC80, s5;
	[dreg:$0x1c] =	wrdreg s13  }
0x25: {  	s15 =	sadd.s32 $0x1080, s5;
	[dreg:$0x1d] =	wrdreg s14  }
0x26: {  	s2 =	sadd.s32 $0x680, s5;
	[dreg:$0x1e] =	wrdreg s15  }
0x27: {  	s4 =	sadd.s32 $0x14280, s5;
	[smem:$0x7E6] =	sst s2  }
0x28: {  	s16 =	sadd.s32 $0x500, s5;
	[dreg:$0x12] =	wrdreg s4  }
0x29: {  	s17 =	sadd.s32 $0x900, s5;
	[dreg:$0x1f] =	wrdreg s16  }
0x2a: {  	s18 =	sadd.s32 $0xD00, s5;
	[smem:$0x7DB] =	sst s17  }
0x2b: {  	s19 =	sadd.s32 $0x1100, s5;
	[smem:$0x7DC] =	sst s18  }
0x2c: {  	s20 =	sadd.s32 $0x580, s5;
	[smem:$0x7DD] =	sst s19  }
0x2d: {  	s21 =	sadd.s32 $0x980, s5;
	[smem:$0x7DE] =	sst s20  }
0x2e: {  	s22 =	sadd.s32 $0xD80, s5;
	[smem:$0x7DF] =	sst s21  }
0x2f: {  	s23 =	sadd.s32 $0x1180, s5;
	[smem:$0x7E0] =	sst s22  }
0x30: {  	s24 =	sadd.s32 $0x600, s5;
	[smem:$0x7E1] =	sst s23  }
0x31: {  	s25 =	sadd.s32 $0xA00, s5;
	[smem:$0x7E2] =	sst s24  }
0x32: {  	s26 =	sadd.s32 $0xE00, s5;
	[smem:$0x7E3] =	sst s25  }
0x33: {  	s1 =	sadd.s32 $0x1200, s5;
	[smem:$0x7E4] =	sst s26  }
0x34: {  	s3 =	sadd.s32 $0xA80, s5;
	[smem:$0x7E5] =	sst s1  }
0x35: {  	s6 =	sadd.s32 $0x1280, s5;
	[smem:$0x7E7] =	sst s3  }
0x36: {  	s7 =	sadd.s32 $0x700, s5;
	[smem:$0x7E9] =	sst s6  }
0x37: {  	s8 =	sadd.s32 $0xB00, s5;
	[smem:$0x7EA] =	sst s7  }
0x38: {  	s9 =	sadd.s32 $0xF00, s5;
	[smem:$0x7EB] =	sst s8  }
0x39: {  	s10 =	sadd.s32 $0x1300, s5;
	[smem:$0x7EC] =	sst s9  }
0x3a: {  	s11 =	sadd.s32 $0x780, s5;
	[smem:$0x7ED] =	sst s10  }
0x3b: {  	s12 =	sadd.s32 $0xB80, s5;
	[smem:$0x7EE] =	sst s11  }
0x3c: {  	s13 =	sadd.s32 $0xF80, s5;
	[smem:$0x7EF] =	sst s12  }
0x3d: {  	s29 =	simm.s32 $0x80;
	s14 =	sadd.s32 $0x1380, s5;
	[smem:$0x7F0] =	sst s13  }
0x3e: {  	s30 =	simm.s32 $0x400;
	s15 =	sadd.s32 $0x14400, s5;
	[smem:$0x7F1] =	sst s14  }
0x3f: {  	s31 =	simm.s32 $0x1;
	s4 =	sadd.s32 $0xE80, s5;
	[smem:$0x7F2] =	sst s15  }
0x40: {  	s0 =	simm.s32 $0x0;
	s16 =	sadd.s32 $0x14800, s5;
	[smem:$0x7E8] =	sst s4  }
0x41: {  	s28 =	sadd.s32 $0x15380, s5;
	s17 =	sadd.s32 $0x14C00, s5;
	[smem:$0x7F3] =	sst s16  }
0x42: {  	s18 =	sadd.s32 $0x15000, s5;
	s19 =	sadd.s32 $0x14480, s5;
	[smem:$0x7F4] =	sst s17  }
0x43: {  	s20 =	sadd.s32 $0x14880, s5;
	s21 =	sadd.s32 $0x14C80, s5;
	[smem:$0x7F5] =	sst s18  }
0x44: {  	s22 =	sadd.s32 $0x15080, s5;
	s23 =	sadd.s32 $0x14500, s5;
	[smem:$0x7F6] =	sst s19  }
0x45: {  	s24 =	sadd.s32 $0x14900, s5;
	s25 =	sadd.s32 $0x14D00, s5;
	[smem:$0x7F7] =	sst s20  }
0x46: {  	s26 =	sadd.s32 $0x15100, s5;
	s8 =	sadd.s32 $0x14580, s5;
	[smem:$0x7F8] =	sst s21  }
0x47: {  	s9 =	sadd.s32 $0x14980, s5;
	s10 =	sadd.s32 $0x14D80, s5;
	[smem:$0x7F9] =	sst s22  }
0x48: {  	s11 =	sadd.s32 $0x15180, s5;
	s12 =	sadd.s32 $0x14600, s5;
	[smem:$0x7FA] =	sst s23  }
0x49: {  	s13 =	sadd.s32 $0x14A00, s5;
	s14 =	sadd.s32 $0x14E00, s5;
	[smem:$0x7FB] =	sst s24  }
0x4a: {  	s15 =	sadd.s32 $0x15200, s5;
	s1 =	simm.s32 $0x2780;
	[smem:$0x7FC] =	sst s25  }
0x4b: {  	[smem:$0x7FD] =	sst s26;
	s16 =	sadd.s32 $0x14680, s5;
	s17 =	sadd.s32 $0x14A80, s5  }
0x4c: {  	v0 =	vlaneseq.u32;
	s18 =	sadd.s32 $0x14E80, s5;
	s19 =	sadd.s32 $0x15280, s5;
	s20 =	sadd.s32 $0x14700, s5  }
0x4d: {  	v1 =	vimm.f32 $1.000000000e+00;
	vm0 =	vcmask $0x1F10;
	v0 =	vand.u32 $0x3, v0;
	s21 =	sadd.s32 $0x14B00, s5;
	s22 =	sadd.s32 $0x14F00, s5;
	s23 =	sadd.s32 $0x15300, s5  }
0x4e: {  	vm1 =	vcmask $0x2F20;
	vm2 =	vcmask $0x3F30;
	v0 =	vmul.u32 $0x2800, v0;
	s24 =	sadd.s32 $0x14780, s5;
	s25 =	sadd.s32 $0x14B80, s5;
	s26 =	sadd.s32 $0x14F80, s5  }
.LBB2_1:
0x4f: {  	s2 =	simm.s32 $0x0;
	s3 =	rddreg [dreg:$0x4]  }
0x50: {  	[tilespmem:s2], [sflag:$0x1] =	stream.strided.gather [hbm4b:s3+s29], $0x2780, s30, s29, $0x38;
	[tilespmem:$0x11A00] =	vst v63  }
0x51: {  	_ =	swait.ge [sflag:s31], $0x2780  }
0x52: {  	[sflag:s31] =	ssyncset.done $0x0  }
0x53: {  	s7 =	rddreg [dreg:$0x3];
	[sflag:s31] =	ssyncadd.s32 $0xFFFFD880  }
0x54: {  	[tilespmem:s1], [sflag:$0x1] =	stream.linear.gather [hbm4b:s7+s2], $0xA000, $0x38;
	[tilespmem:$0x11A00] =	vst v63  }
0x55: {  	_ =	swait.ge [sflag:s31], $0xA000  }
0x56: {  	[sflag:s31] =	ssyncset.done $0x0  }
0x57: {  	s3 =	simm.s32 $0x0;
	[sflag:s31] =	ssyncadd.s32 $0xFFFF6000  }
.LBB2_2:
0x58: {  	s2 =	sshra.s32 s3, $0x2  }
0x59: {  	v2 =	vld [tilespmem:s2+$0x0];
	_ =	sdelay $0x4  }
0x5a: {  	v2 =	vadd.s32 v0, v2;
	_ =	sdelay $0x2  }
0x5b: {  	p0 =	sne.s32 s3, $0x9C00  }
.Ltmp0:
0x5c: {  	s2 =	simm.s32 $0x2780;
	(pc) =	sbr.rel @p0 .LBB2_2-.Ltmp0, $4  }
0x5d: {  	[tilespmem:v2+s2+$0x0] =	vst.idx.add.f32.msk $0xf, v1  }
0x5e: {  	[tilespmem:v2+s2+$0x0] =	vst.idx.add.f32.msk vm0, v1  }
0x5f: {  	[tilespmem:v2+s2+$0x0] =	vst.idx.add.f32.msk vm1, v1  }
0x60: {  	s3 =	sadd.s32 $0x40, s3;
	[tilespmem:v2+s2+$0x0] =	vst.idx.add.f32.msk vm2, v1  }
0x61: {  	s3 =	simm.s32 $0x0  }
0x62: {  	s4 =	sand.u32 $0x3FF0, s3  }
0x63: {  	s3 =	simm.s32 $0x10;
	v2 =	vld [tilespmem:s4+$0x4F80]  }
.LBB2_4:
0x64: {  	p0 =	sne.s32 s3, $0x27F0;
	v3 =	vld [tilespmem:s2+$0x0];
	_ =	sdelay $0x1  }
0x65: {  	v4 =	vld [tilespmem:s4+$0x7780];
	_ =	sdelay $0x1  }
0x66: {  	v5 =	vld [tilespmem:s4+$0x9F80]  }
0x67: {  	v2 =	vadd.f32 v2, v3;
	_ =	sdelay $0x1  }
0x68: {  	v2 =	vadd.f32 v4, v2  }
.Ltmp1:
0x69: {  	(pc) =	sbr.rel @p0 .LBB2_4-.Ltmp1, $3  }
0x6a: {  	v2 =	vadd.f32 v5, v2;
	_ =	sdelay $0x1  }
0x6b: {  	s4 =	sand.u32 $0x3FF0, s3;
	[tilespmem:s2+$0x0] =	vst v2  }
0x6c: {  	s3 =	sadd.s32 $0x10, s3;
	s2 =	sadd.s32 $0x10, s2;
	v2 =	vld [tilespmem:s4+$0x4F80]  }
0x6d: {  	v3 =	vld [tilespmem:s2+$0x0];
	_ =	sdelay $0x1  }
0x6e: {  	v4 =	vld [tilespmem:s4+$0x7780];
	_ =	sdelay $0x1  }
0x6f: {  	v5 =	vld [tilespmem:s4+$0x9F80]  }
0x70: {  	v2 =	vadd.f32 v2, v3;
	_ =	sdelay $0x1  }
0x71: {  	v2 =	vadd.f32 v4, v2;
	_ =	sdelay $0x1  }
0x72: {  	v2 =	vadd.f32 v5, v2;
	_ =	sdelay $0x1  }
0x73: {  	s4 =	rddreg [dreg:$0x5];
	[tilespmem:s2+$0x0] =	vst v2  }
0x74: {  	[spmem:s4] =	stream.strided.scatter [tilespmem:s1], [sflag:$0x1], $0x2800, s30, s29, $0x38;
	[tilespmem:$0x11A00] =	vst v63  }
0x75: {  	_ =	swait.ge [sflag:s31], $0x2800  }
0x76: {  	[sflag:s31] =	ssyncset.done $0x0  }
0x77: {  	[sflag:s31] =	ssyncadd.s32 $0xFFFFD800  }
0x78: {  	s6 =	simm.s32 $0xC780;
	[bflag:$0x0] =	sbarrier.arrive $0xFFFF  }
0x79: {  	[tilespmem:s6], [sflag:$0x1] =	stream.linear.gather [spmem:s5], $0x80, $0x38;
	[tilespmem:$0x11A00] =	vst v63  }
0x7a: {  	s3 =	simm.s32 $0xCB80;
	s7 =	rddreg [dreg:$0x17]  }
0x7b: {  	[tilespmem:s3], [sflag:$0x1] =	stream.linear.gather [spmem:s7], $0x80, $0x38;
	[tilespmem:$0x11A00] =	vst v63  }
0x7c: {  	s4 =	simm.s32 $0xCF80;
	s3 =	rddreg [dreg:$0x18]  }
0x7d: {  	[tilespmem:s4], [sflag:$0x1] =	stream.linear.gather [spmem:s3], $0x80, $0x38;
	[tilespmem:$0x11A00] =	vst v63  }
0x7e: {  	s6 =	rddreg [dreg:$0x19];
	s7 =	simm.s32 $0xD380  }
0x7f: {  	[tilespmem:s7], [sflag:$0x1] =	stream.linear.gather [spmem:s6], $0x80, $0x38;
	[tilespmem:$0x11A00] =	vst v63  }
0x80: {  	s3 =	rddreg [dreg:$0x1a];
	s4 =	simm.s32 $0xD780  }
0x81: {  	[tilespmem:s4], [sflag:$0x1] =	stream.linear.gather [spmem:s3], $0x80, $0x38;
	[tilespmem:$0x11A00] =	vst v63  }
0x82: {  	_ =	swait.ge [sflag:s31], $0x280  }
0x83: {  	[sflag:s31] =	ssyncset.done $0x0  }
0x84: {  	s7 =	simm.s32 $0xC800;
	s6 =	rddreg [dreg:$0x6];
	[sflag:s31] =	ssyncadd.s32 $0xFFFFFD80  }
0x85: {  	[tilespmem:s7], [sflag:$0x1] =	stream.linear.gather [spmem:s6], $0x80, $0x38;
	[tilespmem:$0x11A00] =	vst v63  }
0x86: {  	s4 =	simm.s32 $0xCC00;
	s3 =	rddreg [dreg:$0x1b]  }
0x87: {  	[tilespmem:s4], [sflag:$0x1] =	stream.linear.gather [spmem:s3], $0x80, $0x38;
	[tilespmem:$0x11A00] =	vst v63  }
0x88: {  	s6 =	rddreg [dreg:$0x1c];
	s7 =	simm.s32 $0xD000  }
0x89: {  	[tilespmem:s7], [sflag:$0x1] =	stream.linear.gather [spmem:s6], $0x80, $0x38;
	[tilespmem:$0x11A00] =	vst v63  }
0x8a: {  	s3 =	rddreg [dreg:$0x1d];
	s4 =	simm.s32 $0xD400  }
0x8b: {  	[tilespmem:s4], [sflag:$0x1] =	stream.linear.gather [spmem:s3], $0x80, $0x38;
	[tilespmem:$0x11A00] =	vst v63  }
0x8c: {  	s6 =	rddreg [dreg:$0x1e];
	s7 =	simm.s32 $0xD800  }
0x8d: {  	[tilespmem:s7], [sflag:$0x1] =	stream.linear.gather [spmem:s6], $0x80, $0x38;
	[tilespmem:$0x11A00] =	vst v63  }
0x8e: {  	_ =	swait.ge [sflag:s31], $0x280  }
0x8f: {  	[sflag:s31] =	ssyncset.done $0x0;
	s3 =	rddreg [dreg:$0x7]  }
0x90: {  	s4 =	simm.s32 $0xC880;
	s6 =	rddreg [dreg:$0x1f];
	[sflag:s31] =	ssyncadd.s32 $0xFFFFFD80  }
0x91: {  	[tilespmem:s4], [sflag:$0x1] =	stream.linear.gather [spmem:s3], $0x80, $0x38;
	[tilespmem:$0x11A00] =	vst v63  }
0x92: {  	s7 =	simm.s32 $0xCC80;
	s3 =	sld [smem:$0x7DB]  }
0x93: {  	[tilespmem:s7], [sflag:$0x1] =	stream.linear.gather [spmem:s6], $0x80, $0x38;
	[tilespmem:$0x11A00] =	vst v63  }
0x94: {  	s4 =	simm.s32 $0xD080;
	s6 =	sld [smem:$0x7DC]  }
0x95: {  	[tilespmem:s4], [sflag:$0x1] =	stream.linear.gather [spmem:s3], $0x80, $0x38;
	[tilespmem:$0x11A00] =	vst v63  }
0x96: {  	s7 =	simm.s32 $0xD480;
	s3 =	sld [smem:$0x7DD]  }
0x97: {  	[tilespmem:s7], [sflag:$0x1] =	stream.linear.gather [spmem:s6], $0x80, $0x38;
	[tilespmem:$0x11A00] =	vst v63  }
0x98: {  	s4 =	simm.s32 $0xD880  }
0x99: {  	[tilespmem:s4], [sflag:$0x1] =	stream.linear.gather [spmem:s3], $0x80, $0x38;
	[tilespmem:$0x11A00] =	vst v63  }
0x9a: {  	_ =	swait.ge [sflag:s31], $0x280  }
0x9b: {  	[sflag:s31] =	ssyncset.done $0x0;
	s6 =	rddreg [dreg:$0x8]  }
0x9c: {  	s7 =	simm.s32 $0xC900;
	s3 =	sld [smem:$0x7DE];
	[sflag:s31] =	ssyncadd.s32 $0xFFFFFD80  }
0x9d: {  	[tilespmem:s7], [sflag:$0x1] =	stream.linear.gather [spmem:s6], $0x80, $0x38;
	[tilespmem:$0x11A00] =	vst v63  }
0x9e: {  	s4 =	simm.s32 $0xCD00;
	s6 =	sld [smem:$0x7DF]  }
0x9f: {  	[tilespmem:s4], [sflag:$0x1] =	stream.linear.gather [spmem:s3], $0x80, $0x38;
	[tilespmem:$0x11A00] =	vst v63  }
0xa0: {  	s7 =	simm.s32 $0xD100;
	s3 =	sld [smem:$0x7E0]  }
0xa1: {  	[tilespmem:s7], [sflag:$0x1] =	stream.linear.gather [spmem:s6], $0x80, $0x38;
	[tilespmem:$0x11A00] =	vst v63  }
0xa2: {  	s4 =	simm.s32 $0xD500;
	s6 =	sld [smem:$0x7E1]  }
0xa3: {  	[tilespmem:s4], [sflag:$0x1] =	stream.linear.gather [spmem:s3], $0x80, $0x38;
	[tilespmem:$0x11A00] =	vst v63  }
0xa4: {  	s7 =	simm.s32 $0xD900  }
0xa5: {  	[tilespmem:s7], [sflag:$0x1] =	stream.linear.gather [spmem:s6], $0x80, $0x38;
	[tilespmem:$0x11A00] =	vst v63  }
0xa6: {  	_ =	swait.ge [sflag:s31], $0x280  }
0xa7: {  	[sflag:s31] =	ssyncset.done $0x0;
	s3 =	rddreg [dreg:$0x9]  }
0xa8: {  	s4 =	simm.s32 $0xC980;
	s6 =	sld [smem:$0x7E2];
	[sflag:s31] =	ssyncadd.s32 $0xFFFFFD80  }
0xa9: {  	[tilespmem:s4], [sflag:$0x1] =	stream.linear.gather [spmem:s3], $0x80, $0x38;
	[tilespmem:$0x11A00] =	vst v63  }
0xaa: {  	s7 =	simm.s32 $0xCD80;
	s3 =	sld [smem:$0x7E3]  }
0xab: {  	[tilespmem:s7], [sflag:$0x1] =	stream.linear.gather [spmem:s6], $0x80, $0x38;
	[tilespmem:$0x11A00] =	vst v63  }
0xac: {  	s4 =	simm.s32 $0xD180;
	s6 =	sld [smem:$0x7E4]  }
0xad: {  	[tilespmem:s4], [sflag:$0x1] =	stream.linear.gather [spmem:s3], $0x80, $0x38;
	[tilespmem:$0x11A00] =	vst v63  }
0xae: {  	s7 =	simm.s32 $0xD580;
	s3 =	sld [smem:$0x7E5]  }
0xaf: {  	[tilespmem:s7], [sflag:$0x1] =	stream.linear.gather [spmem:s6], $0x80, $0x38;
	[tilespmem:$0x11A00] =	vst v63  }
0xb0: {  	s4 =	simm.s32 $0xD980  }
0xb1: {  	[tilespmem:s4], [sflag:$0x1] =	stream.linear.gather [spmem:s3], $0x80, $0x38;
	[tilespmem:$0x11A00] =	vst v63  }
0xb2: {  	_ =	swait.ge [sflag:s31], $0x280  }
0xb3: {  	[sflag:s31] =	ssyncset.done $0x0;
	s6 =	rddreg [dreg:$0xa]  }
0xb4: {  	s7 =	simm.s32 $0xCA00;
	s3 =	sld [smem:$0x7E6];
	[sflag:s31] =	ssyncadd.s32 $0xFFFFFD80  }
0xb5: {  	[tilespmem:s7], [sflag:$0x1] =	stream.linear.gather [spmem:s6], $0x80, $0x38;
	[tilespmem:$0x11A00] =	vst v63  }
0xb6: {  	s4 =	simm.s32 $0xCE00;
	s6 =	sld [smem:$0x7E7]  }
0xb7: {  	[tilespmem:s4], [sflag:$0x1] =	stream.linear.gather [spmem:s3], $0x80, $0x38;
	[tilespmem:$0x11A00] =	vst v63  }
0xb8: {  	s7 =	simm.s32 $0xD200;
	s3 =	sld [smem:$0x7E8]  }
0xb9: {  	[tilespmem:s7], [sflag:$0x1] =	stream.linear.gather [spmem:s6], $0x80, $0x38;
	[tilespmem:$0x11A00] =	vst v63  }
0xba: {  	s4 =	simm.s32 $0xD600;
	s6 =	sld [smem:$0x7E9]  }
0xbb: {  	[tilespmem:s4], [sflag:$0x1] =	stream.linear.gather [spmem:s3], $0x80, $0x38;
	[tilespmem:$0x11A00] =	vst v63  }
0xbc: {  	s7 =	simm.s32 $0xDA00  }
0xbd: {  	[tilespmem:s7], [sflag:$0x1] =	stream.linear.gather [spmem:s6], $0x80, $0x38;
	[tilespmem:$0x11A00] =	vst v63  }
0xbe: {  	_ =	swait.ge [sflag:s31], $0x280  }
0xbf: {  	[sflag:s31] =	ssyncset.done $0x0;
	s3 =	rddreg [dreg:$0xb]  }
0xc0: {  	s4 =	simm.s32 $0xCA80;
	s6 =	sld [smem:$0x7EA];
	[sflag:s31] =	ssyncadd.s32 $0xFFFFFD80  }
0xc1: {  	[tilespmem:s4], [sflag:$0x1] =	stream.linear.gather [spmem:s3], $0x80, $0x38;
	[tilespmem:$0x11A00] =	vst v63  }
0xc2: {  	s7 =	simm.s32 $0xCE80;
	s3 =	sld [smem:$0x7EB]  }
0xc3: {  	[tilespmem:s7], [sflag:$0x1] =	stream.linear.gather [spmem:s6], $0x80, $0x38;
	[tilespmem:$0x11A00] =	vst v63  }
0xc4: {  	s4 =	simm.s32 $0xD280;
	s6 =	sld [smem:$0x7EC]  }
0xc5: {  	[tilespmem:s4], [sflag:$0x1] =	stream.linear.gather [spmem:s3], $0x80, $0x38;
	[tilespmem:$0x11A00] =	vst v63  }
0xc6: {  	s7 =	simm.s32 $0xD680;
	s3 =	sld [smem:$0x7ED]  }
0xc7: {  	[tilespmem:s7], [sflag:$0x1] =	stream.linear.gather [spmem:s6], $0x80, $0x38;
	[tilespmem:$0x11A00] =	vst v63  }
0xc8: {  	s4 =	simm.s32 $0xDA80  }
0xc9: {  	[tilespmem:s4], [sflag:$0x1] =	stream.linear.gather [spmem:s3], $0x80, $0x38;
	[tilespmem:$0x11A00] =	vst v63  }
0xca: {  	_ =	swait.ge [sflag:s31], $0x280  }
0xcb: {  	[sflag:s31] =	ssyncset.done $0x0;
	s6 =	rddreg [dreg:$0xc]  }
0xcc: {  	s7 =	simm.s32 $0xCB00;
	s3 =	sld [smem:$0x7EE];
	[sflag:s31] =	ssyncadd.s32 $0xFFFFFD80  }
0xcd: {  	[tilespmem:s7], [sflag:$0x1] =	stream.linear.gather [spmem:s6], $0x80, $0x38;
	[tilespmem:$0x11A00] =	vst v63  }
0xce: {  	s4 =	simm.s32 $0xCF00;
	s6 =	sld [smem:$0x7EF]  }
0xcf: {  	[tilespmem:s4], [sflag:$0x1] =	stream.linear.gather [spmem:s3], $0x80, $0x38;
	[tilespmem:$0x11A00] =	vst v63  }
0xd0: {  	s7 =	simm.s32 $0xD300;
	s3 =	sld [smem:$0x7F0]  }
0xd1: {  	[tilespmem:s7], [sflag:$0x1] =	stream.linear.gather [spmem:s6], $0x80, $0x38;
	[tilespmem:$0x11A00] =	vst v63  }
0xd2: {  	s4 =	simm.s32 $0xD700;
	s6 =	sld [smem:$0x7F1]  }
0xd3: {  	[tilespmem:s4], [sflag:$0x1] =	stream.linear.gather [spmem:s3], $0x80, $0x38;
	[tilespmem:$0x11A00] =	vst v63  }
0xd4: {  	s7 =	simm.s32 $0xDB00  }
0xd5: {  	[tilespmem:s7], [sflag:$0x1] =	stream.linear.gather [spmem:s6], $0x80, $0x38;
	[tilespmem:$0x11A00] =	vst v63  }
0xd6: {  	_ =	swait.ge [sflag:s31], $0x280  }
0xd7: {  	[sflag:s31] =	ssyncset.done $0x0;
	s3 =	rddreg [dreg:$0xd]  }
0xd8: {  	s4 =	simm.s32 $0xDB80;
	s6 =	sld [smem:$0x7F2];
	[sflag:s31] =	ssyncadd.s32 $0xFFFFFD80  }
0xd9: {  	[tilespmem:s4], [sflag:$0x1] =	stream.linear.gather [spmem:s3], $0x80, $0x38;
	[tilespmem:$0x11A00] =	vst v63  }
0xda: {  	s7 =	simm.s32 $0xDF80;
	s3 =	sld [smem:$0x7F3]  }
0xdb: {  	[tilespmem:s7], [sflag:$0x1] =	stream.linear.gather [spmem:s6], $0x80, $0x38;
	[tilespmem:$0x11A00] =	vst v63  }
0xdc: {  	s4 =	simm.s32 $0xE380;
	s6 =	sld [smem:$0x7F4]  }
0xdd: {  	[tilespmem:s4], [sflag:$0x1] =	stream.linear.gather [spmem:s3], $0x80, $0x38;
	[tilespmem:$0x11A00] =	vst v63  }
0xde: {  	s7 =	simm.s32 $0xE780;
	s3 =	sld [smem:$0x7F5]  }
0xdf: {  	[tilespmem:s7], [sflag:$0x1] =	stream.linear.gather [spmem:s6], $0x80, $0x38;
	[tilespmem:$0x11A00] =	vst v63  }
0xe0: {  	s4 =	simm.s32 $0xEB80  }
0xe1: {  	[tilespmem:s4], [sflag:$0x1] =	stream.linear.gather [spmem:s3], $0x80, $0x38;
	[tilespmem:$0x11A00] =	vst v63  }
0xe2: {  	_ =	swait.ge [sflag:s31], $0x280  }
0xe3: {  	[sflag:s31] =	ssyncset.done $0x0;
	s6 =	rddreg [dreg:$0xe]  }
0xe4: {  	s7 =	simm.s32 $0xDC00;
	s3 =	sld [smem:$0x7F6];
	[sflag:s31] =	ssyncadd.s32 $0xFFFFFD80  }
0xe5: {  	[tilespmem:s7], [sflag:$0x1] =	stream.linear.gather [spmem:s6], $0x80, $0x38;
	[tilespmem:$0x11A00] =	vst v63  }
0xe6: {  	s4 =	simm.s32 $0xE000;
	s6 =	sld [smem:$0x7F7]  }
0xe7: {  	[tilespmem:s4], [sflag:$0x1] =	stream.linear.gather [spmem:s3], $0x80, $0x38;
	[tilespmem:$0x11A00] =	vst v63  }
0xe8: {  	s7 =	simm.s32 $0xE400;
	s3 =	sld [smem:$0x7F8]  }
0xe9: {  	[tilespmem:s7], [sflag:$0x1] =	stream.linear.gather [spmem:s6], $0x80, $0x38;
	[tilespmem:$0x11A00] =	vst v63  }
0xea: {  	s4 =	simm.s32 $0xE800;
	s6 =	sld [smem:$0x7F9]  }
0xeb: {  	[tilespmem:s4], [sflag:$0x1] =	stream.linear.gather [spmem:s3], $0x80, $0x38;
	[tilespmem:$0x11A00] =	vst v63  }
0xec: {  	s7 =	simm.s32 $0xEC00  }
0xed: {  	[tilespmem:s7], [sflag:$0x1] =	stream.linear.gather [spmem:s6], $0x80, $0x38;
	[tilespmem:$0x11A00] =	vst v63  }
0xee: {  	_ =	swait.ge [sflag:s31], $0x280  }
0xef: {  	[sflag:s31] =	ssyncset.done $0x0;
	s3 =	rddreg [dreg:$0xf]  }
0xf0: {  	s4 =	simm.s32 $0xDC80;
	s6 =	sld [smem:$0x7FA];
	[sflag:s31] =	ssyncadd.s32 $0xFFFFFD80  }
0xf1: {  	[tilespmem:s4], [sflag:$0x1] =	stream.linear.gather [spmem:s3], $0x80, $0x38;
	[tilespmem:$0x11A00] =	vst v63  }
0xf2: {  	s7 =	simm.s32 $0xE080;
	s3 =	sld [smem:$0x7FB]  }
0xf3: {  	[tilespmem:s7], [sflag:$0x1] =	stream.linear.gather [spmem:s6], $0x80, $0x38;
	[tilespmem:$0x11A00] =	vst v63  }
0xf4: {  	s4 =	simm.s32 $0xE480;
	s6 =	sld [smem:$0x7FC]  }
0xf5: {  	[tilespmem:s4], [sflag:$0x1] =	stream.linear.gather [spmem:s3], $0x80, $0x38;
	[tilespmem:$0x11A00] =	vst v63  }
0xf6: {  	s7 =	simm.s32 $0xE880;
	s3 =	sld [smem:$0x7FD]  }
0xf7: {  	[tilespmem:s7], [sflag:$0x1] =	stream.linear.gather [spmem:s6], $0x80, $0x38;
	[tilespmem:$0x11A00] =	vst v63  }
0xf8: {  	s4 =	simm.s32 $0xEC80  }
0xf9: {  	[tilespmem:s4], [sflag:$0x1] =	stream.linear.gather [spmem:s3], $0x80, $0x38;
	[tilespmem:$0x11A00] =	vst v63  }
0xfa: {  	_ =	swait.ge [sflag:s31], $0x280  }
0xfb: {  	[sflag:s31] =	ssyncset.done $0x0  }
0xfc: {  	s7 =	simm.s32 $0xDD00;
	s6 =	rddreg [dreg:$0x10];
	[sflag:s31] =	ssyncadd.s32 $0xFFFFFD80  }
0xfd: {  	[tilespmem:s7], [sflag:$0x1] =	stream.linear.gather [spmem:s6], $0x80, $0x38;
	[tilespmem:$0x11A00] =	vst v63  }
0xfe: {  	s3 =	simm.s32 $0xE100  }
0xff: {  	[tilespmem:s3], [sflag:$0x1] =	stream.linear.gather [spmem:s8], $0x80, $0x38;
	[tilespmem:$0x11A00] =	vst v63  }
0x100: {  	s4 =	simm.s32 $0xE500  }
0x101: {  	[tilespmem:s4], [sflag:$0x1] =	stream.linear.gather [spmem:s9], $0x80, $0x38;
	[tilespmem:$0x11A00] =	vst v63  }
0x102: {  	s6 =	simm.s32 $0xE900  }
0x103: {  	[tilespmem:s6], [sflag:$0x1] =	stream.linear.gather [spmem:s10], $0x80, $0x38;
	[tilespmem:$0x11A00] =	vst v63  }
0x104: {  	s7 =	simm.s32 $0xED00  }
0x105: {  	[tilespmem:s7], [sflag:$0x1] =	stream.linear.gather [spmem:s11], $0x80, $0x38;
	[tilespmem:$0x11A00] =	vst v63  }
0x106: {  	_ =	swait.ge [sflag:s31], $0x280  }
0x107: {  	[sflag:s31] =	ssyncset.done $0x0  }
0x108: {  	s4 =	simm.s32 $0xDD80;
	s3 =	rddreg [dreg:$0x11];
	[sflag:s31] =	ssyncadd.s32 $0xFFFFFD80  }
0x109: {  	[tilespmem:s4], [sflag:$0x1] =	stream.linear.gather [spmem:s3], $0x80, $0x38;
	[tilespmem:$0x11A00] =	vst v63  }
0x10a: {  	s6 =	simm.s32 $0xE180  }
0x10b: {  	[tilespmem:s6], [sflag:$0x1] =	stream.linear.gather [spmem:s12], $0x80, $0x38;
	[tilespmem:$0x11A00] =	vst v63  }
0x10c: {  	s7 =	simm.s32 $0xE580  }
0x10d: {  	[tilespmem:s7], [sflag:$0x1] =	stream.linear.gather [spmem:s13], $0x80, $0x38;
	[tilespmem:$0x11A00] =	vst v63  }
0x10e: {  	s3 =	simm.s32 $0xE980  }
0x10f: {  	[tilespmem:s3], [sflag:$0x1] =	stream.linear.gather [spmem:s14], $0x80, $0x38;
	[tilespmem:$0x11A00] =	vst v63  }
0x110: {  	s4 =	simm.s32 $0xED80  }
0x111: {  	[tilespmem:s4], [sflag:$0x1] =	stream.linear.gather [spmem:s15], $0x80, $0x38;
	[tilespmem:$0x11A00] =	vst v63  }
0x112: {  	_ =	swait.ge [sflag:s31], $0x280  }
0x113: {  	[sflag:s31] =	ssyncset.done $0x0  }
0x114: {  	s7 =	simm.s32 $0xDE00;
	s6 =	rddreg [dreg:$0x12];
	[sflag:s31] =	ssyncadd.s32 $0xFFFFFD80  }
0x115: {  	[tilespmem:s7], [sflag:$0x1] =	stream.linear.gather [spmem:s6], $0x80, $0x38;
	[tilespmem:$0x11A00] =	vst v63  }
0x116: {  	s3 =	simm.s32 $0xE200  }
0x117: {  	[tilespmem:s3], [sflag:$0x1] =	stream.linear.gather [spmem:s16], $0x80, $0x38;
	[tilespmem:$0x11A00] =	vst v63  }
0x118: {  	s4 =	simm.s32 $0xE600  }
0x119: {  	[tilespmem:s4], [sflag:$0x1] =	stream.linear.gather [spmem:s17], $0x80, $0x38;
	[tilespmem:$0x11A00] =	vst v63  }
0x11a: {  	s6 =	simm.s32 $0xEA00  }
0x11b: {  	[tilespmem:s6], [sflag:$0x1] =	stream.linear.gather [spmem:s18], $0x80, $0x38;
	[tilespmem:$0x11A00] =	vst v63  }
0x11c: {  	s7 =	simm.s32 $0xEE00  }
0x11d: {  	[tilespmem:s7], [sflag:$0x1] =	stream.linear.gather [spmem:s19], $0x80, $0x38;
	[tilespmem:$0x11A00] =	vst v63  }
0x11e: {  	_ =	swait.ge [sflag:s31], $0x280  }
0x11f: {  	[sflag:s31] =	ssyncset.done $0x0  }
0x120: {  	s4 =	simm.s32 $0xDE80;
	s3 =	rddreg [dreg:$0x13];
	[sflag:s31] =	ssyncadd.s32 $0xFFFFFD80  }
0x121: {  	[tilespmem:s4], [sflag:$0x1] =	stream.linear.gather [spmem:s3], $0x80, $0x38;
	[tilespmem:$0x11A00] =	vst v63  }
0x122: {  	s6 =	simm.s32 $0xE280  }
0x123: {  	[tilespmem:s6], [sflag:$0x1] =	stream.linear.gather [spmem:s20], $0x80, $0x38;
	[tilespmem:$0x11A00] =	vst v63  }
0x124: {  	s7 =	simm.s32 $0xE680  }
0x125: {  	[tilespmem:s7], [sflag:$0x1] =	stream.linear.gather [spmem:s21], $0x80, $0x38;
	[tilespmem:$0x11A00] =	vst v63  }
0x126: {  	s3 =	simm.s32 $0xEA80  }
0x127: {  	[tilespmem:s3], [sflag:$0x1] =	stream.linear.gather [spmem:s22], $0x80, $0x38;
	[tilespmem:$0x11A00] =	vst v63  }
0x128: {  	s4 =	simm.s32 $0xEE80  }
0x129: {  	[tilespmem:s4], [sflag:$0x1] =	stream.linear.gather [spmem:s23], $0x80, $0x38;
	[tilespmem:$0x11A00] =	vst v63  }
0x12a: {  	_ =	swait.ge [sflag:s31], $0x280  }
0x12b: {  	[sflag:s31] =	ssyncset.done $0x0  }
0x12c: {  	s7 =	simm.s32 $0xDF00;
	s6 =	rddreg [dreg:$0x14];
	[sflag:s31] =	ssyncadd.s32 $0xFFFFFD80  }
0x12d: {  	[tilespmem:s7], [sflag:$0x1] =	stream.linear.gather [spmem:s6], $0x80, $0x38;
	[tilespmem:$0x11A00] =	vst v63  }
0x12e: {  	s4 =	simm.s32 $0xE300  }
0x12f: {  	[tilespmem:s4], [sflag:$0x1] =	stream.linear.gather [spmem:s24], $0x80, $0x38;
	[tilespmem:$0x11A00] =	vst v63  }
0x130: {  	s6 =	simm.s32 $0xE700  }
0x131: {  	[tilespmem:s6], [sflag:$0x1] =	stream.linear.gather [spmem:s25], $0x80, $0x38;
	[tilespmem:$0x11A00] =	vst v63  }
0x132: {  	s7 =	simm.s32 $0xEB00  }
0x133: {  	[tilespmem:s7], [sflag:$0x1] =	stream.linear.gather [spmem:s26], $0x80, $0x38;
	[tilespmem:$0x11A00] =	vst v63  }
0x134: {  	s3 =	simm.s32 $0xEF00  }
0x135: {  	[tilespmem:s3], [sflag:$0x1] =	stream.linear.gather [spmem:s28], $0x80, $0x38;
	[tilespmem:$0x11A00] =	vst v63  }
0x136: {  	s4 =	simm.s32 $0x0;
	_ =	swait.ge [sflag:s31], $0x280  }
0x137: {  	s2 =	sand.u32 $0x1C00, s4;
	s6 =	sand.u32 $0x70, s4;
	[sflag:s31] =	ssyncset.done $0x0  }
0x138: {  	s2 =	sor.u32 s6, s2;
	[sflag:s31] =	ssyncadd.s32 $0xFFFFFD80  }
0x139: {  	v2 =	vld [tilespmem:s2+$0xC800]  }
0x13a: {  	v3 =	vld [tilespmem:s2+$0xC780];
	_ =	sdelay $0x1  }
0x13b: {  	v54 =	vld [tilespmem:s2+$0xC880];
	_ =	sdelay $0x1  }
0x13c: {  	v55 =	vld [tilespmem:s2+$0xC900]  }
0x13d: {  	v2 =	vadd.f32 v2, v3  }
0x13e: {  	v3 =	vld [tilespmem:s2+$0xC980]  }
0x13f: {  	v2 =	vadd.f32 v54, v2  }
0x140: {  	v56 =	vld [tilespmem:s2+$0xCA00]  }
0x141: {  	v2 =	vadd.f32 v55, v2  }
0x142: {  	v57 =	vld [tilespmem:s2+$0xCA80]  }
0x143: {  	v2 =	vadd.f32 v3, v2  }
0x144: {  	v3 =	vld [tilespmem:s2+$0xCB00]  }
0x145: {  	v2 =	vadd.f32 v56, v2  }
0x146: {  	v58 =	vld [tilespmem:s2+$0xDB80]  }
0x147: {  	v2 =	vadd.f32 v57, v2  }
0x148: {  	v59 =	vld [tilespmem:s2+$0xDC00]  }
0x149: {  	v2 =	vadd.f32 v3, v2  }
0x14a: {  	v3 =	vld [tilespmem:s2+$0xDC80]  }
0x14b: {  	v2 =	vadd.f32 v58, v2  }
0x14c: {  	v60 =	vld [tilespmem:s2+$0xDD00]  }
0x14d: {  	v2 =	vadd.f32 v59, v2  }
0x14e: {  	v61 =	vld [tilespmem:s2+$0xDD80]  }
0x14f: {  	v2 =	vadd.f32 v3, v2  }
0x150: {  	v3 =	vld [tilespmem:s2+$0xDE00]  }
0x151: {  	v2 =	vadd.f32 v60, v2  }
0x152: {  	v62 =	vld [tilespmem:s2+$0xDE80]  }
0x153: {  	v2 =	vadd.f32 v61, v2  }
0x154: {  	v63 =	vld [tilespmem:s2+$0xDF00]  }
0x155: {  	v2 =	vadd.f32 v3, v2;
	_ =	sdelay $0x1  }
0x156: {  	v2 =	vadd.f32 v62, v2;
	_ =	sdelay $0x1  }
0x157: {  	s4 =	simm.s32 $0x80;
	s7 =	simm.s32 $0x10;
	v2 =	vadd.f32 v63, v2  }
0x158: {  	s6 =	sand.u32 $0x1C00, s4;
	s3 =	sand.u32 $0x70, s7;
	s2 =	simm.s32 $0xEF80  }
0x159: {  	s3 =	sor.u32 s3, s6;
	s6 =	simm.s32 $0x20;
	[tilespmem:s2+$0x0] =	vst v2  }
.LBB2_6:
0x15a: {  	p0 =	sne.s32 s6, $0x270;
	v2 =	vld [tilespmem:s3+$0xC800]  }
0x15b: {  	v3 =	vld [tilespmem:s3+$0xC780];
	_ =	sdelay $0x1  }
0x15c: {  	v4 =	vld [tilespmem:s3+$0xC880];
	_ =	sdelay $0x1  }
0x15d: {  	v5 =	vld [tilespmem:s3+$0xC900]  }
0x15e: {  	v2 =	vadd.f32 v2, v3  }
0x15f: {  	v3 =	vld [tilespmem:s3+$0xC980]  }
0x160: {  	v2 =	vadd.f32 v4, v2  }
0x161: {  	v4 =	vld [tilespmem:s3+$0xCA00]  }
0x162: {  	v2 =	vadd.f32 v5, v2  }
0x163: {  	v5 =	vld [tilespmem:s3+$0xCA80]  }
0x164: {  	v2 =	vadd.f32 v3, v2  }
0x165: {  	v3 =	vld [tilespmem:s3+$0xCB00]  }
0x166: {  	v2 =	vadd.f32 v4, v2  }
0x167: {  	v4 =	vld [tilespmem:s3+$0xDB80]  }
0x168: {  	v2 =	vadd.f32 v5, v2  }
0x169: {  	v5 =	vld [tilespmem:s3+$0xDC00]  }
0x16a: {  	v2 =	vadd.f32 v3, v2  }
0x16b: {  	v3 =	vld [tilespmem:s3+$0xDC80]  }
0x16c: {  	v2 =	vadd.f32 v4, v2  }
0x16d: {  	v4 =	vld [tilespmem:s3+$0xDD00]  }
0x16e: {  	v2 =	vadd.f32 v5, v2  }
0x16f: {  	v5 =	vld [tilespmem:s3+$0xDD80]  }
0x170: {  	v2 =	vadd.f32 v3, v2  }
0x171: {  	v3 =	vld [tilespmem:s3+$0xDE00]  }
0x172: {  	v2 =	vadd.f32 v4, v2  }
0x173: {  	v4 =	vld [tilespmem:s3+$0xDE80]  }
0x174: {  	v2 =	vadd.f32 v5, v2  }
0x175: {  	v5 =	vld [tilespmem:s3+$0xDF00]  }
0x176: {  	v2 =	vadd.f32 v3, v2;
	_ =	sdelay $0x1  }
.Ltmp2:
0x177: {  	v2 =	vadd.f32 v4, v2;
	(pc) =	sbr.rel @p0 .LBB2_6-.Ltmp2, $4  }
0x178: {  	_ = 	snop  }
0x179: {  	s4 =	sadd.s32 $0x80, s4;
	v2 =	vadd.f32 v5, v2  }
0x17a: {  	s2 =	sadd.s32 $0x10, s2;
	s7 =	sand.u32 $0x1C00, s4;
	s3 =	sand.u32 $0x70, s6  }
0x17b: {  	s6 =	sadd.s32 $0x10, s6;
	s3 =	sor.u32 s3, s7;
	[tilespmem:s2+$0x0] =	vst v2  }
0x17c: {  	v2 =	vld [tilespmem:s3+$0xC800]  }
0x17d: {  	v3 =	vld [tilespmem:s3+$0xC780];
	_ =	sdelay $0x1  }
0x17e: {  	v4 =	vld [tilespmem:s3+$0xC880];
	_ =	sdelay $0x1  }
0x17f: {  	v5 =	vld [tilespmem:s3+$0xC900]  }
0x180: {  	v2 =	vadd.f32 v2, v3  }
0x181: {  	v3 =	vld [tilespmem:s3+$0xC980]  }
0x182: {  	v2 =	vadd.f32 v4, v2  }
0x183: {  	v56 =	vld [tilespmem:s3+$0xCA00]  }
0x184: {  	v2 =	vadd.f32 v5, v2  }
0x185: {  	v57 =	vld [tilespmem:s3+$0xCA80]  }
0x186: {  	v2 =	vadd.f32 v3, v2  }
0x187: {  	v3 =	vld [tilespmem:s3+$0xCB00]  }
0x188: {  	v2 =	vadd.f32 v56, v2  }
0x189: {  	v58 =	vld [tilespmem:s3+$0xDB80]  }
0x18a: {  	v2 =	vadd.f32 v57, v2  }
0x18b: {  	v59 =	vld [tilespmem:s3+$0xDC00]  }
0x18c: {  	v2 =	vadd.f32 v3, v2  }
0x18d: {  	v3 =	vld [tilespmem:s3+$0xDC80]  }
0x18e: {  	v2 =	vadd.f32 v58, v2  }
0x18f: {  	v60 =	vld [tilespmem:s3+$0xDD00]  }
0x190: {  	v2 =	vadd.f32 v59, v2  }
0x191: {  	v61 =	vld [tilespmem:s3+$0xDD80]  }
0x192: {  	v2 =	vadd.f32 v3, v2  }
0x193: {  	v3 =	vld [tilespmem:s3+$0xDE00]  }
0x194: {  	v2 =	vadd.f32 v60, v2  }
0x195: {  	v62 =	vld [tilespmem:s3+$0xDE80]  }
0x196: {  	v2 =	vadd.f32 v61, v2  }
0x197: {  	v63 =	vld [tilespmem:s3+$0xDF00]  }
0x198: {  	v2 =	vadd.f32 v3, v2;
	_ =	sdelay $0x1  }
0x199: {  	v2 =	vadd.f32 v62, v2;
	_ =	sdelay $0x1  }
0x19a: {  	v2 =	vadd.f32 v63, v2  }
0x19b: {  	s2 =	sadd.s32 $0x10, s2  }
0x19c: {  	s4 =	rddreg [dreg:$0x15];
	s6 =	simm.s32 $0xEF80;
	[tilespmem:s2+$0x0] =	vst v2  }
0x19d: {  	[hbm4b:s4+s29] =	stream.strided.scatter [tilespmem:s6], [sflag:$0x1], $0x280, s30, s29, $0x38;
	[tilespmem:$0x11A00] =	vst v63  }
0x19e: {  	_ =	swait.ge [sflag:s31], $0x280  }
0x19f: {  	s0 =	sadd.s32 $0x1, s0;
	s7 =	rddreg [dreg:$0x16]  }
0x1a0: {  	p0 =	sne.s32 s0, s7  }
.Ltmp3:
0x1a1: {  	_ = 	snop;
	(pc) =	sbr.rel @p0 .LBB2_1-.Ltmp3, $3  }
0x1a2: {  	_ =	sdelay $0x1  }
0x1a3: {  	[sflag:s31] =	ssyncset.done $0x0  }
0x1a4: {  	[sflag:s31] =	ssyncadd.s32 $0xFFFFFD80  }
0x1a5: {  	_ =	sfence.sel $0x180000  }
0x1a6: {  	[bflag:$0x0] =	sbarrier.arrive $0xFFFF  }
0x1a7: {  	_ =	strace $0x90000047  }
0x1a8: {  	s0 =	stileid.u32;
	[bflag:$0x2] =	sbarrier.arrive $0xFFFF  }
0x1a9: {  	p0 =	sne.s32 s0, $0x0;
	s0 =	rddreg [dreg:$0x2]  }
0x1aa: {  	s0 =	sadd.s32 @!p0 $0x100000, s0  }
0x1ab: {  	[sflag:s0] =	ssyncadd.tile.s32 @!p0 $0x1;
	_ =	shalt  }
.Lfunc_end2:
_tile_overlayer_lowered:
.L_overlay_start_2:
0x1ac: {  	(tag) =	ssettag $0x2  }
0x1ad: {  	s0 =	rddreg [dreg:$0x0];
	s2 =	stileid.u32  }
0x1ae: {  	s1 =	rddreg [dreg:$0x1];
	p0 =	sne.s32 s2, $0x0  }
0x1af: {  	s3 =	rddreg [dreg:$0x2];
	[bflag:$0x3] =	sbarrier.arrive $0xFFFF;
	s2 =	simm.s32 @!p0 $0x1C01  }
0x1b0: {  	[timem:s3], [sflag:s2] =	dma.local @!p0 [hbm:s0], s1  }
0x1b1: {  	s0 =	simm.s32 @!p0 $0x1  }
0x1b2: {  	_ =	swait.ge @!p0 [sflag:s0], s1  }
0x1b3: {  	s1 =	ssub.s32 @!p0 $0x0, s1;
	[sflag:s0] =	ssyncset.done @!p0 $0x0  }
0x1b4: {  	[sflag:s0] =	ssyncadd.s32 @!p0 s1  }
0x1b5: {  	[bflag:$0x3] =	sbarrier.arrive $0xFFFF  }
0x1b6: {  	_ =	shalt  }

// kernel: kernel.13.cloned.1.call-start
scs
__scs_entry_jumppad:
0x0: {  	(pc) =	sbr.rel $0x88, $3  }
0x1: {  	(tag) =	ssettag $0x0;
	lr =	simm.s32 $0x1  }
0x2: {  	[smem:$0x3F8B] =	sst lr;
	_ =	strace $0xD0000000  }
0x3: {  	_ = 	snop  }
0x4: {  	_ = 	snop  }
0x5: {  	_ = 	snop  }
0x6: {  	_ = 	snop  }
0x7: {  	_ = 	snop  }
__scs_overlays_trampoline_lowered:
0x8: {  	[smem:$0x3F9A] =	sst s0  }
0x9: {  	[smem:$0x3F9B] =	sst s1  }
0xa: {  	[smem:$0x3F9C] =	sst s2  }
0xb: {  	[smem:$0x3F9D] =	sst s3  }
0xc: {  	[smem:$0x3F9E] =	sst s4  }
0xd: {  	[smem:$0x3F9F] =	sst s5  }
0xe: {  	[smem:$0x3FA0] =	sst s6  }
0xf: {  	[smem:$0x3FA1] =	sst s7  }
0x10: {  	[smem:$0x3FA2] =	sst s8  }
0x11: {  	[smem:$0x3FA3] =	sst s9;
	s0 =	simm.s32 @!p0 $0x0  }
0x12: {  	s1 =	sld [smem:$0x3F89];
	s0 =	simm.s32 @p0 $0x1  }
0x13: {  	[smem:$0x3FA4] =	sst s0;
	s0 =	simm.s32 @!p1 $0x0  }
0x14: {  	s2 =	sld [smem:$0x3F88];
	s0 =	simm.s32 @p1 $0x1  }
0x15: {  	[smem:$0x3FA5] =	sst s0;
	s0 =	simm.s32 @!p2 $0x0  }
0x16: {  	s3 =	sld [smem:$0x3FDB];
	s0 =	simm.s32 @p2 $0x1  }
0x17: {  	s4 =	simm.s32 $0x1BF5;
	[smem:$0x3FA7] =	sst s0  }
0x18: {  	s0 =	sld [smem:$0x3F8A];
	_ =	swait.ge [sflag:s4], $0x0  }
0x19: {  	s7 =	sld [smem:$0x3F8B]  }
0x1a: {  	s8 =	sadd.s32 $0xFFFFE003, lr  }
0x1b: {  	s9 =	sadd.s32 $0xFFFFFEF7, lr;
	s5 =	simm.s32 $0xFFFFFFFF;
	p2 =	slt.u32 s8, $0xFFFFF086  }
0x1c: {  	p1 =	slt.u32 s9, $0xF7A;
	s5 =	simm.s32 @!p2 $0x0  }
0x1d: {  	s5 =	simm.s32 @p1 $0x1;
	p0 =	seq.s32 s7, s2  }
0x1e: {  	s7 =	smul.u32 @!p0 $0xF7A, s2;
	p2 =	seq.s32 @!p0 s5, $0x0  }
0x1f: {  	s9 =	smul.u32 $0xF7A, s1;
	s8 =	simm.s32 @!p0 $0x1BF5;
	p2 =	por !p2, p0  }
0x20: {  	[sflag:s8] =	ssyncset.s32 @!p0 $0xFFFFF086;
	s6 =	sadd.s32 @!p0 s3, s7;
	s7 =	simm.s32 @!p0 $0x108  }
0x21: {  	s3 =	sadd.s32 s3, s9;
	s6 =	sadd.s32 @!p0 $0x88, s6;
	s7 =	simm.s32 @p2 $0x1082  }
0x22: {  	[simem:s7], [sflag:s8] =	dma.local @!p0 [hbm:s6], $0xF7A  }
0x23: {  	s9 =	sor.u32 $0xD0000000, s2;
	s6 =	simm.s32 $0x108;
	_ =	swait.ge @!p0 [sflag:s8], $0x0  }
0x24: {  	s3 =	sadd.s32 $0x88, s3;
	s6 =	simm.s32 @!p1 $0x1082;
	[sflag:s4] =	ssyncset.s32 $0xFFFFF086  }
0x25: {  	[simem:s6], [sflag:s4] =	dma.local [hbm:s3], $0xF7A  }
0x26: {  	[smem:$0x3F8B] =	sst s1;
	(tag) =	ssettag s2;
	_ =	strace s9  }
0x27: {  	s1 =	sld [smem:$0x3F9B]  }
0x28: {  	s2 =	sld [smem:$0x3F9C]  }
0x29: {  	s4 =	sld [smem:$0x3F9E]  }
0x2a: {  	p0 =	seq.s32 s5, $0x0;
	s5 =	sld [smem:$0x3F9F]  }
0x2b: {  	s6 =	sld [smem:$0x3FA0]  }
0x2c: {  	s7 =	sld [smem:$0x3FA1]  }
0x2d: {  	s3 =	simm.s32 $0x108;
	s8 =	sld [smem:$0x3FA2]  }
0x2e: {  	s3 =	simm.s32 @!p0 $0x1082;
	s9 =	sld [smem:$0x3FA3]  }
0x2f: {  	lr =	sadd.s32 s0, s3;
	s0 =	sld [smem:$0x3F9A]  }
0x30: {  	s3 =	sld [smem:$0x3F9D]  }
0x31: {  	[smem:$0x3FA6] =	sst s10  }
0x32: {  	s10 =	sld [smem:$0x3FA4];
	_ =	sdelay $0x3  }
0x33: {  	p0 =	seq.s32 s10, $0x1;
	s10 =	sld [smem:$0x3FA6];
	_ =	sdelay $0x3  }
0x34: {  	[smem:$0x3FA6] =	sst s10  }
0x35: {  	s10 =	sld [smem:$0x3FA5];
	_ =	sdelay $0x3  }
0x36: {  	p1 =	seq.s32 s10, $0x1;
	s10 =	sld [smem:$0x3FA6];
	_ =	sdelay $0x3  }
0x37: {  	[smem:$0x3FA6] =	sst s10  }
0x38: {  	s10 =	sld [smem:$0x3FA7]  }
0x39: {  	_ = 	snop;
	(pc) =	sbr.ind lr, $3  }
0x3a: {  	_ = 	snop  }
0x3b: {  	_ = 	snop  }
0x3c: {  	p2 =	seq.s32 s10, $0x1;
	s10 =	sld [smem:$0x3FA6]  }
0x3d: {  	_ =	shalt  }
0x3e: {  	_ =	shalt  }
0x3f: {  	_ =	shalt  }
0x40: {  	_ =	shalt  }
0x41: {  	_ =	shalt  }
0x42: {  	_ =	shalt  }
0x43: {  	_ =	shalt  }
0x44: {  	_ =	shalt  }
0x45: {  	_ =	shalt  }
0x46: {  	_ =	shalt  }
0x47: {  	_ =	shalt  }
0x48: {  	_ =	shalt  }
0x49: {  	_ =	shalt  }
0x4a: {  	_ =	shalt  }
0x4b: {  	_ =	shalt  }
0x4c: {  	_ =	shalt  }
0x4d: {  	_ =	shalt  }
0x4e: {  	_ =	shalt  }
0x4f: {  	_ =	shalt  }
0x50: {  	_ =	shalt  }
0x51: {  	_ =	shalt  }
0x52: {  	_ =	shalt  }
0x53: {  	_ =	shalt  }
0x54: {  	_ =	shalt  }
0x55: {  	_ =	shalt  }
0x56: {  	_ =	shalt  }
0x57: {  	_ =	shalt  }
0x58: {  	_ =	shalt  }
0x59: {  	_ =	shalt  }
0x5a: {  	_ =	shalt  }
0x5b: {  	_ =	shalt  }
0x5c: {  	_ =	shalt  }
0x5d: {  	_ =	shalt  }
0x5e: {  	_ =	shalt  }
0x5f: {  	_ =	shalt  }
0x60: {  	_ =	shalt  }
0x61: {  	_ =	shalt  }
0x62: {  	_ =	shalt  }
0x63: {  	_ =	shalt  }
0x64: {  	_ =	shalt  }
0x65: {  	_ =	shalt  }
0x66: {  	_ =	shalt  }
0x67: {  	_ =	shalt  }
0x68: {  	_ =	shalt  }
0x69: {  	_ =	shalt  }
0x6a: {  	_ =	shalt  }
0x6b: {  	_ =	shalt  }
0x6c: {  	_ =	shalt  }
0x6d: {  	_ =	shalt  }
0x6e: {  	_ =	shalt  }
0x6f: {  	_ =	shalt  }
0x70: {  	_ =	shalt  }
0x71: {  	_ =	shalt  }
0x72: {  	_ =	shalt  }
0x73: {  	_ =	shalt  }
0x74: {  	_ =	shalt  }
0x75: {  	_ =	shalt  }
0x76: {  	_ =	shalt  }
0x77: {  	_ =	shalt  }
0x78: {  	_ =	shalt  }
0x79: {  	_ =	shalt  }
0x7a: {  	_ =	shalt  }
0x7b: {  	_ =	shalt  }
0x7c: {  	_ =	shalt  }
0x7d: {  	_ =	shalt  }
0x7e: {  	_ =	shalt  }
0x7f: {  	_ =	shalt  }
0x80: {  	_ =	shalt  }
0x81: {  	_ =	shalt  }
0x82: {  	_ =	shalt  }
0x83: {  	_ =	shalt  }
0x84: {  	_ =	shalt  }
0x85: {  	_ =	shalt  }
0x86: {  	_ =	shalt  }
0x87: {  	_ =	shalt  }
.Lfunc_end0:
.L_simem_size_0:
called_computation.1_lowered:
.L_overlay_start_0:
0x88: {  	s2 =	sld [smem:$0x3FD9]  }
0x89: {  	s3 =	sld [smem:$0x3FFE];
	_ =	sdelay $0x1  }
0x8a: {  	s1 =	srdreg.scid  }
0x8b: {  	s0 =	sand.u32 $0x1, s1  }
0x8c: {  	s16 =	sshll.u32 s0, $0xA;
	s2 =	sadd.s32 s3, s2  }
0x8d: {  	s2 =	sadd.s32 s2, s16  }
0x8e: {  	[smem:$0x3FB2] =	sst s2  }
0x8f: {  	_ = 	snop  }
0x90: {  	(tm) =	ssettm $0x1  }
0x91: {  	s17 =	sld [smem:$0x3FFB];
	_ =	sdelay $0x3  }
0x92: {  	_ =	strace s17  }
0x93: {  	s2 =	sld [smem:$0x3FFC];
	_ =	sdelay $0x3  }
0x94: {  	_ =	strace s2  }
0x95: {  	s2 =	sld [smem:$0x3FFD];
	_ =	sdelay $0x3  }
0x96: {  	_ =	strace s2  }
0x97: {  	_ =	strace $0x8FFFFFFF  }
0x98: {  	s18 =	sld [smem:$0x3FDB];
	_ =	sdelay $0x1  }
0x99: {  	s19 =	simm.s32 $_scs_section_size  }
0x9a: {  	s4 =	simm.s32 $_size__tile_overlayer_lowered;
	s5 =	simm.s32 $_tile_overlayer_lowered  }
0x9b: {  	s22 =	simm.s32 $0x1BFF;
	s21 =	sshll.u32 s5, $0x1;
	s2 =	sadd.s32 s19, s18  }
0x9c: {  	s6 =	simm.s32 $0x0;
	s20 =	sshll.u32 s4, $0x1;
	s4 =	sadd.s32 s21, s2  }
0x9d: {  	[timem:s6], [sflag:s22] =	dma.local [hbm:s4], s20  }
0x9e: {  	_ =	swait.ge [sflag:s22], s20  }
0x9f: {  	s3 =	ssub.s32 $0x0, s20;
	[sflag:s22] =	ssyncset.done $0x0  }
0xa0: {  	[sflag:s22] =	ssyncadd.s32 s3;
	_ =	sdelay $0x1  }
0xa1: {  	s23 =	simm.s32 $0x1B8B  }
0xa2: {  	_ =	swait.ge [sflag:s23], $0x1  }
0xa3: {  	[sflag:s23] =	ssyncset.done $0x0  }
0xa4: {  	s25 =	simm.s32 $0x1B8E;
	s24 =	sld [smem:$0x3FFE];
	[sflag:s23] =	ssyncadd.s32 $0xFFFFFFFF  }
0xa5: {  	s26 =	simm.s32 $execute0_lowered;
	[smem:$0x3FD2] =	sst s25  }
0xa6: {  	s4 =	sshll.u32 s26, $0x1;
	_ =	strace $0x80000049;
	[dreg:$0x1] =	wrdreg $0xFFFFFFFF  }
0xa7: {  	s28 =	simm.s32 $_size_execute0_lowered;
	s2 =	sadd.s32 s2, s4;
	[dreg:$0x0] =	wrdreg $0x0  }
0xa8: {  	s4 =	sshll.u32 s28, $0x1;
	[dreg:$0x2] =	wrdreg s2  }
0xa9: {  	[dreg:$0x3] =	wrdreg s4  }
0xaa: {  	[dreg:$0x4] =	wrdreg $0xC0  }
0xab: {  	_ =	task [dreg:s6], $0x5FFFF  }
0xac: {  	[dreg:$0x1] =	wrdreg $0xFFFFFFFF  }
0xad: {  	[dreg:$0x0] =	wrdreg $0x60  }
0xae: {  	[dreg:$0x2] =	wrdreg s24  }
0xaf: {  	[dreg:$0x3] =	wrdreg $0xA8000  }
0xb0: {  	[dreg:$0x4] =	wrdreg $0x9  }
0xb1: {  	_ =	task.clear_ibuf [dreg:s6], $0x5FFFF;
	_ =	strace $0x90000049  }
0xb2: {  	s29 =	simm.s32 $0x9;
	_ =	strace $0x8000004B  }
0xb3: {  	_ =	swait.ge [sflag:s29], $0x1  }
0xb4: {  	[sflag:s29] =	ssyncadd.s32 $0xFFFFFFFF  }
0xb5: {  	_ =	strace $0x9000004B  }
0xb6: {  	_ =	sfence  }
0xb7: {  	s30 =	sld [smem:$0x0];
	_ =	sdelay $0x2  }
0xb8: {  	s31 =	sshll.u32 s1, $0xD;
	s1 =	sshrl.u32 s1, $0x2  }
0xb9: {  	s3 =	sand.u32 $0x4000, s31;
	s1 =	sadd.s32 s1, s30  }
0xba: {  	s0 =	sor.u32 s3, s0;
	s1 =	sshll.u32 s1, $0x11  }
0xbb: {  	s0 =	sor.u32 s1, s0  }
0xbc: {  	s0 =	sadd.s32 $0x8F2B, s0  }
0xbd: {  	[sflag:s0] =	ssyncadd.remote.s32 $0x1  }
0xbe: {  	_ =	sfence.sel $0xFFFF  }
0xbf: {  	[dreg:$0x0] =	wrdreg $0xFFFFFFFF;
	(pc) =	sbr.abs _section_cstart, $3  }
0xc0: {  	[dreg:$0x1] =	wrdreg $0xFFFFFFFF  }
0xc1: {  	_ =	task.clear_ibuf [dreg:s6], $0x2FFFF;
	_ =	strace $0x9FFFFFFF  }
0xc2: {  	(tm) =	ssettm $0x7FFFFFFF  }
0xc3: {  	_ =	shalt  }
tec
execute0_lowered:
.L_overlay_start_1:
0x0: {  	(tag) =	ssettag $0x1  }
0x1: {  	s5 =	rddreg [dreg:$0x0]  }
0x2: {  	s1 =	rddreg [dreg:$0x1]  }
0x3: {  	s3 =	simm.s32 $0x0;
	s2 =	srdreg.scid;
	s18 =	simm.s32 $0x7D  }
0x4: {  	s19 =	simm.s32 $0x2800;
	s20 =	simm.s32 $0x6800;
	s21 =	simm.s32 $0x1  }
0x5: {  	s22 =	simm.s32 $0x2;
	s23 =	simm.s32 $0x1380;
	s6 =	sand.u32 $0x1, s2  }
0x6: {  	s24 =	simm.s32 $0x2700;
	s2 =	stileid.u32;
	s7 =	smul.u32 $0x140000, s6  }
0x7: {  	s25 =	simm.s32 $0x2780;
	[smem:$0x7FF] =	sst s3;
	s8 =	smul.u32 $0x14000, s2  }
0x8: {  	s4 =	sadd.s32 $0x24200, s5;
	s9 =	sadd.s32 $0x1A200, s5;
	s10 =	smul.u32 $0x50000, s2  }
0x9: {  	s11 =	sadd.s32 $0x10200, s5;
	s14 =	sadd.s32 $0x4C200, s5;
	s12 =	smul.u32 $0x2800, s2  }
0xa: {  	_ =	strace $0x8000004A;
	s26 =	ssub.s32 $0x2, s6;
	s13 =	smul.u32 $0x28000, s6  }
0xb: {  	p0 =	seq.s32 s6, $0x1;
	s28 =	sshrl.u32 s26, $0x1;
	s7 =	sadd.s32 s8, s7  }
0xc: {  	s16 =	ssub.s32 s26, s28;
	s29 =	sshrl.u32 s10, $0x2;
	s30 =	sadd.s32 s12, s13  }
0xd: {  	s13 =	smov.u32 s4;
	s26 =	simm.s32 $0x0;
	s7 =	sshrl.u32 s7, $0x3  }
0xe: {  	s17 =	sadd.s32 s29, s1;
	s10 =	smax.u32 s16, $0x1;
	s13 =	smov.u32 @p0 s14  }
0xf: {  	s16 =	simm.s32 $0x1400;
	s15 =	sadd.s32 s7, s5;
	s7 =	sshrl.u32 s30, $0x3  }
0x10: {  	s12 =	sadd.s32 s13, s12;
	s14 =	sshrl.u32 s17, $0x3;
	s17 =	simm.s32 $0x3  }
0x11: {  	s5 =	sadd.s32 s9, s7;
	s6 =	sadd.s32 s11, s7;
	s31 =	sadd.s32 $0x280, s7  }
0x12: {  	s7 =	sadd.s32 s9, s31;
	s8 =	sadd.s32 s11, s31;
	s11 =	sshll.u32 s2, $0x6  }
0x13: {  	s9 =	sadd.s32 $0x74200, s15;
	s15 =	simm.s32 $0x4;
	s13 =	sor.u32 $0x1C03, s11  }
.LBB2_1:
0x14: {  	[spmem:s14], [sflag:s13] =	dma.local [hbm:s12], $0x2800  }
0x15: {  	[tilespmem:s3], [sflag:$0x4] =	stream.linear.gather [hbm4b:s5+s3], $0x1400, $0x38;
	[tilespmem:$0x1E800] =	vst v63  }
0x16: {  	_ =	swait.ge [sflag:s15], $0x1400  }
0x17: {  	[sflag:s15] =	ssyncset.done $0x0  }
0x18: {  	[sflag:s15] =	ssyncadd.s32 $0xFFFFEC00  }
0x19: {  	[tilespmem:s16], [sflag:$0x4] =	stream.linear.gather [hbm4b:s6+s3], $0x1400, $0x38;
	[tilespmem:$0x1E800] =	vst v63  }
0x1a: {  	_ =	swait.ge [sflag:s15], $0x1400  }
0x1b: {  	[sflag:s15] =	ssyncset.done $0x0  }
0x1c: {  	[sflag:s15] =	ssyncadd.s32 $0xFFFFEC00  }
0x1d: {  	_ =	swait.ge [sflag:s17], $0x2800  }
0x1e: {  	[sflag:s17] =	ssyncset.done $0x0  }
0x1f: {  	[sflag:s17] =	ssyncadd.s32 $0xFFFFD800  }
0x20: {  	[bflag:$0x0] =	sbarrier.arrive $0xFFFF  }
0x21: {  	[tilespmem:s19], [sflag:$0x1] =	stream.indirect.gather [hbm4b:s4+s18], $0x80, s3, s18, $0xb8;
	[tilespmem:$0x1E800] =	vst v63  }
0x22: {  	s28 =	simm.s32 $0x80  }
0x23: {  	[tilespmem:s20], [sflag:$0x2] =	stream.indirect.gather [hbm4b:s4+s18], $0x80, s28, s18, $0xb8;
	[tilespmem:$0x1E800] =	vst v63  }
0x24: {  	_ =	swait.ge [sflag:s21], $0x3E80  }
0x25: {  	[sflag:s21] =	ssyncset.done $0x0  }
0x26: {  	s28 =	simm.s32 $0x1400;
	[sflag:s21] =	ssyncadd.s32 $0xFFFFC180  }
0x27: {  	[spmem:s1] =	stream.indirect.scatter.add.f32 [tilespmem:s19], [sflag:$0x4], $0x80, s28, s18, $0xb8;
	[tilespmem:$0x1E800] =	vst v63  }
0x28: {  	_ =	swait.ge [sflag:s15], $0x3E80  }
0x29: {  	[sflag:s15] =	ssyncset.done $0x0  }
0x2a: {  	s28 =	simm.s32 $0x100;
	[sflag:s15] =	ssyncadd.s32 $0xFFFFC180  }
0x2b: {  	[tilespmem:s19], [sflag:$0x1] =	stream.indirect.gather [hbm4b:s4+s18], $0x80, s28, s18, $0xb8;
	[tilespmem:$0x1E800] =	vst v63  }
0x2c: {  	_ =	swait.ge [sflag:s22], $0x3E80  }
0x2d: {  	[sflag:s22] =	ssyncset.done $0x0  }
0x2e: {  	s28 =	simm.s32 $0x1480;
	[sflag:s22] =	ssyncadd.s32 $0xFFFFC180  }
0x2f: {  	[spmem:s1] =	stream.indirect.scatter.add.f32 [tilespmem:s20], [sflag:$0x4], $0x80, s28, s18, $0xb8;
	[tilespmem:$0x1E800] =	vst v63  }
0x30: {  	_ =	swait.ge [sflag:s15], $0x3E80  }
0x31: {  	s29 =	simm.s32 $0x800;
	s28 =	simm.s32 $0x100;
	[sflag:s15] =	ssyncset.done $0x0  }
.LBB2_2:
0x32: {  	s30 =	sadd.s32 $0x80, s28  }
0x33: {  	[sflag:s15] =	ssyncadd.s32 $0xFFFFC180;
	s31 =	smov.u32 s29;
	s0 =	sadd.s32 $0x400, s29  }
0x34: {  	[tilespmem:s20], [sflag:$0x2] =	stream.indirect.gather [hbm4b:s4+s18], $0x80, s30, s18, $0xb8;
	[tilespmem:$0x1E800] =	vst v63  }
0x35: {  	p0 =	sne.s32 s29, $0x4800;
	_ =	swait.ge [sflag:s21], $0x3E80  }
0x36: {  	[sflag:s21] =	ssyncset.done $0x0  }
0x37: {  	s29 =	sadd.s32 $0x1400, s28;
	[sflag:s21] =	ssyncadd.s32 $0xFFFFC180  }
0x38: {  	[spmem:s1] =	stream.indirect.scatter.add.f32 [tilespmem:s19], [sflag:$0x4], $0x80, s29, s18, $0xb8;
	[tilespmem:$0x1E800] =	vst v63  }
0x39: {  	_ =	swait.ge [sflag:s15], $0x3E80  }
0x3a: {  	[sflag:s15] =	ssyncset.done $0x0  }
0x3b: {  	s29 =	sadd.s32 $0x100, s28;
	[sflag:s15] =	ssyncadd.s32 $0xFFFFC180  }
0x3c: {  	[tilespmem:s19], [sflag:$0x1] =	stream.indirect.gather [hbm4b:s4+s18], $0x80, s29, s18, $0xb8;
	[tilespmem:$0x1E800] =	vst v63  }
0x3d: {  	_ =	swait.ge [sflag:s22], $0x3E80  }
.Ltmp0:
0x3e: {  	[sflag:s22] =	ssyncset.done $0x0;
	(pc) =	sbr.rel @p0 .LBB2_2-.Ltmp0, $4  }
0x3f: {  	s28 =	sadd.s32 $0x1480, s28;
	[sflag:s22] =	ssyncadd.s32 $0xFFFFC180  }
0x40: {  	[spmem:s1] =	stream.indirect.scatter.add.f32 [tilespmem:s20], [sflag:$0x4], $0x80, s28, s18, $0xb8;
	[tilespmem:$0x1E800] =	vst v63  }
0x41: {  	_ =	swait.ge [sflag:s15], $0x3E80  }
0x42: {  	s29 =	smov.u32 s0;
	s28 =	sshra.s32 s31, $0x2;
	[sflag:s15] =	ssyncset.done $0x0  }
0x43: {  	s0 =	sadd.s32 $0x80, s28;
	[sflag:s15] =	ssyncadd.s32 $0xFFFFC180  }
0x44: {  	[tilespmem:s20], [sflag:$0x2] =	stream.indirect.gather [hbm4b:s4+s18], $0x80, s0, s18, $0xb8;
	[tilespmem:$0x1E800] =	vst v63  }
0x45: {  	_ =	swait.ge [sflag:s21], $0x3E80  }
0x46: {  	[sflag:s21] =	ssyncset.done $0x0  }
0x47: {  	s30 =	sadd.s32 $0x1400, s28;
	[sflag:s21] =	ssyncadd.s32 $0xFFFFC180  }
0x48: {  	[spmem:s1] =	stream.indirect.scatter.add.f32 [tilespmem:s19], [sflag:$0x4], $0x80, s30, s18, $0xb8;
	[tilespmem:$0x1E800] =	vst v63  }
0x49: {  	_ =	swait.ge [sflag:s15], $0x3E80  }
0x4a: {  	[sflag:s15] =	ssyncset.done $0x0  }
0x4b: {  	s31 =	sadd.s32 $0x100, s28;
	[sflag:s15] =	ssyncadd.s32 $0xFFFFC180  }
0x4c: {  	[tilespmem:s19], [sflag:$0x1] =	stream.indirect.gather [hbm4b:s4+s18], $0x80, s31, s18, $0xb8;
	[tilespmem:$0x1E800] =	vst v63  }
0x4d: {  	_ =	swait.ge [sflag:s22], $0x3E80  }
0x4e: {  	[sflag:s22] =	ssyncset.done $0x0  }
0x4f: {  	s30 =	sadd.s32 $0x1480, s28;
	[sflag:s22] =	ssyncadd.s32 $0xFFFFC180  }
0x50: {  	[spmem:s1] =	stream.indirect.scatter.add.f32 [tilespmem:s20], [sflag:$0x4], $0x80, s30, s18, $0xb8;
	[tilespmem:$0x1E800] =	vst v63  }
0x51: {  	_ =	swait.ge [sflag:s15], $0x3E80  }
0x52: {  	[sflag:s15] =	ssyncset.done $0x0  }
0x53: {  	[sflag:s15] =	ssyncadd.s32 $0xFFFFC180  }
0x54: {  	[tilespmem:s20], [sflag:$0x2] =	stream.indirect.gather [hbm4b:s4+s18], $0x80, s23, s18, $0xb8;
	[tilespmem:$0x1E800] =	vst v63  }
0x55: {  	_ =	swait.ge [sflag:s21], $0x3E80  }
0x56: {  	[sflag:s21] =	ssyncset.done $0x0  }
0x57: {  	[sflag:s21] =	ssyncadd.s32 $0xFFFFC180  }
0x58: {  	[spmem:s1] =	stream.indirect.scatter.add.f32 [tilespmem:s19], [sflag:$0x4], $0x80, s24, s18, $0xb8;
	[tilespmem:$0x1E800] =	vst v63  }
0x59: {  	_ =	swait.ge [sflag:s15], $0x3E80  }
0x5a: {  	[sflag:s15] =	ssyncset.done $0x0  }
0x5b: {  	[sflag:s15] =	ssyncadd.s32 $0xFFFFC180  }
0x5c: {  	_ =	swait.ge [sflag:s22], $0x3E80  }
0x5d: {  	[sflag:s22] =	ssyncset.done $0x0  }
0x5e: {  	[sflag:s22] =	ssyncadd.s32 $0xFFFFC180  }
0x5f: {  	[spmem:s1] =	stream.indirect.scatter.add.f32 [tilespmem:s20], [sflag:$0x4], $0x80, s25, s18, $0xb8;
	[tilespmem:$0x1E800] =	vst v63  }
0x60: {  	_ =	swait.ge [sflag:s15], $0x3E80  }
0x61: {  	[sflag:s15] =	ssyncset.done $0x0  }
0x62: {  	s31 =	simm.s32 $0x0;
	[sflag:s15] =	ssyncadd.s32 $0xFFFFC180  }
0x63: {  	[tilespmem:s31], [sflag:$0x4] =	stream.linear.gather [hbm4b:s7+s31], $0x1400, $0x38;
	[tilespmem:$0x1E800] =	vst v63  }
0x64: {  	_ =	swait.ge [sflag:s15], $0x1400  }
0x65: {  	[sflag:s15] =	ssyncset.done $0x0  }
0x66: {  	[sflag:s15] =	ssyncadd.s32 $0xFFFFEC00  }
0x67: {  	[tilespmem:s16], [sflag:$0x4] =	stream.linear.gather [hbm4b:s8+s31], $0x1400, $0x38;
	[tilespmem:$0x1E800] =	vst v63  }
0x68: {  	_ =	swait.ge [sflag:s15], $0x1400  }
0x69: {  	[sflag:s15] =	ssyncset.done $0x0  }
0x6a: {  	[sflag:s15] =	ssyncadd.s32 $0xFFFFEC00  }
0x6b: {  	[tilespmem:s19], [sflag:$0x1] =	stream.indirect.gather [hbm4b:s4+s18], $0x80, s31, s18, $0xb8;
	[tilespmem:$0x1E800] =	vst v63  }
0x6c: {  	s30 =	simm.s32 $0x80  }
0x6d: {  	[tilespmem:s20], [sflag:$0x2] =	stream.indirect.gather [hbm4b:s4+s18], $0x80, s30, s18, $0xb8;
	[tilespmem:$0x1E800] =	vst v63  }
0x6e: {  	_ =	swait.ge [sflag:s21], $0x3E80  }
0x6f: {  	[sflag:s21] =	ssyncset.done $0x0  }
0x70: {  	s31 =	simm.s32 $0x1400;
	[sflag:s21] =	ssyncadd.s32 $0xFFFFC180  }
0x71: {  	[spmem:s1] =	stream.indirect.scatter.add.f32 [tilespmem:s19], [sflag:$0x4], $0x80, s31, s18, $0xb8;
	[tilespmem:$0x1E800] =	vst v63  }
0x72: {  	_ =	swait.ge [sflag:s15], $0x3E80  }
0x73: {  	[sflag:s15] =	ssyncset.done $0x0  }
0x74: {  	s30 =	simm.s32 $0x100;
	[sflag:s15] =	ssyncadd.s32 $0xFFFFC180  }
0x75: {  	[tilespmem:s19], [sflag:$0x1] =	stream.indirect.gather [hbm4b:s4+s18], $0x80, s30, s18, $0xb8;
	[tilespmem:$0x1E800] =	vst v63  }
0x76: {  	_ =	swait.ge [sflag:s22], $0x3E80  }
0x77: {  	[sflag:s22] =	ssyncset.done $0x0  }
0x78: {  	s31 =	simm.s32 $0x1480;
	[sflag:s22] =	ssyncadd.s32 $0xFFFFC180  }
0x79: {  	[spmem:s1] =	stream.indirect.scatter.add.f32 [tilespmem:s20], [sflag:$0x4], $0x80, s31, s18, $0xb8;
	[tilespmem:$0x1E800] =	vst v63  }
0x7a: {  	_ =	swait.ge [sflag:s15], $0x3E80  }
0x7b: {  	s29 =	simm.s32 $0x800;
	s28 =	simm.s32 $0x100;
	[sflag:s15] =	ssyncset.done $0x0  }
.LBB2_4:
0x7c: {  	s0 =	sadd.s32 $0x80, s28  }
0x7d: {  	[sflag:s15] =	ssyncadd.s32 $0xFFFFC180;
	s30 =	smov.u32 s29;
	s31 =	sadd.s32 $0x400, s29  }
0x7e: {  	[tilespmem:s20], [sflag:$0x2] =	stream.indirect.gather [hbm4b:s4+s18], $0x80, s0, s18, $0xb8;
	[tilespmem:$0x1E800] =	vst v63  }
0x7f: {  	p0 =	sne.s32 s29, $0x4800;
	_ =	swait.ge [sflag:s21], $0x3E80  }
0x80: {  	[sflag:s21] =	ssyncset.done $0x0  }
0x81: {  	s0 =	sadd.s32 $0x1400, s28;
	[sflag:s21] =	ssyncadd.s32 $0xFFFFC180  }
0x82: {  	[spmem:s1] =	stream.indirect.scatter.add.f32 [tilespmem:s19], [sflag:$0x4], $0x80, s0, s18, $0xb8;
	[tilespmem:$0x1E800] =	vst v63  }
0x83: {  	_ =	swait.ge [sflag:s15], $0x3E80  }
0x84: {  	[sflag:s15] =	ssyncset.done $0x0  }
0x85: {  	s0 =	sadd.s32 $0x100, s28;
	[sflag:s15] =	ssyncadd.s32 $0xFFFFC180  }
0x86: {  	[tilespmem:s19], [sflag:$0x1] =	stream.indirect.gather [hbm4b:s4+s18], $0x80, s0, s18, $0xb8;
	[tilespmem:$0x1E800] =	vst v63  }
0x87: {  	_ =	swait.ge [sflag:s22], $0x3E80  }
.Ltmp1:
0x88: {  	[sflag:s22] =	ssyncset.done $0x0;
	(pc) =	sbr.rel @p0 .LBB2_4-.Ltmp1, $4  }
0x89: {  	s0 =	sadd.s32 $0x1480, s28;
	[sflag:s22] =	ssyncadd.s32 $0xFFFFC180  }
0x8a: {  	[spmem:s1] =	stream.indirect.scatter.add.f32 [tilespmem:s20], [sflag:$0x4], $0x80, s0, s18, $0xb8;
	[tilespmem:$0x1E800] =	vst v63  }
0x8b: {  	_ =	swait.ge [sflag:s15], $0x3E80  }
0x8c: {  	s29 =	smov.u32 s31;
	s28 =	sshra.s32 s30, $0x2;
	[sflag:s15] =	ssyncset.done $0x0  }
0x8d: {  	s0 =	sadd.s32 $0x80, s28;
	[sflag:s15] =	ssyncadd.s32 $0xFFFFC180  }
0x8e: {  	[tilespmem:s20], [sflag:$0x2] =	stream.indirect.gather [hbm4b:s4+s18], $0x80, s0, s18, $0xb8;
	[tilespmem:$0x1E800] =	vst v63  }
0x8f: {  	_ =	swait.ge [sflag:s21], $0x3E80  }
0x90: {  	[sflag:s21] =	ssyncset.done $0x0  }
0x91: {  	s31 =	sadd.s32 $0x1400, s28;
	[sflag:s21] =	ssyncadd.s32 $0xFFFFC180  }
0x92: {  	[spmem:s1] =	stream.indirect.scatter.add.f32 [tilespmem:s19], [sflag:$0x4], $0x80, s31, s18, $0xb8;
	[tilespmem:$0x1E800] =	vst v63  }
0x93: {  	_ =	swait.ge [sflag:s15], $0x3E80  }
0x94: {  	[sflag:s15] =	ssyncset.done $0x0  }
0x95: {  	s29 =	sadd.s32 $0x100, s28;
	[sflag:s15] =	ssyncadd.s32 $0xFFFFC180  }
0x96: {  	[tilespmem:s19], [sflag:$0x1] =	stream.indirect.gather [hbm4b:s4+s18], $0x80, s29, s18, $0xb8;
	[tilespmem:$0x1E800] =	vst v63  }
0x97: {  	_ =	swait.ge [sflag:s22], $0x3E80  }
0x98: {  	[sflag:s22] =	ssyncset.done $0x0  }
0x99: {  	s30 =	sadd.s32 $0x1480, s28;
	[sflag:s22] =	ssyncadd.s32 $0xFFFFC180  }
0x9a: {  	[spmem:s1] =	stream.indirect.scatter.add.f32 [tilespmem:s20], [sflag:$0x4], $0x80, s30, s18, $0xb8;
	[tilespmem:$0x1E800] =	vst v63  }
0x9b: {  	_ =	swait.ge [sflag:s15], $0x3E80  }
0x9c: {  	[sflag:s15] =	ssyncset.done $0x0  }
0x9d: {  	[sflag:s15] =	ssyncadd.s32 $0xFFFFC180  }
0x9e: {  	[tilespmem:s20], [sflag:$0x2] =	stream.indirect.gather [hbm4b:s4+s18], $0x80, s23, s18, $0xb8;
	[tilespmem:$0x1E800] =	vst v63  }
0x9f: {  	_ =	swait.ge [sflag:s21], $0x3E80  }
0xa0: {  	[sflag:s21] =	ssyncset.done $0x0  }
0xa1: {  	[sflag:s21] =	ssyncadd.s32 $0xFFFFC180  }
0xa2: {  	[spmem:s1] =	stream.indirect.scatter.add.f32 [tilespmem:s19], [sflag:$0x4], $0x80, s24, s18, $0xb8;
	[tilespmem:$0x1E800] =	vst v63  }
0xa3: {  	_ =	swait.ge [sflag:s15], $0x3E80  }
0xa4: {  	[sflag:s15] =	ssyncset.done $0x0  }
0xa5: {  	[sflag:s15] =	ssyncadd.s32 $0xFFFFC180  }
0xa6: {  	_ =	swait.ge [sflag:s22], $0x3E80  }
0xa7: {  	[sflag:s22] =	ssyncset.done $0x0  }
0xa8: {  	[sflag:s22] =	ssyncadd.s32 $0xFFFFC180  }
0xa9: {  	[spmem:s1] =	stream.indirect.scatter.add.f32 [tilespmem:s20], [sflag:$0x4], $0x80, s25, s18, $0xb8;
	[tilespmem:$0x1E800] =	vst v63  }
0xaa: {  	_ =	swait.ge [sflag:s15], $0x3E80  }
0xab: {  	s26 =	sadd.s32 $0x1, s26;
	[sflag:s15] =	ssyncset.done $0x0  }
0xac: {  	p0 =	sne.s32 s26, s10;
	[sflag:s15] =	ssyncadd.s32 $0xFFFFC180  }
.Ltmp2:
0xad: {  	s31 =	sor.u32 $0x1C04, s11;
	[bflag:$0x0] =	sbarrier.arrive $0xFFFF;
	(pc) =	sbr.rel @p0 .LBB2_1-.Ltmp2, $4  }
0xae: {  	[hbm:s9], [sflag:s31] =	dma.local [spmem:s14], $0x2800  }
0xaf: {  	_ =	swait.ge [sflag:s15], $0x2800  }
0xb0: {  	[sflag:s15] =	ssyncset.done $0x0  }
0xb1: {  	[sflag:s15] =	ssyncadd.s32 $0xFFFFD800  }
0xb2: {  	_ =	sfence.sel $0x180000  }
0xb3: {  	[bflag:$0x0] =	sbarrier.arrive $0xFFFF  }
0xb4: {  	_ =	strace $0x9000004A  }
0xb5: {  	[bflag:$0x2] =	sbarrier.arrive $0xFFFF  }
0xb6: {  	p0 =	sne.s32 s2, $0x0;
	s0 =	rddreg [dreg:$0x2]  }
0xb7: {  	s0 =	sadd.s32 @!p0 $0x100000, s0  }
0xb8: {  	[sflag:s0] =	ssyncadd.tile.s32 @!p0 $0x1;
	_ =	shalt  }
.Lfunc_end2:
_tile_overlayer_lowered:
.L_overlay_start_2:
0xb9: {  	(tag) =	ssettag $0x2  }
0xba: {  	s0 =	rddreg [dreg:$0x0];
	s2 =	stileid.u32  }
0xbb: {  	s1 =	rddreg [dreg:$0x1];
	p0 =	sne.s32 s2, $0x0  }
0xbc: {  	s3 =	rddreg [dreg:$0x2];
	[bflag:$0x3] =	sbarrier.arrive $0xFFFF;
	s2 =	simm.s32 @!p0 $0x1C04  }
0xbd: {  	[timem:s3], [sflag:s2] =	dma.local @!p0 [hbm:s0], s1  }
0xbe: {  	s0 =	simm.s32 @!p0 $0x4  }
0xbf: {  	_ =	swait.ge @!p0 [sflag:s0], s1  }
0xc0: {  	s1 =	ssub.s32 @!p0 $0x0, s1;
	[sflag:s0] =	ssyncset.done @!p0 $0x0  }
0xc1: {  	[sflag:s0] =	ssyncadd.s32 @!p0 s1  }
0xc2: {  	[bflag:$0x3] =	sbarrier.arrive $0xFFFF  }
0xc3: {  	_ =	shalt  }

// kernel: kernel.16.cloned.1.call-start
scs
__scs_entry_jumppad:
0x0: {  	(pc) =	sbr.rel $0x88, $3  }
0x1: {  	(tag) =	ssettag $0x0;
	lr =	simm.s32 $0x1  }
0x2: {  	[smem:$0x3F8B] =	sst lr;
	_ =	strace $0xD0000000  }
0x3: {  	_ = 	snop  }
0x4: {  	_ = 	snop  }
0x5: {  	_ = 	snop  }
0x6: {  	_ = 	snop  }
0x7: {  	_ = 	snop  }
__scs_overlays_trampoline_lowered:
0x8: {  	[smem:$0x3F9A] =	sst s0  }
0x9: {  	[smem:$0x3F9B] =	sst s1  }
0xa: {  	[smem:$0x3F9C] =	sst s2  }
0xb: {  	[smem:$0x3F9D] =	sst s3  }
0xc: {  	[smem:$0x3F9E] =	sst s4  }
0xd: {  	[smem:$0x3F9F] =	sst s5  }
0xe: {  	[smem:$0x3FA0] =	sst s6  }
0xf: {  	[smem:$0x3FA1] =	sst s7  }
0x10: {  	[smem:$0x3FA2] =	sst s8  }
0x11: {  	[smem:$0x3FA3] =	sst s9;
	s0 =	simm.s32 @!p0 $0x0  }
0x12: {  	s1 =	sld [smem:$0x3F89];
	s0 =	simm.s32 @p0 $0x1  }
0x13: {  	[smem:$0x3FA4] =	sst s0;
	s0 =	simm.s32 @!p1 $0x0  }
0x14: {  	s2 =	sld [smem:$0x3F88];
	s0 =	simm.s32 @p1 $0x1  }
0x15: {  	[smem:$0x3FA5] =	sst s0;
	s0 =	simm.s32 @!p2 $0x0  }
0x16: {  	s3 =	sld [smem:$0x3FDB];
	s0 =	simm.s32 @p2 $0x1  }
0x17: {  	s4 =	simm.s32 $0x1BF5;
	[smem:$0x3FA7] =	sst s0  }
0x18: {  	s0 =	sld [smem:$0x3F8A];
	_ =	swait.ge [sflag:s4], $0x0  }
0x19: {  	s7 =	sld [smem:$0x3F8B]  }
0x1a: {  	s8 =	sadd.s32 $0xFFFFE003, lr  }
0x1b: {  	s9 =	sadd.s32 $0xFFFFFEF7, lr;
	s5 =	simm.s32 $0xFFFFFFFF;
	p2 =	slt.u32 s8, $0xFFFFF086  }
0x1c: {  	p1 =	slt.u32 s9, $0xF7A;
	s5 =	simm.s32 @!p2 $0x0  }
0x1d: {  	s5 =	simm.s32 @p1 $0x1;
	p0 =	seq.s32 s7, s2  }
0x1e: {  	s7 =	smul.u32 @!p0 $0xF7A, s2;
	p2 =	seq.s32 @!p0 s5, $0x0  }
0x1f: {  	s9 =	smul.u32 $0xF7A, s1;
	s8 =	simm.s32 @!p0 $0x1BF5;
	p2 =	por !p2, p0  }
0x20: {  	[sflag:s8] =	ssyncset.s32 @!p0 $0xFFFFF086;
	s6 =	sadd.s32 @!p0 s3, s7;
	s7 =	simm.s32 @!p0 $0x108  }
0x21: {  	s3 =	sadd.s32 s3, s9;
	s6 =	sadd.s32 @!p0 $0x88, s6;
	s7 =	simm.s32 @p2 $0x1082  }
0x22: {  	[simem:s7], [sflag:s8] =	dma.local @!p0 [hbm:s6], $0xF7A  }
0x23: {  	s9 =	sor.u32 $0xD0000000, s2;
	s6 =	simm.s32 $0x108;
	_ =	swait.ge @!p0 [sflag:s8], $0x0  }
0x24: {  	s3 =	sadd.s32 $0x88, s3;
	s6 =	simm.s32 @!p1 $0x1082;
	[sflag:s4] =	ssyncset.s32 $0xFFFFF086  }
0x25: {  	[simem:s6], [sflag:s4] =	dma.local [hbm:s3], $0xF7A  }
0x26: {  	[smem:$0x3F8B] =	sst s1;
	(tag) =	ssettag s2;
	_ =	strace s9  }
0x27: {  	s1 =	sld [smem:$0x3F9B]  }
0x28: {  	s2 =	sld [smem:$0x3F9C]  }
0x29: {  	s4 =	sld [smem:$0x3F9E]  }
0x2a: {  	p0 =	seq.s32 s5, $0x0;
	s5 =	sld [smem:$0x3F9F]  }
0x2b: {  	s6 =	sld [smem:$0x3FA0]  }
0x2c: {  	s7 =	sld [smem:$0x3FA1]  }
0x2d: {  	s3 =	simm.s32 $0x108;
	s8 =	sld [smem:$0x3FA2]  }
0x2e: {  	s3 =	simm.s32 @!p0 $0x1082;
	s9 =	sld [smem:$0x3FA3]  }
0x2f: {  	lr =	sadd.s32 s0, s3;
	s0 =	sld [smem:$0x3F9A]  }
0x30: {  	s3 =	sld [smem:$0x3F9D]  }
0x31: {  	[smem:$0x3FA6] =	sst s10  }
0x32: {  	s10 =	sld [smem:$0x3FA4];
	_ =	sdelay $0x3  }
0x33: {  	p0 =	seq.s32 s10, $0x1;
	s10 =	sld [smem:$0x3FA6];
	_ =	sdelay $0x3  }
0x34: {  	[smem:$0x3FA6] =	sst s10  }
0x35: {  	s10 =	sld [smem:$0x3FA5];
	_ =	sdelay $0x3  }
0x36: {  	p1 =	seq.s32 s10, $0x1;
	s10 =	sld [smem:$0x3FA6];
	_ =	sdelay $0x3  }
0x37: {  	[smem:$0x3FA6] =	sst s10  }
0x38: {  	s10 =	sld [smem:$0x3FA7]  }
0x39: {  	_ = 	snop;
	(pc) =	sbr.ind lr, $3  }
0x3a: {  	_ = 	snop  }
0x3b: {  	_ = 	snop  }
0x3c: {  	p2 =	seq.s32 s10, $0x1;
	s10 =	sld [smem:$0x3FA6]  }
0x3d: {  	_ =	shalt  }
0x3e: {  	_ =	shalt  }
0x3f: {  	_ =	shalt  }
0x40: {  	_ =	shalt  }
0x41: {  	_ =	shalt  }
0x42: {  	_ =	shalt  }
0x43: {  	_ =	shalt  }
0x44: {  	_ =	shalt  }
0x45: {  	_ =	shalt  }
0x46: {  	_ =	shalt  }
0x47: {  	_ =	shalt  }
0x48: {  	_ =	shalt  }
0x49: {  	_ =	shalt  }
0x4a: {  	_ =	shalt  }
0x4b: {  	_ =	shalt  }
0x4c: {  	_ =	shalt  }
0x4d: {  	_ =	shalt  }
0x4e: {  	_ =	shalt  }
0x4f: {  	_ =	shalt  }
0x50: {  	_ =	shalt  }
0x51: {  	_ =	shalt  }
0x52: {  	_ =	shalt  }
0x53: {  	_ =	shalt  }
0x54: {  	_ =	shalt  }
0x55: {  	_ =	shalt  }
0x56: {  	_ =	shalt  }
0x57: {  	_ =	shalt  }
0x58: {  	_ =	shalt  }
0x59: {  	_ =	shalt  }
0x5a: {  	_ =	shalt  }
0x5b: {  	_ =	shalt  }
0x5c: {  	_ =	shalt  }
0x5d: {  	_ =	shalt  }
0x5e: {  	_ =	shalt  }
0x5f: {  	_ =	shalt  }
0x60: {  	_ =	shalt  }
0x61: {  	_ =	shalt  }
0x62: {  	_ =	shalt  }
0x63: {  	_ =	shalt  }
0x64: {  	_ =	shalt  }
0x65: {  	_ =	shalt  }
0x66: {  	_ =	shalt  }
0x67: {  	_ =	shalt  }
0x68: {  	_ =	shalt  }
0x69: {  	_ =	shalt  }
0x6a: {  	_ =	shalt  }
0x6b: {  	_ =	shalt  }
0x6c: {  	_ =	shalt  }
0x6d: {  	_ =	shalt  }
0x6e: {  	_ =	shalt  }
0x6f: {  	_ =	shalt  }
0x70: {  	_ =	shalt  }
0x71: {  	_ =	shalt  }
0x72: {  	_ =	shalt  }
0x73: {  	_ =	shalt  }
0x74: {  	_ =	shalt  }
0x75: {  	_ =	shalt  }
0x76: {  	_ =	shalt  }
0x77: {  	_ =	shalt  }
0x78: {  	_ =	shalt  }
0x79: {  	_ =	shalt  }
0x7a: {  	_ =	shalt  }
0x7b: {  	_ =	shalt  }
0x7c: {  	_ =	shalt  }
0x7d: {  	_ =	shalt  }
0x7e: {  	_ =	shalt  }
0x7f: {  	_ =	shalt  }
0x80: {  	_ =	shalt  }
0x81: {  	_ =	shalt  }
0x82: {  	_ =	shalt  }
0x83: {  	_ =	shalt  }
0x84: {  	_ =	shalt  }
0x85: {  	_ =	shalt  }
0x86: {  	_ =	shalt  }
0x87: {  	_ =	shalt  }
.Lfunc_end0:
.L_simem_size_0:
called_computation.2_lowered:
.L_overlay_start_0:
0x88: {  	s2 =	sld [smem:$0x3FD9]  }
0x89: {  	s3 =	sld [smem:$0x3FFE];
	_ =	sdelay $0x1  }
0x8a: {  	s1 =	srdreg.scid  }
0x8b: {  	s0 =	sand.u32 $0x1, s1  }
0x8c: {  	s16 =	sshll.u32 s0, $0xA;
	s2 =	sadd.s32 s3, s2  }
0x8d: {  	s2 =	sadd.s32 s2, s16  }
0x8e: {  	[smem:$0x3FB2] =	sst s2  }
0x8f: {  	_ = 	snop  }
0x90: {  	(tm) =	ssettm $0x1  }
0x91: {  	s17 =	sld [smem:$0x3FFB];
	_ =	sdelay $0x3  }
0x92: {  	_ =	strace s17  }
0x93: {  	s2 =	sld [smem:$0x3FFC];
	_ =	sdelay $0x3  }
0x94: {  	_ =	strace s2  }
0x95: {  	s2 =	sld [smem:$0x3FFD];
	_ =	sdelay $0x3  }
0x96: {  	_ =	strace s2  }
0x97: {  	_ =	strace $0x8FFFFFFF  }
0x98: {  	s18 =	sld [smem:$0x3FDB];
	_ =	sdelay $0x1  }
0x99: {  	s19 =	simm.s32 $_scs_section_size  }
0x9a: {  	s4 =	simm.s32 $_size__tile_overlayer_lowered;
	s5 =	simm.s32 $_tile_overlayer_lowered  }
0x9b: {  	s22 =	simm.s32 $0x1BFF;
	s21 =	sshll.u32 s5, $0x1;
	s2 =	sadd.s32 s19, s18  }
0x9c: {  	s6 =	simm.s32 $0x0;
	s20 =	sshll.u32 s4, $0x1;
	s4 =	sadd.s32 s21, s2  }
0x9d: {  	[timem:s6], [sflag:s22] =	dma.local [hbm:s4], s20  }
0x9e: {  	_ =	swait.ge [sflag:s22], s20  }
0x9f: {  	s3 =	ssub.s32 $0x0, s20;
	[sflag:s22] =	ssyncset.done $0x0  }
0xa0: {  	[sflag:s22] =	ssyncadd.s32 s3;
	_ =	sdelay $0x1  }
0xa1: {  	s23 =	simm.s32 $0x1B8B  }
0xa2: {  	_ =	swait.ge [sflag:s23], $0x1  }
0xa3: {  	[sflag:s23] =	ssyncset.done $0x0  }
0xa4: {  	s25 =	simm.s32 $0x1B8E;
	s24 =	sld [smem:$0x3FFE];
	[sflag:s23] =	ssyncadd.s32 $0xFFFFFFFF  }
0xa5: {  	s26 =	simm.s32 $execute0_lowered;
	[smem:$0x3FD2] =	sst s25  }
0xa6: {  	s4 =	sshll.u32 s26, $0x1;
	_ =	strace $0x8000004C;
	[dreg:$0x1] =	wrdreg $0xFFFFFFFF  }
0xa7: {  	s28 =	simm.s32 $_size_execute0_lowered;
	s2 =	sadd.s32 s2, s4;
	[dreg:$0x0] =	wrdreg $0x0  }
0xa8: {  	s4 =	sshll.u32 s28, $0x1;
	[dreg:$0x2] =	wrdreg s2  }
0xa9: {  	[dreg:$0x3] =	wrdreg s4  }
0xaa: {  	[dreg:$0x4] =	wrdreg $0xC0  }
0xab: {  	_ =	task [dreg:s6], $0x5FFFF  }
0xac: {  	[dreg:$0x1] =	wrdreg $0xFFFFFFFF  }
0xad: {  	[dreg:$0x0] =	wrdreg $0x60  }
0xae: {  	[dreg:$0x2] =	wrdreg s24  }
0xaf: {  	[dreg:$0x3] =	wrdreg $0xA8000  }
0xb0: {  	[dreg:$0x4] =	wrdreg $0x9  }
0xb1: {  	_ =	task.clear_ibuf [dreg:s6], $0x5FFFF;
	_ =	strace $0x9000004C  }
0xb2: {  	s29 =	simm.s32 $0x9;
	_ =	strace $0x8000004E  }
0xb3: {  	_ =	swait.ge [sflag:s29], $0x1  }
0xb4: {  	[sflag:s29] =	ssyncadd.s32 $0xFFFFFFFF  }
0xb5: {  	_ =	strace $0x9000004E  }
0xb6: {  	_ =	sfence  }
0xb7: {  	s30 =	sld [smem:$0x0];
	_ =	sdelay $0x2  }
0xb8: {  	s31 =	sshll.u32 s1, $0xD;
	s1 =	sshrl.u32 s1, $0x2  }
0xb9: {  	s3 =	sand.u32 $0x4000, s31;
	s1 =	sadd.s32 s1, s30  }
0xba: {  	s0 =	sor.u32 s3, s0;
	s1 =	sshll.u32 s1, $0x11  }
0xbb: {  	s0 =	sor.u32 s1, s0  }
0xbc: {  	s0 =	sadd.s32 $0x8F2B, s0  }
0xbd: {  	[sflag:s0] =	ssyncadd.remote.s32 $0x1  }
0xbe: {  	_ =	sfence.sel $0xFFFF  }
0xbf: {  	[dreg:$0x0] =	wrdreg $0xFFFFFFFF;
	(pc) =	sbr.abs _section_cstart, $3  }
0xc0: {  	[dreg:$0x1] =	wrdreg $0xFFFFFFFF  }
0xc1: {  	_ =	task.clear_ibuf [dreg:s6], $0x2FFFF;
	_ =	strace $0x9FFFFFFF  }
0xc2: {  	(tm) =	ssettm $0x7FFFFFFF  }
0xc3: {  	_ =	shalt  }
tec
execute0_lowered:
.L_overlay_start_1:
0x0: {  	(tag) =	ssettag $0x1  }
0x1: {  	s5 =	rddreg [dreg:$0x0]  }
0x2: {  	s1 =	rddreg [dreg:$0x1]  }
0x3: {  	s3 =	simm.s32 $0x0;
	s2 =	srdreg.scid;
	s18 =	simm.s32 $0x7D  }
0x4: {  	s19 =	simm.s32 $0x2800;
	s20 =	simm.s32 $0x6800;
	s21 =	simm.s32 $0x1  }
0x5: {  	s22 =	simm.s32 $0x2;
	s23 =	simm.s32 $0x1380;
	s6 =	sand.u32 $0x1, s2  }
0x6: {  	s24 =	simm.s32 $0x2700;
	s2 =	stileid.u32;
	s7 =	smul.u32 $0x140000, s6  }
0x7: {  	s25 =	simm.s32 $0x2780;
	[smem:$0x7FF] =	sst s3;
	s8 =	smul.u32 $0x14000, s2  }
0x8: {  	s4 =	sadd.s32 $0x24200, s5;
	s9 =	sadd.s32 $0x1A200, s5;
	s10 =	smul.u32 $0x50000, s2  }
0x9: {  	s11 =	sadd.s32 $0x10200, s5;
	s14 =	sadd.s32 $0x4C200, s5;
	s12 =	smul.u32 $0x2800, s2  }
0xa: {  	_ =	strace $0x8000004D;
	s26 =	ssub.s32 $0x2, s6;
	s13 =	smul.u32 $0x28000, s6  }
0xb: {  	p0 =	seq.s32 s6, $0x1;
	s28 =	sshrl.u32 s26, $0x1;
	s7 =	sadd.s32 s8, s7  }
0xc: {  	s16 =	ssub.s32 s26, s28;
	s29 =	sshrl.u32 s10, $0x2;
	s30 =	sadd.s32 s12, s13  }
0xd: {  	s13 =	smov.u32 s4;
	s26 =	simm.s32 $0x0;
	s7 =	sshrl.u32 s7, $0x3  }
0xe: {  	s17 =	sadd.s32 s29, s1;
	s10 =	smax.u32 s16, $0x1;
	s13 =	smov.u32 @p0 s14  }
0xf: {  	s16 =	simm.s32 $0x1400;
	s15 =	sadd.s32 s7, s5;
	s7 =	sshrl.u32 s30, $0x3  }
0x10: {  	s12 =	sadd.s32 s13, s12;
	s14 =	sshrl.u32 s17, $0x3;
	s17 =	simm.s32 $0x3  }
0x11: {  	s5 =	sadd.s32 s9, s7;
	s6 =	sadd.s32 s11, s7;
	s31 =	sadd.s32 $0x280, s7  }
0x12: {  	s7 =	sadd.s32 s9, s31;
	s8 =	sadd.s32 s11, s31;
	s11 =	sshll.u32 s2, $0x6  }
0x13: {  	s9 =	sadd.s32 $0x74200, s15;
	s15 =	simm.s32 $0x4;
	s13 =	sor.u32 $0x1C03, s11  }
.LBB2_1:
0x14: {  	[spmem:s14], [sflag:s13] =	dma.local [hbm:s12], $0x2800  }
0x15: {  	[tilespmem:s3], [sflag:$0x4] =	stream.linear.gather [hbm4b:s5+s3], $0x1400, $0x38;
	[tilespmem:$0x1E800] =	vst v63  }
0x16: {  	_ =	swait.ge [sflag:s15], $0x1400  }
0x17: {  	[sflag:s15] =	ssyncset.done $0x0  }
0x18: {  	[sflag:s15] =	ssyncadd.s32 $0xFFFFEC00  }
0x19: {  	[tilespmem:s16], [sflag:$0x4] =	stream.linear.gather [hbm4b:s6+s3], $0x1400, $0x38;
	[tilespmem:$0x1E800] =	vst v63  }
0x1a: {  	_ =	swait.ge [sflag:s15], $0x1400  }
0x1b: {  	[sflag:s15] =	ssyncset.done $0x0  }
0x1c: {  	[sflag:s15] =	ssyncadd.s32 $0xFFFFEC00  }
0x1d: {  	_ =	swait.ge [sflag:s17], $0x2800  }
0x1e: {  	[sflag:s17] =	ssyncset.done $0x0  }
0x1f: {  	[sflag:s17] =	ssyncadd.s32 $0xFFFFD800  }
0x20: {  	[bflag:$0x0] =	sbarrier.arrive $0xFFFF  }
0x21: {  	[tilespmem:s19], [sflag:$0x1] =	stream.indirect.gather [hbm4b:s4+s18], $0x80, s3, s18, $0xb8;
	[tilespmem:$0x1E800] =	vst v63  }
0x22: {  	s28 =	simm.s32 $0x80  }
0x23: {  	[tilespmem:s20], [sflag:$0x2] =	stream.indirect.gather [hbm4b:s4+s18], $0x80, s28, s18, $0xb8;
	[tilespmem:$0x1E800] =	vst v63  }
0x24: {  	_ =	swait.ge [sflag:s21], $0x3E80  }
0x25: {  	[sflag:s21] =	ssyncset.done $0x0  }
0x26: {  	s28 =	simm.s32 $0x1400;
	[sflag:s21] =	ssyncadd.s32 $0xFFFFC180  }
0x27: {  	[spmem:s1] =	stream.indirect.scatter.add.f32 [tilespmem:s19], [sflag:$0x4], $0x80, s28, s18, $0xb8;
	[tilespmem:$0x1E800] =	vst v63  }
0x28: {  	_ =	swait.ge [sflag:s15], $0x3E80  }
0x29: {  	[sflag:s15] =	ssyncset.done $0x0  }
0x2a: {  	s28 =	simm.s32 $0x100;
	[sflag:s15] =	ssyncadd.s32 $0xFFFFC180  }
0x2b: {  	[tilespmem:s19], [sflag:$0x1] =	stream.indirect.gather [hbm4b:s4+s18], $0x80, s28, s18, $0xb8;
	[tilespmem:$0x1E800] =	vst v63  }
0x2c: {  	_ =	swait.ge [sflag:s22], $0x3E80  }
0x2d: {  	[sflag:s22] =	ssyncset.done $0x0  }
0x2e: {  	s28 =	simm.s32 $0x1480;
	[sflag:s22] =	ssyncadd.s32 $0xFFFFC180  }
0x2f: {  	[spmem:s1] =	stream.indirect.scatter.add.f32 [tilespmem:s20], [sflag:$0x4], $0x80, s28, s18, $0xb8;
	[tilespmem:$0x1E800] =	vst v63  }
0x30: {  	_ =	swait.ge [sflag:s15], $0x3E80  }
0x31: {  	s29 =	simm.s32 $0x800;
	s28 =	simm.s32 $0x100;
	[sflag:s15] =	ssyncset.done $0x0  }
.LBB2_2:
0x32: {  	s30 =	sadd.s32 $0x80, s28  }
0x33: {  	[sflag:s15] =	ssyncadd.s32 $0xFFFFC180;
	s31 =	smov.u32 s29;
	s0 =	sadd.s32 $0x400, s29  }
0x34: {  	[tilespmem:s20], [sflag:$0x2] =	stream.indirect.gather [hbm4b:s4+s18], $0x80, s30, s18, $0xb8;
	[tilespmem:$0x1E800] =	vst v63  }
0x35: {  	p0 =	sne.s32 s29, $0x4800;
	_ =	swait.ge [sflag:s21], $0x3E80  }
0x36: {  	[sflag:s21] =	ssyncset.done $0x0  }
0x37: {  	s29 =	sadd.s32 $0x1400, s28;
	[sflag:s21] =	ssyncadd.s32 $0xFFFFC180  }
0x38: {  	[spmem:s1] =	stream.indirect.scatter.add.f32 [tilespmem:s19], [sflag:$0x4], $0x80, s29, s18, $0xb8;
	[tilespmem:$0x1E800] =	vst v63  }
0x39: {  	_ =	swait.ge [sflag:s15], $0x3E80  }
0x3a: {  	[sflag:s15] =	ssyncset.done $0x0  }
0x3b: {  	s29 =	sadd.s32 $0x100, s28;
	[sflag:s15] =	ssyncadd.s32 $0xFFFFC180  }
0x3c: {  	[tilespmem:s19], [sflag:$0x1] =	stream.indirect.gather [hbm4b:s4+s18], $0x80, s29, s18, $0xb8;
	[tilespmem:$0x1E800] =	vst v63  }
0x3d: {  	_ =	swait.ge [sflag:s22], $0x3E80  }
.Ltmp0:
0x3e: {  	[sflag:s22] =	ssyncset.done $0x0;
	(pc) =	sbr.rel @p0 .LBB2_2-.Ltmp0, $4  }
0x3f: {  	s28 =	sadd.s32 $0x1480, s28;
	[sflag:s22] =	ssyncadd.s32 $0xFFFFC180  }
0x40: {  	[spmem:s1] =	stream.indirect.scatter.add.f32 [tilespmem:s20], [sflag:$0x4], $0x80, s28, s18, $0xb8;
	[tilespmem:$0x1E800] =	vst v63  }
0x41: {  	_ =	swait.ge [sflag:s15], $0x3E80  }
0x42: {  	s29 =	smov.u32 s0;
	s28 =	sshra.s32 s31, $0x2;
	[sflag:s15] =	ssyncset.done $0x0  }
0x43: {  	s0 =	sadd.s32 $0x80, s28;
	[sflag:s15] =	ssyncadd.s32 $0xFFFFC180  }
0x44: {  	[tilespmem:s20], [sflag:$0x2] =	stream.indirect.gather [hbm4b:s4+s18], $0x80, s0, s18, $0xb8;
	[tilespmem:$0x1E800] =	vst v63  }
0x45: {  	_ =	swait.ge [sflag:s21], $0x3E80  }
0x46: {  	[sflag:s21] =	ssyncset.done $0x0  }
0x47: {  	s30 =	sadd.s32 $0x1400, s28;
	[sflag:s21] =	ssyncadd.s32 $0xFFFFC180  }
0x48: {  	[spmem:s1] =	stream.indirect.scatter.add.f32 [tilespmem:s19], [sflag:$0x4], $0x80, s30, s18, $0xb8;
	[tilespmem:$0x1E800] =	vst v63  }
0x49: {  	_ =	swait.ge [sflag:s15], $0x3E80  }
0x4a: {  	[sflag:s15] =	ssyncset.done $0x0  }
0x4b: {  	s31 =	sadd.s32 $0x100, s28;
	[sflag:s15] =	ssyncadd.s32 $0xFFFFC180  }
0x4c: {  	[tilespmem:s19], [sflag:$0x1] =	stream.indirect.gather [hbm4b:s4+s18], $0x80, s31, s18, $0xb8;
	[tilespmem:$0x1E800] =	vst v63  }
0x4d: {  	_ =	swait.ge [sflag:s22], $0x3E80  }
0x4e: {  	[sflag:s22] =	ssyncset.done $0x0  }
0x4f: {  	s30 =	sadd.s32 $0x1480, s28;
	[sflag:s22] =	ssyncadd.s32 $0xFFFFC180  }
0x50: {  	[spmem:s1] =	stream.indirect.scatter.add.f32 [tilespmem:s20], [sflag:$0x4], $0x80, s30, s18, $0xb8;
	[tilespmem:$0x1E800] =	vst v63  }
0x51: {  	_ =	swait.ge [sflag:s15], $0x3E80  }
0x52: {  	[sflag:s15] =	ssyncset.done $0x0  }
0x53: {  	[sflag:s15] =	ssyncadd.s32 $0xFFFFC180  }
0x54: {  	[tilespmem:s20], [sflag:$0x2] =	stream.indirect.gather [hbm4b:s4+s18], $0x80, s23, s18, $0xb8;
	[tilespmem:$0x1E800] =	vst v63  }
0x55: {  	_ =	swait.ge [sflag:s21], $0x3E80  }
0x56: {  	[sflag:s21] =	ssyncset.done $0x0  }
0x57: {  	[sflag:s21] =	ssyncadd.s32 $0xFFFFC180  }
0x58: {  	[spmem:s1] =	stream.indirect.scatter.add.f32 [tilespmem:s19], [sflag:$0x4], $0x80, s24, s18, $0xb8;
	[tilespmem:$0x1E800] =	vst v63  }
0x59: {  	_ =	swait.ge [sflag:s15], $0x3E80  }
0x5a: {  	[sflag:s15] =	ssyncset.done $0x0  }
0x5b: {  	[sflag:s15] =	ssyncadd.s32 $0xFFFFC180  }
0x5c: {  	_ =	swait.ge [sflag:s22], $0x3E80  }
0x5d: {  	[sflag:s22] =	ssyncset.done $0x0  }
0x5e: {  	[sflag:s22] =	ssyncadd.s32 $0xFFFFC180  }
0x5f: {  	[spmem:s1] =	stream.indirect.scatter.add.f32 [tilespmem:s20], [sflag:$0x4], $0x80, s25, s18, $0xb8;
	[tilespmem:$0x1E800] =	vst v63  }
0x60: {  	_ =	swait.ge [sflag:s15], $0x3E80  }
0x61: {  	[sflag:s15] =	ssyncset.done $0x0  }
0x62: {  	s31 =	simm.s32 $0x0;
	[sflag:s15] =	ssyncadd.s32 $0xFFFFC180  }
0x63: {  	[tilespmem:s31], [sflag:$0x4] =	stream.linear.gather [hbm4b:s7+s31], $0x1400, $0x38;
	[tilespmem:$0x1E800] =	vst v63  }
0x64: {  	_ =	swait.ge [sflag:s15], $0x1400  }
0x65: {  	[sflag:s15] =	ssyncset.done $0x0  }
0x66: {  	[sflag:s15] =	ssyncadd.s32 $0xFFFFEC00  }
0x67: {  	[tilespmem:s16], [sflag:$0x4] =	stream.linear.gather [hbm4b:s8+s31], $0x1400, $0x38;
	[tilespmem:$0x1E800] =	vst v63  }
0x68: {  	_ =	swait.ge [sflag:s15], $0x1400  }
0x69: {  	[sflag:s15] =	ssyncset.done $0x0  }
0x6a: {  	[sflag:s15] =	ssyncadd.s32 $0xFFFFEC00  }
0x6b: {  	[tilespmem:s19], [sflag:$0x1] =	stream.indirect.gather [hbm4b:s4+s18], $0x80, s31, s18, $0xb8;
	[tilespmem:$0x1E800] =	vst v63  }
0x6c: {  	s30 =	simm.s32 $0x80  }
0x6d: {  	[tilespmem:s20], [sflag:$0x2] =	stream.indirect.gather [hbm4b:s4+s18], $0x80, s30, s18, $0xb8;
	[tilespmem:$0x1E800] =	vst v63  }
0x6e: {  	_ =	swait.ge [sflag:s21], $0x3E80  }
0x6f: {  	[sflag:s21] =	ssyncset.done $0x0  }
0x70: {  	s31 =	simm.s32 $0x1400;
	[sflag:s21] =	ssyncadd.s32 $0xFFFFC180  }
0x71: {  	[spmem:s1] =	stream.indirect.scatter.add.f32 [tilespmem:s19], [sflag:$0x4], $0x80, s31, s18, $0xb8;
	[tilespmem:$0x1E800] =	vst v63  }
0x72: {  	_ =	swait.ge [sflag:s15], $0x3E80  }
0x73: {  	[sflag:s15] =	ssyncset.done $0x0  }
0x74: {  	s30 =	simm.s32 $0x100;
	[sflag:s15] =	ssyncadd.s32 $0xFFFFC180  }
0x75: {  	[tilespmem:s19], [sflag:$0x1] =	stream.indirect.gather [hbm4b:s4+s18], $0x80, s30, s18, $0xb8;
	[tilespmem:$0x1E800] =	vst v63  }
0x76: {  	_ =	swait.ge [sflag:s22], $0x3E80  }
0x77: {  	[sflag:s22] =	ssyncset.done $0x0  }
0x78: {  	s31 =	simm.s32 $0x1480;
	[sflag:s22] =	ssyncadd.s32 $0xFFFFC180  }
0x79: {  	[spmem:s1] =	stream.indirect.scatter.add.f32 [tilespmem:s20], [sflag:$0x4], $0x80, s31, s18, $0xb8;
	[tilespmem:$0x1E800] =	vst v63  }
0x7a: {  	_ =	swait.ge [sflag:s15], $0x3E80  }
0x7b: {  	s29 =	simm.s32 $0x800;
	s28 =	simm.s32 $0x100;
	[sflag:s15] =	ssyncset.done $0x0  }
.LBB2_4:
0x7c: {  	s0 =	sadd.s32 $0x80, s28  }
0x7d: {  	[sflag:s15] =	ssyncadd.s32 $0xFFFFC180;
	s30 =	smov.u32 s29;
	s31 =	sadd.s32 $0x400, s29  }
0x7e: {  	[tilespmem:s20], [sflag:$0x2] =	stream.indirect.gather [hbm4b:s4+s18], $0x80, s0, s18, $0xb8;
	[tilespmem:$0x1E800] =	vst v63  }
0x7f: {  	p0 =	sne.s32 s29, $0x4800;
	_ =	swait.ge [sflag:s21], $0x3E80  }
0x80: {  	[sflag:s21] =	ssyncset.done $0x0  }
0x81: {  	s0 =	sadd.s32 $0x1400, s28;
	[sflag:s21] =	ssyncadd.s32 $0xFFFFC180  }
0x82: {  	[spmem:s1] =	stream.indirect.scatter.add.f32 [tilespmem:s19], [sflag:$0x4], $0x80, s0, s18, $0xb8;
	[tilespmem:$0x1E800] =	vst v63  }
0x83: {  	_ =	swait.ge [sflag:s15], $0x3E80  }
0x84: {  	[sflag:s15] =	ssyncset.done $0x0  }
0x85: {  	s0 =	sadd.s32 $0x100, s28;
	[sflag:s15] =	ssyncadd.s32 $0xFFFFC180  }
0x86: {  	[tilespmem:s19], [sflag:$0x1] =	stream.indirect.gather [hbm4b:s4+s18], $0x80, s0, s18, $0xb8;
	[tilespmem:$0x1E800] =	vst v63  }
0x87: {  	_ =	swait.ge [sflag:s22], $0x3E80  }
.Ltmp1:
0x88: {  	[sflag:s22] =	ssyncset.done $0x0;
	(pc) =	sbr.rel @p0 .LBB2_4-.Ltmp1, $4  }
0x89: {  	s0 =	sadd.s32 $0x1480, s28;
	[sflag:s22] =	ssyncadd.s32 $0xFFFFC180  }
0x8a: {  	[spmem:s1] =	stream.indirect.scatter.add.f32 [tilespmem:s20], [sflag:$0x4], $0x80, s0, s18, $0xb8;
	[tilespmem:$0x1E800] =	vst v63  }
0x8b: {  	_ =	swait.ge [sflag:s15], $0x3E80  }
0x8c: {  	s29 =	smov.u32 s31;
	s28 =	sshra.s32 s30, $0x2;
	[sflag:s15] =	ssyncset.done $0x0  }
0x8d: {  	s0 =	sadd.s32 $0x80, s28;
	[sflag:s15] =	ssyncadd.s32 $0xFFFFC180  }
0x8e: {  	[tilespmem:s20], [sflag:$0x2] =	stream.indirect.gather [hbm4b:s4+s18], $0x80, s0, s18, $0xb8;
	[tilespmem:$0x1E800] =	vst v63  }
0x8f: {  	_ =	swait.ge [sflag:s21], $0x3E80  }
0x90: {  	[sflag:s21] =	ssyncset.done $0x0  }
0x91: {  	s31 =	sadd.s32 $0x1400, s28;
	[sflag:s21] =	ssyncadd.s32 $0xFFFFC180  }
0x92: {  	[spmem:s1] =	stream.indirect.scatter.add.f32 [tilespmem:s19], [sflag:$0x4], $0x80, s31, s18, $0xb8;
	[tilespmem:$0x1E800] =	vst v63  }
0x93: {  	_ =	swait.ge [sflag:s15], $0x3E80  }
0x94: {  	[sflag:s15] =	ssyncset.done $0x0  }
0x95: {  	s29 =	sadd.s32 $0x100, s28;
	[sflag:s15] =	ssyncadd.s32 $0xFFFFC180  }
0x96: {  	[tilespmem:s19], [sflag:$0x1] =	stream.indirect.gather [hbm4b:s4+s18], $0x80, s29, s18, $0xb8;
	[tilespmem:$0x1E800] =	vst v63  }
0x97: {  	_ =	swait.ge [sflag:s22], $0x3E80  }
0x98: {  	[sflag:s22] =	ssyncset.done $0x0  }
0x99: {  	s30 =	sadd.s32 $0x1480, s28;
	[sflag:s22] =	ssyncadd.s32 $0xFFFFC180  }
0x9a: {  	[spmem:s1] =	stream.indirect.scatter.add.f32 [tilespmem:s20], [sflag:$0x4], $0x80, s30, s18, $0xb8;
	[tilespmem:$0x1E800] =	vst v63  }
0x9b: {  	_ =	swait.ge [sflag:s15], $0x3E80  }
0x9c: {  	[sflag:s15] =	ssyncset.done $0x0  }
0x9d: {  	[sflag:s15] =	ssyncadd.s32 $0xFFFFC180  }
0x9e: {  	[tilespmem:s20], [sflag:$0x2] =	stream.indirect.gather [hbm4b:s4+s18], $0x80, s23, s18, $0xb8;
	[tilespmem:$0x1E800] =	vst v63  }
0x9f: {  	_ =	swait.ge [sflag:s21], $0x3E80  }
0xa0: {  	[sflag:s21] =	ssyncset.done $0x0  }
0xa1: {  	[sflag:s21] =	ssyncadd.s32 $0xFFFFC180  }
0xa2: {  	[spmem:s1] =	stream.indirect.scatter.add.f32 [tilespmem:s19], [sflag:$0x4], $0x80, s24, s18, $0xb8;
	[tilespmem:$0x1E800] =	vst v63  }
0xa3: {  	_ =	swait.ge [sflag:s15], $0x3E80  }
0xa4: {  	[sflag:s15] =	ssyncset.done $0x0  }
0xa5: {  	[sflag:s15] =	ssyncadd.s32 $0xFFFFC180  }
0xa6: {  	_ =	swait.ge [sflag:s22], $0x3E80  }
0xa7: {  	[sflag:s22] =	ssyncset.done $0x0  }
0xa8: {  	[sflag:s22] =	ssyncadd.s32 $0xFFFFC180  }
0xa9: {  	[spmem:s1] =	stream.indirect.scatter.add.f32 [tilespmem:s20], [sflag:$0x4], $0x80, s25, s18, $0xb8;
	[tilespmem:$0x1E800] =	vst v63  }
0xaa: {  	_ =	swait.ge [sflag:s15], $0x3E80  }
0xab: {  	s26 =	sadd.s32 $0x1, s26;
	[sflag:s15] =	ssyncset.done $0x0  }
0xac: {  	p0 =	sne.s32 s26, s10;
	[sflag:s15] =	ssyncadd.s32 $0xFFFFC180  }
.Ltmp2:
0xad: {  	s31 =	sor.u32 $0x1C04, s11;
	[bflag:$0x0] =	sbarrier.arrive $0xFFFF;
	(pc) =	sbr.rel @p0 .LBB2_1-.Ltmp2, $4  }
0xae: {  	[hbm:s9], [sflag:s31] =	dma.local [spmem:s14], $0x2800  }
0xaf: {  	_ =	swait.ge [sflag:s15], $0x2800  }
0xb0: {  	[sflag:s15] =	ssyncset.done $0x0  }
0xb1: {  	[sflag:s15] =	ssyncadd.s32 $0xFFFFD800  }
0xb2: {  	_ =	sfence.sel $0x180000  }
0xb3: {  	[bflag:$0x0] =	sbarrier.arrive $0xFFFF  }
0xb4: {  	_ =	strace $0x9000004D  }
0xb5: {  	[bflag:$0x2] =	sbarrier.arrive $0xFFFF  }
0xb6: {  	p0 =	sne.s32 s2, $0x0;
	s0 =	rddreg [dreg:$0x2]  }
0xb7: {  	s0 =	sadd.s32 @!p0 $0x100000, s0  }
0xb8: {  	[sflag:s0] =	ssyncadd.tile.s32 @!p0 $0x1;
	_ =	shalt  }
.Lfunc_end2:
_tile_overlayer_lowered:
.L_overlay_start_2:
0xb9: {  	(tag) =	ssettag $0x2  }
0xba: {  	s0 =	rddreg [dreg:$0x0];
	s2 =	stileid.u32  }
0xbb: {  	s1 =	rddreg [dreg:$0x1];
	p0 =	sne.s32 s2, $0x0  }
0xbc: {  	s3 =	rddreg [dreg:$0x2];
	[bflag:$0x3] =	sbarrier.arrive $0xFFFF;
	s2 =	simm.s32 @!p0 $0x1C04  }
0xbd: {  	[timem:s3], [sflag:s2] =	dma.local @!p0 [hbm:s0], s1  }
0xbe: {  	s0 =	simm.s32 @!p0 $0x4  }
0xbf: {  	_ =	swait.ge @!p0 [sflag:s0], s1  }
0xc0: {  	s1 =	ssub.s32 @!p0 $0x0, s1;
	[sflag:s0] =	ssyncset.done @!p0 $0x0  }
0xc1: {  	[sflag:s0] =	ssyncadd.s32 @!p0 s1  }
0xc2: {  	[bflag:$0x3] =	sbarrier.arrive $0xFFFF  }
0xc3: {  	_ =	shalt  }

// kernel: kernel.19.cloned.1.call-start
scs
__scs_entry_jumppad:
0x0: {  	(pc) =	sbr.rel $0x88, $3  }
0x1: {  	(tag) =	ssettag $0x0;
	lr =	simm.s32 $0x1  }
0x2: {  	[smem:$0x3F8B] =	sst lr;
	_ =	strace $0xD0000000  }
0x3: {  	_ = 	snop  }
0x4: {  	_ = 	snop  }
0x5: {  	_ = 	snop  }
0x6: {  	_ = 	snop  }
0x7: {  	_ = 	snop  }
__scs_overlays_trampoline_lowered:
0x8: {  	[smem:$0x3F9A] =	sst s0  }
0x9: {  	[smem:$0x3F9B] =	sst s1  }
0xa: {  	[smem:$0x3F9C] =	sst s2  }
0xb: {  	[smem:$0x3F9D] =	sst s3  }
0xc: {  	[smem:$0x3F9E] =	sst s4  }
0xd: {  	[smem:$0x3F9F] =	sst s5  }
0xe: {  	[smem:$0x3FA0] =	sst s6  }
0xf: {  	[smem:$0x3FA1] =	sst s7  }
0x10: {  	[smem:$0x3FA2] =	sst s8  }
0x11: {  	[smem:$0x3FA3] =	sst s9;
	s0 =	simm.s32 @!p0 $0x0  }
0x12: {  	s1 =	sld [smem:$0x3F89];
	s0 =	simm.s32 @p0 $0x1  }
0x13: {  	[smem:$0x3FA4] =	sst s0;
	s0 =	simm.s32 @!p1 $0x0  }
0x14: {  	s2 =	sld [smem:$0x3F88];
	s0 =	simm.s32 @p1 $0x1  }
0x15: {  	[smem:$0x3FA5] =	sst s0;
	s0 =	simm.s32 @!p2 $0x0  }
0x16: {  	s3 =	sld [smem:$0x3FDB];
	s0 =	simm.s32 @p2 $0x1  }
0x17: {  	s4 =	simm.s32 $0x1BF5;
	[smem:$0x3FA7] =	sst s0  }
0x18: {  	s0 =	sld [smem:$0x3F8A];
	_ =	swait.ge [sflag:s4], $0x0  }
0x19: {  	s7 =	sld [smem:$0x3F8B]  }
0x1a: {  	s8 =	sadd.s32 $0xFFFFE003, lr  }
0x1b: {  	s9 =	sadd.s32 $0xFFFFFEF7, lr;
	s5 =	simm.s32 $0xFFFFFFFF;
	p2 =	slt.u32 s8, $0xFFFFF086  }
0x1c: {  	p1 =	slt.u32 s9, $0xF7A;
	s5 =	simm.s32 @!p2 $0x0  }
0x1d: {  	s5 =	simm.s32 @p1 $0x1;
	p0 =	seq.s32 s7, s2  }
0x1e: {  	s7 =	smul.u32 @!p0 $0xF7A, s2;
	p2 =	seq.s32 @!p0 s5, $0x0  }
0x1f: {  	s9 =	smul.u32 $0xF7A, s1;
	s8 =	simm.s32 @!p0 $0x1BF5;
	p2 =	por !p2, p0  }
0x20: {  	[sflag:s8] =	ssyncset.s32 @!p0 $0xFFFFF086;
	s6 =	sadd.s32 @!p0 s3, s7;
	s7 =	simm.s32 @!p0 $0x108  }
0x21: {  	s3 =	sadd.s32 s3, s9;
	s6 =	sadd.s32 @!p0 $0x88, s6;
	s7 =	simm.s32 @p2 $0x1082  }
0x22: {  	[simem:s7], [sflag:s8] =	dma.local @!p0 [hbm:s6], $0xF7A  }
0x23: {  	s9 =	sor.u32 $0xD0000000, s2;
	s6 =	simm.s32 $0x108;
	_ =	swait.ge @!p0 [sflag:s8], $0x0  }
0x24: {  	s3 =	sadd.s32 $0x88, s3;
	s6 =	simm.s32 @!p1 $0x1082;
	[sflag:s4] =	ssyncset.s32 $0xFFFFF086  }
0x25: {  	[simem:s6], [sflag:s4] =	dma.local [hbm:s3], $0xF7A  }
0x26: {  	[smem:$0x3F8B] =	sst s1;
	(tag) =	ssettag s2;
	_ =	strace s9  }
0x27: {  	s1 =	sld [smem:$0x3F9B]  }
0x28: {  	s2 =	sld [smem:$0x3F9C]  }
0x29: {  	s4 =	sld [smem:$0x3F9E]  }
0x2a: {  	p0 =	seq.s32 s5, $0x0;
	s5 =	sld [smem:$0x3F9F]  }
0x2b: {  	s6 =	sld [smem:$0x3FA0]  }
0x2c: {  	s7 =	sld [smem:$0x3FA1]  }
0x2d: {  	s3 =	simm.s32 $0x108;
	s8 =	sld [smem:$0x3FA2]  }
0x2e: {  	s3 =	simm.s32 @!p0 $0x1082;
	s9 =	sld [smem:$0x3FA3]  }
0x2f: {  	lr =	sadd.s32 s0, s3;
	s0 =	sld [smem:$0x3F9A]  }
0x30: {  	s3 =	sld [smem:$0x3F9D]  }
0x31: {  	[smem:$0x3FA6] =	sst s10  }
0x32: {  	s10 =	sld [smem:$0x3FA4];
	_ =	sdelay $0x3  }
0x33: {  	p0 =	seq.s32 s10, $0x1;
	s10 =	sld [smem:$0x3FA6];
	_ =	sdelay $0x3  }
0x34: {  	[smem:$0x3FA6] =	sst s10  }
0x35: {  	s10 =	sld [smem:$0x3FA5];
	_ =	sdelay $0x3  }
0x36: {  	p1 =	seq.s32 s10, $0x1;
	s10 =	sld [smem:$0x3FA6];
	_ =	sdelay $0x3  }
0x37: {  	[smem:$0x3FA6] =	sst s10  }
0x38: {  	s10 =	sld [smem:$0x3FA7]  }
0x39: {  	_ = 	snop;
	(pc) =	sbr.ind lr, $3  }
0x3a: {  	_ = 	snop  }
0x3b: {  	_ = 	snop  }
0x3c: {  	p2 =	seq.s32 s10, $0x1;
	s10 =	sld [smem:$0x3FA6]  }
0x3d: {  	_ =	shalt  }
0x3e: {  	_ =	shalt  }
0x3f: {  	_ =	shalt  }
0x40: {  	_ =	shalt  }
0x41: {  	_ =	shalt  }
0x42: {  	_ =	shalt  }
0x43: {  	_ =	shalt  }
0x44: {  	_ =	shalt  }
0x45: {  	_ =	shalt  }
0x46: {  	_ =	shalt  }
0x47: {  	_ =	shalt  }
0x48: {  	_ =	shalt  }
0x49: {  	_ =	shalt  }
0x4a: {  	_ =	shalt  }
0x4b: {  	_ =	shalt  }
0x4c: {  	_ =	shalt  }
0x4d: {  	_ =	shalt  }
0x4e: {  	_ =	shalt  }
0x4f: {  	_ =	shalt  }
0x50: {  	_ =	shalt  }
0x51: {  	_ =	shalt  }
0x52: {  	_ =	shalt  }
0x53: {  	_ =	shalt  }
0x54: {  	_ =	shalt  }
0x55: {  	_ =	shalt  }
0x56: {  	_ =	shalt  }
0x57: {  	_ =	shalt  }
0x58: {  	_ =	shalt  }
0x59: {  	_ =	shalt  }
0x5a: {  	_ =	shalt  }
0x5b: {  	_ =	shalt  }
0x5c: {  	_ =	shalt  }
0x5d: {  	_ =	shalt  }
0x5e: {  	_ =	shalt  }
0x5f: {  	_ =	shalt  }
0x60: {  	_ =	shalt  }
0x61: {  	_ =	shalt  }
0x62: {  	_ =	shalt  }
0x63: {  	_ =	shalt  }
0x64: {  	_ =	shalt  }
0x65: {  	_ =	shalt  }
0x66: {  	_ =	shalt  }
0x67: {  	_ =	shalt  }
0x68: {  	_ =	shalt  }
0x69: {  	_ =	shalt  }
0x6a: {  	_ =	shalt  }
0x6b: {  	_ =	shalt  }
0x6c: {  	_ =	shalt  }
0x6d: {  	_ =	shalt  }
0x6e: {  	_ =	shalt  }
0x6f: {  	_ =	shalt  }
0x70: {  	_ =	shalt  }
0x71: {  	_ =	shalt  }
0x72: {  	_ =	shalt  }
0x73: {  	_ =	shalt  }
0x74: {  	_ =	shalt  }
0x75: {  	_ =	shalt  }
0x76: {  	_ =	shalt  }
0x77: {  	_ =	shalt  }
0x78: {  	_ =	shalt  }
0x79: {  	_ =	shalt  }
0x7a: {  	_ =	shalt  }
0x7b: {  	_ =	shalt  }
0x7c: {  	_ =	shalt  }
0x7d: {  	_ =	shalt  }
0x7e: {  	_ =	shalt  }
0x7f: {  	_ =	shalt  }
0x80: {  	_ =	shalt  }
0x81: {  	_ =	shalt  }
0x82: {  	_ =	shalt  }
0x83: {  	_ =	shalt  }
0x84: {  	_ =	shalt  }
0x85: {  	_ =	shalt  }
0x86: {  	_ =	shalt  }
0x87: {  	_ =	shalt  }
.Lfunc_end0:
.L_simem_size_0:
called_computation.3_lowered:
.L_overlay_start_0:
0x88: {  	s2 =	sld [smem:$0x3FD9]  }
0x89: {  	s3 =	sld [smem:$0x3FFE];
	_ =	sdelay $0x1  }
0x8a: {  	s1 =	srdreg.scid  }
0x8b: {  	s0 =	sand.u32 $0x1, s1  }
0x8c: {  	s16 =	sshll.u32 s0, $0xA;
	s2 =	sadd.s32 s3, s2  }
0x8d: {  	s2 =	sadd.s32 s2, s16  }
0x8e: {  	[smem:$0x3FB2] =	sst s2  }
0x8f: {  	_ = 	snop  }
0x90: {  	(tm) =	ssettm $0x1  }
0x91: {  	s17 =	sld [smem:$0x3FFB];
	_ =	sdelay $0x3  }
0x92: {  	_ =	strace s17  }
0x93: {  	s2 =	sld [smem:$0x3FFC];
	_ =	sdelay $0x3  }
0x94: {  	_ =	strace s2  }
0x95: {  	s2 =	sld [smem:$0x3FFD];
	_ =	sdelay $0x3  }
0x96: {  	_ =	strace s2  }
0x97: {  	_ =	strace $0x8FFFFFFF  }
0x98: {  	s18 =	sld [smem:$0x3FDB];
	_ =	sdelay $0x1  }
0x99: {  	s19 =	simm.s32 $_scs_section_size  }
0x9a: {  	s4 =	simm.s32 $_size__tile_overlayer_lowered;
	s5 =	simm.s32 $_tile_overlayer_lowered  }
0x9b: {  	s22 =	simm.s32 $0x1BFF;
	s21 =	sshll.u32 s5, $0x1;
	s2 =	sadd.s32 s19, s18  }
0x9c: {  	s6 =	simm.s32 $0x0;
	s20 =	sshll.u32 s4, $0x1;
	s4 =	sadd.s32 s21, s2  }
0x9d: {  	[timem:s6], [sflag:s22] =	dma.local [hbm:s4], s20  }
0x9e: {  	_ =	swait.ge [sflag:s22], s20  }
0x9f: {  	s3 =	ssub.s32 $0x0, s20;
	[sflag:s22] =	ssyncset.done $0x0  }
0xa0: {  	[sflag:s22] =	ssyncadd.s32 s3;
	_ =	sdelay $0x1  }
0xa1: {  	s23 =	simm.s32 $0x1B8B  }
0xa2: {  	_ =	swait.ge [sflag:s23], $0x1  }
0xa3: {  	[sflag:s23] =	ssyncset.done $0x0  }
0xa4: {  	s25 =	simm.s32 $0x1B8E;
	s24 =	sld [smem:$0x3FFE];
	[sflag:s23] =	ssyncadd.s32 $0xFFFFFFFF  }
0xa5: {  	s26 =	simm.s32 $execute0_lowered;
	[smem:$0x3FD2] =	sst s25  }
0xa6: {  	s4 =	sshll.u32 s26, $0x1;
	_ =	strace $0x8000004F;
	[dreg:$0x1] =	wrdreg $0xFFFFFFFF  }
0xa7: {  	s28 =	simm.s32 $_size_execute0_lowered;
	s2 =	sadd.s32 s2, s4;
	[dreg:$0x0] =	wrdreg $0x0  }
0xa8: {  	s4 =	sshll.u32 s28, $0x1;
	[dreg:$0x2] =	wrdreg s2  }
0xa9: {  	[dreg:$0x3] =	wrdreg s4  }
0xaa: {  	[dreg:$0x4] =	wrdreg $0xC0  }
0xab: {  	_ =	task [dreg:s6], $0x5FFFF  }
0xac: {  	[dreg:$0x1] =	wrdreg $0xFFFFFFFF  }
0xad: {  	[dreg:$0x0] =	wrdreg $0x60  }
0xae: {  	[dreg:$0x2] =	wrdreg s24  }
0xaf: {  	[dreg:$0x3] =	wrdreg $0xA8000  }
0xb0: {  	[dreg:$0x4] =	wrdreg $0x9  }
0xb1: {  	_ =	task.clear_ibuf [dreg:s6], $0x5FFFF;
	_ =	strace $0x9000004F  }
0xb2: {  	s29 =	simm.s32 $0x9;
	_ =	strace $0x80000051  }
0xb3: {  	_ =	swait.ge [sflag:s29], $0x1  }
0xb4: {  	[sflag:s29] =	ssyncadd.s32 $0xFFFFFFFF  }
0xb5: {  	_ =	strace $0x90000051  }
0xb6: {  	_ =	sfence  }
0xb7: {  	s30 =	sld [smem:$0x0];
	_ =	sdelay $0x2  }
0xb8: {  	s31 =	sshll.u32 s1, $0xD;
	s1 =	sshrl.u32 s1, $0x2  }
0xb9: {  	s3 =	sand.u32 $0x4000, s31;
	s1 =	sadd.s32 s1, s30  }
0xba: {  	s0 =	sor.u32 s3, s0;
	s1 =	sshll.u32 s1, $0x11  }
0xbb: {  	s0 =	sor.u32 s1, s0  }
0xbc: {  	s0 =	sadd.s32 $0x8F2B, s0  }
0xbd: {  	[sflag:s0] =	ssyncadd.remote.s32 $0x1  }
0xbe: {  	_ =	sfence.sel $0xFFFF  }
0xbf: {  	[dreg:$0x0] =	wrdreg $0xFFFFFFFF;
	(pc) =	sbr.abs _section_cstart, $3  }
0xc0: {  	[dreg:$0x1] =	wrdreg $0xFFFFFFFF  }
0xc1: {  	_ =	task.clear_ibuf [dreg:s6], $0x2FFFF;
	_ =	strace $0x9FFFFFFF  }
0xc2: {  	(tm) =	ssettm $0x7FFFFFFF  }
0xc3: {  	_ =	shalt  }
tec
execute0_lowered:
.L_overlay_start_1:
0x0: {  	(tag) =	ssettag $0x1  }
0x1: {  	s5 =	rddreg [dreg:$0x0]  }
0x2: {  	s1 =	rddreg [dreg:$0x1]  }
0x3: {  	s3 =	simm.s32 $0x0;
	s2 =	srdreg.scid;
	s18 =	simm.s32 $0x7D  }
0x4: {  	s19 =	simm.s32 $0x2800;
	s20 =	simm.s32 $0x6800;
	s21 =	simm.s32 $0x1  }
0x5: {  	s22 =	simm.s32 $0x2;
	s23 =	simm.s32 $0x1380;
	s6 =	sand.u32 $0x1, s2  }
0x6: {  	s24 =	simm.s32 $0x2700;
	s2 =	stileid.u32;
	s7 =	smul.u32 $0x140000, s6  }
0x7: {  	s25 =	simm.s32 $0x2780;
	[smem:$0x7FF] =	sst s3;
	s8 =	smul.u32 $0x14000, s2  }
0x8: {  	s4 =	sadd.s32 $0x24200, s5;
	s9 =	sadd.s32 $0x1A200, s5;
	s10 =	smul.u32 $0x50000, s2  }
0x9: {  	s11 =	sadd.s32 $0x10200, s5;
	s14 =	sadd.s32 $0x4C200, s5;
	s12 =	smul.u32 $0x2800, s2  }
0xa: {  	_ =	strace $0x80000050;
	s26 =	ssub.s32 $0x2, s6;
	s13 =	smul.u32 $0x28000, s6  }
0xb: {  	p0 =	seq.s32 s6, $0x1;
	s28 =	sshrl.u32 s26, $0x1;
	s7 =	sadd.s32 s8, s7  }
0xc: {  	s16 =	ssub.s32 s26, s28;
	s29 =	sshrl.u32 s10, $0x2;
	s30 =	sadd.s32 s12, s13  }
0xd: {  	s13 =	smov.u32 s4;
	s26 =	simm.s32 $0x0;
	s7 =	sshrl.u32 s7, $0x3  }
0xe: {  	s17 =	sadd.s32 s29, s1;
	s10 =	smax.u32 s16, $0x1;
	s13 =	smov.u32 @p0 s14  }
0xf: {  	s16 =	simm.s32 $0x1400;
	s15 =	sadd.s32 s7, s5;
	s7 =	sshrl.u32 s30, $0x3  }
0x10: {  	s12 =	sadd.s32 s13, s12;
	s14 =	sshrl.u32 s17, $0x3;
	s17 =	simm.s32 $0x3  }
0x11: {  	s5 =	sadd.s32 s9, s7;
	s6 =	sadd.s32 s11, s7;
	s31 =	sadd.s32 $0x280, s7  }
0x12: {  	s7 =	sadd.s32 s9, s31;
	s8 =	sadd.s32 s11, s31;
	s11 =	sshll.u32 s2, $0x6  }
0x13: {  	s9 =	sadd.s32 $0x74200, s15;
	s15 =	simm.s32 $0x4;
	s13 =	sor.u32 $0x1C03, s11  }
.LBB2_1:
0x14: {  	[spmem:s14], [sflag:s13] =	dma.local [hbm:s12], $0x2800  }
0x15: {  	[tilespmem:s3], [sflag:$0x4] =	stream.linear.gather [hbm4b:s5+s3], $0x1400, $0x38;
	[tilespmem:$0x1E800] =	vst v63  }
0x16: {  	_ =	swait.ge [sflag:s15], $0x1400  }
0x17: {  	[sflag:s15] =	ssyncset.done $0x0  }
0x18: {  	[sflag:s15] =	ssyncadd.s32 $0xFFFFEC00  }
0x19: {  	[tilespmem:s16], [sflag:$0x4] =	stream.linear.gather [hbm4b:s6+s3], $0x1400, $0x38;
	[tilespmem:$0x1E800] =	vst v63  }
0x1a: {  	_ =	swait.ge [sflag:s15], $0x1400  }
0x1b: {  	[sflag:s15] =	ssyncset.done $0x0  }
0x1c: {  	[sflag:s15] =	ssyncadd.s32 $0xFFFFEC00  }
0x1d: {  	_ =	swait.ge [sflag:s17], $0x2800  }
0x1e: {  	[sflag:s17] =	ssyncset.done $0x0  }
0x1f: {  	[sflag:s17] =	ssyncadd.s32 $0xFFFFD800  }
0x20: {  	[bflag:$0x0] =	sbarrier.arrive $0xFFFF  }
0x21: {  	[tilespmem:s19], [sflag:$0x1] =	stream.indirect.gather [hbm4b:s4+s18], $0x80, s3, s18, $0xb8;
	[tilespmem:$0x1E800] =	vst v63  }
0x22: {  	s28 =	simm.s32 $0x80  }
0x23: {  	[tilespmem:s20], [sflag:$0x2] =	stream.indirect.gather [hbm4b:s4+s18], $0x80, s28, s18, $0xb8;
	[tilespmem:$0x1E800] =	vst v63  }
0x24: {  	_ =	swait.ge [sflag:s21], $0x3E80  }
0x25: {  	[sflag:s21] =	ssyncset.done $0x0  }
0x26: {  	s28 =	simm.s32 $0x1400;
	[sflag:s21] =	ssyncadd.s32 $0xFFFFC180  }
0x27: {  	[spmem:s1] =	stream.indirect.scatter.add.f32 [tilespmem:s19], [sflag:$0x4], $0x80, s28, s18, $0xb8;
	[tilespmem:$0x1E800] =	vst v63  }
0x28: {  	_ =	swait.ge [sflag:s15], $0x3E80  }
0x29: {  	[sflag:s15] =	ssyncset.done $0x0  }
0x2a: {  	s28 =	simm.s32 $0x100;
	[sflag:s15] =	ssyncadd.s32 $0xFFFFC180  }
0x2b: {  	[tilespmem:s19], [sflag:$0x1] =	stream.indirect.gather [hbm4b:s4+s18], $0x80, s28, s18, $0xb8;
	[tilespmem:$0x1E800] =	vst v63  }
0x2c: {  	_ =	swait.ge [sflag:s22], $0x3E80  }
0x2d: {  	[sflag:s22] =	ssyncset.done $0x0  }
0x2e: {  	s28 =	simm.s32 $0x1480;
	[sflag:s22] =	ssyncadd.s32 $0xFFFFC180  }
0x2f: {  	[spmem:s1] =	stream.indirect.scatter.add.f32 [tilespmem:s20], [sflag:$0x4], $0x80, s28, s18, $0xb8;
	[tilespmem:$0x1E800] =	vst v63  }
0x30: {  	_ =	swait.ge [sflag:s15], $0x3E80  }
0x31: {  	s29 =	simm.s32 $0x800;
	s28 =	simm.s32 $0x100;
	[sflag:s15] =	ssyncset.done $0x0  }
.LBB2_2:
0x32: {  	s30 =	sadd.s32 $0x80, s28  }
0x33: {  	[sflag:s15] =	ssyncadd.s32 $0xFFFFC180;
	s31 =	smov.u32 s29;
	s0 =	sadd.s32 $0x400, s29  }
0x34: {  	[tilespmem:s20], [sflag:$0x2] =	stream.indirect.gather [hbm4b:s4+s18], $0x80, s30, s18, $0xb8;
	[tilespmem:$0x1E800] =	vst v63  }
0x35: {  	p0 =	sne.s32 s29, $0x4800;
	_ =	swait.ge [sflag:s21], $0x3E80  }
0x36: {  	[sflag:s21] =	ssyncset.done $0x0  }
0x37: {  	s29 =	sadd.s32 $0x1400, s28;
	[sflag:s21] =	ssyncadd.s32 $0xFFFFC180  }
0x38: {  	[spmem:s1] =	stream.indirect.scatter.add.f32 [tilespmem:s19], [sflag:$0x4], $0x80, s29, s18, $0xb8;
	[tilespmem:$0x1E800] =	vst v63  }
0x39: {  	_ =	swait.ge [sflag:s15], $0x3E80  }
0x3a: {  	[sflag:s15] =	ssyncset.done $0x0  }
0x3b: {  	s29 =	sadd.s32 $0x100, s28;
	[sflag:s15] =	ssyncadd.s32 $0xFFFFC180  }
0x3c: {  	[tilespmem:s19], [sflag:$0x1] =	stream.indirect.gather [hbm4b:s4+s18], $0x80, s29, s18, $0xb8;
	[tilespmem:$0x1E800] =	vst v63  }
0x3d: {  	_ =	swait.ge [sflag:s22], $0x3E80  }
.Ltmp0:
0x3e: {  	[sflag:s22] =	ssyncset.done $0x0;
	(pc) =	sbr.rel @p0 .LBB2_2-.Ltmp0, $4  }
0x3f: {  	s28 =	sadd.s32 $0x1480, s28;
	[sflag:s22] =	ssyncadd.s32 $0xFFFFC180  }
0x40: {  	[spmem:s1] =	stream.indirect.scatter.add.f32 [tilespmem:s20], [sflag:$0x4], $0x80, s28, s18, $0xb8;
	[tilespmem:$0x1E800] =	vst v63  }
0x41: {  	_ =	swait.ge [sflag:s15], $0x3E80  }
0x42: {  	s29 =	smov.u32 s0;
	s28 =	sshra.s32 s31, $0x2;
	[sflag:s15] =	ssyncset.done $0x0  }
0x43: {  	s0 =	sadd.s32 $0x80, s28;
	[sflag:s15] =	ssyncadd.s32 $0xFFFFC180  }
0x44: {  	[tilespmem:s20], [sflag:$0x2] =	stream.indirect.gather [hbm4b:s4+s18], $0x80, s0, s18, $0xb8;
	[tilespmem:$0x1E800] =	vst v63  }
0x45: {  	_ =	swait.ge [sflag:s21], $0x3E80  }
0x46: {  	[sflag:s21] =	ssyncset.done $0x0  }
0x47: {  	s30 =	sadd.s32 $0x1400, s28;
	[sflag:s21] =	ssyncadd.s32 $0xFFFFC180  }
0x48: {  	[spmem:s1] =	stream.indirect.scatter.add.f32 [tilespmem:s19], [sflag:$0x4], $0x80, s30, s18, $0xb8;
	[tilespmem:$0x1E800] =	vst v63  }
0x49: {  	_ =	swait.ge [sflag:s15], $0x3E80  }
0x4a: {  	[sflag:s15] =	ssyncset.done $0x0  }
0x4b: {  	s31 =	sadd.s32 $0x100, s28;
	[sflag:s15] =	ssyncadd.s32 $0xFFFFC180  }
0x4c: {  	[tilespmem:s19], [sflag:$0x1] =	stream.indirect.gather [hbm4b:s4+s18], $0x80, s31, s18, $0xb8;
	[tilespmem:$0x1E800] =	vst v63  }
0x4d: {  	_ =	swait.ge [sflag:s22], $0x3E80  }
0x4e: {  	[sflag:s22] =	ssyncset.done $0x0  }
0x4f: {  	s30 =	sadd.s32 $0x1480, s28;
	[sflag:s22] =	ssyncadd.s32 $0xFFFFC180  }
0x50: {  	[spmem:s1] =	stream.indirect.scatter.add.f32 [tilespmem:s20], [sflag:$0x4], $0x80, s30, s18, $0xb8;
	[tilespmem:$0x1E800] =	vst v63  }
0x51: {  	_ =	swait.ge [sflag:s15], $0x3E80  }
0x52: {  	[sflag:s15] =	ssyncset.done $0x0  }
0x53: {  	[sflag:s15] =	ssyncadd.s32 $0xFFFFC180  }
0x54: {  	[tilespmem:s20], [sflag:$0x2] =	stream.indirect.gather [hbm4b:s4+s18], $0x80, s23, s18, $0xb8;
	[tilespmem:$0x1E800] =	vst v63  }
0x55: {  	_ =	swait.ge [sflag:s21], $0x3E80  }
0x56: {  	[sflag:s21] =	ssyncset.done $0x0  }
0x57: {  	[sflag:s21] =	ssyncadd.s32 $0xFFFFC180  }
0x58: {  	[spmem:s1] =	stream.indirect.scatter.add.f32 [tilespmem:s19], [sflag:$0x4], $0x80, s24, s18, $0xb8;
	[tilespmem:$0x1E800] =	vst v63  }
0x59: {  	_ =	swait.ge [sflag:s15], $0x3E80  }
0x5a: {  	[sflag:s15] =	ssyncset.done $0x0  }
0x5b: {  	[sflag:s15] =	ssyncadd.s32 $0xFFFFC180  }
0x5c: {  	_ =	swait.ge [sflag:s22], $0x3E80  }
0x5d: {  	[sflag:s22] =	ssyncset.done $0x0  }
0x5e: {  	[sflag:s22] =	ssyncadd.s32 $0xFFFFC180  }
0x5f: {  	[spmem:s1] =	stream.indirect.scatter.add.f32 [tilespmem:s20], [sflag:$0x4], $0x80, s25, s18, $0xb8;
	[tilespmem:$0x1E800] =	vst v63  }
0x60: {  	_ =	swait.ge [sflag:s15], $0x3E80  }
0x61: {  	[sflag:s15] =	ssyncset.done $0x0  }
0x62: {  	s31 =	simm.s32 $0x0;
	[sflag:s15] =	ssyncadd.s32 $0xFFFFC180  }
0x63: {  	[tilespmem:s31], [sflag:$0x4] =	stream.linear.gather [hbm4b:s7+s31], $0x1400, $0x38;
	[tilespmem:$0x1E800] =	vst v63  }
0x64: {  	_ =	swait.ge [sflag:s15], $0x1400  }
0x65: {  	[sflag:s15] =	ssyncset.done $0x0  }
0x66: {  	[sflag:s15] =	ssyncadd.s32 $0xFFFFEC00  }
0x67: {  	[tilespmem:s16], [sflag:$0x4] =	stream.linear.gather [hbm4b:s8+s31], $0x1400, $0x38;
	[tilespmem:$0x1E800] =	vst v63  }
0x68: {  	_ =	swait.ge [sflag:s15], $0x1400  }
0x69: {  	[sflag:s15] =	ssyncset.done $0x0  }
0x6a: {  	[sflag:s15] =	ssyncadd.s32 $0xFFFFEC00  }
0x6b: {  	[tilespmem:s19], [sflag:$0x1] =	stream.indirect.gather [hbm4b:s4+s18], $0x80, s31, s18, $0xb8;
	[tilespmem:$0x1E800] =	vst v63  }
0x6c: {  	s30 =	simm.s32 $0x80  }
0x6d: {  	[tilespmem:s20], [sflag:$0x2] =	stream.indirect.gather [hbm4b:s4+s18], $0x80, s30, s18, $0xb8;
	[tilespmem:$0x1E800] =	vst v63  }
0x6e: {  	_ =	swait.ge [sflag:s21], $0x3E80  }
0x6f: {  	[sflag:s21] =	ssyncset.done $0x0  }
0x70: {  	s31 =	simm.s32 $0x1400;
	[sflag:s21] =	ssyncadd.s32 $0xFFFFC180  }
0x71: {  	[spmem:s1] =	stream.indirect.scatter.add.f32 [tilespmem:s19], [sflag:$0x4], $0x80, s31, s18, $0xb8;
	[tilespmem:$0x1E800] =	vst v63  }
0x72: {  	_ =	swait.ge [sflag:s15], $0x3E80  }
0x73: {  	[sflag:s15] =	ssyncset.done $0x0  }
0x74: {  	s30 =	simm.s32 $0x100;
	[sflag:s15] =	ssyncadd.s32 $0xFFFFC180  }
0x75: {  	[tilespmem:s19], [sflag:$0x1] =	stream.indirect.gather [hbm4b:s4+s18], $0x80, s30, s18, $0xb8;
	[tilespmem:$0x1E800] =	vst v63  }
0x76: {  	_ =	swait.ge [sflag:s22], $0x3E80  }
0x77: {  	[sflag:s22] =	ssyncset.done $0x0  }
0x78: {  	s31 =	simm.s32 $0x1480;
	[sflag:s22] =	ssyncadd.s32 $0xFFFFC180  }
0x79: {  	[spmem:s1] =	stream.indirect.scatter.add.f32 [tilespmem:s20], [sflag:$0x4], $0x80, s31, s18, $0xb8;
	[tilespmem:$0x1E800] =	vst v63  }
0x7a: {  	_ =	swait.ge [sflag:s15], $0x3E80  }
0x7b: {  	s29 =	simm.s32 $0x800;
	s28 =	simm.s32 $0x100;
	[sflag:s15] =	ssyncset.done $0x0  }
.LBB2_4:
0x7c: {  	s0 =	sadd.s32 $0x80, s28  }
0x7d: {  	[sflag:s15] =	ssyncadd.s32 $0xFFFFC180;
	s30 =	smov.u32 s29;
	s31 =	sadd.s32 $0x400, s29  }
0x7e: {  	[tilespmem:s20], [sflag:$0x2] =	stream.indirect.gather [hbm4b:s4+s18], $0x80, s0, s18, $0xb8;
	[tilespmem:$0x1E800] =	vst v63  }
0x7f: {  	p0 =	sne.s32 s29, $0x4800;
	_ =	swait.ge [sflag:s21], $0x3E80  }
0x80: {  	[sflag:s21] =	ssyncset.done $0x0  }
0x81: {  	s0 =	sadd.s32 $0x1400, s28;
	[sflag:s21] =	ssyncadd.s32 $0xFFFFC180  }
0x82: {  	[spmem:s1] =	stream.indirect.scatter.add.f32 [tilespmem:s19], [sflag:$0x4], $0x80, s0, s18, $0xb8;
	[tilespmem:$0x1E800] =	vst v63  }
0x83: {  	_ =	swait.ge [sflag:s15], $0x3E80  }
0x84: {  	[sflag:s15] =	ssyncset.done $0x0  }
0x85: {  	s0 =	sadd.s32 $0x100, s28;
	[sflag:s15] =	ssyncadd.s32 $0xFFFFC180  }
0x86: {  	[tilespmem:s19], [sflag:$0x1] =	stream.indirect.gather [hbm4b:s4+s18], $0x80, s0, s18, $0xb8;
	[tilespmem:$0x1E800] =	vst v63  }
0x87: {  	_ =	swait.ge [sflag:s22], $0x3E80  }
.Ltmp1:
0x88: {  	[sflag:s22] =	ssyncset.done $0x0;
	(pc) =	sbr.rel @p0 .LBB2_4-.Ltmp1, $4  }
0x89: {  	s0 =	sadd.s32 $0x1480, s28;
	[sflag:s22] =	ssyncadd.s32 $0xFFFFC180  }
0x8a: {  	[spmem:s1] =	stream.indirect.scatter.add.f32 [tilespmem:s20], [sflag:$0x4], $0x80, s0, s18, $0xb8;
	[tilespmem:$0x1E800] =	vst v63  }
0x8b: {  	_ =	swait.ge [sflag:s15], $0x3E80  }
0x8c: {  	s29 =	smov.u32 s31;
	s28 =	sshra.s32 s30, $0x2;
	[sflag:s15] =	ssyncset.done $0x0  }
0x8d: {  	s0 =	sadd.s32 $0x80, s28;
	[sflag:s15] =	ssyncadd.s32 $0xFFFFC180  }
0x8e: {  	[tilespmem:s20], [sflag:$0x2] =	stream.indirect.gather [hbm4b:s4+s18], $0x80, s0, s18, $0xb8;
	[tilespmem:$0x1E800] =	vst v63  }
0x8f: {  	_ =	swait.ge [sflag:s21], $0x3E80  }
0x90: {  	[sflag:s21] =	ssyncset.done $0x0  }
0x91: {  	s31 =	sadd.s32 $0x1400, s28;
	[sflag:s21] =	ssyncadd.s32 $0xFFFFC180  }
0x92: {  	[spmem:s1] =	stream.indirect.scatter.add.f32 [tilespmem:s19], [sflag:$0x4], $0x80, s31, s18, $0xb8;
	[tilespmem:$0x1E800] =	vst v63  }
0x93: {  	_ =	swait.ge [sflag:s15], $0x3E80  }
0x94: {  	[sflag:s15] =	ssyncset.done $0x0  }
0x95: {  	s29 =	sadd.s32 $0x100, s28;
	[sflag:s15] =	ssyncadd.s32 $0xFFFFC180  }
0x96: {  	[tilespmem:s19], [sflag:$0x1] =	stream.indirect.gather [hbm4b:s4+s18], $0x80, s29, s18, $0xb8;
	[tilespmem:$0x1E800] =	vst v63  }
0x97: {  	_ =	swait.ge [sflag:s22], $0x3E80  }
0x98: {  	[sflag:s22] =	ssyncset.done $0x0  }
0x99: {  	s30 =	sadd.s32 $0x1480, s28;
	[sflag:s22] =	ssyncadd.s32 $0xFFFFC180  }
0x9a: {  	[spmem:s1] =	stream.indirect.scatter.add.f32 [tilespmem:s20], [sflag:$0x4], $0x80, s30, s18, $0xb8;
	[tilespmem:$0x1E800] =	vst v63  }
0x9b: {  	_ =	swait.ge [sflag:s15], $0x3E80  }
0x9c: {  	[sflag:s15] =	ssyncset.done $0x0  }
0x9d: {  	[sflag:s15] =	ssyncadd.s32 $0xFFFFC180  }
0x9e: {  	[tilespmem:s20], [sflag:$0x2] =	stream.indirect.gather [hbm4b:s4+s18], $0x80, s23, s18, $0xb8;
	[tilespmem:$0x1E800] =	vst v63  }
0x9f: {  	_ =	swait.ge [sflag:s21], $0x3E80  }
0xa0: {  	[sflag:s21] =	ssyncset.done $0x0  }
0xa1: {  	[sflag:s21] =	ssyncadd.s32 $0xFFFFC180  }
0xa2: {  	[spmem:s1] =	stream.indirect.scatter.add.f32 [tilespmem:s19], [sflag:$0x4], $0x80, s24, s18, $0xb8;
	[tilespmem:$0x1E800] =	vst v63  }
0xa3: {  	_ =	swait.ge [sflag:s15], $0x3E80  }
0xa4: {  	[sflag:s15] =	ssyncset.done $0x0  }
0xa5: {  	[sflag:s15] =	ssyncadd.s32 $0xFFFFC180  }
0xa6: {  	_ =	swait.ge [sflag:s22], $0x3E80  }
0xa7: {  	[sflag:s22] =	ssyncset.done $0x0  }
0xa8: {  	[sflag:s22] =	ssyncadd.s32 $0xFFFFC180  }
0xa9: {  	[spmem:s1] =	stream.indirect.scatter.add.f32 [tilespmem:s20], [sflag:$0x4], $0x80, s25, s18, $0xb8;
	[tilespmem:$0x1E800] =	vst v63  }
0xaa: {  	_ =	swait.ge [sflag:s15], $0x3E80  }
0xab: {  	s26 =	sadd.s32 $0x1, s26;
	[sflag:s15] =	ssyncset.done $0x0  }
0xac: {  	p0 =	sne.s32 s26, s10;
	[sflag:s15] =	ssyncadd.s32 $0xFFFFC180  }
.Ltmp2:
0xad: {  	s31 =	sor.u32 $0x1C04, s11;
	[bflag:$0x0] =	sbarrier.arrive $0xFFFF;
	(pc) =	sbr.rel @p0 .LBB2_1-.Ltmp2, $4  }
0xae: {  	[hbm:s9], [sflag:s31] =	dma.local [spmem:s14], $0x2800  }
0xaf: {  	_ =	swait.ge [sflag:s15], $0x2800  }
0xb0: {  	[sflag:s15] =	ssyncset.done $0x0  }
0xb1: {  	[sflag:s15] =	ssyncadd.s32 $0xFFFFD800  }
0xb2: {  	_ =	sfence.sel $0x180000  }
0xb3: {  	[bflag:$0x0] =	sbarrier.arrive $0xFFFF  }
0xb4: {  	_ =	strace $0x90000050  }
0xb5: {  	[bflag:$0x2] =	sbarrier.arrive $0xFFFF  }
0xb6: {  	p0 =	sne.s32 s2, $0x0;
	s0 =	rddreg [dreg:$0x2]  }
0xb7: {  	s0 =	sadd.s32 @!p0 $0x100000, s0  }
0xb8: {  	[sflag:s0] =	ssyncadd.tile.s32 @!p0 $0x1;
	_ =	shalt  }
.Lfunc_end2:
_tile_overlayer_lowered:
.L_overlay_start_2:
0xb9: {  	(tag) =	ssettag $0x2  }
0xba: {  	s0 =	rddreg [dreg:$0x0];
	s2 =	stileid.u32  }
0xbb: {  	s1 =	rddreg [dreg:$0x1];
	p0 =	sne.s32 s2, $0x0  }
0xbc: {  	s3 =	rddreg [dreg:$0x2];
	[bflag:$0x3] =	sbarrier.arrive $0xFFFF;
	s2 =	simm.s32 @!p0 $0x1C04  }
0xbd: {  	[timem:s3], [sflag:s2] =	dma.local @!p0 [hbm:s0], s1  }
0xbe: {  	s0 =	simm.s32 @!p0 $0x4  }
0xbf: {  	_ =	swait.ge @!p0 [sflag:s0], s1  }
0xc0: {  	s1 =	ssub.s32 @!p0 $0x0, s1;
	[sflag:s0] =	ssyncset.done @!p0 $0x0  }
0xc1: {  	[sflag:s0] =	ssyncadd.s32 @!p0 s1  }
0xc2: {  	[bflag:$0x3] =	sbarrier.arrive $0xFFFF  }
0xc3: {  	_ =	shalt  }

</sc_bundles>
